<compile_context>
chip_gen: v7x
topology: tpu7x:2x2x1
jax: 0.10.2.dev20260603
libtpu: 0.0.44.dev20260713+nightly
codegen_flags: <defaults>
</compile_context>

<pallas_src>
import jax
import jax.numpy as jnp
from jax import lax
from jax.experimental import pallas as pl
from jax.experimental.pallas import tpu as pltpu
from jax.experimental.pallas import tpu_sc as plsc

NUM_BAGS = 26
VOCAB = 100000
DIM = 32
BATCH = 4096
LPS = 50
W = NUM_BAGS * DIM

NC = 2
NS = 16
NW = NC * NS
SPW = BATCH // NW
CS = 16

VPT = VOCAB // NW
VCS = 25
NBLK = VPT // VCS


def _relayout_body(tab_hbm, out_hbm, in0, in1, o0, o1, si0, si1, so0, so1):
    wid = lax.axis_index("s") * NC + lax.axis_index("c")
    v_base = wid * VPT

    ins = (in0, in1)
    outs = (o0, o1)
    sis = (si0, si1)
    sos = (so0, so1)

    def start_in(blk, j):
        pltpu.async_copy(
            tab_hbm.at[:, pl.ds(v_base + blk * VCS, VCS), :], ins[j], sis[j]
        )

    def wait_in(j):
        pltpu.make_async_copy(
            tab_hbm.at[:, pl.ds(0, VCS), :], ins[j], sis[j]
        ).wait()

    def start_out(blk, j):
        pltpu.async_copy(
            outs[j], out_hbm.at[pl.ds(v_base + blk * VCS, VCS)], sos[j]
        )

    def wait_out(j):
        pltpu.make_async_copy(
            outs[j], out_hbm.at[pl.ds(0, VCS)], sos[j]
        ).wait()

    HI = jnp.int32(-65536)

    def repack(j):
        slab = ins[j]
        o = outs[j]

        def v_body(v, _):
            for b in range(NUM_BAGS):
                a = plsc.bitcast(slab[b, v, 0:16], jnp.int32)
                c = plsc.bitcast(slab[b, v, 16:32], jnp.int32)
                packed = (lax.shift_right_logical(a, 16)) | (c & HI)
                o[v, pl.ds(b * DIM, DIM)] = plsc.bitcast(
                    packed, jnp.bfloat16)
            return 0

        lax.fori_loop(0, VCS, v_body, 0)

    start_in(0, 0)
    start_in(1, 1)
    start_out(0, 0)
    start_out(1, 1)

    def pair_body(p, _):
        b0 = p * 2
        b1 = b0 + 1
        wait_in(0)
        wait_out(0)
        repack(0)
        start_out(b0, 0)

        @pl.when(b0 + 2 < NBLK)
        def _next0():
            start_in(b0 + 2, 0)

        wait_in(1)
        wait_out(1)
        repack(1)
        start_out(b1, 1)

        @pl.when(b1 + 2 < NBLK)
        def _next1():
            start_in(b1 + 2, 1)

        return 0

    lax.fori_loop(0, NBLK // 2, pair_body, 0)
    wait_in(0)
    wait_out(0)
    repack(0)
    start_out(NBLK - 1, 0)
    wait_out(0)
    wait_out(1)


def _sc_body(idx_hbm, tab_hbm, out_hbm, idx_v, rows0, rows1, out_v, sem0, sem1):
    wid = lax.axis_index("s") * NC + lax.axis_index("c")
    base_sample = wid * SPW

    pltpu.sync_copy(idx_hbm.at[pl.ds(base_sample, SPW)], idx_v)

    bufs = (rows0, rows1)
    sems = (sem0, sem1)

    def start(t, parity):
        pltpu.async_copy(tab_hbm.at[idx_v.at[t]], bufs[parity], sems[parity])

    def wait(parity):
        pltpu.make_async_copy(
            tab_hbm.at[idx_v.at[0]], bufs[parity], sems[parity]
        ).wait()

    HI = jnp.int32(-65536)

    def reduce(t, buf):
        s_local = t & (CS - 1)

        def c_body(c, _):
            col = c * DIM

            def expand(l):
                xi = plsc.bitcast(buf[l, pl.ds(col, DIM)], jnp.int32)
                lo = plsc.bitcast(xi << 16, jnp.float32)
                hi = plsc.bitcast(xi & HI, jnp.float32)
                return lo, hi

            a0, a1 = expand(0)
            b0, b1 = expand(1)
            for l in range(2, LPS, 2):
                lo, hi = expand(l)
                a0 = a0 + lo
                a1 = a1 + hi
            for l in range(3, LPS, 2):
                lo, hi = expand(l)
                b0 = b0 + lo
                b1 = b1 + hi
            out_v[c, s_local, 0:16] = a0 + b0
            out_v[c, s_local, 16:32] = a1 + b1
            return 0

        lax.fori_loop(0, NUM_BAGS, c_body, 0)

    def flush(chunk):
        row0 = base_sample + chunk * CS
        pltpu.sync_copy(out_v, out_hbm.at[:, pl.ds(row0, CS), :])

    start(0, 0)

    def pair_body(p, _):
        t0 = p * 2
        t1 = t0 + 1
        start(t1, 1)
        wait(0)
        reduce(t0, rows0)

        @pl.when(t0 + 2 < SPW)
        def _prefetch0():
            start(t0 + 2, 0)

        wait(1)
        reduce(t1, rows1)

        @pl.when((t1 & (CS - 1)) == CS - 1)
        def _flush():
            flush(t1 >> 4)

        return 0

    lax.fori_loop(0, SPW // 2, pair_body, 0)


@jax.jit
def _run(idx, tables):
    mesh = plsc.VectorSubcoreMesh(core_axis_name="c", subcore_axis_name="s")
    params = pltpu.CompilerParams(
        use_tc_tiling_on_sc=False, needs_layout_passes=False)

    tab_t = pl.kernel(
        _relayout_body,
        out_type=jax.ShapeDtypeStruct((VOCAB, W), jnp.bfloat16),
        mesh=mesh,
        scratch_types=[
            pltpu.VMEM((NUM_BAGS, VCS, DIM), jnp.float32),
            pltpu.VMEM((NUM_BAGS, VCS, DIM), jnp.float32),
            pltpu.VMEM((VCS, W), jnp.bfloat16),
            pltpu.VMEM((VCS, W), jnp.bfloat16),
            pltpu.SemaphoreType.DMA,
            pltpu.SemaphoreType.DMA,
            pltpu.SemaphoreType.DMA,
            pltpu.SemaphoreType.DMA,
        ],
        compiler_params=params,
    )(tables)

    return pl.kernel(
        _sc_body,
        out_type=jax.ShapeDtypeStruct((NUM_BAGS, BATCH, DIM), jnp.float32),
        mesh=mesh,
        scratch_types=[
            pltpu.VMEM((SPW, LPS), jnp.int32),
            pltpu.VMEM((LPS, W), jnp.bfloat16),
            pltpu.VMEM((LPS, W), jnp.bfloat16),
            pltpu.VMEM((NUM_BAGS, CS, DIM), jnp.float32),
            pltpu.SemaphoreType.DMA,
            pltpu.SemaphoreType.DMA,
        ],
        compiler_params=params,
    )(idx, tab_t)


def kernel(inputs, tables):
    return _run(inputs, tables).reshape(NUM_BAGS * BATCH, DIM)

# --- scband reference (transcript-rebuilt; emitter-appended) ---
"""Pipeline reference for scband-custom-embedding-bag-collection-52776558133643 (READ-ONLY COPY).

The authoritative reference and input builder live on the scoring server;
editing this copy changes nothing except your own understanding.
"""

import jax, jax.numpy as jnp
import numpy as np

NUM_BAGS = 26
VOCAB = 100000
DIM = 32
B = 4096
L = 50


def setup_inputs(seed: int = 0) -> dict:
    key = jax.random.key(seed)
    k1, k2 = jax.random.split(key)
    inputs = jax.random.randint(k1, (B, L), 0, VOCAB, dtype=jnp.int32)
    # Learned parameters: one embedding table per bag, stacked -> [NUM_BAGS, VOCAB, DIM]
    tables = jax.random.normal(k2, (NUM_BAGS, VOCAB, DIM), dtype=jnp.float32) * 0.01
    return {"inputs": inputs, "tables": tables}


def reference(inputs, tables):
    # Faithful translation of CustomEmbeddingBagCollection.forward:
    # each nn.EmbeddingBag(mode='sum') with 2D input [B, L] gathers rows and
    # sum-pools over the L dimension -> [B, DIM]; results are concatenated
    # along dim 0 in bag order -> [NUM_BAGS * B, DIM].
    outs = []
    for i in range(tables.shape[0]):
        gathered = jnp.take(tables[i], inputs, axis=0)  # [B, L, DIM]
        outs.append(gathered.sum(axis=1))               # [B, DIM]
    return jnp.concatenate(outs, axis=0)                # [NUM_BAGS*B, DIM]

if __name__ == "__main__":
    import jax
    _d = setup_inputs()
    print(jax.jit(kernel)(*tuple(_d.values())))

</pallas_src>

<mosaic_0001>
#map = affine_map<(d0, d1) -> (0, 0)>
#map1 = affine_map<(d0, d1) -> (0, 0, 0)>
module attributes {stable_mosaic.version = 14 : i64} {
  func.func @_sc_body(%arg0: i32, %arg1: i32, %arg2: memref<4096x50xi32, #tpu.memory_space<hbm>>, %arg3: memref<100000x832xbf16, #tpu.memory_space<hbm>>, %arg4: memref<26x4096x32xf32, #tpu.memory_space<hbm>>, %arg5: memref<128x50xi32, #tpu.memory_space<vmem>>, %arg6: memref<50x832xbf16, #tpu.memory_space<vmem>>, %arg7: memref<50x832xbf16, #tpu.memory_space<vmem>>, %arg8: memref<26x16x32xf32, #tpu.memory_space<vmem>>, %arg9: memref<!tpu.dma_semaphore, #tpu.memory_space<semaphore_mem>>, %arg10: memref<!tpu.dma_semaphore, #tpu.memory_space<semaphore_mem>>) attributes {dimension_semantics = [#tpu.dimension_semantics<core_parallel>, #tpu.dimension_semantics<subcore_parallel>], iteration_bounds = array<i64: 2, 16>, scalar_prefetch = 0 : i64, scratch_operands = 6 : i64, tpu.core_type = #tpu.core_type<sc_vector_subcore>, window_params = [{transform_indices = #map}, {transform_indices = #map}, {transform_indices = #map1}]} {
    %mul3A = arith.constant 2 : i32
    %mul3A_0 = arith.muli %arg1, %mul3A : i32
    %add3A = arith.addi %mul3A_0, %arg0 : i32
    %mul3A_1 = arith.constant 128 : i32
    %mul3A_2 = arith.muli %add3A, %mul3A_1 : i32
    "tpu.region"() ({
      %run_scoped3A = tpu.sem_alloc : memref<!tpu.dma_semaphore, #tpu.memory_space<semaphore_mem>>
      %dma_start3A_16 = arith.constant 0 : i32
      %dma_start3A_17 = tpu.memref_slice %arg2[%mul3A_2, %dma_start3A_16] : memref<4096x50xi32, #tpu.memory_space<hbm>> -> memref<128x50xi32, #tpu.memory_space<hbm>>
      %dma_start3A_18 = arith.constant 0 : i32
      %dma_start3A_19 = tpu.memref_slice %arg2[%mul3A_2, %dma_start3A_18] : memref<4096x50xi32, #tpu.memory_space<hbm>> -> memref<128x50xi32, #tpu.memory_space<hbm>>
      tpu.enqueue_dma source(%dma_start3A_19 : memref<128x50xi32, #tpu.memory_space<hbm>>) target(%arg5 : memref<128x50xi32, #tpu.memory_space<vmem>>) target_semaphore(%run_scoped3A : memref<!tpu.dma_semaphore, #tpu.memory_space<semaphore_mem>>)
      %dma_wait3A = arith.constant 0 : i32
      %dma_wait3A_20 = tpu.memref_slice %arg2[%mul3A_2, %dma_wait3A] : memref<4096x50xi32, #tpu.memory_space<hbm>> -> memref<128x50xi32, #tpu.memory_space<hbm>>
      %dma_wait3A_21 = arith.constant 0 : i32
      %dma_wait3A_22 = tpu.memref_slice %arg2[%mul3A_2, %dma_wait3A_21] : memref<4096x50xi32, #tpu.memory_space<hbm>> -> memref<128x50xi32, #tpu.memory_space<hbm>>
      tpu.wait_dma2 semaphore(%run_scoped3A : memref<!tpu.dma_semaphore, #tpu.memory_space<semaphore_mem>>) src(%dma_wait3A_22 : memref<128x50xi32, #tpu.memory_space<hbm>>) dst(%arg5 : memref<128x50xi32, #tpu.memory_space<vmem>>)
      tpu.yield
    }) : () -> ()
    %dma_start3A = arith.constant 0 : i32
    %dma_start3A_3 = arith.constant 0 : i32
    %dma_start3A_4 = tpu.memref_slice %arg5[%dma_start3A, %dma_start3A_3] : memref<128x50xi32, #tpu.memory_space<vmem>> -> memref<1x50xi32, #tpu.memory_space<vmem>>
    %dma_start3A_5 = tpu.memref_squeeze %dma_start3A_4 : memref<1x50xi32, #tpu.memory_space<vmem>> -> memref<50xi32, #tpu.memory_space<vmem>>
    %dma_start3A_6 = arith.constant 0 : i32
    %dma_start3A_7 = arith.constant 0 : i32
    %dma_start3A_8 = tpu.memref_slice %arg3[%dma_start3A_6, %dma_start3A_7] : memref<100000x832xbf16, #tpu.memory_space<hbm>> -> memref<100000x832xbf16, #tpu.memory_space<hbm>>
    tpu.enqueue_indirect_dma source(%dma_start3A_8 : memref<100000x832xbf16, #tpu.memory_space<hbm>>) target(%arg6 : memref<50x832xbf16, #tpu.memory_space<vmem>>) offsets(%dma_start3A_5 : memref<50xi32, #tpu.memory_space<vmem>>) semaphore(%arg9 : memref<!tpu.dma_semaphore, #tpu.memory_space<semaphore_mem>>)
    %scan3A = arith.constant -65536 : i32
    %scan3A_9 = arith.constant 0 : i32
    %scan3A_10 = arith.constant 0 : i32
    %scan3A_11 = arith.constant 64 : i32
    %scan3A_12 = arith.addi %scan3A_10, %scan3A_11 : i32
    %scan3A_13 = arith.constant 1 : i32
    %scan3A_14 = scf.for %scan3A_16 = %scan3A_10 to %scan3A_12 step %scan3A_13 iter_args(%scan3A_17 = %scan3A_9) -> (i32)  : i32 {
      %mul3A_18 = arith.constant 2 : i32
      %mul3A_19 = arith.muli %scan3A_16, %mul3A_18 : i32
      %add3A_20 = arith.constant 1 : i32
      %add3A_21 = arith.addi %mul3A_19, %add3A_20 : i32
      %dma_start3A_22 = arith.constant 0 : i32
      %dma_start3A_23 = tpu.memref_slice %arg5[%add3A_21, %dma_start3A_22] : memref<128x50xi32, #tpu.memory_space<vmem>> -> memref<1x50xi32, #tpu.memory_space<vmem>>
      %dma_start3A_24 = tpu.memref_squeeze %dma_start3A_23 : memref<1x50xi32, #tpu.memory_space<vmem>> -> memref<50xi32, #tpu.memory_space<vmem>>
      %dma_start3A_25 = arith.constant 0 : i32
      %dma_start3A_26 = arith.constant 0 : i32
      %dma_start3A_27 = tpu.memref_slice %arg3[%dma_start3A_25, %dma_start3A_26] : memref<100000x832xbf16, #tpu.memory_space<hbm>> -> memref<100000x832xbf16, #tpu.memory_space<hbm>>
      tpu.enqueue_indirect_dma source(%dma_start3A_27 : memref<100000x832xbf16, #tpu.memory_space<hbm>>) target(%arg7 : memref<50x832xbf16, #tpu.memory_space<vmem>>) offsets(%dma_start3A_24 : memref<50xi32, #tpu.memory_space<vmem>>) semaphore(%arg10 : memref<!tpu.dma_semaphore, #tpu.memory_space<semaphore_mem>>)
      %dma_wait3A = arith.constant 0 : i32
      %dma_wait3A_28 = arith.constant 0 : i32
      %dma_wait3A_29 = tpu.memref_slice %arg5[%dma_wait3A, %dma_wait3A_28] : memref<128x50xi32, #tpu.memory_space<vmem>> -> memref<1x50xi32, #tpu.memory_space<vmem>>
      %dma_wait3A_30 = tpu.memref_squeeze %dma_wait3A_29 : memref<1x50xi32, #tpu.memory_space<vmem>> -> memref<50xi32, #tpu.memory_space<vmem>>
      %dma_wait3A_31 = arith.constant 0 : i32
      %dma_wait3A_32 = arith.constant 0 : i32
      %dma_wait3A_33 = tpu.memref_slice %arg3[%dma_wait3A_31, %dma_wait3A_32] : memref<100000x832xbf16, #tpu.memory_space<hbm>> -> memref<100000x832xbf16, #tpu.memory_space<hbm>>
      tpu.wait_indirect_dma semaphore(%arg9 : memref<!tpu.dma_semaphore, #tpu.memory_space<semaphore_mem>>) src(%dma_wait3A_33 : memref<100000x832xbf16, #tpu.memory_space<hbm>>) dst(%arg6 : memref<50x832xbf16, #tpu.memory_space<vmem>>)
      %and3A = arith.constant 15 : i32
      %and3A_34 = arith.andi %mul3A_19, %and3A : i32
      %scan3A_35 = arith.constant 0 : i32
      %scan3A_36 = arith.constant 0 : i32
      %scan3A_37 = arith.constant 26 : i32
      %scan3A_38 = arith.addi %scan3A_36, %scan3A_37 : i32
      %scan3A_39 = arith.constant 1 : i32
      %scan3A_40 = scf.for %scan3A_69 = %scan3A_36 to %scan3A_38 step %scan3A_39 iter_args(%scan3A_70 = %scan3A_35) -> (i32)  : i32 {
        %mul3A_71 = arith.constant 32 : i32
        %mul3A_72 = arith.muli %scan3A_69, %mul3A_71 : i32
        %get3A = arith.constant 0 : i32
        %get3A_73 = arith.index_cast %get3A : i32 to index
        %get3A_74 = arith.index_cast %mul3A_72 : i32 to index
        %get3A_75 = tpu.vector_load %arg6[%get3A_73, %get3A_74] {strides = array<i32>} : memref<50x832xbf16, #tpu.memory_space<vmem>>, vector<32xbf16>,
        %bitcast3A = vector.bitcast %get3A_75 : vector<32xbf16> to vector<16xi32>
        %shift_left3A = arith.constant 16 : i32
        %shift_left3A_76 = vector.broadcast %shift_left3A : i32 to vector<16xi32>
        %shift_left3A_77 = arith.shli %bitcast3A, %shift_left3A_76 : vector<16xi32>
        %bitcast3A_78 = vector.bitcast %shift_left3A_77 : vector<16xi32> to vector<16xf32>
        %and3A_79 = vector.broadcast %scan3A : i32 to vector<16xi32>
        %and3A_80 = arith.andi %bitcast3A, %and3A_79 : vector<16xi32>
        %bitcast3A_81 = vector.bitcast %and3A_80 : vector<16xi32> to vector<16xf32>
        %get3A_82 = arith.constant 1 : i32
        %get3A_83 = arith.index_cast %get3A_82 : i32 to index
        %get3A_84 = arith.index_cast %mul3A_72 : i32 to index
        %get3A_85 = tpu.vector_load %arg6[%get3A_83, %get3A_84] {strides = array<i32>} : memref<50x832xbf16, #tpu.memory_space<vmem>>, vector<32xbf16>,
        %bitcast3A_86 = vector.bitcast %get3A_85 : vector<32xbf16> to vector<16xi32>
        %shift_left3A_87 = arith.constant 16 : i32
        %shift_left3A_88 = vector.broadcast %shift_left3A_87 : i32 to vector<16xi32>
        %shift_left3A_89 = arith.shli %bitcast3A_86, %shift_left3A_88 : vector<16xi32>
        %bitcast3A_90 = vector.bitcast %shift_left3A_89 : vector<16xi32> to vector<16xf32>
        %and3A_91 = vector.broadcast %scan3A : i32 to vector<16xi32>
        %and3A_92 = arith.andi %bitcast3A_86, %and3A_91 : vector<16xi32>
        %bitcast3A_93 = vector.bitcast %and3A_92 : vector<16xi32> to vector<16xf32>
        %get3A_94 = arith.constant 2 : i32
        %get3A_95 = arith.index_cast %get3A_94 : i32 to index
        %get3A_96 = arith.index_cast %mul3A_72 : i32 to index
        %get3A_97 = tpu.vector_load %arg6[%get3A_95, %get3A_96] {strides = array<i32>} : memref<50x832xbf16, #tpu.memory_space<vmem>>, vector<32xbf16>,
        %bitcast3A_98 = vector.bitcast %get3A_97 : vector<32xbf16> to vector<16xi32>
        %shift_left3A_99 = arith.constant 16 : i32
        %shift_left3A_100 = vector.broadcast %shift_left3A_99 : i32 to vector<16xi32>
        %shift_left3A_101 = arith.shli %bitcast3A_98, %shift_left3A_100 : vector<16xi32>
        %bitcast3A_102 = vector.bitcast %shift_left3A_101 : vector<16xi32> to vector<16xf32>
        %and3A_103 = vector.broadcast %scan3A : i32 to vector<16xi32>
        %and3A_104 = arith.andi %bitcast3A_98, %and3A_103 : vector<16xi32>
        %bitcast3A_105 = vector.bitcast %and3A_104 : vector<16xi32> to vector<16xf32>
        %add3A_106 = arith.addf %bitcast3A_78, %bitcast3A_102 : vector<16xf32>
        %add3A_107 = arith.addf %bitcast3A_81, %bitcast3A_105 : vector<16xf32>
        %get3A_108 = arith.constant 4 : i32
        %get3A_109 = arith.index_cast %get3A_108 : i32 to index
        %get3A_110 = arith.index_cast %mul3A_72 : i32 to index
        %get3A_111 = tpu.vector_load %arg6[%get3A_109, %get3A_110] {strides = array<i32>} : memref<50x832xbf16, #tpu.memory_space<vmem>>, vector<32xbf16>,
        %bitcast3A_112 = vector.bitcast %get3A_111 : vector<32xbf16> to vector<16xi32>
        %shift_left3A_113 = arith.constant 16 : i32
        %shift_left3A_114 = vector.broadcast %shift_left3A_113 : i32 to vector<16xi32>
        %shift_left3A_115 = arith.shli %bitcast3A_112, %shift_left3A_114 : vector<16xi32>
        %bitcast3A_116 = vector.bitcast %shift_left3A_115 : vector<16xi32> to vector<16xf32>
        %and3A_117 = vector.broadcast %scan3A : i32 to vector<16xi32>
        %and3A_118 = arith.andi %bitcast3A_112, %and3A_117 : vector<16xi32>
        %bitcast3A_119 = vector.bitcast %and3A_118 : vector<16xi32> to vector<16xf32>
        %add3A_120 = arith.addf %add3A_106, %bitcast3A_116 : vector<16xf32>
        %add3A_121 = arith.addf %add3A_107, %bitcast3A_119 : vector<16xf32>
        %get3A_122 = arith.constant 6 : i32
        %get3A_123 = arith.index_cast %get3A_122 : i32 to index
        %get3A_124 = arith.index_cast %mul3A_72 : i32 to index
        %get3A_125 = tpu.vector_load %arg6[%get3A_123, %get3A_124] {strides = array<i32>} : memref<50x832xbf16, #tpu.memory_space<vmem>>, vector<32xbf16>,
        %bitcast3A_126 = vector.bitcast %get3A_125 : vector<32xbf16> to vector<16xi32>
        %shift_left3A_127 = arith.constant 16 : i32
        %shift_left3A_128 = vector.broadcast %shift_left3A_127 : i32 to vector<16xi32>
        %shift_left3A_129 = arith.shli %bitcast3A_126, %shift_left3A_128 : vector<16xi32>
        %bitcast3A_130 = vector.bitcast %shift_left3A_129 : vector<16xi32> to vector<16xf32>
        %and3A_131 = vector.broadcast %scan3A : i32 to vector<16xi32>
        %and3A_132 = arith.andi %bitcast3A_126, %and3A_131 : vector<16xi32>
        %bitcast3A_133 = vector.bitcast %and3A_132 : vector<16xi32> to vector<16xf32>
        %add3A_134 = arith.addf %add3A_120, %bitcast3A_130 : vector<16xf32>
        %add3A_135 = arith.addf %add3A_121, %bitcast3A_133 : vector<16xf32>
        %get3A_136 = arith.constant 8 : i32
        %get3A_137 = arith.index_cast %get3A_136 : i32 to index
        %get3A_138 = arith.index_cast %mul3A_72 : i32 to index
        %get3A_139 = tpu.vector_load %arg6[%get3A_137, %get3A_138] {strides = array<i32>} : memref<50x832xbf16, #tpu.memory_space<vmem>>, vector<32xbf16>,
        %bitcast3A_140 = vector.bitcast %get3A_139 : vector<32xbf16> to vector<16xi32>
        %shift_left3A_141 = arith.constant 16 : i32
        %shift_left3A_142 = vector.broadcast %shift_left3A_141 : i32 to vector<16xi32>
        %shift_left3A_143 = arith.shli %bitcast3A_140, %shift_left3A_142 : vector<16xi32>
        %bitcast3A_144 = vector.bitcast %shift_left3A_143 : vector<16xi32> to vector<16xf32>
        %and3A_145 = vector.broadcast %scan3A : i32 to vector<16xi32>
        %and3A_146 = arith.andi %bitcast3A_140, %and3A_145 : vector<16xi32>
        %bitcast3A_147 = vector.bitcast %and3A_146 : vector<16xi32> to vector<16xf32>
        %add3A_148 = arith.addf %add3A_134, %bitcast3A_144 : vector<16xf32>
        %add3A_149 = arith.addf %add3A_135, %bitcast3A_147 : vector<16xf32>
        %get3A_150 = arith.constant 10 : i32
        %get3A_151 = arith.index_cast %get3A_150 : i32 to index
        %get3A_152 = arith.index_cast %mul3A_72 : i32 to index
        %get3A_153 = tpu.vector_load %arg6[%get3A_151, %get3A_152] {strides = array<i32>} : memref<50x832xbf16, #tpu.memory_space<vmem>>, vector<32xbf16>,
        %bitcast3A_154 = vector.bitcast %get3A_153 : vector<32xbf16> to vector<16xi32>
        %shift_left3A_155 = arith.constant 16 : i32
        %shift_left3A_156 = vector.broadcast %shift_left3A_155 : i32 to vector<16xi32>
        %shift_left3A_157 = arith.shli %bitcast3A_154, %shift_left3A_156 : vector<16xi32>
        %bitcast3A_158 = vector.bitcast %shift_left3A_157 : vector<16xi32> to vector<16xf32>
        %and3A_159 = vector.broadcast %scan3A : i32 to vector<16xi32>
        %and3A_160 = arith.andi %bitcast3A_154, %and3A_159 : vector<16xi32>
        %bitcast3A_161 = vector.bitcast %and3A_160 : vector<16xi32> to vector<16xf32>
        %add3A_162 = arith.addf %add3A_148, %bitcast3A_158 : vector<16xf32>
        %add3A_163 = arith.addf %add3A_149, %bitcast3A_161 : vector<16xf32>
        %get3A_164 = arith.constant 12 : i32
        %get3A_165 = arith.index_cast %get3A_164 : i32 to index
        %get3A_166 = arith.index_cast %mul3A_72 : i32 to index
        %get3A_167 = tpu.vector_load %arg6[%get3A_165, %get3A_166] {strides = array<i32>} : memref<50x832xbf16, #tpu.memory_space<vmem>>, vector<32xbf16>,
        %bitcast3A_168 = vector.bitcast %get3A_167 : vector<32xbf16> to vector<16xi32>
        %shift_left3A_169 = arith.constant 16 : i32
        %shift_left3A_170 = vector.broadcast %shift_left3A_169 : i32 to vector<16xi32>
        %shift_left3A_171 = arith.shli %bitcast3A_168, %shift_left3A_170 : vector<16xi32>
        %bitcast3A_172 = vector.bitcast %shift_left3A_171 : vector<16xi32> to vector<16xf32>
        %and3A_173 = vector.broadcast %scan3A : i32 to vector<16xi32>
        %and3A_174 = arith.andi %bitcast3A_168, %and3A_173 : vector<16xi32>
        %bitcast3A_175 = vector.bitcast %and3A_174 : vector<16xi32> to vector<16xf32>
        %add3A_176 = arith.addf %add3A_162, %bitcast3A_172 : vector<16xf32>
        %add3A_177 = arith.addf %add3A_163, %bitcast3A_175 : vector<16xf32>
        %get3A_178 = arith.constant 14 : i32
        %get3A_179 = arith.index_cast %get3A_178 : i32 to index
        %get3A_180 = arith.index_cast %mul3A_72 : i32 to index
        %get3A_181 = tpu.vector_load %arg6[%get3A_179, %get3A_180] {strides = array<i32>} : memref<50x832xbf16, #tpu.memory_space<vmem>>, vector<32xbf16>,
        %bitcast3A_182 = vector.bitcast %get3A_181 : vector<32xbf16> to vector<16xi32>
        %shift_left3A_183 = arith.constant 16 : i32
        %shift_left3A_184 = vector.broadcast %shift_left3A_183 : i32 to vector<16xi32>
        %shift_left3A_185 = arith.shli %bitcast3A_182, %shift_left3A_184 : vector<16xi32>
        %bitcast3A_186 = vector.bitcast %shift_left3A_185 : vector<16xi32> to vector<16xf32>
        %and3A_187 = vector.broadcast %scan3A : i32 to vector<16xi32>
        %and3A_188 = arith.andi %bitcast3A_182, %and3A_187 : vector<16xi32>
        %bitcast3A_189 = vector.bitcast %and3A_188 : vector<16xi32> to vector<16xf32>
        %add3A_190 = arith.addf %add3A_176, %bitcast3A_186 : vector<16xf32>
        %add3A_191 = arith.addf %add3A_177, %bitcast3A_189 : vector<16xf32>
        %get3A_192 = arith.constant 16 : i32
        %get3A_193 = arith.index_cast %get3A_192 : i32 to index
        %get3A_194 = arith.index_cast %mul3A_72 : i32 to index
        %get3A_195 = tpu.vector_load %arg6[%get3A_193, %get3A_194] {strides = array<i32>} : memref<50x832xbf16, #tpu.memory_space<vmem>>, vector<32xbf16>,
        %bitcast3A_196 = vector.bitcast %get3A_195 : vector<32xbf16> to vector<16xi32>
        %shift_left3A_197 = arith.constant 16 : i32
        %shift_left3A_198 = vector.broadcast %shift_left3A_197 : i32 to vector<16xi32>
        %shift_left3A_199 = arith.shli %bitcast3A_196, %shift_left3A_198 : vector<16xi32>
        %bitcast3A_200 = vector.bitcast %shift_left3A_199 : vector<16xi32> to vector<16xf32>
        %and3A_201 = vector.broadcast %scan3A : i32 to vector<16xi32>
        %and3A_202 = arith.andi %bitcast3A_196, %and3A_201 : vector<16xi32>
        %bitcast3A_203 = vector.bitcast %and3A_202 : vector<16xi32> to vector<16xf32>
        %add3A_204 = arith.addf %add3A_190, %bitcast3A_200 : vector<16xf32>
        %add3A_205 = arith.addf %add3A_191, %bitcast3A_203 : vector<16xf32>
        %get3A_206 = arith.constant 18 : i32
        %get3A_207 = arith.index_cast %get3A_206 : i32 to index
        %get3A_208 = arith.index_cast %mul3A_72 : i32 to index
        %get3A_209 = tpu.vector_load %arg6[%get3A_207, %get3A_208] {strides = array<i32>} : memref<50x832xbf16, #tpu.memory_space<vmem>>, vector<32xbf16>,
        %bitcast3A_210 = vector.bitcast %get3A_209 : vector<32xbf16> to vector<16xi32>
        %shift_left3A_211 = arith.constant 16 : i32
        %shift_left3A_212 = vector.broadcast %shift_left3A_211 : i32 to vector<16xi32>
        %shift_left3A_213 = arith.shli %bitcast3A_210, %shift_left3A_212 : vector<16xi32>
        %bitcast3A_214 = vector.bitcast %shift_left3A_213 : vector<16xi32> to vector<16xf32>
        %and3A_215 = vector.broadcast %scan3A : i32 to vector<16xi32>
        %and3A_216 = arith.andi %bitcast3A_210, %and3A_215 : vector<16xi32>
        %bitcast3A_217 = vector.bitcast %and3A_216 : vector<16xi32> to vector<16xf32>
        %add3A_218 = arith.addf %add3A_204, %bitcast3A_214 : vector<16xf32>
        %add3A_219 = arith.addf %add3A_205, %bitcast3A_217 : vector<16xf32>
        %get3A_220 = arith.constant 20 : i32
        %get3A_221 = arith.index_cast %get3A_220 : i32 to index
        %get3A_222 = arith.index_cast %mul3A_72 : i32 to index
        %get3A_223 = tpu.vector_load %arg6[%get3A_221, %get3A_222] {strides = array<i32>} : memref<50x832xbf16, #tpu.memory_space<vmem>>, vector<32xbf16>,
        %bitcast3A_224 = vector.bitcast %get3A_223 : vector<32xbf16> to vector<16xi32>
        %shift_left3A_225 = arith.constant 16 : i32
        %shift_left3A_226 = vector.broadcast %shift_left3A_225 : i32 to vector<16xi32>
        %shift_left3A_227 = arith.shli %bitcast3A_224, %shift_left3A_226 : vector<16xi32>
        %bitcast3A_228 = vector.bitcast %shift_left3A_227 : vector<16xi32> to vector<16xf32>
        %and3A_229 = vector.broadcast %scan3A : i32 to vector<16xi32>
        %and3A_230 = arith.andi %bitcast3A_224, %and3A_229 : vector<16xi32>
        %bitcast3A_231 = vector.bitcast %and3A_230 : vector<16xi32> to vector<16xf32>
        %add3A_232 = arith.addf %add3A_218, %bitcast3A_228 : vector<16xf32>
        %add3A_233 = arith.addf %add3A_219, %bitcast3A_231 : vector<16xf32>
        %get3A_234 = arith.constant 22 : i32
        %get3A_235 = arith.index_cast %get3A_234 : i32 to index
        %get3A_236 = arith.index_cast %mul3A_72 : i32 to index
        %get3A_237 = tpu.vector_load %arg6[%get3A_235, %get3A_236] {strides = array<i32>} : memref<50x832xbf16, #tpu.memory_space<vmem>>, vector<32xbf16>,
        %bitcast3A_238 = vector.bitcast %get3A_237 : vector<32xbf16> to vector<16xi32>
        %shift_left3A_239 = arith.constant 16 : i32
        %shift_left3A_240 = vector.broadcast %shift_left3A_239 : i32 to vector<16xi32>
        %shift_left3A_241 = arith.shli %bitcast3A_238, %shift_left3A_240 : vector<16xi32>
        %bitcast3A_242 = vector.bitcast %shift_left3A_241 : vector<16xi32> to vector<16xf32>
        %and3A_243 = vector.broadcast %scan3A : i32 to vector<16xi32>
        %and3A_244 = arith.andi %bitcast3A_238, %and3A_243 : vector<16xi32>
        %bitcast3A_245 = vector.bitcast %and3A_244 : vector<16xi32> to vector<16xf32>
        %add3A_246 = arith.addf %add3A_232, %bitcast3A_242 : vector<16xf32>
        %add3A_247 = arith.addf %add3A_233, %bitcast3A_245 : vector<16xf32>
        %get3A_248 = arith.constant 24 : i32
        %get3A_249 = arith.index_cast %get3A_248 : i32 to index
        %get3A_250 = arith.index_cast %mul3A_72 : i32 to index
        %get3A_251 = tpu.vector_load %arg6[%get3A_249, %get3A_250] {strides = array<i32>} : memref<50x832xbf16, #tpu.memory_space<vmem>>, vector<32xbf16>,
        %bitcast3A_252 = vector.bitcast %get3A_251 : vector<32xbf16> to vector<16xi32>
        %shift_left3A_253 = arith.constant 16 : i32
        %shift_left3A_254 = vector.broadcast %shift_left3A_253 : i32 to vector<16xi32>
        %shift_left3A_255 = arith.shli %bitcast3A_252, %shift_left3A_254 : vector<16xi32>
        %bitcast3A_256 = vector.bitcast %shift_left3A_255 : vector<16xi32> to vector<16xf32>
        %and3A_257 = vector.broadcast %scan3A : i32 to vector<16xi32>
        %and3A_258 = arith.andi %bitcast3A_252, %and3A_257 : vector<16xi32>
        %bitcast3A_259 = vector.bitcast %and3A_258 : vector<16xi32> to vector<16xf32>
        %add3A_260 = arith.addf %add3A_246, %bitcast3A_256 : vector<16xf32>
        %add3A_261 = arith.addf %add3A_247, %bitcast3A_259 : vector<16xf32>
        %get3A_262 = arith.constant 26 : i32
        %get3A_263 = arith.index_cast %get3A_262 : i32 to index
        %get3A_264 = arith.index_cast %mul3A_72 : i32 to index
        %get3A_265 = tpu.vector_load %arg6[%get3A_263, %get3A_264] {strides = array<i32>} : memref<50x832xbf16, #tpu.memory_space<vmem>>, vector<32xbf16>,
        %bitcast3A_266 = vector.bitcast %get3A_265 : vector<32xbf16> to vector<16xi32>
        %shift_left3A_267 = arith.constant 16 : i32
        %shift_left3A_268 = vector.broadcast %shift_left3A_267 : i32 to vector<16xi32>
        %shift_left3A_269 = arith.shli %bitcast3A_266, %shift_left3A_268 : vector<16xi32>
        %bitcast3A_270 = vector.bitcast %shift_left3A_269 : vector<16xi32> to vector<16xf32>
        %and3A_271 = vector.broadcast %scan3A : i32 to vector<16xi32>
        %and3A_272 = arith.andi %bitcast3A_266, %and3A_271 : vector<16xi32>
        %bitcast3A_273 = vector.bitcast %and3A_272 : vector<16xi32> to vector<16xf32>
        %add3A_274 = arith.addf %add3A_260, %bitcast3A_270 : vector<16xf32>
        %add3A_275 = arith.addf %add3A_261, %bitcast3A_273 : vector<16xf32>
        %get3A_276 = arith.constant 28 : i32
        %get3A_277 = arith.index_cast %get3A_276 : i32 to index
        %get3A_278 = arith.index_cast %mul3A_72 : i32 to index
        %get3A_279 = tpu.vector_load %arg6[%get3A_277, %get3A_278] {strides = array<i32>} : memref<50x832xbf16, #tpu.memory_space<vmem>>, vector<32xbf16>,
        %bitcast3A_280 = vector.bitcast %get3A_279 : vector<32xbf16> to vector<16xi32>
        %shift_left3A_281 = arith.constant 16 : i32
        %shift_left3A_282 = vector.broadcast %shift_left3A_281 : i32 to vector<16xi32>
        %shift_left3A_283 = arith.shli %bitcast3A_280, %shift_left3A_282 : vector<16xi32>
        %bitcast3A_284 = vector.bitcast %shift_left3A_283 : vector<16xi32> to vector<16xf32>
        %and3A_285 = vector.broadcast %scan3A : i32 to vector<16xi32>
        %and3A_286 = arith.andi %bitcast3A_280, %and3A_285 : vector<16xi32>
        %bitcast3A_287 = vector.bitcast %and3A_286 : vector<16xi32> to vector<16xf32>
        %add3A_288 = arith.addf %add3A_274, %bitcast3A_284 : vector<16xf32>
        %add3A_289 = arith.addf %add3A_275, %bitcast3A_287 : vector<16xf32>
        %get3A_290 = arith.constant 30 : i32
        %get3A_291 = arith.index_cast %get3A_290 : i32 to index
        %get3A_292 = arith.index_cast %mul3A_72 : i32 to index
        %get3A_293 = tpu.vector_load %arg6[%get3A_291, %get3A_292] {strides = array<i32>} : memref<50x832xbf16, #tpu.memory_space<vmem>>, vector<32xbf16>,
        %bitcast3A_294 = vector.bitcast %get3A_293 : vector<32xbf16> to vector<16xi32>
        %shift_left3A_295 = arith.constant 16 : i32
        %shift_left3A_296 = vector.broadcast %shift_left3A_295 : i32 to vector<16xi32>
        %shift_left3A_297 = arith.shli %bitcast3A_294, %shift_left3A_296 : vector<16xi32>
        %bitcast3A_298 = vector.bitcast %shift_left3A_297 : vector<16xi32> to vector<16xf32>
        %and3A_299 = vector.broadcast %scan3A : i32 to vector<16xi32>
        %and3A_300 = arith.andi %bitcast3A_294, %and3A_299 : vector<16xi32>
        %bitcast3A_301 = vector.bitcast %and3A_300 : vector<16xi32> to vector<16xf32>
        %add3A_302 = arith.addf %add3A_288, %bitcast3A_298 : vector<16xf32>
        %add3A_303 = arith.addf %add3A_289, %bitcast3A_301 : vector<16xf32>
        %get3A_304 = arith.constant 32 : i32
        %get3A_305 = arith.index_cast %get3A_304 : i32 to index
        %get3A_306 = arith.index_cast %mul3A_72 : i32 to index
        %get3A_307 = tpu.vector_load %arg6[%get3A_305, %get3A_306] {strides = array<i32>} : memref<50x832xbf16, #tpu.memory_space<vmem>>, vector<32xbf16>,
        %bitcast3A_308 = vector.bitcast %get3A_307 : vector<32xbf16> to vector<16xi32>
        %shift_left3A_309 = arith.constant 16 : i32
        %shift_left3A_310 = vector.broadcast %shift_left3A_309 : i32 to vector<16xi32>
        %shift_left3A_311 = arith.shli %bitcast3A_308, %shift_left3A_310 : vector<16xi32>
        %bitcast3A_312 = vector.bitcast %shift_left3A_311 : vector<16xi32> to vector<16xf32>
        %and3A_313 = vector.broadcast %scan3A : i32 to vector<16xi32>
        %and3A_314 = arith.andi %bitcast3A_308, %and3A_313 : vector<16xi32>
        %bitcast3A_315 = vector.bitcast %and3A_314 : vector<16xi32> to vector<16xf32>
        %add3A_316 = arith.addf %add3A_302, %bitcast3A_312 : vector<16xf32>
        %add3A_317 = arith.addf %add3A_303, %bitcast3A_315 : vector<16xf32>
        %get3A_318 = arith.constant 34 : i32
        %get3A_319 = arith.index_cast %get3A_318 : i32 to index
        %get3A_320 = arith.index_cast %mul3A_72 : i32 to index
        %get3A_321 = tpu.vector_load %arg6[%get3A_319, %get3A_320] {strides = array<i32>} : memref<50x832xbf16, #tpu.memory_space<vmem>>, vector<32xbf16>,
        %bitcast3A_322 = vector.bitcast %get3A_321 : vector<32xbf16> to vector<16xi32>
        %shift_left3A_323 = arith.constant 16 : i32
        %shift_left3A_324 = vector.broadcast %shift_left3A_323 : i32 to vector<16xi32>
        %shift_left3A_325 = arith.shli %bitcast3A_322, %shift_left3A_324 : vector<16xi32>
        %bitcast3A_326 = vector.bitcast %shift_left3A_325 : vector<16xi32> to vector<16xf32>
        %and3A_327 = vector.broadcast %scan3A : i32 to vector<16xi32>
        %and3A_328 = arith.andi %bitcast3A_322, %and3A_327 : vector<16xi32>
        %bitcast3A_329 = vector.bitcast %and3A_328 : vector<16xi32> to vector<16xf32>
        %add3A_330 = arith.addf %add3A_316, %bitcast3A_326 : vector<16xf32>
        %add3A_331 = arith.addf %add3A_317, %bitcast3A_329 : vector<16xf32>
        %get3A_332 = arith.constant 36 : i32
        %get3A_333 = arith.index_cast %get3A_332 : i32 to index
        %get3A_334 = arith.index_cast %mul3A_72 : i32 to index
        %get3A_335 = tpu.vector_load %arg6[%get3A_333, %get3A_334] {strides = array<i32>} : memref<50x832xbf16, #tpu.memory_space<vmem>>, vector<32xbf16>,
        %bitcast3A_336 = vector.bitcast %get3A_335 : vector<32xbf16> to vector<16xi32>
        %shift_left3A_337 = arith.constant 16 : i32
        %shift_left3A_338 = vector.broadcast %shift_left3A_337 : i32 to vector<16xi32>
        %shift_left3A_339 = arith.shli %bitcast3A_336, %shift_left3A_338 : vector<16xi32>
        %bitcast3A_340 = vector.bitcast %shift_left3A_339 : vector<16xi32> to vector<16xf32>
        %and3A_341 = vector.broadcast %scan3A : i32 to vector<16xi32>
        %and3A_342 = arith.andi %bitcast3A_336, %and3A_341 : vector<16xi32>
        %bitcast3A_343 = vector.bitcast %and3A_342 : vector<16xi32> to vector<16xf32>
        %add3A_344 = arith.addf %add3A_330, %bitcast3A_340 : vector<16xf32>
        %add3A_345 = arith.addf %add3A_331, %bitcast3A_343 : vector<16xf32>
        %get3A_346 = arith.constant 38 : i32
        %get3A_347 = arith.index_cast %get3A_346 : i32 to index
        %get3A_348 = arith.index_cast %mul3A_72 : i32 to index
        %get3A_349 = tpu.vector_load %arg6[%get3A_347, %get3A_348] {strides = array<i32>} : memref<50x832xbf16, #tpu.memory_space<vmem>>, vector<32xbf16>,
        %bitcast3A_350 = vector.bitcast %get3A_349 : vector<32xbf16> to vector<16xi32>
        %shift_left3A_351 = arith.constant 16 : i32
        %shift_left3A_352 = vector.broadcast %shift_left3A_351 : i32 to vector<16xi32>
        %shift_left3A_353 = arith.shli %bitcast3A_350, %shift_left3A_352 : vector<16xi32>
        %bitcast3A_354 = vector.bitcast %shift_left3A_353 : vector<16xi32> to vector<16xf32>
        %and3A_355 = vector.broadcast %scan3A : i32 to vector<16xi32>
        %and3A_356 = arith.andi %bitcast3A_350, %and3A_355 : vector<16xi32>
        %bitcast3A_357 = vector.bitcast %and3A_356 : vector<16xi32> to vector<16xf32>
        %add3A_358 = arith.addf %add3A_344, %bitcast3A_354 : vector<16xf32>
        %add3A_359 = arith.addf %add3A_345, %bitcast3A_357 : vector<16xf32>
        %get3A_360 = arith.constant 40 : i32
        %get3A_361 = arith.index_cast %get3A_360 : i32 to index
        %get3A_362 = arith.index_cast %mul3A_72 : i32 to index
        %get3A_363 = tpu.vector_load %arg6[%get3A_361, %get3A_362] {strides = array<i32>} : memref<50x832xbf16, #tpu.memory_space<vmem>>, vector<32xbf16>,
        %bitcast3A_364 = vector.bitcast %get3A_363 : vector<32xbf16> to vector<16xi32>
        %shift_left3A_365 = arith.constant 16 : i32
        %shift_left3A_366 = vector.broadcast %shift_left3A_365 : i32 to vector<16xi32>
        %shift_left3A_367 = arith.shli %bitcast3A_364, %shift_left3A_366 : vector<16xi32>
        %bitcast3A_368 = vector.bitcast %shift_left3A_367 : vector<16xi32> to vector<16xf32>
        %and3A_369 = vector.broadcast %scan3A : i32 to vector<16xi32>
        %and3A_370 = arith.andi %bitcast3A_364, %and3A_369 : vector<16xi32>
        %bitcast3A_371 = vector.bitcast %and3A_370 : vector<16xi32> to vector<16xf32>
        %add3A_372 = arith.addf %add3A_358, %bitcast3A_368 : vector<16xf32>
        %add3A_373 = arith.addf %add3A_359, %bitcast3A_371 : vector<16xf32>
        %get3A_374 = arith.constant 42 : i32
        %get3A_375 = arith.index_cast %get3A_374 : i32 to index
        %get3A_376 = arith.index_cast %mul3A_72 : i32 to index
        %get3A_377 = tpu.vector_load %arg6[%get3A_375, %get3A_376] {strides = array<i32>} : memref<50x832xbf16, #tpu.memory_space<vmem>>, vector<32xbf16>,
        %bitcast3A_378 = vector.bitcast %get3A_377 : vector<32xbf16> to vector<16xi32>
        %shift_left3A_379 = arith.constant 16 : i32
        %shift_left3A_380 = vector.broadcast %shift_left3A_379 : i32 to vector<16xi32>
        %shift_left3A_381 = arith.shli %bitcast3A_378, %shift_left3A_380 : vector<16xi32>
        %bitcast3A_382 = vector.bitcast %shift_left3A_381 : vector<16xi32> to vector<16xf32>
        %and3A_383 = vector.broadcast %scan3A : i32 to vector<16xi32>
        %and3A_384 = arith.andi %bitcast3A_378, %and3A_383 : vector<16xi32>
        %bitcast3A_385 = vector.bitcast %and3A_384 : vector<16xi32> to vector<16xf32>
        %add3A_386 = arith.addf %add3A_372, %bitcast3A_382 : vector<16xf32>
        %add3A_387 = arith.addf %add3A_373, %bitcast3A_385 : vector<16xf32>
        %get3A_388 = arith.constant 44 : i32
        %get3A_389 = arith.index_cast %get3A_388 : i32 to index
        %get3A_390 = arith.index_cast %mul3A_72 : i32 to index
        %get3A_391 = tpu.vector_load %arg6[%get3A_389, %get3A_390] {strides = array<i32>} : memref<50x832xbf16, #tpu.memory_space<vmem>>, vector<32xbf16>,
        %bitcast3A_392 = vector.bitcast %get3A_391 : vector<32xbf16> to vector<16xi32>
        %shift_left3A_393 = arith.constant 16 : i32
        %shift_left3A_394 = vector.broadcast %shift_left3A_393 : i32 to vector<16xi32>
        %shift_left3A_395 = arith.shli %bitcast3A_392, %shift_left3A_394 : vector<16xi32>
        %bitcast3A_396 = vector.bitcast %shift_left3A_395 : vector<16xi32> to vector<16xf32>
        %and3A_397 = vector.broadcast %scan3A : i32 to vector<16xi32>
        %and3A_398 = arith.andi %bitcast3A_392, %and3A_397 : vector<16xi32>
        %bitcast3A_399 = vector.bitcast %and3A_398 : vector<16xi32> to vector<16xf32>
        %add3A_400 = arith.addf %add3A_386, %bitcast3A_396 : vector<16xf32>
        %add3A_401 = arith.addf %add3A_387, %bitcast3A_399 : vector<16xf32>
        %get3A_402 = arith.constant 46 : i32
        %get3A_403 = arith.index_cast %get3A_402 : i32 to index
        %get3A_404 = arith.index_cast %mul3A_72 : i32 to index
        %get3A_405 = tpu.vector_load %arg6[%get3A_403, %get3A_404] {strides = array<i32>} : memref<50x832xbf16, #tpu.memory_space<vmem>>, vector<32xbf16>,
        %bitcast3A_406 = vector.bitcast %get3A_405 : vector<32xbf16> to vector<16xi32>
        %shift_left3A_407 = arith.constant 16 : i32
        %shift_left3A_408 = vector.broadcast %shift_left3A_407 : i32 to vector<16xi32>
        %shift_left3A_409 = arith.shli %bitcast3A_406, %shift_left3A_408 : vector<16xi32>
        %bitcast3A_410 = vector.bitcast %shift_left3A_409 : vector<16xi32> to vector<16xf32>
        %and3A_411 = vector.broadcast %scan3A : i32 to vector<16xi32>
        %and3A_412 = arith.andi %bitcast3A_406, %and3A_411 : vector<16xi32>
        %bitcast3A_413 = vector.bitcast %and3A_412 : vector<16xi32> to vector<16xf32>
        %add3A_414 = arith.addf %add3A_400, %bitcast3A_410 : vector<16xf32>
        %add3A_415 = arith.addf %add3A_401, %bitcast3A_413 : vector<16xf32>
        %get3A_416 = arith.constant 48 : i32
        %get3A_417 = arith.index_cast %get3A_416 : i32 to index
        %get3A_418 = arith.index_cast %mul3A_72 : i32 to index
        %get3A_419 = tpu.vector_load %arg6[%get3A_417, %get3A_418] {strides = array<i32>} : memref<50x832xbf16, #tpu.memory_space<vmem>>, vector<32xbf16>,
        %bitcast3A_420 = vector.bitcast %get3A_419 : vector<32xbf16> to vector<16xi32>
        %shift_left3A_421 = arith.constant 16 : i32
        %shift_left3A_422 = vector.broadcast %shift_left3A_421 : i32 to vector<16xi32>
        %shift_left3A_423 = arith.shli %bitcast3A_420, %shift_left3A_422 : vector<16xi32>
        %bitcast3A_424 = vector.bitcast %shift_left3A_423 : vector<16xi32> to vector<16xf32>
        %and3A_425 = vector.broadcast %scan3A : i32 to vector<16xi32>
        %and3A_426 = arith.andi %bitcast3A_420, %and3A_425 : vector<16xi32>
        %bitcast3A_427 = vector.bitcast %and3A_426 : vector<16xi32> to vector<16xf32>
        %add3A_428 = arith.addf %add3A_414, %bitcast3A_424 : vector<16xf32>
        %add3A_429 = arith.addf %add3A_415, %bitcast3A_427 : vector<16xf32>
        %get3A_430 = arith.constant 3 : i32
        %get3A_431 = arith.index_cast %get3A_430 : i32 to index
        %get3A_432 = arith.index_cast %mul3A_72 : i32 to index
        %get3A_433 = tpu.vector_load %arg6[%get3A_431, %get3A_432] {strides = array<i32>} : memref<50x832xbf16, #tpu.memory_space<vmem>>, vector<32xbf16>,
        %bitcast3A_434 = vector.bitcast %get3A_433 : vector<32xbf16> to vector<16xi32>
        %shift_left3A_435 = arith.constant 16 : i32
        %shift_left3A_436 = vector.broadcast %shift_left3A_435 : i32 to vector<16xi32>
        %shift_left3A_437 = arith.shli %bitcast3A_434, %shift_left3A_436 : vector<16xi32>
        %bitcast3A_438 = vector.bitcast %shift_left3A_437 : vector<16xi32> to vector<16xf32>
        %and3A_439 = vector.broadcast %scan3A : i32 to vector<16xi32>
        %and3A_440 = arith.andi %bitcast3A_434, %and3A_439 : vector<16xi32>
        %bitcast3A_441 = vector.bitcast %and3A_440 : vector<16xi32> to vector<16xf32>
        %add3A_442 = arith.addf %bitcast3A_90, %bitcast3A_438 : vector<16xf32>
        %add3A_443 = arith.addf %bitcast3A_93, %bitcast3A_441 : vector<16xf32>
        %get3A_444 = arith.constant 5 : i32
        %get3A_445 = arith.index_cast %get3A_444 : i32 to index
        %get3A_446 = arith.index_cast %mul3A_72 : i32 to index
        %get3A_447 = tpu.vector_load %arg6[%get3A_445, %get3A_446] {strides = array<i32>} : memref<50x832xbf16, #tpu.memory_space<vmem>>, vector<32xbf16>,
        %bitcast3A_448 = vector.bitcast %get3A_447 : vector<32xbf16> to vector<16xi32>
        %shift_left3A_449 = arith.constant 16 : i32
        %shift_left3A_450 = vector.broadcast %shift_left3A_449 : i32 to vector<16xi32>
        %shift_left3A_451 = arith.shli %bitcast3A_448, %shift_left3A_450 : vector<16xi32>
        %bitcast3A_452 = vector.bitcast %shift_left3A_451 : vector<16xi32> to vector<16xf32>
        %and3A_453 = vector.broadcast %scan3A : i32 to vector<16xi32>
        %and3A_454 = arith.andi %bitcast3A_448, %and3A_453 : vector<16xi32>
        %bitcast3A_455 = vector.bitcast %and3A_454 : vector<16xi32> to vector<16xf32>
        %add3A_456 = arith.addf %add3A_442, %bitcast3A_452 : vector<16xf32>
        %add3A_457 = arith.addf %add3A_443, %bitcast3A_455 : vector<16xf32>
        %get3A_458 = arith.constant 7 : i32
        %get3A_459 = arith.index_cast %get3A_458 : i32 to index
        %get3A_460 = arith.index_cast %mul3A_72 : i32 to index
        %get3A_461 = tpu.vector_load %arg6[%get3A_459, %get3A_460] {strides = array<i32>} : memref<50x832xbf16, #tpu.memory_space<vmem>>, vector<32xbf16>,
        %bitcast3A_462 = vector.bitcast %get3A_461 : vector<32xbf16> to vector<16xi32>
        %shift_left3A_463 = arith.constant 16 : i32
        %shift_left3A_464 = vector.broadcast %shift_left3A_463 : i32 to vector<16xi32>
        %shift_left3A_465 = arith.shli %bitcast3A_462, %shift_left3A_464 : vector<16xi32>
        %bitcast3A_466 = vector.bitcast %shift_left3A_465 : vector<16xi32> to vector<16xf32>
        %and3A_467 = vector.broadcast %scan3A : i32 to vector<16xi32>
        %and3A_468 = arith.andi %bitcast3A_462, %and3A_467 : vector<16xi32>
        %bitcast3A_469 = vector.bitcast %and3A_468 : vector<16xi32> to vector<16xf32>
        %add3A_470 = arith.addf %add3A_456, %bitcast3A_466 : vector<16xf32>
        %add3A_471 = arith.addf %add3A_457, %bitcast3A_469 : vector<16xf32>
        %get3A_472 = arith.constant 9 : i32
        %get3A_473 = arith.index_cast %get3A_472 : i32 to index
        %get3A_474 = arith.index_cast %mul3A_72 : i32 to index
        %get3A_475 = tpu.vector_load %arg6[%get3A_473, %get3A_474] {strides = array<i32>} : memref<50x832xbf16, #tpu.memory_space<vmem>>, vector<32xbf16>,
        %bitcast3A_476 = vector.bitcast %get3A_475 : vector<32xbf16> to vector<16xi32>
        %shift_left3A_477 = arith.constant 16 : i32
        %shift_left3A_478 = vector.broadcast %shift_left3A_477 : i32 to vector<16xi32>
        %shift_left3A_479 = arith.shli %bitcast3A_476, %shift_left3A_478 : vector<16xi32>
        %bitcast3A_480 = vector.bitcast %shift_left3A_479 : vector<16xi32> to vector<16xf32>
        %and3A_481 = vector.broadcast %scan3A : i32 to vector<16xi32>
        %and3A_482 = arith.andi %bitcast3A_476, %and3A_481 : vector<16xi32>
        %bitcast3A_483 = vector.bitcast %and3A_482 : vector<16xi32> to vector<16xf32>
        %add3A_484 = arith.addf %add3A_470, %bitcast3A_480 : vector<16xf32>
        %add3A_485 = arith.addf %add3A_471, %bitcast3A_483 : vector<16xf32>
        %get3A_486 = arith.constant 11 : i32
        %get3A_487 = arith.index_cast %get3A_486 : i32 to index
        %get3A_488 = arith.index_cast %mul3A_72 : i32 to index
        %get3A_489 = tpu.vector_load %arg6[%get3A_487, %get3A_488] {strides = array<i32>} : memref<50x832xbf16, #tpu.memory_space<vmem>>, vector<32xbf16>,
        %bitcast3A_490 = vector.bitcast %get3A_489 : vector<32xbf16> to vector<16xi32>
        %shift_left3A_491 = arith.constant 16 : i32
        %shift_left3A_492 = vector.broadcast %shift_left3A_491 : i32 to vector<16xi32>
        %shift_left3A_493 = arith.shli %bitcast3A_490, %shift_left3A_492 : vector<16xi32>
        %bitcast3A_494 = vector.bitcast %shift_left3A_493 : vector<16xi32> to vector<16xf32>
        %and3A_495 = vector.broadcast %scan3A : i32 to vector<16xi32>
        %and3A_496 = arith.andi %bitcast3A_490, %and3A_495 : vector<16xi32>
        %bitcast3A_497 = vector.bitcast %and3A_496 : vector<16xi32> to vector<16xf32>
        %add3A_498 = arith.addf %add3A_484, %bitcast3A_494 : vector<16xf32>
        %add3A_499 = arith.addf %add3A_485, %bitcast3A_497 : vector<16xf32>
        %get3A_500 = arith.constant 13 : i32
        %get3A_501 = arith.index_cast %get3A_500 : i32 to index
        %get3A_502 = arith.index_cast %mul3A_72 : i32 to index
        %get3A_503 = tpu.vector_load %arg6[%get3A_501, %get3A_502] {strides = array<i32>} : memref<50x832xbf16, #tpu.memory_space<vmem>>, vector<32xbf16>,
        %bitcast3A_504 = vector.bitcast %get3A_503 : vector<32xbf16> to vector<16xi32>
        %shift_left3A_505 = arith.constant 16 : i32
        %shift_left3A_506 = vector.broadcast %shift_left3A_505 : i32 to vector<16xi32>
        %shift_left3A_507 = arith.shli %bitcast3A_504, %shift_left3A_506 : vector<16xi32>
        %bitcast3A_508 = vector.bitcast %shift_left3A_507 : vector<16xi32> to vector<16xf32>
        %and3A_509 = vector.broadcast %scan3A : i32 to vector<16xi32>
        %and3A_510 = arith.andi %bitcast3A_504, %and3A_509 : vector<16xi32>
        %bitcast3A_511 = vector.bitcast %and3A_510 : vector<16xi32> to vector<16xf32>
        %add3A_512 = arith.addf %add3A_498, %bitcast3A_508 : vector<16xf32>
        %add3A_513 = arith.addf %add3A_499, %bitcast3A_511 : vector<16xf32>
        %get3A_514 = arith.constant 15 : i32
        %get3A_515 = arith.index_cast %get3A_514 : i32 to index
        %get3A_516 = arith.index_cast %mul3A_72 : i32 to index
        %get3A_517 = tpu.vector_load %arg6[%get3A_515, %get3A_516] {strides = array<i32>} : memref<50x832xbf16, #tpu.memory_space<vmem>>, vector<32xbf16>,
        %bitcast3A_518 = vector.bitcast %get3A_517 : vector<32xbf16> to vector<16xi32>
        %shift_left3A_519 = arith.constant 16 : i32
        %shift_left3A_520 = vector.broadcast %shift_left3A_519 : i32 to vector<16xi32>
        %shift_left3A_521 = arith.shli %bitcast3A_518, %shift_left3A_520 : vector<16xi32>
        %bitcast3A_522 = vector.bitcast %shift_left3A_521 : vector<16xi32> to vector<16xf32>
        %and3A_523 = vector.broadcast %scan3A : i32 to vector<16xi32>
        %and3A_524 = arith.andi %bitcast3A_518, %and3A_523 : vector<16xi32>
        %bitcast3A_525 = vector.bitcast %and3A_524 : vector<16xi32> to vector<16xf32>
        %add3A_526 = arith.addf %add3A_512, %bitcast3A_522 : vector<16xf32>
        %add3A_527 = arith.addf %add3A_513, %bitcast3A_525 : vector<16xf32>
        %get3A_528 = arith.constant 17 : i32
        %get3A_529 = arith.index_cast %get3A_528 : i32 to index
        %get3A_530 = arith.index_cast %mul3A_72 : i32 to index
        %get3A_531 = tpu.vector_load %arg6[%get3A_529, %get3A_530] {strides = array<i32>} : memref<50x832xbf16, #tpu.memory_space<vmem>>, vector<32xbf16>,
        %bitcast3A_532 = vector.bitcast %get3A_531 : vector<32xbf16> to vector<16xi32>
        %shift_left3A_533 = arith.constant 16 : i32
        %shift_left3A_534 = vector.broadcast %shift_left3A_533 : i32 to vector<16xi32>
        %shift_left3A_535 = arith.shli %bitcast3A_532, %shift_left3A_534 : vector<16xi32>
        %bitcast3A_536 = vector.bitcast %shift_left3A_535 : vector<16xi32> to vector<16xf32>
        %and3A_537 = vector.broadcast %scan3A : i32 to vector<16xi32>
        %and3A_538 = arith.andi %bitcast3A_532, %and3A_537 : vector<16xi32>
        %bitcast3A_539 = vector.bitcast %and3A_538 : vector<16xi32> to vector<16xf32>
        %add3A_540 = arith.addf %add3A_526, %bitcast3A_536 : vector<16xf32>
        %add3A_541 = arith.addf %add3A_527, %bitcast3A_539 : vector<16xf32>
        %get3A_542 = arith.constant 19 : i32
        %get3A_543 = arith.index_cast %get3A_542 : i32 to index
        %get3A_544 = arith.index_cast %mul3A_72 : i32 to index
        %get3A_545 = tpu.vector_load %arg6[%get3A_543, %get3A_544] {strides = array<i32>} : memref<50x832xbf16, #tpu.memory_space<vmem>>, vector<32xbf16>,
        %bitcast3A_546 = vector.bitcast %get3A_545 : vector<32xbf16> to vector<16xi32>
        %shift_left3A_547 = arith.constant 16 : i32
        %shift_left3A_548 = vector.broadcast %shift_left3A_547 : i32 to vector<16xi32>
        %shift_left3A_549 = arith.shli %bitcast3A_546, %shift_left3A_548 : vector<16xi32>
        %bitcast3A_550 = vector.bitcast %shift_left3A_549 : vector<16xi32> to vector<16xf32>
        %and3A_551 = vector.broadcast %scan3A : i32 to vector<16xi32>
        %and3A_552 = arith.andi %bitcast3A_546, %and3A_551 : vector<16xi32>
        %bitcast3A_553 = vector.bitcast %and3A_552 : vector<16xi32> to vector<16xf32>
        %add3A_554 = arith.addf %add3A_540, %bitcast3A_550 : vector<16xf32>
        %add3A_555 = arith.addf %add3A_541, %bitcast3A_553 : vector<16xf32>
        %get3A_556 = arith.constant 21 : i32
        %get3A_557 = arith.index_cast %get3A_556 : i32 to index
        %get3A_558 = arith.index_cast %mul3A_72 : i32 to index
        %get3A_559 = tpu.vector_load %arg6[%get3A_557, %get3A_558] {strides = array<i32>} : memref<50x832xbf16, #tpu.memory_space<vmem>>, vector<32xbf16>,
        %bitcast3A_560 = vector.bitcast %get3A_559 : vector<32xbf16> to vector<16xi32>
        %shift_left3A_561 = arith.constant 16 : i32
        %shift_left3A_562 = vector.broadcast %shift_left3A_561 : i32 to vector<16xi32>
        %shift_left3A_563 = arith.shli %bitcast3A_560, %shift_left3A_562 : vector<16xi32>
        %bitcast3A_564 = vector.bitcast %shift_left3A_563 : vector<16xi32> to vector<16xf32>
        %and3A_565 = vector.broadcast %scan3A : i32 to vector<16xi32>
        %and3A_566 = arith.andi %bitcast3A_560, %and3A_565 : vector<16xi32>
        %bitcast3A_567 = vector.bitcast %and3A_566 : vector<16xi32> to vector<16xf32>
        %add3A_568 = arith.addf %add3A_554, %bitcast3A_564 : vector<16xf32>
        %add3A_569 = arith.addf %add3A_555, %bitcast3A_567 : vector<16xf32>
        %get3A_570 = arith.constant 23 : i32
        %get3A_571 = arith.index_cast %get3A_570 : i32 to index
        %get3A_572 = arith.index_cast %mul3A_72 : i32 to index
        %get3A_573 = tpu.vector_load %arg6[%get3A_571, %get3A_572] {strides = array<i32>} : memref<50x832xbf16, #tpu.memory_space<vmem>>, vector<32xbf16>,
        %bitcast3A_574 = vector.bitcast %get3A_573 : vector<32xbf16> to vector<16xi32>
        %shift_left3A_575 = arith.constant 16 : i32
        %shift_left3A_576 = vector.broadcast %shift_left3A_575 : i32 to vector<16xi32>
        %shift_left3A_577 = arith.shli %bitcast3A_574, %shift_left3A_576 : vector<16xi32>
        %bitcast3A_578 = vector.bitcast %shift_left3A_577 : vector<16xi32> to vector<16xf32>
        %and3A_579 = vector.broadcast %scan3A : i32 to vector<16xi32>
        %and3A_580 = arith.andi %bitcast3A_574, %and3A_579 : vector<16xi32>
        %bitcast3A_581 = vector.bitcast %and3A_580 : vector<16xi32> to vector<16xf32>
        %add3A_582 = arith.addf %add3A_568, %bitcast3A_578 : vector<16xf32>
        %add3A_583 = arith.addf %add3A_569, %bitcast3A_581 : vector<16xf32>
        %get3A_584 = arith.constant 25 : i32
        %get3A_585 = arith.index_cast %get3A_584 : i32 to index
        %get3A_586 = arith.index_cast %mul3A_72 : i32 to index
        %get3A_587 = tpu.vector_load %arg6[%get3A_585, %get3A_586] {strides = array<i32>} : memref<50x832xbf16, #tpu.memory_space<vmem>>, vector<32xbf16>,
        %bitcast3A_588 = vector.bitcast %get3A_587 : vector<32xbf16> to vector<16xi32>
        %shift_left3A_589 = arith.constant 16 : i32
        %shift_left3A_590 = vector.broadcast %shift_left3A_589 : i32 to vector<16xi32>
        %shift_left3A_591 = arith.shli %bitcast3A_588, %shift_left3A_590 : vector<16xi32>
        %bitcast3A_592 = vector.bitcast %shift_left3A_591 : vector<16xi32> to vector<16xf32>
        %and3A_593 = vector.broadcast %scan3A : i32 to vector<16xi32>
        %and3A_594 = arith.andi %bitcast3A_588, %and3A_593 : vector<16xi32>
        %bitcast3A_595 = vector.bitcast %and3A_594 : vector<16xi32> to vector<16xf32>
        %add3A_596 = arith.addf %add3A_582, %bitcast3A_592 : vector<16xf32>
        %add3A_597 = arith.addf %add3A_583, %bitcast3A_595 : vector<16xf32>
        %get3A_598 = arith.constant 27 : i32
        %get3A_599 = arith.index_cast %get3A_598 : i32 to index
        %get3A_600 = arith.index_cast %mul3A_72 : i32 to index
        %get3A_601 = tpu.vector_load %arg6[%get3A_599, %get3A_600] {strides = array<i32>} : memref<50x832xbf16, #tpu.memory_space<vmem>>, vector<32xbf16>,
        %bitcast3A_602 = vector.bitcast %get3A_601 : vector<32xbf16> to vector<16xi32>
        %shift_left3A_603 = arith.constant 16 : i32
        %shift_left3A_604 = vector.broadcast %shift_left3A_603 : i32 to vector<16xi32>
        %shift_left3A_605 = arith.shli %bitcast3A_602, %shift_left3A_604 : vector<16xi32>
        %bitcast3A_606 = vector.bitcast %shift_left3A_605 : vector<16xi32> to vector<16xf32>
        %and3A_607 = vector.broadcast %scan3A : i32 to vector<16xi32>
        %and3A_608 = arith.andi %bitcast3A_602, %and3A_607 : vector<16xi32>
        %bitcast3A_609 = vector.bitcast %and3A_608 : vector<16xi32> to vector<16xf32>
        %add3A_610 = arith.addf %add3A_596, %bitcast3A_606 : vector<16xf32>
        %add3A_611 = arith.addf %add3A_597, %bitcast3A_609 : vector<16xf32>
        %get3A_612 = arith.constant 29 : i32
        %get3A_613 = arith.index_cast %get3A_612 : i32 to index
        %get3A_614 = arith.index_cast %mul3A_72 : i32 to index
        %get3A_615 = tpu.vector_load %arg6[%get3A_613, %get3A_614] {strides = array<i32>} : memref<50x832xbf16, #tpu.memory_space<vmem>>, vector<32xbf16>,
        %bitcast3A_616 = vector.bitcast %get3A_615 : vector<32xbf16> to vector<16xi32>
        %shift_left3A_617 = arith.constant 16 : i32
        %shift_left3A_618 = vector.broadcast %shift_left3A_617 : i32 to vector<16xi32>
        %shift_left3A_619 = arith.shli %bitcast3A_616, %shift_left3A_618 : vector<16xi32>
        %bitcast3A_620 = vector.bitcast %shift_left3A_619 : vector<16xi32> to vector<16xf32>
        %and3A_621 = vector.broadcast %scan3A : i32 to vector<16xi32>
        %and3A_622 = arith.andi %bitcast3A_616, %and3A_621 : vector<16xi32>
        %bitcast3A_623 = vector.bitcast %and3A_622 : vector<16xi32> to vector<16xf32>
        %add3A_624 = arith.addf %add3A_610, %bitcast3A_620 : vector<16xf32>
        %add3A_625 = arith.addf %add3A_611, %bitcast3A_623 : vector<16xf32>
        %get3A_626 = arith.constant 31 : i32
        %get3A_627 = arith.index_cast %get3A_626 : i32 to index
        %get3A_628 = arith.index_cast %mul3A_72 : i32 to index
        %get3A_629 = tpu.vector_load %arg6[%get3A_627, %get3A_628] {strides = array<i32>} : memref<50x832xbf16, #tpu.memory_space<vmem>>, vector<32xbf16>,
        %bitcast3A_630 = vector.bitcast %get3A_629 : vector<32xbf16> to vector<16xi32>
        %shift_left3A_631 = arith.constant 16 : i32
        %shift_left3A_632 = vector.broadcast %shift_left3A_631 : i32 to vector<16xi32>
        %shift_left3A_633 = arith.shli %bitcast3A_630, %shift_left3A_632 : vector<16xi32>
        %bitcast3A_634 = vector.bitcast %shift_left3A_633 : vector<16xi32> to vector<16xf32>
        %and3A_635 = vector.broadcast %scan3A : i32 to vector<16xi32>
        %and3A_636 = arith.andi %bitcast3A_630, %and3A_635 : vector<16xi32>
        %bitcast3A_637 = vector.bitcast %and3A_636 : vector<16xi32> to vector<16xf32>
        %add3A_638 = arith.addf %add3A_624, %bitcast3A_634 : vector<16xf32>
        %add3A_639 = arith.addf %add3A_625, %bitcast3A_637 : vector<16xf32>
        %get3A_640 = arith.constant 33 : i32
        %get3A_641 = arith.index_cast %get3A_640 : i32 to index
        %get3A_642 = arith.index_cast %mul3A_72 : i32 to index
        %get3A_643 = tpu.vector_load %arg6[%get3A_641, %get3A_642] {strides = array<i32>} : memref<50x832xbf16, #tpu.memory_space<vmem>>, vector<32xbf16>,
        %bitcast3A_644 = vector.bitcast %get3A_643 : vector<32xbf16> to vector<16xi32>
        %shift_left3A_645 = arith.constant 16 : i32
        %shift_left3A_646 = vector.broadcast %shift_left3A_645 : i32 to vector<16xi32>
        %shift_left3A_647 = arith.shli %bitcast3A_644, %shift_left3A_646 : vector<16xi32>
        %bitcast3A_648 = vector.bitcast %shift_left3A_647 : vector<16xi32> to vector<16xf32>
        %and3A_649 = vector.broadcast %scan3A : i32 to vector<16xi32>
        %and3A_650 = arith.andi %bitcast3A_644, %and3A_649 : vector<16xi32>
        %bitcast3A_651 = vector.bitcast %and3A_650 : vector<16xi32> to vector<16xf32>
        %add3A_652 = arith.addf %add3A_638, %bitcast3A_648 : vector<16xf32>
        %add3A_653 = arith.addf %add3A_639, %bitcast3A_651 : vector<16xf32>
        %get3A_654 = arith.constant 35 : i32
        %get3A_655 = arith.index_cast %get3A_654 : i32 to index
        %get3A_656 = arith.index_cast %mul3A_72 : i32 to index
        %get3A_657 = tpu.vector_load %arg6[%get3A_655, %get3A_656] {strides = array<i32>} : memref<50x832xbf16, #tpu.memory_space<vmem>>, vector<32xbf16>,
        %bitcast3A_658 = vector.bitcast %get3A_657 : vector<32xbf16> to vector<16xi32>
        %shift_left3A_659 = arith.constant 16 : i32
        %shift_left3A_660 = vector.broadcast %shift_left3A_659 : i32 to vector<16xi32>
        %shift_left3A_661 = arith.shli %bitcast3A_658, %shift_left3A_660 : vector<16xi32>
        %bitcast3A_662 = vector.bitcast %shift_left3A_661 : vector<16xi32> to vector<16xf32>
        %and3A_663 = vector.broadcast %scan3A : i32 to vector<16xi32>
        %and3A_664 = arith.andi %bitcast3A_658, %and3A_663 : vector<16xi32>
        %bitcast3A_665 = vector.bitcast %and3A_664 : vector<16xi32> to vector<16xf32>
        %add3A_666 = arith.addf %add3A_652, %bitcast3A_662 : vector<16xf32>
        %add3A_667 = arith.addf %add3A_653, %bitcast3A_665 : vector<16xf32>
        %get3A_668 = arith.constant 37 : i32
        %get3A_669 = arith.index_cast %get3A_668 : i32 to index
        %get3A_670 = arith.index_cast %mul3A_72 : i32 to index
        %get3A_671 = tpu.vector_load %arg6[%get3A_669, %get3A_670] {strides = array<i32>} : memref<50x832xbf16, #tpu.memory_space<vmem>>, vector<32xbf16>,
        %bitcast3A_672 = vector.bitcast %get3A_671 : vector<32xbf16> to vector<16xi32>
        %shift_left3A_673 = arith.constant 16 : i32
        %shift_left3A_674 = vector.broadcast %shift_left3A_673 : i32 to vector<16xi32>
        %shift_left3A_675 = arith.shli %bitcast3A_672, %shift_left3A_674 : vector<16xi32>
        %bitcast3A_676 = vector.bitcast %shift_left3A_675 : vector<16xi32> to vector<16xf32>
        %and3A_677 = vector.broadcast %scan3A : i32 to vector<16xi32>
        %and3A_678 = arith.andi %bitcast3A_672, %and3A_677 : vector<16xi32>
        %bitcast3A_679 = vector.bitcast %and3A_678 : vector<16xi32> to vector<16xf32>
        %add3A_680 = arith.addf %add3A_666, %bitcast3A_676 : vector<16xf32>
        %add3A_681 = arith.addf %add3A_667, %bitcast3A_679 : vector<16xf32>
        %get3A_682 = arith.constant 39 : i32
        %get3A_683 = arith.index_cast %get3A_682 : i32 to index
        %get3A_684 = arith.index_cast %mul3A_72 : i32 to index
        %get3A_685 = tpu.vector_load %arg6[%get3A_683, %get3A_684] {strides = array<i32>} : memref<50x832xbf16, #tpu.memory_space<vmem>>, vector<32xbf16>,
        %bitcast3A_686 = vector.bitcast %get3A_685 : vector<32xbf16> to vector<16xi32>
        %shift_left3A_687 = arith.constant 16 : i32
        %shift_left3A_688 = vector.broadcast %shift_left3A_687 : i32 to vector<16xi32>
        %shift_left3A_689 = arith.shli %bitcast3A_686, %shift_left3A_688 : vector<16xi32>
        %bitcast3A_690 = vector.bitcast %shift_left3A_689 : vector<16xi32> to vector<16xf32>
        %and3A_691 = vector.broadcast %scan3A : i32 to vector<16xi32>
        %and3A_692 = arith.andi %bitcast3A_686, %and3A_691 : vector<16xi32>
        %bitcast3A_693 = vector.bitcast %and3A_692 : vector<16xi32> to vector<16xf32>
        %add3A_694 = arith.addf %add3A_680, %bitcast3A_690 : vector<16xf32>
        %add3A_695 = arith.addf %add3A_681, %bitcast3A_693 : vector<16xf32>
        %get3A_696 = arith.constant 41 : i32
        %get3A_697 = arith.index_cast %get3A_696 : i32 to index
        %get3A_698 = arith.index_cast %mul3A_72 : i32 to index
        %get3A_699 = tpu.vector_load %arg6[%get3A_697, %get3A_698] {strides = array<i32>} : memref<50x832xbf16, #tpu.memory_space<vmem>>, vector<32xbf16>,
        %bitcast3A_700 = vector.bitcast %get3A_699 : vector<32xbf16> to vector<16xi32>
        %shift_left3A_701 = arith.constant 16 : i32
        %shift_left3A_702 = vector.broadcast %shift_left3A_701 : i32 to vector<16xi32>
        %shift_left3A_703 = arith.shli %bitcast3A_700, %shift_left3A_702 : vector<16xi32>
        %bitcast3A_704 = vector.bitcast %shift_left3A_703 : vector<16xi32> to vector<16xf32>
        %and3A_705 = vector.broadcast %scan3A : i32 to vector<16xi32>
        %and3A_706 = arith.andi %bitcast3A_700, %and3A_705 : vector<16xi32>
        %bitcast3A_707 = vector.bitcast %and3A_706 : vector<16xi32> to vector<16xf32>
        %add3A_708 = arith.addf %add3A_694, %bitcast3A_704 : vector<16xf32>
        %add3A_709 = arith.addf %add3A_695, %bitcast3A_707 : vector<16xf32>
        %get3A_710 = arith.constant 43 : i32
        %get3A_711 = arith.index_cast %get3A_710 : i32 to index
        %get3A_712 = arith.index_cast %mul3A_72 : i32 to index
        %get3A_713 = tpu.vector_load %arg6[%get3A_711, %get3A_712] {strides = array<i32>} : memref<50x832xbf16, #tpu.memory_space<vmem>>, vector<32xbf16>,
        %bitcast3A_714 = vector.bitcast %get3A_713 : vector<32xbf16> to vector<16xi32>
        %shift_left3A_715 = arith.constant 16 : i32
        %shift_left3A_716 = vector.broadcast %shift_left3A_715 : i32 to vector<16xi32>
        %shift_left3A_717 = arith.shli %bitcast3A_714, %shift_left3A_716 : vector<16xi32>
        %bitcast3A_718 = vector.bitcast %shift_left3A_717 : vector<16xi32> to vector<16xf32>
        %and3A_719 = vector.broadcast %scan3A : i32 to vector<16xi32>
        %and3A_720 = arith.andi %bitcast3A_714, %and3A_719 : vector<16xi32>
        %bitcast3A_721 = vector.bitcast %and3A_720 : vector<16xi32> to vector<16xf32>
        %add3A_722 = arith.addf %add3A_708, %bitcast3A_718 : vector<16xf32>
        %add3A_723 = arith.addf %add3A_709, %bitcast3A_721 : vector<16xf32>
        %get3A_724 = arith.constant 45 : i32
        %get3A_725 = arith.index_cast %get3A_724 : i32 to index
        %get3A_726 = arith.index_cast %mul3A_72 : i32 to index
        %get3A_727 = tpu.vector_load %arg6[%get3A_725, %get3A_726] {strides = array<i32>} : memref<50x832xbf16, #tpu.memory_space<vmem>>, vector<32xbf16>,
        %bitcast3A_728 = vector.bitcast %get3A_727 : vector<32xbf16> to vector<16xi32>
        %shift_left3A_729 = arith.constant 16 : i32
        %shift_left3A_730 = vector.broadcast %shift_left3A_729 : i32 to vector<16xi32>
        %shift_left3A_731 = arith.shli %bitcast3A_728, %shift_left3A_730 : vector<16xi32>
        %bitcast3A_732 = vector.bitcast %shift_left3A_731 : vector<16xi32> to vector<16xf32>
        %and3A_733 = vector.broadcast %scan3A : i32 to vector<16xi32>
        %and3A_734 = arith.andi %bitcast3A_728, %and3A_733 : vector<16xi32>
        %bitcast3A_735 = vector.bitcast %and3A_734 : vector<16xi32> to vector<16xf32>
        %add3A_736 = arith.addf %add3A_722, %bitcast3A_732 : vector<16xf32>
        %add3A_737 = arith.addf %add3A_723, %bitcast3A_735 : vector<16xf32>
        %get3A_738 = arith.constant 47 : i32
        %get3A_739 = arith.index_cast %get3A_738 : i32 to index
        %get3A_740 = arith.index_cast %mul3A_72 : i32 to index
        %get3A_741 = tpu.vector_load %arg6[%get3A_739, %get3A_740] {strides = array<i32>} : memref<50x832xbf16, #tpu.memory_space<vmem>>, vector<32xbf16>,
        %bitcast3A_742 = vector.bitcast %get3A_741 : vector<32xbf16> to vector<16xi32>
        %shift_left3A_743 = arith.constant 16 : i32
        %shift_left3A_744 = vector.broadcast %shift_left3A_743 : i32 to vector<16xi32>
        %shift_left3A_745 = arith.shli %bitcast3A_742, %shift_left3A_744 : vector<16xi32>
        %bitcast3A_746 = vector.bitcast %shift_left3A_745 : vector<16xi32> to vector<16xf32>
        %and3A_747 = vector.broadcast %scan3A : i32 to vector<16xi32>
        %and3A_748 = arith.andi %bitcast3A_742, %and3A_747 : vector<16xi32>
        %bitcast3A_749 = vector.bitcast %and3A_748 : vector<16xi32> to vector<16xf32>
        %add3A_750 = arith.addf %add3A_736, %bitcast3A_746 : vector<16xf32>
        %add3A_751 = arith.addf %add3A_737, %bitcast3A_749 : vector<16xf32>
        %get3A_752 = arith.constant 49 : i32
        %get3A_753 = arith.index_cast %get3A_752 : i32 to index
        %get3A_754 = arith.index_cast %mul3A_72 : i32 to index
        %get3A_755 = tpu.vector_load %arg6[%get3A_753, %get3A_754] {strides = array<i32>} : memref<50x832xbf16, #tpu.memory_space<vmem>>, vector<32xbf16>,
        %bitcast3A_756 = vector.bitcast %get3A_755 : vector<32xbf16> to vector<16xi32>
        %shift_left3A_757 = arith.constant 16 : i32
        %shift_left3A_758 = vector.broadcast %shift_left3A_757 : i32 to vector<16xi32>
        %shift_left3A_759 = arith.shli %bitcast3A_756, %shift_left3A_758 : vector<16xi32>
        %bitcast3A_760 = vector.bitcast %shift_left3A_759 : vector<16xi32> to vector<16xf32>
        %and3A_761 = vector.broadcast %scan3A : i32 to vector<16xi32>
        %and3A_762 = arith.andi %bitcast3A_756, %and3A_761 : vector<16xi32>
        %bitcast3A_763 = vector.bitcast %and3A_762 : vector<16xi32> to vector<16xf32>
        %add3A_764 = arith.addf %add3A_750, %bitcast3A_760 : vector<16xf32>
        %add3A_765 = arith.addf %add3A_751, %bitcast3A_763 : vector<16xf32>
        %add3A_766 = arith.addf %add3A_428, %add3A_764 : vector<16xf32>
        %swap3A = arith.index_cast %scan3A_69 : i32 to index
        %swap3A_767 = arith.index_cast %and3A_34 : i32 to index
        %swap3A_768 = arith.constant 0 : index
        %swap3A_769 = tpu.vector_load %arg8[%swap3A, %swap3A_767, %swap3A_768] {strides = array<i32>} : memref<26x16x32xf32, #tpu.memory_space<vmem>>, vector<16xf32>,
        tpu.vector_store %arg8[%swap3A, %swap3A_767, %swap3A_768], %add3A_766 {strides = array<i32>} : memref<26x16x32xf32, #tpu.memory_space<vmem>>, vector<16xf32>,
        %add3A_770 = arith.addf %add3A_429, %add3A_765 : vector<16xf32>
        %swap3A_771 = arith.index_cast %scan3A_69 : i32 to index
        %swap3A_772 = arith.index_cast %and3A_34 : i32 to index
        %swap3A_773 = arith.constant 16 : index
        %swap3A_774 = tpu.vector_load %arg8[%swap3A_771, %swap3A_772, %swap3A_773] {strides = array<i32>} : memref<26x16x32xf32, #tpu.memory_space<vmem>>, vector<16xf32>,
        tpu.vector_store %arg8[%swap3A_771, %swap3A_772, %swap3A_773], %add3A_770 {strides = array<i32>} : memref<26x16x32xf32, #tpu.memory_space<vmem>>, vector<16xf32>,
        %scan3A_775 = arith.constant 0 : i32
        scf.yield %scan3A_775 : i32
      }
      %scan3A_41 = arith.constant 26 : i32
      %add3A_42 = arith.constant 2 : i32
      %add3A_43 = arith.addi %mul3A_19, %add3A_42 : i32
      %lt3A = arith.constant 128 : i32
      %lt3A_44 = arith.cmpi slt, %add3A_43, %lt3A : i32
      %convert_element_type3A = arith.extui %lt3A_44 : i1 to i32
      %cond3A = arith.constant 0 : i32
      %cond3A_45 = arith.cmpi ne, %convert_element_type3A, %cond3A : i32
      scf.if %cond3A_45 {
        %add3A_69 = arith.constant 2 : i32
        %add3A_70 = arith.addi %mul3A_19, %add3A_69 : i32
        %dma_start3A_71 = arith.constant 0 : i32
        %dma_start3A_72 = tpu.memref_slice %arg5[%add3A_70, %dma_start3A_71] : memref<128x50xi32, #tpu.memory_space<vmem>> -> memref<1x50xi32, #tpu.memory_space<vmem>>
        %dma_start3A_73 = tpu.memref_squeeze %dma_start3A_72 : memref<1x50xi32, #tpu.memory_space<vmem>> -> memref<50xi32, #tpu.memory_space<vmem>>
        %dma_start3A_74 = arith.constant 0 : i32
        %dma_start3A_75 = arith.constant 0 : i32
        %dma_start3A_76 = tpu.memref_slice %arg3[%dma_start3A_74, %dma_start3A_75] : memref<100000x832xbf16, #tpu.memory_space<hbm>> -> memref<100000x832xbf16, #tpu.memory_space<hbm>>
        tpu.enqueue_indirect_dma source(%dma_start3A_76 : memref<100000x832xbf16, #tpu.memory_space<hbm>>) target(%arg6 : memref<50x832xbf16, #tpu.memory_space<vmem>>) offsets(%dma_start3A_73 : memref<50xi32, #tpu.memory_space<vmem>>) semaphore(%arg9 : memref<!tpu.dma_semaphore, #tpu.memory_space<semaphore_mem>>)
      } else {
      }
      %dma_wait3A_46 = arith.constant 0 : i32
      %dma_wait3A_47 = arith.constant 0 : i32
      %dma_wait3A_48 = tpu.memref_slice %arg5[%dma_wait3A_46, %dma_wait3A_47] : memref<128x50xi32, #tpu.memory_space<vmem>> -> memref<1x50xi32, #tpu.memory_space<vmem>>
      %dma_wait3A_49 = tpu.memref_squeeze %dma_wait3A_48 : memref<1x50xi32, #tpu.memory_space<vmem>> -> memref<50xi32, #tpu.memory_space<vmem>>
      %dma_wait3A_50 = arith.constant 0 : i32
      %dma_wait3A_51 = arith.constant 0 : i32
      %dma_wait3A_52 = tpu.memref_slice %arg3[%dma_wait3A_50, %dma_wait3A_51] : memref<100000x832xbf16, #tpu.memory_space<hbm>> -> memref<100000x832xbf16, #tpu.memory_space<hbm>>
      tpu.wait_indirect_dma semaphore(%arg10 : memref<!tpu.dma_semaphore, #tpu.memory_space<semaphore_mem>>) src(%dma_wait3A_52 : memref<100000x832xbf16, #tpu.memory_space<hbm>>) dst(%arg7 : memref<50x832xbf16, #tpu.memory_space<vmem>>)
      %and3A_53 = arith.constant 15 : i32
      %and3A_54 = arith.andi %add3A_21, %and3A_53 : i32
      %scan3A_55 = arith.constant 0 : i32
      %scan3A_56 = arith.constant 0 : i32
      %scan3A_57 = arith.constant 26 : i32
      %scan3A_58 = arith.addi %scan3A_56, %scan3A_57 : i32
      %scan3A_59 = arith.constant 1 : i32
      %scan3A_60 = scf.for %scan3A_69 = %scan3A_56 to %scan3A_58 step %scan3A_59 iter_args(%scan3A_70 = %scan3A_55) -> (i32)  : i32 {
        %mul3A_71 = arith.constant 32 : i32
        %mul3A_72 = arith.muli %scan3A_69, %mul3A_71 : i32
        %get3A = arith.constant 0 : i32
        %get3A_73 = arith.index_cast %get3A : i32 to index
        %get3A_74 = arith.index_cast %mul3A_72 : i32 to index
        %get3A_75 = tpu.vector_load %arg7[%get3A_73, %get3A_74] {strides = array<i32>} : memref<50x832xbf16, #tpu.memory_space<vmem>>, vector<32xbf16>,
        %bitcast3A = vector.bitcast %get3A_75 : vector<32xbf16> to vector<16xi32>
        %shift_left3A = arith.constant 16 : i32
        %shift_left3A_76 = vector.broadcast %shift_left3A : i32 to vector<16xi32>
        %shift_left3A_77 = arith.shli %bitcast3A, %shift_left3A_76 : vector<16xi32>
        %bitcast3A_78 = vector.bitcast %shift_left3A_77 : vector<16xi32> to vector<16xf32>
        %and3A_79 = vector.broadcast %scan3A : i32 to vector<16xi32>
        %and3A_80 = arith.andi %bitcast3A, %and3A_79 : vector<16xi32>
        %bitcast3A_81 = vector.bitcast %and3A_80 : vector<16xi32> to vector<16xf32>
        %get3A_82 = arith.constant 1 : i32
        %get3A_83 = arith.index_cast %get3A_82 : i32 to index
        %get3A_84 = arith.index_cast %mul3A_72 : i32 to index
        %get3A_85 = tpu.vector_load %arg7[%get3A_83, %get3A_84] {strides = array<i32>} : memref<50x832xbf16, #tpu.memory_space<vmem>>, vector<32xbf16>,
        %bitcast3A_86 = vector.bitcast %get3A_85 : vector<32xbf16> to vector<16xi32>
        %shift_left3A_87 = arith.constant 16 : i32
        %shift_left3A_88 = vector.broadcast %shift_left3A_87 : i32 to vector<16xi32>
        %shift_left3A_89 = arith.shli %bitcast3A_86, %shift_left3A_88 : vector<16xi32>
        %bitcast3A_90 = vector.bitcast %shift_left3A_89 : vector<16xi32> to vector<16xf32>
        %and3A_91 = vector.broadcast %scan3A : i32 to vector<16xi32>
        %and3A_92 = arith.andi %bitcast3A_86, %and3A_91 : vector<16xi32>
        %bitcast3A_93 = vector.bitcast %and3A_92 : vector<16xi32> to vector<16xf32>
        %get3A_94 = arith.constant 2 : i32
        %get3A_95 = arith.index_cast %get3A_94 : i32 to index
        %get3A_96 = arith.index_cast %mul3A_72 : i32 to index
        %get3A_97 = tpu.vector_load %arg7[%get3A_95, %get3A_96] {strides = array<i32>} : memref<50x832xbf16, #tpu.memory_space<vmem>>, vector<32xbf16>,
        %bitcast3A_98 = vector.bitcast %get3A_97 : vector<32xbf16> to vector<16xi32>
        %shift_left3A_99 = arith.constant 16 : i32
        %shift_left3A_100 = vector.broadcast %shift_left3A_99 : i32 to vector<16xi32>
        %shift_left3A_101 = arith.shli %bitcast3A_98, %shift_left3A_100 : vector<16xi32>
        %bitcast3A_102 = vector.bitcast %shift_left3A_101 : vector<16xi32> to vector<16xf32>
        %and3A_103 = vector.broadcast %scan3A : i32 to vector<16xi32>
        %and3A_104 = arith.andi %bitcast3A_98, %and3A_103 : vector<16xi32>
        %bitcast3A_105 = vector.bitcast %and3A_104 : vector<16xi32> to vector<16xf32>
        %add3A_106 = arith.addf %bitcast3A_78, %bitcast3A_102 : vector<16xf32>
        %add3A_107 = arith.addf %bitcast3A_81, %bitcast3A_105 : vector<16xf32>
        %get3A_108 = arith.constant 4 : i32
        %get3A_109 = arith.index_cast %get3A_108 : i32 to index
        %get3A_110 = arith.index_cast %mul3A_72 : i32 to index
        %get3A_111 = tpu.vector_load %arg7[%get3A_109, %get3A_110] {strides = array<i32>} : memref<50x832xbf16, #tpu.memory_space<vmem>>, vector<32xbf16>,
        %bitcast3A_112 = vector.bitcast %get3A_111 : vector<32xbf16> to vector<16xi32>
        %shift_left3A_113 = arith.constant 16 : i32
        %shift_left3A_114 = vector.broadcast %shift_left3A_113 : i32 to vector<16xi32>
        %shift_left3A_115 = arith.shli %bitcast3A_112, %shift_left3A_114 : vector<16xi32>
        %bitcast3A_116 = vector.bitcast %shift_left3A_115 : vector<16xi32> to vector<16xf32>
        %and3A_117 = vector.broadcast %scan3A : i32 to vector<16xi32>
        %and3A_118 = arith.andi %bitcast3A_112, %and3A_117 : vector<16xi32>
        %bitcast3A_119 = vector.bitcast %and3A_118 : vector<16xi32> to vector<16xf32>
        %add3A_120 = arith.addf %add3A_106, %bitcast3A_116 : vector<16xf32>
        %add3A_121 = arith.addf %add3A_107, %bitcast3A_119 : vector<16xf32>
        %get3A_122 = arith.constant 6 : i32
        %get3A_123 = arith.index_cast %get3A_122 : i32 to index
        %get3A_124 = arith.index_cast %mul3A_72 : i32 to index
        %get3A_125 = tpu.vector_load %arg7[%get3A_123, %get3A_124] {strides = array<i32>} : memref<50x832xbf16, #tpu.memory_space<vmem>>, vector<32xbf16>,
        %bitcast3A_126 = vector.bitcast %get3A_125 : vector<32xbf16> to vector<16xi32>
        %shift_left3A_127 = arith.constant 16 : i32
        %shift_left3A_128 = vector.broadcast %shift_left3A_127 : i32 to vector<16xi32>
        %shift_left3A_129 = arith.shli %bitcast3A_126, %shift_left3A_128 : vector<16xi32>
        %bitcast3A_130 = vector.bitcast %shift_left3A_129 : vector<16xi32> to vector<16xf32>
        %and3A_131 = vector.broadcast %scan3A : i32 to vector<16xi32>
        %and3A_132 = arith.andi %bitcast3A_126, %and3A_131 : vector<16xi32>
        %bitcast3A_133 = vector.bitcast %and3A_132 : vector<16xi32> to vector<16xf32>
        %add3A_134 = arith.addf %add3A_120, %bitcast3A_130 : vector<16xf32>
        %add3A_135 = arith.addf %add3A_121, %bitcast3A_133 : vector<16xf32>
        %get3A_136 = arith.constant 8 : i32
        %get3A_137 = arith.index_cast %get3A_136 : i32 to index
        %get3A_138 = arith.index_cast %mul3A_72 : i32 to index
        %get3A_139 = tpu.vector_load %arg7[%get3A_137, %get3A_138] {strides = array<i32>} : memref<50x832xbf16, #tpu.memory_space<vmem>>, vector<32xbf16>,
        %bitcast3A_140 = vector.bitcast %get3A_139 : vector<32xbf16> to vector<16xi32>
        %shift_left3A_141 = arith.constant 16 : i32
        %shift_left3A_142 = vector.broadcast %shift_left3A_141 : i32 to vector<16xi32>
        %shift_left3A_143 = arith.shli %bitcast3A_140, %shift_left3A_142 : vector<16xi32>
        %bitcast3A_144 = vector.bitcast %shift_left3A_143 : vector<16xi32> to vector<16xf32>
        %and3A_145 = vector.broadcast %scan3A : i32 to vector<16xi32>
        %and3A_146 = arith.andi %bitcast3A_140, %and3A_145 : vector<16xi32>
        %bitcast3A_147 = vector.bitcast %and3A_146 : vector<16xi32> to vector<16xf32>
        %add3A_148 = arith.addf %add3A_134, %bitcast3A_144 : vector<16xf32>
        %add3A_149 = arith.addf %add3A_135, %bitcast3A_147 : vector<16xf32>
        %get3A_150 = arith.constant 10 : i32
        %get3A_151 = arith.index_cast %get3A_150 : i32 to index
        %get3A_152 = arith.index_cast %mul3A_72 : i32 to index
        %get3A_153 = tpu.vector_load %arg7[%get3A_151, %get3A_152] {strides = array<i32>} : memref<50x832xbf16, #tpu.memory_space<vmem>>, vector<32xbf16>,
        %bitcast3A_154 = vector.bitcast %get3A_153 : vector<32xbf16> to vector<16xi32>
        %shift_left3A_155 = arith.constant 16 : i32
        %shift_left3A_156 = vector.broadcast %shift_left3A_155 : i32 to vector<16xi32>
        %shift_left3A_157 = arith.shli %bitcast3A_154, %shift_left3A_156 : vector<16xi32>
        %bitcast3A_158 = vector.bitcast %shift_left3A_157 : vector<16xi32> to vector<16xf32>
        %and3A_159 = vector.broadcast %scan3A : i32 to vector<16xi32>
        %and3A_160 = arith.andi %bitcast3A_154, %and3A_159 : vector<16xi32>
        %bitcast3A_161 = vector.bitcast %and3A_160 : vector<16xi32> to vector<16xf32>
        %add3A_162 = arith.addf %add3A_148, %bitcast3A_158 : vector<16xf32>
        %add3A_163 = arith.addf %add3A_149, %bitcast3A_161 : vector<16xf32>
        %get3A_164 = arith.constant 12 : i32
        %get3A_165 = arith.index_cast %get3A_164 : i32 to index
        %get3A_166 = arith.index_cast %mul3A_72 : i32 to index
        %get3A_167 = tpu.vector_load %arg7[%get3A_165, %get3A_166] {strides = array<i32>} : memref<50x832xbf16, #tpu.memory_space<vmem>>, vector<32xbf16>,
        %bitcast3A_168 = vector.bitcast %get3A_167 : vector<32xbf16> to vector<16xi32>
        %shift_left3A_169 = arith.constant 16 : i32
        %shift_left3A_170 = vector.broadcast %shift_left3A_169 : i32 to vector<16xi32>
        %shift_left3A_171 = arith.shli %bitcast3A_168, %shift_left3A_170 : vector<16xi32>
        %bitcast3A_172 = vector.bitcast %shift_left3A_171 : vector<16xi32> to vector<16xf32>
        %and3A_173 = vector.broadcast %scan3A : i32 to vector<16xi32>
        %and3A_174 = arith.andi %bitcast3A_168, %and3A_173 : vector<16xi32>
        %bitcast3A_175 = vector.bitcast %and3A_174 : vector<16xi32> to vector<16xf32>
        %add3A_176 = arith.addf %add3A_162, %bitcast3A_172 : vector<16xf32>
        %add3A_177 = arith.addf %add3A_163, %bitcast3A_175 : vector<16xf32>
        %get3A_178 = arith.constant 14 : i32
        %get3A_179 = arith.index_cast %get3A_178 : i32 to index
        %get3A_180 = arith.index_cast %mul3A_72 : i32 to index
        %get3A_181 = tpu.vector_load %arg7[%get3A_179, %get3A_180] {strides = array<i32>} : memref<50x832xbf16, #tpu.memory_space<vmem>>, vector<32xbf16>,
        %bitcast3A_182 = vector.bitcast %get3A_181 : vector<32xbf16> to vector<16xi32>
        %shift_left3A_183 = arith.constant 16 : i32
        %shift_left3A_184 = vector.broadcast %shift_left3A_183 : i32 to vector<16xi32>
        %shift_left3A_185 = arith.shli %bitcast3A_182, %shift_left3A_184 : vector<16xi32>
        %bitcast3A_186 = vector.bitcast %shift_left3A_185 : vector<16xi32> to vector<16xf32>
        %and3A_187 = vector.broadcast %scan3A : i32 to vector<16xi32>
        %and3A_188 = arith.andi %bitcast3A_182, %and3A_187 : vector<16xi32>
        %bitcast3A_189 = vector.bitcast %and3A_188 : vector<16xi32> to vector<16xf32>
        %add3A_190 = arith.addf %add3A_176, %bitcast3A_186 : vector<16xf32>
        %add3A_191 = arith.addf %add3A_177, %bitcast3A_189 : vector<16xf32>
        %get3A_192 = arith.constant 16 : i32
        %get3A_193 = arith.index_cast %get3A_192 : i32 to index
        %get3A_194 = arith.index_cast %mul3A_72 : i32 to index
        %get3A_195 = tpu.vector_load %arg7[%get3A_193, %get3A_194] {strides = array<i32>} : memref<50x832xbf16, #tpu.memory_space<vmem>>, vector<32xbf16>,
        %bitcast3A_196 = vector.bitcast %get3A_195 : vector<32xbf16> to vector<16xi32>
        %shift_left3A_197 = arith.constant 16 : i32
        %shift_left3A_198 = vector.broadcast %shift_left3A_197 : i32 to vector<16xi32>
        %shift_left3A_199 = arith.shli %bitcast3A_196, %shift_left3A_198 : vector<16xi32>
        %bitcast3A_200 = vector.bitcast %shift_left3A_199 : vector<16xi32> to vector<16xf32>
        %and3A_201 = vector.broadcast %scan3A : i32 to vector<16xi32>
        %and3A_202 = arith.andi %bitcast3A_196, %and3A_201 : vector<16xi32>
        %bitcast3A_203 = vector.bitcast %and3A_202 : vector<16xi32> to vector<16xf32>
        %add3A_204 = arith.addf %add3A_190, %bitcast3A_200 : vector<16xf32>
        %add3A_205 = arith.addf %add3A_191, %bitcast3A_203 : vector<16xf32>
        %get3A_206 = arith.constant 18 : i32
        %get3A_207 = arith.index_cast %get3A_206 : i32 to index
        %get3A_208 = arith.index_cast %mul3A_72 : i32 to index
        %get3A_209 = tpu.vector_load %arg7[%get3A_207, %get3A_208] {strides = array<i32>} : memref<50x832xbf16, #tpu.memory_space<vmem>>, vector<32xbf16>,
        %bitcast3A_210 = vector.bitcast %get3A_209 : vector<32xbf16> to vector<16xi32>
        %shift_left3A_211 = arith.constant 16 : i32
        %shift_left3A_212 = vector.broadcast %shift_left3A_211 : i32 to vector<16xi32>
        %shift_left3A_213 = arith.shli %bitcast3A_210, %shift_left3A_212 : vector<16xi32>
        %bitcast3A_214 = vector.bitcast %shift_left3A_213 : vector<16xi32> to vector<16xf32>
        %and3A_215 = vector.broadcast %scan3A : i32 to vector<16xi32>
        %and3A_216 = arith.andi %bitcast3A_210, %and3A_215 : vector<16xi32>
        %bitcast3A_217 = vector.bitcast %and3A_216 : vector<16xi32> to vector<16xf32>
        %add3A_218 = arith.addf %add3A_204, %bitcast3A_214 : vector<16xf32>
        %add3A_219 = arith.addf %add3A_205, %bitcast3A_217 : vector<16xf32>
        %get3A_220 = arith.constant 20 : i32
        %get3A_221 = arith.index_cast %get3A_220 : i32 to index
        %get3A_222 = arith.index_cast %mul3A_72 : i32 to index
        %get3A_223 = tpu.vector_load %arg7[%get3A_221, %get3A_222] {strides = array<i32>} : memref<50x832xbf16, #tpu.memory_space<vmem>>, vector<32xbf16>,
        %bitcast3A_224 = vector.bitcast %get3A_223 : vector<32xbf16> to vector<16xi32>
        %shift_left3A_225 = arith.constant 16 : i32
        %shift_left3A_226 = vector.broadcast %shift_left3A_225 : i32 to vector<16xi32>
        %shift_left3A_227 = arith.shli %bitcast3A_224, %shift_left3A_226 : vector<16xi32>
        %bitcast3A_228 = vector.bitcast %shift_left3A_227 : vector<16xi32> to vector<16xf32>
        %and3A_229 = vector.broadcast %scan3A : i32 to vector<16xi32>
        %and3A_230 = arith.andi %bitcast3A_224, %and3A_229 : vector<16xi32>
        %bitcast3A_231 = vector.bitcast %and3A_230 : vector<16xi32> to vector<16xf32>
        %add3A_232 = arith.addf %add3A_218, %bitcast3A_228 : vector<16xf32>
        %add3A_233 = arith.addf %add3A_219, %bitcast3A_231 : vector<16xf32>
        %get3A_234 = arith.constant 22 : i32
        %get3A_235 = arith.index_cast %get3A_234 : i32 to index
        %get3A_236 = arith.index_cast %mul3A_72 : i32 to index
        %get3A_237 = tpu.vector_load %arg7[%get3A_235, %get3A_236] {strides = array<i32>} : memref<50x832xbf16, #tpu.memory_space<vmem>>, vector<32xbf16>,
        %bitcast3A_238 = vector.bitcast %get3A_237 : vector<32xbf16> to vector<16xi32>
        %shift_left3A_239 = arith.constant 16 : i32
        %shift_left3A_240 = vector.broadcast %shift_left3A_239 : i32 to vector<16xi32>
        %shift_left3A_241 = arith.shli %bitcast3A_238, %shift_left3A_240 : vector<16xi32>
        %bitcast3A_242 = vector.bitcast %shift_left3A_241 : vector<16xi32> to vector<16xf32>
        %and3A_243 = vector.broadcast %scan3A : i32 to vector<16xi32>
        %and3A_244 = arith.andi %bitcast3A_238, %and3A_243 : vector<16xi32>
        %bitcast3A_245 = vector.bitcast %and3A_244 : vector<16xi32> to vector<16xf32>
        %add3A_246 = arith.addf %add3A_232, %bitcast3A_242 : vector<16xf32>
        %add3A_247 = arith.addf %add3A_233, %bitcast3A_245 : vector<16xf32>
        %get3A_248 = arith.constant 24 : i32
        %get3A_249 = arith.index_cast %get3A_248 : i32 to index
        %get3A_250 = arith.index_cast %mul3A_72 : i32 to index
        %get3A_251 = tpu.vector_load %arg7[%get3A_249, %get3A_250] {strides = array<i32>} : memref<50x832xbf16, #tpu.memory_space<vmem>>, vector<32xbf16>,
        %bitcast3A_252 = vector.bitcast %get3A_251 : vector<32xbf16> to vector<16xi32>
        %shift_left3A_253 = arith.constant 16 : i32
        %shift_left3A_254 = vector.broadcast %shift_left3A_253 : i32 to vector<16xi32>
        %shift_left3A_255 = arith.shli %bitcast3A_252, %shift_left3A_254 : vector<16xi32>
        %bitcast3A_256 = vector.bitcast %shift_left3A_255 : vector<16xi32> to vector<16xf32>
        %and3A_257 = vector.broadcast %scan3A : i32 to vector<16xi32>
        %and3A_258 = arith.andi %bitcast3A_252, %and3A_257 : vector<16xi32>
        %bitcast3A_259 = vector.bitcast %and3A_258 : vector<16xi32> to vector<16xf32>
        %add3A_260 = arith.addf %add3A_246, %bitcast3A_256 : vector<16xf32>
        %add3A_261 = arith.addf %add3A_247, %bitcast3A_259 : vector<16xf32>
        %get3A_262 = arith.constant 26 : i32
        %get3A_263 = arith.index_cast %get3A_262 : i32 to index
        %get3A_264 = arith.index_cast %mul3A_72 : i32 to index
        %get3A_265 = tpu.vector_load %arg7[%get3A_263, %get3A_264] {strides = array<i32>} : memref<50x832xbf16, #tpu.memory_space<vmem>>, vector<32xbf16>,
        %bitcast3A_266 = vector.bitcast %get3A_265 : vector<32xbf16> to vector<16xi32>
        %shift_left3A_267 = arith.constant 16 : i32
        %shift_left3A_268 = vector.broadcast %shift_left3A_267 : i32 to vector<16xi32>
        %shift_left3A_269 = arith.shli %bitcast3A_266, %shift_left3A_268 : vector<16xi32>
        %bitcast3A_270 = vector.bitcast %shift_left3A_269 : vector<16xi32> to vector<16xf32>
        %and3A_271 = vector.broadcast %scan3A : i32 to vector<16xi32>
        %and3A_272 = arith.andi %bitcast3A_266, %and3A_271 : vector<16xi32>
        %bitcast3A_273 = vector.bitcast %and3A_272 : vector<16xi32> to vector<16xf32>
        %add3A_274 = arith.addf %add3A_260, %bitcast3A_270 : vector<16xf32>
        %add3A_275 = arith.addf %add3A_261, %bitcast3A_273 : vector<16xf32>
        %get3A_276 = arith.constant 28 : i32
        %get3A_277 = arith.index_cast %get3A_276 : i32 to index
        %get3A_278 = arith.index_cast %mul3A_72 : i32 to index
        %get3A_279 = tpu.vector_load %arg7[%get3A_277, %get3A_278] {strides = array<i32>} : memref<50x832xbf16, #tpu.memory_space<vmem>>, vector<32xbf16>,
        %bitcast3A_280 = vector.bitcast %get3A_279 : vector<32xbf16> to vector<16xi32>
        %shift_left3A_281 = arith.constant 16 : i32
        %shift_left3A_282 = vector.broadcast %shift_left3A_281 : i32 to vector<16xi32>
        %shift_left3A_283 = arith.shli %bitcast3A_280, %shift_left3A_282 : vector<16xi32>
        %bitcast3A_284 = vector.bitcast %shift_left3A_283 : vector<16xi32> to vector<16xf32>
        %and3A_285 = vector.broadcast %scan3A : i32 to vector<16xi32>
        %and3A_286 = arith.andi %bitcast3A_280, %and3A_285 : vector<16xi32>
        %bitcast3A_287 = vector.bitcast %and3A_286 : vector<16xi32> to vector<16xf32>
        %add3A_288 = arith.addf %add3A_274, %bitcast3A_284 : vector<16xf32>
        %add3A_289 = arith.addf %add3A_275, %bitcast3A_287 : vector<16xf32>
        %get3A_290 = arith.constant 30 : i32
        %get3A_291 = arith.index_cast %get3A_290 : i32 to index
        %get3A_292 = arith.index_cast %mul3A_72 : i32 to index
        %get3A_293 = tpu.vector_load %arg7[%get3A_291, %get3A_292] {strides = array<i32>} : memref<50x832xbf16, #tpu.memory_space<vmem>>, vector<32xbf16>,
        %bitcast3A_294 = vector.bitcast %get3A_293 : vector<32xbf16> to vector<16xi32>
        %shift_left3A_295 = arith.constant 16 : i32
        %shift_left3A_296 = vector.broadcast %shift_left3A_295 : i32 to vector<16xi32>
        %shift_left3A_297 = arith.shli %bitcast3A_294, %shift_left3A_296 : vector<16xi32>
        %bitcast3A_298 = vector.bitcast %shift_left3A_297 : vector<16xi32> to vector<16xf32>
        %and3A_299 = vector.broadcast %scan3A : i32 to vector<16xi32>
        %and3A_300 = arith.andi %bitcast3A_294, %and3A_299 : vector<16xi32>
        %bitcast3A_301 = vector.bitcast %and3A_300 : vector<16xi32> to vector<16xf32>
        %add3A_302 = arith.addf %add3A_288, %bitcast3A_298 : vector<16xf32>
        %add3A_303 = arith.addf %add3A_289, %bitcast3A_301 : vector<16xf32>
        %get3A_304 = arith.constant 32 : i32
        %get3A_305 = arith.index_cast %get3A_304 : i32 to index
        %get3A_306 = arith.index_cast %mul3A_72 : i32 to index
        %get3A_307 = tpu.vector_load %arg7[%get3A_305, %get3A_306] {strides = array<i32>} : memref<50x832xbf16, #tpu.memory_space<vmem>>, vector<32xbf16>,
        %bitcast3A_308 = vector.bitcast %get3A_307 : vector<32xbf16> to vector<16xi32>
        %shift_left3A_309 = arith.constant 16 : i32
        %shift_left3A_310 = vector.broadcast %shift_left3A_309 : i32 to vector<16xi32>
        %shift_left3A_311 = arith.shli %bitcast3A_308, %shift_left3A_310 : vector<16xi32>
        %bitcast3A_312 = vector.bitcast %shift_left3A_311 : vector<16xi32> to vector<16xf32>
        %and3A_313 = vector.broadcast %scan3A : i32 to vector<16xi32>
        %and3A_314 = arith.andi %bitcast3A_308, %and3A_313 : vector<16xi32>
        %bitcast3A_315 = vector.bitcast %and3A_314 : vector<16xi32> to vector<16xf32>
        %add3A_316 = arith.addf %add3A_302, %bitcast3A_312 : vector<16xf32>
        %add3A_317 = arith.addf %add3A_303, %bitcast3A_315 : vector<16xf32>
        %get3A_318 = arith.constant 34 : i32
        %get3A_319 = arith.index_cast %get3A_318 : i32 to index
        %get3A_320 = arith.index_cast %mul3A_72 : i32 to index
        %get3A_321 = tpu.vector_load %arg7[%get3A_319, %get3A_320] {strides = array<i32>} : memref<50x832xbf16, #tpu.memory_space<vmem>>, vector<32xbf16>,
        %bitcast3A_322 = vector.bitcast %get3A_321 : vector<32xbf16> to vector<16xi32>
        %shift_left3A_323 = arith.constant 16 : i32
        %shift_left3A_324 = vector.broadcast %shift_left3A_323 : i32 to vector<16xi32>
        %shift_left3A_325 = arith.shli %bitcast3A_322, %shift_left3A_324 : vector<16xi32>
        %bitcast3A_326 = vector.bitcast %shift_left3A_325 : vector<16xi32> to vector<16xf32>
        %and3A_327 = vector.broadcast %scan3A : i32 to vector<16xi32>
        %and3A_328 = arith.andi %bitcast3A_322, %and3A_327 : vector<16xi32>
        %bitcast3A_329 = vector.bitcast %and3A_328 : vector<16xi32> to vector<16xf32>
        %add3A_330 = arith.addf %add3A_316, %bitcast3A_326 : vector<16xf32>
        %add3A_331 = arith.addf %add3A_317, %bitcast3A_329 : vector<16xf32>
        %get3A_332 = arith.constant 36 : i32
        %get3A_333 = arith.index_cast %get3A_332 : i32 to index
        %get3A_334 = arith.index_cast %mul3A_72 : i32 to index
        %get3A_335 = tpu.vector_load %arg7[%get3A_333, %get3A_334] {strides = array<i32>} : memref<50x832xbf16, #tpu.memory_space<vmem>>, vector<32xbf16>,
        %bitcast3A_336 = vector.bitcast %get3A_335 : vector<32xbf16> to vector<16xi32>
        %shift_left3A_337 = arith.constant 16 : i32
        %shift_left3A_338 = vector.broadcast %shift_left3A_337 : i32 to vector<16xi32>
        %shift_left3A_339 = arith.shli %bitcast3A_336, %shift_left3A_338 : vector<16xi32>
        %bitcast3A_340 = vector.bitcast %shift_left3A_339 : vector<16xi32> to vector<16xf32>
        %and3A_341 = vector.broadcast %scan3A : i32 to vector<16xi32>
        %and3A_342 = arith.andi %bitcast3A_336, %and3A_341 : vector<16xi32>
        %bitcast3A_343 = vector.bitcast %and3A_342 : vector<16xi32> to vector<16xf32>
        %add3A_344 = arith.addf %add3A_330, %bitcast3A_340 : vector<16xf32>
        %add3A_345 = arith.addf %add3A_331, %bitcast3A_343 : vector<16xf32>
        %get3A_346 = arith.constant 38 : i32
        %get3A_347 = arith.index_cast %get3A_346 : i32 to index
        %get3A_348 = arith.index_cast %mul3A_72 : i32 to index
        %get3A_349 = tpu.vector_load %arg7[%get3A_347, %get3A_348] {strides = array<i32>} : memref<50x832xbf16, #tpu.memory_space<vmem>>, vector<32xbf16>,
        %bitcast3A_350 = vector.bitcast %get3A_349 : vector<32xbf16> to vector<16xi32>
        %shift_left3A_351 = arith.constant 16 : i32
        %shift_left3A_352 = vector.broadcast %shift_left3A_351 : i32 to vector<16xi32>
        %shift_left3A_353 = arith.shli %bitcast3A_350, %shift_left3A_352 : vector<16xi32>
        %bitcast3A_354 = vector.bitcast %shift_left3A_353 : vector<16xi32> to vector<16xf32>
        %and3A_355 = vector.broadcast %scan3A : i32 to vector<16xi32>
        %and3A_356 = arith.andi %bitcast3A_350, %and3A_355 : vector<16xi32>
        %bitcast3A_357 = vector.bitcast %and3A_356 : vector<16xi32> to vector<16xf32>
        %add3A_358 = arith.addf %add3A_344, %bitcast3A_354 : vector<16xf32>
        %add3A_359 = arith.addf %add3A_345, %bitcast3A_357 : vector<16xf32>
        %get3A_360 = arith.constant 40 : i32
        %get3A_361 = arith.index_cast %get3A_360 : i32 to index
        %get3A_362 = arith.index_cast %mul3A_72 : i32 to index
        %get3A_363 = tpu.vector_load %arg7[%get3A_361, %get3A_362] {strides = array<i32>} : memref<50x832xbf16, #tpu.memory_space<vmem>>, vector<32xbf16>,
        %bitcast3A_364 = vector.bitcast %get3A_363 : vector<32xbf16> to vector<16xi32>
        %shift_left3A_365 = arith.constant 16 : i32
        %shift_left3A_366 = vector.broadcast %shift_left3A_365 : i32 to vector<16xi32>
        %shift_left3A_367 = arith.shli %bitcast3A_364, %shift_left3A_366 : vector<16xi32>
        %bitcast3A_368 = vector.bitcast %shift_left3A_367 : vector<16xi32> to vector<16xf32>
        %and3A_369 = vector.broadcast %scan3A : i32 to vector<16xi32>
        %and3A_370 = arith.andi %bitcast3A_364, %and3A_369 : vector<16xi32>
        %bitcast3A_371 = vector.bitcast %and3A_370 : vector<16xi32> to vector<16xf32>
        %add3A_372 = arith.addf %add3A_358, %bitcast3A_368 : vector<16xf32>
        %add3A_373 = arith.addf %add3A_359, %bitcast3A_371 : vector<16xf32>
        %get3A_374 = arith.constant 42 : i32
        %get3A_375 = arith.index_cast %get3A_374 : i32 to index
        %get3A_376 = arith.index_cast %mul3A_72 : i32 to index
        %get3A_377 = tpu.vector_load %arg7[%get3A_375, %get3A_376] {strides = array<i32>} : memref<50x832xbf16, #tpu.memory_space<vmem>>, vector<32xbf16>,
        %bitcast3A_378 = vector.bitcast %get3A_377 : vector<32xbf16> to vector<16xi32>
        %shift_left3A_379 = arith.constant 16 : i32
        %shift_left3A_380 = vector.broadcast %shift_left3A_379 : i32 to vector<16xi32>
        %shift_left3A_381 = arith.shli %bitcast3A_378, %shift_left3A_380 : vector<16xi32>
        %bitcast3A_382 = vector.bitcast %shift_left3A_381 : vector<16xi32> to vector<16xf32>
        %and3A_383 = vector.broadcast %scan3A : i32 to vector<16xi32>
        %and3A_384 = arith.andi %bitcast3A_378, %and3A_383 : vector<16xi32>
        %bitcast3A_385 = vector.bitcast %and3A_384 : vector<16xi32> to vector<16xf32>
        %add3A_386 = arith.addf %add3A_372, %bitcast3A_382 : vector<16xf32>
        %add3A_387 = arith.addf %add3A_373, %bitcast3A_385 : vector<16xf32>
        %get3A_388 = arith.constant 44 : i32
        %get3A_389 = arith.index_cast %get3A_388 : i32 to index
        %get3A_390 = arith.index_cast %mul3A_72 : i32 to index
        %get3A_391 = tpu.vector_load %arg7[%get3A_389, %get3A_390] {strides = array<i32>} : memref<50x832xbf16, #tpu.memory_space<vmem>>, vector<32xbf16>,
        %bitcast3A_392 = vector.bitcast %get3A_391 : vector<32xbf16> to vector<16xi32>
        %shift_left3A_393 = arith.constant 16 : i32
        %shift_left3A_394 = vector.broadcast %shift_left3A_393 : i32 to vector<16xi32>
        %shift_left3A_395 = arith.shli %bitcast3A_392, %shift_left3A_394 : vector<16xi32>
        %bitcast3A_396 = vector.bitcast %shift_left3A_395 : vector<16xi32> to vector<16xf32>
        %and3A_397 = vector.broadcast %scan3A : i32 to vector<16xi32>
        %and3A_398 = arith.andi %bitcast3A_392, %and3A_397 : vector<16xi32>
        %bitcast3A_399 = vector.bitcast %and3A_398 : vector<16xi32> to vector<16xf32>
        %add3A_400 = arith.addf %add3A_386, %bitcast3A_396 : vector<16xf32>
        %add3A_401 = arith.addf %add3A_387, %bitcast3A_399 : vector<16xf32>
        %get3A_402 = arith.constant 46 : i32
        %get3A_403 = arith.index_cast %get3A_402 : i32 to index
        %get3A_404 = arith.index_cast %mul3A_72 : i32 to index
        %get3A_405 = tpu.vector_load %arg7[%get3A_403, %get3A_404] {strides = array<i32>} : memref<50x832xbf16, #tpu.memory_space<vmem>>, vector<32xbf16>,
        %bitcast3A_406 = vector.bitcast %get3A_405 : vector<32xbf16> to vector<16xi32>
        %shift_left3A_407 = arith.constant 16 : i32
        %shift_left3A_408 = vector.broadcast %shift_left3A_407 : i32 to vector<16xi32>
        %shift_left3A_409 = arith.shli %bitcast3A_406, %shift_left3A_408 : vector<16xi32>
        %bitcast3A_410 = vector.bitcast %shift_left3A_409 : vector<16xi32> to vector<16xf32>
        %and3A_411 = vector.broadcast %scan3A : i32 to vector<16xi32>
        %and3A_412 = arith.andi %bitcast3A_406, %and3A_411 : vector<16xi32>
        %bitcast3A_413 = vector.bitcast %and3A_412 : vector<16xi32> to vector<16xf32>
        %add3A_414 = arith.addf %add3A_400, %bitcast3A_410 : vector<16xf32>
        %add3A_415 = arith.addf %add3A_401, %bitcast3A_413 : vector<16xf32>
        %get3A_416 = arith.constant 48 : i32
        %get3A_417 = arith.index_cast %get3A_416 : i32 to index
        %get3A_418 = arith.index_cast %mul3A_72 : i32 to index
        %get3A_419 = tpu.vector_load %arg7[%get3A_417, %get3A_418] {strides = array<i32>} : memref<50x832xbf16, #tpu.memory_space<vmem>>, vector<32xbf16>,
        %bitcast3A_420 = vector.bitcast %get3A_419 : vector<32xbf16> to vector<16xi32>
        %shift_left3A_421 = arith.constant 16 : i32
        %shift_left3A_422 = vector.broadcast %shift_left3A_421 : i32 to vector<16xi32>
        %shift_left3A_423 = arith.shli %bitcast3A_420, %shift_left3A_422 : vector<16xi32>
        %bitcast3A_424 = vector.bitcast %shift_left3A_423 : vector<16xi32> to vector<16xf32>
        %and3A_425 = vector.broadcast %scan3A : i32 to vector<16xi32>
        %and3A_426 = arith.andi %bitcast3A_420, %and3A_425 : vector<16xi32>
        %bitcast3A_427 = vector.bitcast %and3A_426 : vector<16xi32> to vector<16xf32>
        %add3A_428 = arith.addf %add3A_414, %bitcast3A_424 : vector<16xf32>
        %add3A_429 = arith.addf %add3A_415, %bitcast3A_427 : vector<16xf32>
        %get3A_430 = arith.constant 3 : i32
        %get3A_431 = arith.index_cast %get3A_430 : i32 to index
        %get3A_432 = arith.index_cast %mul3A_72 : i32 to index
        %get3A_433 = tpu.vector_load %arg7[%get3A_431, %get3A_432] {strides = array<i32>} : memref<50x832xbf16, #tpu.memory_space<vmem>>, vector<32xbf16>,
        %bitcast3A_434 = vector.bitcast %get3A_433 : vector<32xbf16> to vector<16xi32>
        %shift_left3A_435 = arith.constant 16 : i32
        %shift_left3A_436 = vector.broadcast %shift_left3A_435 : i32 to vector<16xi32>
        %shift_left3A_437 = arith.shli %bitcast3A_434, %shift_left3A_436 : vector<16xi32>
        %bitcast3A_438 = vector.bitcast %shift_left3A_437 : vector<16xi32> to vector<16xf32>
        %and3A_439 = vector.broadcast %scan3A : i32 to vector<16xi32>
        %and3A_440 = arith.andi %bitcast3A_434, %and3A_439 : vector<16xi32>
        %bitcast3A_441 = vector.bitcast %and3A_440 : vector<16xi32> to vector<16xf32>
        %add3A_442 = arith.addf %bitcast3A_90, %bitcast3A_438 : vector<16xf32>
        %add3A_443 = arith.addf %bitcast3A_93, %bitcast3A_441 : vector<16xf32>
        %get3A_444 = arith.constant 5 : i32
        %get3A_445 = arith.index_cast %get3A_444 : i32 to index
        %get3A_446 = arith.index_cast %mul3A_72 : i32 to index
        %get3A_447 = tpu.vector_load %arg7[%get3A_445, %get3A_446] {strides = array<i32>} : memref<50x832xbf16, #tpu.memory_space<vmem>>, vector<32xbf16>,
        %bitcast3A_448 = vector.bitcast %get3A_447 : vector<32xbf16> to vector<16xi32>
        %shift_left3A_449 = arith.constant 16 : i32
        %shift_left3A_450 = vector.broadcast %shift_left3A_449 : i32 to vector<16xi32>
        %shift_left3A_451 = arith.shli %bitcast3A_448, %shift_left3A_450 : vector<16xi32>
        %bitcast3A_452 = vector.bitcast %shift_left3A_451 : vector<16xi32> to vector<16xf32>
        %and3A_453 = vector.broadcast %scan3A : i32 to vector<16xi32>
        %and3A_454 = arith.andi %bitcast3A_448, %and3A_453 : vector<16xi32>
        %bitcast3A_455 = vector.bitcast %and3A_454 : vector<16xi32> to vector<16xf32>
        %add3A_456 = arith.addf %add3A_442, %bitcast3A_452 : vector<16xf32>
        %add3A_457 = arith.addf %add3A_443, %bitcast3A_455 : vector<16xf32>
        %get3A_458 = arith.constant 7 : i32
        %get3A_459 = arith.index_cast %get3A_458 : i32 to index
        %get3A_460 = arith.index_cast %mul3A_72 : i32 to index
        %get3A_461 = tpu.vector_load %arg7[%get3A_459, %get3A_460] {strides = array<i32>} : memref<50x832xbf16, #tpu.memory_space<vmem>>, vector<32xbf16>,
        %bitcast3A_462 = vector.bitcast %get3A_461 : vector<32xbf16> to vector<16xi32>
        %shift_left3A_463 = arith.constant 16 : i32
        %shift_left3A_464 = vector.broadcast %shift_left3A_463 : i32 to vector<16xi32>
        %shift_left3A_465 = arith.shli %bitcast3A_462, %shift_left3A_464 : vector<16xi32>
        %bitcast3A_466 = vector.bitcast %shift_left3A_465 : vector<16xi32> to vector<16xf32>
        %and3A_467 = vector.broadcast %scan3A : i32 to vector<16xi32>
        %and3A_468 = arith.andi %bitcast3A_462, %and3A_467 : vector<16xi32>
        %bitcast3A_469 = vector.bitcast %and3A_468 : vector<16xi32> to vector<16xf32>
        %add3A_470 = arith.addf %add3A_456, %bitcast3A_466 : vector<16xf32>
        %add3A_471 = arith.addf %add3A_457, %bitcast3A_469 : vector<16xf32>
        %get3A_472 = arith.constant 9 : i32
        %get3A_473 = arith.index_cast %get3A_472 : i32 to index
        %get3A_474 = arith.index_cast %mul3A_72 : i32 to index
        %get3A_475 = tpu.vector_load %arg7[%get3A_473, %get3A_474] {strides = array<i32>} : memref<50x832xbf16, #tpu.memory_space<vmem>>, vector<32xbf16>,
        %bitcast3A_476 = vector.bitcast %get3A_475 : vector<32xbf16> to vector<16xi32>
        %shift_left3A_477 = arith.constant 16 : i32
        %shift_left3A_478 = vector.broadcast %shift_left3A_477 : i32 to vector<16xi32>
        %shift_left3A_479 = arith.shli %bitcast3A_476, %shift_left3A_478 : vector<16xi32>
        %bitcast3A_480 = vector.bitcast %shift_left3A_479 : vector<16xi32> to vector<16xf32>
        %and3A_481 = vector.broadcast %scan3A : i32 to vector<16xi32>
        %and3A_482 = arith.andi %bitcast3A_476, %and3A_481 : vector<16xi32>
        %bitcast3A_483 = vector.bitcast %and3A_482 : vector<16xi32> to vector<16xf32>
        %add3A_484 = arith.addf %add3A_470, %bitcast3A_480 : vector<16xf32>
        %add3A_485 = arith.addf %add3A_471, %bitcast3A_483 : vector<16xf32>
        %get3A_486 = arith.constant 11 : i32
        %get3A_487 = arith.index_cast %get3A_486 : i32 to index
        %get3A_488 = arith.index_cast %mul3A_72 : i32 to index
        %get3A_489 = tpu.vector_load %arg7[%get3A_487, %get3A_488] {strides = array<i32>} : memref<50x832xbf16, #tpu.memory_space<vmem>>, vector<32xbf16>,
        %bitcast3A_490 = vector.bitcast %get3A_489 : vector<32xbf16> to vector<16xi32>
        %shift_left3A_491 = arith.constant 16 : i32
        %shift_left3A_492 = vector.broadcast %shift_left3A_491 : i32 to vector<16xi32>
        %shift_left3A_493 = arith.shli %bitcast3A_490, %shift_left3A_492 : vector<16xi32>
        %bitcast3A_494 = vector.bitcast %shift_left3A_493 : vector<16xi32> to vector<16xf32>
        %and3A_495 = vector.broadcast %scan3A : i32 to vector<16xi32>
        %and3A_496 = arith.andi %bitcast3A_490, %and3A_495 : vector<16xi32>
        %bitcast3A_497 = vector.bitcast %and3A_496 : vector<16xi32> to vector<16xf32>
        %add3A_498 = arith.addf %add3A_484, %bitcast3A_494 : vector<16xf32>
        %add3A_499 = arith.addf %add3A_485, %bitcast3A_497 : vector<16xf32>
        %get3A_500 = arith.constant 13 : i32
        %get3A_501 = arith.index_cast %get3A_500 : i32 to index
        %get3A_502 = arith.index_cast %mul3A_72 : i32 to index
        %get3A_503 = tpu.vector_load %arg7[%get3A_501, %get3A_502] {strides = array<i32>} : memref<50x832xbf16, #tpu.memory_space<vmem>>, vector<32xbf16>,
        %bitcast3A_504 = vector.bitcast %get3A_503 : vector<32xbf16> to vector<16xi32>
        %shift_left3A_505 = arith.constant 16 : i32
        %shift_left3A_506 = vector.broadcast %shift_left3A_505 : i32 to vector<16xi32>
        %shift_left3A_507 = arith.shli %bitcast3A_504, %shift_left3A_506 : vector<16xi32>
        %bitcast3A_508 = vector.bitcast %shift_left3A_507 : vector<16xi32> to vector<16xf32>
        %and3A_509 = vector.broadcast %scan3A : i32 to vector<16xi32>
        %and3A_510 = arith.andi %bitcast3A_504, %and3A_509 : vector<16xi32>
        %bitcast3A_511 = vector.bitcast %and3A_510 : vector<16xi32> to vector<16xf32>
        %add3A_512 = arith.addf %add3A_498, %bitcast3A_508 : vector<16xf32>
        %add3A_513 = arith.addf %add3A_499, %bitcast3A_511 : vector<16xf32>
        %get3A_514 = arith.constant 15 : i32
        %get3A_515 = arith.index_cast %get3A_514 : i32 to index
        %get3A_516 = arith.index_cast %mul3A_72 : i32 to index
        %get3A_517 = tpu.vector_load %arg7[%get3A_515, %get3A_516] {strides = array<i32>} : memref<50x832xbf16, #tpu.memory_space<vmem>>, vector<32xbf16>,
        %bitcast3A_518 = vector.bitcast %get3A_517 : vector<32xbf16> to vector<16xi32>
        %shift_left3A_519 = arith.constant 16 : i32
        %shift_left3A_520 = vector.broadcast %shift_left3A_519 : i32 to vector<16xi32>
        %shift_left3A_521 = arith.shli %bitcast3A_518, %shift_left3A_520 : vector<16xi32>
        %bitcast3A_522 = vector.bitcast %shift_left3A_521 : vector<16xi32> to vector<16xf32>
        %and3A_523 = vector.broadcast %scan3A : i32 to vector<16xi32>
        %and3A_524 = arith.andi %bitcast3A_518, %and3A_523 : vector<16xi32>
        %bitcast3A_525 = vector.bitcast %and3A_524 : vector<16xi32> to vector<16xf32>
        %add3A_526 = arith.addf %add3A_512, %bitcast3A_522 : vector<16xf32>
        %add3A_527 = arith.addf %add3A_513, %bitcast3A_525 : vector<16xf32>
        %get3A_528 = arith.constant 17 : i32
        %get3A_529 = arith.index_cast %get3A_528 : i32 to index
        %get3A_530 = arith.index_cast %mul3A_72 : i32 to index
        %get3A_531 = tpu.vector_load %arg7[%get3A_529, %get3A_530] {strides = array<i32>} : memref<50x832xbf16, #tpu.memory_space<vmem>>, vector<32xbf16>,
        %bitcast3A_532 = vector.bitcast %get3A_531 : vector<32xbf16> to vector<16xi32>
        %shift_left3A_533 = arith.constant 16 : i32
        %shift_left3A_534 = vector.broadcast %shift_left3A_533 : i32 to vector<16xi32>
        %shift_left3A_535 = arith.shli %bitcast3A_532, %shift_left3A_534 : vector<16xi32>
        %bitcast3A_536 = vector.bitcast %shift_left3A_535 : vector<16xi32> to vector<16xf32>
        %and3A_537 = vector.broadcast %scan3A : i32 to vector<16xi32>
        %and3A_538 = arith.andi %bitcast3A_532, %and3A_537 : vector<16xi32>
        %bitcast3A_539 = vector.bitcast %and3A_538 : vector<16xi32> to vector<16xf32>
        %add3A_540 = arith.addf %add3A_526, %bitcast3A_536 : vector<16xf32>
        %add3A_541 = arith.addf %add3A_527, %bitcast3A_539 : vector<16xf32>
        %get3A_542 = arith.constant 19 : i32
        %get3A_543 = arith.index_cast %get3A_542 : i32 to index
        %get3A_544 = arith.index_cast %mul3A_72 : i32 to index
        %get3A_545 = tpu.vector_load %arg7[%get3A_543, %get3A_544] {strides = array<i32>} : memref<50x832xbf16, #tpu.memory_space<vmem>>, vector<32xbf16>,
        %bitcast3A_546 = vector.bitcast %get3A_545 : vector<32xbf16> to vector<16xi32>
        %shift_left3A_547 = arith.constant 16 : i32
        %shift_left3A_548 = vector.broadcast %shift_left3A_547 : i32 to vector<16xi32>
        %shift_left3A_549 = arith.shli %bitcast3A_546, %shift_left3A_548 : vector<16xi32>
        %bitcast3A_550 = vector.bitcast %shift_left3A_549 : vector<16xi32> to vector<16xf32>
        %and3A_551 = vector.broadcast %scan3A : i32 to vector<16xi32>
        %and3A_552 = arith.andi %bitcast3A_546, %and3A_551 : vector<16xi32>
        %bitcast3A_553 = vector.bitcast %and3A_552 : vector<16xi32> to vector<16xf32>
        %add3A_554 = arith.addf %add3A_540, %bitcast3A_550 : vector<16xf32>
        %add3A_555 = arith.addf %add3A_541, %bitcast3A_553 : vector<16xf32>
        %get3A_556 = arith.constant 21 : i32
        %get3A_557 = arith.index_cast %get3A_556 : i32 to index
        %get3A_558 = arith.index_cast %mul3A_72 : i32 to index
        %get3A_559 = tpu.vector_load %arg7[%get3A_557, %get3A_558] {strides = array<i32>} : memref<50x832xbf16, #tpu.memory_space<vmem>>, vector<32xbf16>,
        %bitcast3A_560 = vector.bitcast %get3A_559 : vector<32xbf16> to vector<16xi32>
        %shift_left3A_561 = arith.constant 16 : i32
        %shift_left3A_562 = vector.broadcast %shift_left3A_561 : i32 to vector<16xi32>
        %shift_left3A_563 = arith.shli %bitcast3A_560, %shift_left3A_562 : vector<16xi32>
        %bitcast3A_564 = vector.bitcast %shift_left3A_563 : vector<16xi32> to vector<16xf32>
        %and3A_565 = vector.broadcast %scan3A : i32 to vector<16xi32>
        %and3A_566 = arith.andi %bitcast3A_560, %and3A_565 : vector<16xi32>
        %bitcast3A_567 = vector.bitcast %and3A_566 : vector<16xi32> to vector<16xf32>
        %add3A_568 = arith.addf %add3A_554, %bitcast3A_564 : vector<16xf32>
        %add3A_569 = arith.addf %add3A_555, %bitcast3A_567 : vector<16xf32>
        %get3A_570 = arith.constant 23 : i32
        %get3A_571 = arith.index_cast %get3A_570 : i32 to index
        %get3A_572 = arith.index_cast %mul3A_72 : i32 to index
        %get3A_573 = tpu.vector_load %arg7[%get3A_571, %get3A_572] {strides = array<i32>} : memref<50x832xbf16, #tpu.memory_space<vmem>>, vector<32xbf16>,
        %bitcast3A_574 = vector.bitcast %get3A_573 : vector<32xbf16> to vector<16xi32>
        %shift_left3A_575 = arith.constant 16 : i32
        %shift_left3A_576 = vector.broadcast %shift_left3A_575 : i32 to vector<16xi32>
        %shift_left3A_577 = arith.shli %bitcast3A_574, %shift_left3A_576 : vector<16xi32>
        %bitcast3A_578 = vector.bitcast %shift_left3A_577 : vector<16xi32> to vector<16xf32>
        %and3A_579 = vector.broadcast %scan3A : i32 to vector<16xi32>
        %and3A_580 = arith.andi %bitcast3A_574, %and3A_579 : vector<16xi32>
        %bitcast3A_581 = vector.bitcast %and3A_580 : vector<16xi32> to vector<16xf32>
        %add3A_582 = arith.addf %add3A_568, %bitcast3A_578 : vector<16xf32>
        %add3A_583 = arith.addf %add3A_569, %bitcast3A_581 : vector<16xf32>
        %get3A_584 = arith.constant 25 : i32
        %get3A_585 = arith.index_cast %get3A_584 : i32 to index
        %get3A_586 = arith.index_cast %mul3A_72 : i32 to index
        %get3A_587 = tpu.vector_load %arg7[%get3A_585, %get3A_586] {strides = array<i32>} : memref<50x832xbf16, #tpu.memory_space<vmem>>, vector<32xbf16>,
        %bitcast3A_588 = vector.bitcast %get3A_587 : vector<32xbf16> to vector<16xi32>
        %shift_left3A_589 = arith.constant 16 : i32
        %shift_left3A_590 = vector.broadcast %shift_left3A_589 : i32 to vector<16xi32>
        %shift_left3A_591 = arith.shli %bitcast3A_588, %shift_left3A_590 : vector<16xi32>
        %bitcast3A_592 = vector.bitcast %shift_left3A_591 : vector<16xi32> to vector<16xf32>
        %and3A_593 = vector.broadcast %scan3A : i32 to vector<16xi32>
        %and3A_594 = arith.andi %bitcast3A_588, %and3A_593 : vector<16xi32>
        %bitcast3A_595 = vector.bitcast %and3A_594 : vector<16xi32> to vector<16xf32>
        %add3A_596 = arith.addf %add3A_582, %bitcast3A_592 : vector<16xf32>
        %add3A_597 = arith.addf %add3A_583, %bitcast3A_595 : vector<16xf32>
        %get3A_598 = arith.constant 27 : i32
        %get3A_599 = arith.index_cast %get3A_598 : i32 to index
        %get3A_600 = arith.index_cast %mul3A_72 : i32 to index
        %get3A_601 = tpu.vector_load %arg7[%get3A_599, %get3A_600] {strides = array<i32>} : memref<50x832xbf16, #tpu.memory_space<vmem>>, vector<32xbf16>,
        %bitcast3A_602 = vector.bitcast %get3A_601 : vector<32xbf16> to vector<16xi32>
        %shift_left3A_603 = arith.constant 16 : i32
        %shift_left3A_604 = vector.broadcast %shift_left3A_603 : i32 to vector<16xi32>
        %shift_left3A_605 = arith.shli %bitcast3A_602, %shift_left3A_604 : vector<16xi32>
        %bitcast3A_606 = vector.bitcast %shift_left3A_605 : vector<16xi32> to vector<16xf32>
        %and3A_607 = vector.broadcast %scan3A : i32 to vector<16xi32>
        %and3A_608 = arith.andi %bitcast3A_602, %and3A_607 : vector<16xi32>
        %bitcast3A_609 = vector.bitcast %and3A_608 : vector<16xi32> to vector<16xf32>
        %add3A_610 = arith.addf %add3A_596, %bitcast3A_606 : vector<16xf32>
        %add3A_611 = arith.addf %add3A_597, %bitcast3A_609 : vector<16xf32>
        %get3A_612 = arith.constant 29 : i32
        %get3A_613 = arith.index_cast %get3A_612 : i32 to index
        %get3A_614 = arith.index_cast %mul3A_72 : i32 to index
        %get3A_615 = tpu.vector_load %arg7[%get3A_613, %get3A_614] {strides = array<i32>} : memref<50x832xbf16, #tpu.memory_space<vmem>>, vector<32xbf16>,
        %bitcast3A_616 = vector.bitcast %get3A_615 : vector<32xbf16> to vector<16xi32>
        %shift_left3A_617 = arith.constant 16 : i32
        %shift_left3A_618 = vector.broadcast %shift_left3A_617 : i32 to vector<16xi32>
        %shift_left3A_619 = arith.shli %bitcast3A_616, %shift_left3A_618 : vector<16xi32>
        %bitcast3A_620 = vector.bitcast %shift_left3A_619 : vector<16xi32> to vector<16xf32>
        %and3A_621 = vector.broadcast %scan3A : i32 to vector<16xi32>
        %and3A_622 = arith.andi %bitcast3A_616, %and3A_621 : vector<16xi32>
        %bitcast3A_623 = vector.bitcast %and3A_622 : vector<16xi32> to vector<16xf32>
        %add3A_624 = arith.addf %add3A_610, %bitcast3A_620 : vector<16xf32>
        %add3A_625 = arith.addf %add3A_611, %bitcast3A_623 : vector<16xf32>
        %get3A_626 = arith.constant 31 : i32
        %get3A_627 = arith.index_cast %get3A_626 : i32 to index
        %get3A_628 = arith.index_cast %mul3A_72 : i32 to index
        %get3A_629 = tpu.vector_load %arg7[%get3A_627, %get3A_628] {strides = array<i32>} : memref<50x832xbf16, #tpu.memory_space<vmem>>, vector<32xbf16>,
        %bitcast3A_630 = vector.bitcast %get3A_629 : vector<32xbf16> to vector<16xi32>
        %shift_left3A_631 = arith.constant 16 : i32
        %shift_left3A_632 = vector.broadcast %shift_left3A_631 : i32 to vector<16xi32>
        %shift_left3A_633 = arith.shli %bitcast3A_630, %shift_left3A_632 : vector<16xi32>
        %bitcast3A_634 = vector.bitcast %shift_left3A_633 : vector<16xi32> to vector<16xf32>
        %and3A_635 = vector.broadcast %scan3A : i32 to vector<16xi32>
        %and3A_636 = arith.andi %bitcast3A_630, %and3A_635 : vector<16xi32>
        %bitcast3A_637 = vector.bitcast %and3A_636 : vector<16xi32> to vector<16xf32>
        %add3A_638 = arith.addf %add3A_624, %bitcast3A_634 : vector<16xf32>
        %add3A_639 = arith.addf %add3A_625, %bitcast3A_637 : vector<16xf32>
        %get3A_640 = arith.constant 33 : i32
        %get3A_641 = arith.index_cast %get3A_640 : i32 to index
        %get3A_642 = arith.index_cast %mul3A_72 : i32 to index
        %get3A_643 = tpu.vector_load %arg7[%get3A_641, %get3A_642] {strides = array<i32>} : memref<50x832xbf16, #tpu.memory_space<vmem>>, vector<32xbf16>,
        %bitcast3A_644 = vector.bitcast %get3A_643 : vector<32xbf16> to vector<16xi32>
        %shift_left3A_645 = arith.constant 16 : i32
        %shift_left3A_646 = vector.broadcast %shift_left3A_645 : i32 to vector<16xi32>
        %shift_left3A_647 = arith.shli %bitcast3A_644, %shift_left3A_646 : vector<16xi32>
        %bitcast3A_648 = vector.bitcast %shift_left3A_647 : vector<16xi32> to vector<16xf32>
        %and3A_649 = vector.broadcast %scan3A : i32 to vector<16xi32>
        %and3A_650 = arith.andi %bitcast3A_644, %and3A_649 : vector<16xi32>
        %bitcast3A_651 = vector.bitcast %and3A_650 : vector<16xi32> to vector<16xf32>
        %add3A_652 = arith.addf %add3A_638, %bitcast3A_648 : vector<16xf32>
        %add3A_653 = arith.addf %add3A_639, %bitcast3A_651 : vector<16xf32>
        %get3A_654 = arith.constant 35 : i32
        %get3A_655 = arith.index_cast %get3A_654 : i32 to index
        %get3A_656 = arith.index_cast %mul3A_72 : i32 to index
        %get3A_657 = tpu.vector_load %arg7[%get3A_655, %get3A_656] {strides = array<i32>} : memref<50x832xbf16, #tpu.memory_space<vmem>>, vector<32xbf16>,
        %bitcast3A_658 = vector.bitcast %get3A_657 : vector<32xbf16> to vector<16xi32>
        %shift_left3A_659 = arith.constant 16 : i32
        %shift_left3A_660 = vector.broadcast %shift_left3A_659 : i32 to vector<16xi32>
        %shift_left3A_661 = arith.shli %bitcast3A_658, %shift_left3A_660 : vector<16xi32>
        %bitcast3A_662 = vector.bitcast %shift_left3A_661 : vector<16xi32> to vector<16xf32>
        %and3A_663 = vector.broadcast %scan3A : i32 to vector<16xi32>
        %and3A_664 = arith.andi %bitcast3A_658, %and3A_663 : vector<16xi32>
        %bitcast3A_665 = vector.bitcast %and3A_664 : vector<16xi32> to vector<16xf32>
        %add3A_666 = arith.addf %add3A_652, %bitcast3A_662 : vector<16xf32>
        %add3A_667 = arith.addf %add3A_653, %bitcast3A_665 : vector<16xf32>
        %get3A_668 = arith.constant 37 : i32
        %get3A_669 = arith.index_cast %get3A_668 : i32 to index
        %get3A_670 = arith.index_cast %mul3A_72 : i32 to index
        %get3A_671 = tpu.vector_load %arg7[%get3A_669, %get3A_670] {strides = array<i32>} : memref<50x832xbf16, #tpu.memory_space<vmem>>, vector<32xbf16>,
        %bitcast3A_672 = vector.bitcast %get3A_671 : vector<32xbf16> to vector<16xi32>
        %shift_left3A_673 = arith.constant 16 : i32
        %shift_left3A_674 = vector.broadcast %shift_left3A_673 : i32 to vector<16xi32>
        %shift_left3A_675 = arith.shli %bitcast3A_672, %shift_left3A_674 : vector<16xi32>
        %bitcast3A_676 = vector.bitcast %shift_left3A_675 : vector<16xi32> to vector<16xf32>
        %and3A_677 = vector.broadcast %scan3A : i32 to vector<16xi32>
        %and3A_678 = arith.andi %bitcast3A_672, %and3A_677 : vector<16xi32>
        %bitcast3A_679 = vector.bitcast %and3A_678 : vector<16xi32> to vector<16xf32>
        %add3A_680 = arith.addf %add3A_666, %bitcast3A_676 : vector<16xf32>
        %add3A_681 = arith.addf %add3A_667, %bitcast3A_679 : vector<16xf32>
        %get3A_682 = arith.constant 39 : i32
        %get3A_683 = arith.index_cast %get3A_682 : i32 to index
        %get3A_684 = arith.index_cast %mul3A_72 : i32 to index
        %get3A_685 = tpu.vector_load %arg7[%get3A_683, %get3A_684] {strides = array<i32>} : memref<50x832xbf16, #tpu.memory_space<vmem>>, vector<32xbf16>,
        %bitcast3A_686 = vector.bitcast %get3A_685 : vector<32xbf16> to vector<16xi32>
        %shift_left3A_687 = arith.constant 16 : i32
        %shift_left3A_688 = vector.broadcast %shift_left3A_687 : i32 to vector<16xi32>
        %shift_left3A_689 = arith.shli %bitcast3A_686, %shift_left3A_688 : vector<16xi32>
        %bitcast3A_690 = vector.bitcast %shift_left3A_689 : vector<16xi32> to vector<16xf32>
        %and3A_691 = vector.broadcast %scan3A : i32 to vector<16xi32>
        %and3A_692 = arith.andi %bitcast3A_686, %and3A_691 : vector<16xi32>
        %bitcast3A_693 = vector.bitcast %and3A_692 : vector<16xi32> to vector<16xf32>
        %add3A_694 = arith.addf %add3A_680, %bitcast3A_690 : vector<16xf32>
        %add3A_695 = arith.addf %add3A_681, %bitcast3A_693 : vector<16xf32>
        %get3A_696 = arith.constant 41 : i32
        %get3A_697 = arith.index_cast %get3A_696 : i32 to index
        %get3A_698 = arith.index_cast %mul3A_72 : i32 to index
        %get3A_699 = tpu.vector_load %arg7[%get3A_697, %get3A_698] {strides = array<i32>} : memref<50x832xbf16, #tpu.memory_space<vmem>>, vector<32xbf16>,
        %bitcast3A_700 = vector.bitcast %get3A_699 : vector<32xbf16> to vector<16xi32>
        %shift_left3A_701 = arith.constant 16 : i32
        %shift_left3A_702 = vector.broadcast %shift_left3A_701 : i32 to vector<16xi32>
        %shift_left3A_703 = arith.shli %bitcast3A_700, %shift_left3A_702 : vector<16xi32>
        %bitcast3A_704 = vector.bitcast %shift_left3A_703 : vector<16xi32> to vector<16xf32>
        %and3A_705 = vector.broadcast %scan3A : i32 to vector<16xi32>
        %and3A_706 = arith.andi %bitcast3A_700, %and3A_705 : vector<16xi32>
        %bitcast3A_707 = vector.bitcast %and3A_706 : vector<16xi32> to vector<16xf32>
        %add3A_708 = arith.addf %add3A_694, %bitcast3A_704 : vector<16xf32>
        %add3A_709 = arith.addf %add3A_695, %bitcast3A_707 : vector<16xf32>
        %get3A_710 = arith.constant 43 : i32
        %get3A_711 = arith.index_cast %get3A_710 : i32 to index
        %get3A_712 = arith.index_cast %mul3A_72 : i32 to index
        %get3A_713 = tpu.vector_load %arg7[%get3A_711, %get3A_712] {strides = array<i32>} : memref<50x832xbf16, #tpu.memory_space<vmem>>, vector<32xbf16>,
        %bitcast3A_714 = vector.bitcast %get3A_713 : vector<32xbf16> to vector<16xi32>
        %shift_left3A_715 = arith.constant 16 : i32
        %shift_left3A_716 = vector.broadcast %shift_left3A_715 : i32 to vector<16xi32>
        %shift_left3A_717 = arith.shli %bitcast3A_714, %shift_left3A_716 : vector<16xi32>
        %bitcast3A_718 = vector.bitcast %shift_left3A_717 : vector<16xi32> to vector<16xf32>
        %and3A_719 = vector.broadcast %scan3A : i32 to vector<16xi32>
        %and3A_720 = arith.andi %bitcast3A_714, %and3A_719 : vector<16xi32>
        %bitcast3A_721 = vector.bitcast %and3A_720 : vector<16xi32> to vector<16xf32>
        %add3A_722 = arith.addf %add3A_708, %bitcast3A_718 : vector<16xf32>
        %add3A_723 = arith.addf %add3A_709, %bitcast3A_721 : vector<16xf32>
        %get3A_724 = arith.constant 45 : i32
        %get3A_725 = arith.index_cast %get3A_724 : i32 to index
        %get3A_726 = arith.index_cast %mul3A_72 : i32 to index
        %get3A_727 = tpu.vector_load %arg7[%get3A_725, %get3A_726] {strides = array<i32>} : memref<50x832xbf16, #tpu.memory_space<vmem>>, vector<32xbf16>,
        %bitcast3A_728 = vector.bitcast %get3A_727 : vector<32xbf16> to vector<16xi32>
        %shift_left3A_729 = arith.constant 16 : i32
        %shift_left3A_730 = vector.broadcast %shift_left3A_729 : i32 to vector<16xi32>
        %shift_left3A_731 = arith.shli %bitcast3A_728, %shift_left3A_730 : vector<16xi32>
        %bitcast3A_732 = vector.bitcast %shift_left3A_731 : vector<16xi32> to vector<16xf32>
        %and3A_733 = vector.broadcast %scan3A : i32 to vector<16xi32>
        %and3A_734 = arith.andi %bitcast3A_728, %and3A_733 : vector<16xi32>
        %bitcast3A_735 = vector.bitcast %and3A_734 : vector<16xi32> to vector<16xf32>
        %add3A_736 = arith.addf %add3A_722, %bitcast3A_732 : vector<16xf32>
        %add3A_737 = arith.addf %add3A_723, %bitcast3A_735 : vector<16xf32>
        %get3A_738 = arith.constant 47 : i32
        %get3A_739 = arith.index_cast %get3A_738 : i32 to index
        %get3A_740 = arith.index_cast %mul3A_72 : i32 to index
        %get3A_741 = tpu.vector_load %arg7[%get3A_739, %get3A_740] {strides = array<i32>} : memref<50x832xbf16, #tpu.memory_space<vmem>>, vector<32xbf16>,
        %bitcast3A_742 = vector.bitcast %get3A_741 : vector<32xbf16> to vector<16xi32>
        %shift_left3A_743 = arith.constant 16 : i32
        %shift_left3A_744 = vector.broadcast %shift_left3A_743 : i32 to vector<16xi32>
        %shift_left3A_745 = arith.shli %bitcast3A_742, %shift_left3A_744 : vector<16xi32>
        %bitcast3A_746 = vector.bitcast %shift_left3A_745 : vector<16xi32> to vector<16xf32>
        %and3A_747 = vector.broadcast %scan3A : i32 to vector<16xi32>
        %and3A_748 = arith.andi %bitcast3A_742, %and3A_747 : vector<16xi32>
        %bitcast3A_749 = vector.bitcast %and3A_748 : vector<16xi32> to vector<16xf32>
        %add3A_750 = arith.addf %add3A_736, %bitcast3A_746 : vector<16xf32>
        %add3A_751 = arith.addf %add3A_737, %bitcast3A_749 : vector<16xf32>
        %get3A_752 = arith.constant 49 : i32
        %get3A_753 = arith.index_cast %get3A_752 : i32 to index
        %get3A_754 = arith.index_cast %mul3A_72 : i32 to index
        %get3A_755 = tpu.vector_load %arg7[%get3A_753, %get3A_754] {strides = array<i32>} : memref<50x832xbf16, #tpu.memory_space<vmem>>, vector<32xbf16>,
        %bitcast3A_756 = vector.bitcast %get3A_755 : vector<32xbf16> to vector<16xi32>
        %shift_left3A_757 = arith.constant 16 : i32
        %shift_left3A_758 = vector.broadcast %shift_left3A_757 : i32 to vector<16xi32>
        %shift_left3A_759 = arith.shli %bitcast3A_756, %shift_left3A_758 : vector<16xi32>
        %bitcast3A_760 = vector.bitcast %shift_left3A_759 : vector<16xi32> to vector<16xf32>
        %and3A_761 = vector.broadcast %scan3A : i32 to vector<16xi32>
        %and3A_762 = arith.andi %bitcast3A_756, %and3A_761 : vector<16xi32>
        %bitcast3A_763 = vector.bitcast %and3A_762 : vector<16xi32> to vector<16xf32>
        %add3A_764 = arith.addf %add3A_750, %bitcast3A_760 : vector<16xf32>
        %add3A_765 = arith.addf %add3A_751, %bitcast3A_763 : vector<16xf32>
        %add3A_766 = arith.addf %add3A_428, %add3A_764 : vector<16xf32>
        %swap3A = arith.index_cast %scan3A_69 : i32 to index
        %swap3A_767 = arith.index_cast %and3A_54 : i32 to index
        %swap3A_768 = arith.constant 0 : index
        %swap3A_769 = tpu.vector_load %arg8[%swap3A, %swap3A_767, %swap3A_768] {strides = array<i32>} : memref<26x16x32xf32, #tpu.memory_space<vmem>>, vector<16xf32>,
        tpu.vector_store %arg8[%swap3A, %swap3A_767, %swap3A_768], %add3A_766 {strides = array<i32>} : memref<26x16x32xf32, #tpu.memory_space<vmem>>, vector<16xf32>,
        %add3A_770 = arith.addf %add3A_429, %add3A_765 : vector<16xf32>
        %swap3A_771 = arith.index_cast %scan3A_69 : i32 to index
        %swap3A_772 = arith.index_cast %and3A_54 : i32 to index
        %swap3A_773 = arith.constant 16 : index
        %swap3A_774 = tpu.vector_load %arg8[%swap3A_771, %swap3A_772, %swap3A_773] {strides = array<i32>} : memref<26x16x32xf32, #tpu.memory_space<vmem>>, vector<16xf32>,
        tpu.vector_store %arg8[%swap3A_771, %swap3A_772, %swap3A_773], %add3A_770 {strides = array<i32>} : memref<26x16x32xf32, #tpu.memory_space<vmem>>, vector<16xf32>,
        %scan3A_775 = arith.constant 0 : i32
        scf.yield %scan3A_775 : i32
      }
      %scan3A_61 = arith.constant 26 : i32
      %and3A_62 = arith.constant 15 : i32
      %and3A_63 = arith.andi %add3A_21, %and3A_62 : i32
      %eq3A = arith.constant 15 : i32
      %eq3A_64 = arith.cmpi eq, %and3A_63, %eq3A : i32
      %convert_element_type3A_65 = arith.extui %eq3A_64 : i1 to i32
      %cond3A_66 = arith.constant 0 : i32
      %cond3A_67 = arith.cmpi ne, %convert_element_type3A_65, %cond3A_66 : i32
      scf.if %cond3A_67 {
        %shift_right_arithmetic3A = arith.constant 4 : i32
        %shift_right_arithmetic3A_69 = arith.shrsi %add3A_21, %shift_right_arithmetic3A : i32
        %mul3A_70 = arith.constant 16 : i32
        %mul3A_71 = arith.muli %shift_right_arithmetic3A_69, %mul3A_70 : i32
        %add3A_72 = arith.addi %mul3A_2, %mul3A_71 : i32
        "tpu.region"() ({
          %run_scoped3A = tpu.sem_alloc : memref<!tpu.dma_semaphore, #tpu.memory_space<semaphore_mem>>
          %dma_start3A_73 = arith.constant 0 : i32
          %dma_start3A_74 = arith.constant 0 : i32
          %dma_start3A_75 = tpu.memref_slice %arg4[%dma_start3A_73, %add3A_72, %dma_start3A_74] : memref<26x4096x32xf32, #tpu.memory_space<hbm>> -> memref<26x16x32xf32, #tpu.memory_space<hbm>>
          %dma_start3A_76 = arith.constant 0 : i32
          %dma_start3A_77 = arith.constant 0 : i32
          %dma_start3A_78 = tpu.memref_slice %arg4[%dma_start3A_76, %add3A_72, %dma_start3A_77] : memref<26x4096x32xf32, #tpu.memory_space<hbm>> -> memref<26x16x32xf32, #tpu.memory_space<hbm>>
          tpu.enqueue_dma source(%arg8 : memref<26x16x32xf32, #tpu.memory_space<vmem>>) target(%dma_start3A_78 : memref<26x16x32xf32, #tpu.memory_space<hbm>>) target_semaphore(%run_scoped3A : memref<!tpu.dma_semaphore, #tpu.memory_space<semaphore_mem>>)
          %dma_wait3A_79 = arith.constant 0 : i32
          %dma_wait3A_80 = arith.constant 0 : i32
          %dma_wait3A_81 = tpu.memref_slice %arg4[%dma_wait3A_79, %add3A_72, %dma_wait3A_80] : memref<26x4096x32xf32, #tpu.memory_space<hbm>> -> memref<26x16x32xf32, #tpu.memory_space<hbm>>
          %dma_wait3A_82 = arith.constant 0 : i32
          %dma_wait3A_83 = arith.constant 0 : i32
          %dma_wait3A_84 = tpu.memref_slice %arg4[%dma_wait3A_82, %add3A_72, %dma_wait3A_83] : memref<26x4096x32xf32, #tpu.memory_space<hbm>> -> memref<26x16x32xf32, #tpu.memory_space<hbm>>
          tpu.wait_dma2 semaphore(%run_scoped3A : memref<!tpu.dma_semaphore, #tpu.memory_space<semaphore_mem>>) src(%arg8 : memref<26x16x32xf32, #tpu.memory_space<vmem>>) dst(%dma_wait3A_84 : memref<26x16x32xf32, #tpu.memory_space<hbm>>)
          tpu.yield
        }) : () -> ()
      } else {
      }
      %scan3A_68 = arith.constant 0 : i32
      scf.yield %scan3A_68 : i32
    }
    %scan3A_15 = arith.constant 64 : i32
    return
  }
}

#map = affine_map<(d0, d1) -> (0, 0, 0)>
#map1 = affine_map<(d0, d1) -> (0, 0)>
module attributes {stable_mosaic.version = 14 : i64} {
  func.func @_relayout_body(%arg0: i32, %arg1: i32, %arg2: memref<26x100000x32xf32, #tpu.memory_space<hbm>>, %arg3: memref<100000x832xbf16, #tpu.memory_space<hbm>>, %arg4: memref<26x25x32xf32, #tpu.memory_space<vmem>>, %arg5: memref<26x25x32xf32, #tpu.memory_space<vmem>>, %arg6: memref<25x832xbf16, #tpu.memory_space<vmem>>, %arg7: memref<25x832xbf16, #tpu.memory_space<vmem>>, %arg8: memref<!tpu.dma_semaphore, #tpu.memory_space<semaphore_mem>>, %arg9: memref<!tpu.dma_semaphore, #tpu.memory_space<semaphore_mem>>, %arg10: memref<!tpu.dma_semaphore, #tpu.memory_space<semaphore_mem>>, %arg11: memref<!tpu.dma_semaphore, #tpu.memory_space<semaphore_mem>>) attributes {dimension_semantics = [#tpu.dimension_semantics<core_parallel>, #tpu.dimension_semantics<subcore_parallel>], iteration_bounds = array<i64: 2, 16>, scalar_prefetch = 0 : i64, scratch_operands = 8 : i64, tpu.core_type = #tpu.core_type<sc_vector_subcore>, window_params = [{transform_indices = #map}, {transform_indices = #map1}]} {
    %mul3A = arith.constant 2 : i32
    %mul3A_0 = arith.muli %arg1, %mul3A : i32
    %add3A = arith.addi %mul3A_0, %arg0 : i32
    %mul3A_1 = arith.constant 3125 : i32
    %mul3A_2 = arith.muli %add3A, %mul3A_1 : i32
    %add3A_3 = arith.constant 0 : i32
    %add3A_4 = arith.addi %mul3A_2, %add3A_3 : i32
    %dma_start3A = arith.constant 0 : i32
    %dma_start3A_5 = arith.constant 0 : i32
    %dma_start3A_6 = tpu.memref_slice %arg2[%dma_start3A, %add3A_4, %dma_start3A_5] : memref<26x100000x32xf32, #tpu.memory_space<hbm>> -> memref<26x25x32xf32, #tpu.memory_space<hbm>>
    %dma_start3A_7 = arith.constant 0 : i32
    %dma_start3A_8 = arith.constant 0 : i32
    %dma_start3A_9 = tpu.memref_slice %arg2[%dma_start3A_7, %add3A_4, %dma_start3A_8] : memref<26x100000x32xf32, #tpu.memory_space<hbm>> -> memref<26x25x32xf32, #tpu.memory_space<hbm>>
    tpu.enqueue_dma source(%dma_start3A_9 : memref<26x25x32xf32, #tpu.memory_space<hbm>>) target(%arg4 : memref<26x25x32xf32, #tpu.memory_space<vmem>>) target_semaphore(%arg8 : memref<!tpu.dma_semaphore, #tpu.memory_space<semaphore_mem>>)
    %add3A_10 = arith.constant 25 : i32
    %add3A_11 = arith.addi %mul3A_2, %add3A_10 : i32
    %dma_start3A_12 = arith.constant 0 : i32
    %dma_start3A_13 = arith.constant 0 : i32
    %dma_start3A_14 = tpu.memref_slice %arg2[%dma_start3A_12, %add3A_11, %dma_start3A_13] : memref<26x100000x32xf32, #tpu.memory_space<hbm>> -> memref<26x25x32xf32, #tpu.memory_space<hbm>>
    %dma_start3A_15 = arith.constant 0 : i32
    %dma_start3A_16 = arith.constant 0 : i32
    %dma_start3A_17 = tpu.memref_slice %arg2[%dma_start3A_15, %add3A_11, %dma_start3A_16] : memref<26x100000x32xf32, #tpu.memory_space<hbm>> -> memref<26x25x32xf32, #tpu.memory_space<hbm>>
    tpu.enqueue_dma source(%dma_start3A_17 : memref<26x25x32xf32, #tpu.memory_space<hbm>>) target(%arg5 : memref<26x25x32xf32, #tpu.memory_space<vmem>>) target_semaphore(%arg9 : memref<!tpu.dma_semaphore, #tpu.memory_space<semaphore_mem>>)
    %add3A_18 = arith.constant 0 : i32
    %add3A_19 = arith.addi %mul3A_2, %add3A_18 : i32
    %dma_start3A_20 = arith.constant 0 : i32
    %dma_start3A_21 = tpu.memref_slice %arg3[%add3A_19, %dma_start3A_20] : memref<100000x832xbf16, #tpu.memory_space<hbm>> -> memref<25x832xbf16, #tpu.memory_space<hbm>>
    %dma_start3A_22 = arith.constant 0 : i32
    %dma_start3A_23 = tpu.memref_slice %arg3[%add3A_19, %dma_start3A_22] : memref<100000x832xbf16, #tpu.memory_space<hbm>> -> memref<25x832xbf16, #tpu.memory_space<hbm>>
    tpu.enqueue_dma source(%arg6 : memref<25x832xbf16, #tpu.memory_space<vmem>>) target(%dma_start3A_23 : memref<25x832xbf16, #tpu.memory_space<hbm>>) target_semaphore(%arg10 : memref<!tpu.dma_semaphore, #tpu.memory_space<semaphore_mem>>)
    %add3A_24 = arith.constant 25 : i32
    %add3A_25 = arith.addi %mul3A_2, %add3A_24 : i32
    %dma_start3A_26 = arith.constant 0 : i32
    %dma_start3A_27 = tpu.memref_slice %arg3[%add3A_25, %dma_start3A_26] : memref<100000x832xbf16, #tpu.memory_space<hbm>> -> memref<25x832xbf16, #tpu.memory_space<hbm>>
    %dma_start3A_28 = arith.constant 0 : i32
    %dma_start3A_29 = tpu.memref_slice %arg3[%add3A_25, %dma_start3A_28] : memref<100000x832xbf16, #tpu.memory_space<hbm>> -> memref<25x832xbf16, #tpu.memory_space<hbm>>
    tpu.enqueue_dma source(%arg7 : memref<25x832xbf16, #tpu.memory_space<vmem>>) target(%dma_start3A_29 : memref<25x832xbf16, #tpu.memory_space<hbm>>) target_semaphore(%arg11 : memref<!tpu.dma_semaphore, #tpu.memory_space<semaphore_mem>>)
    %scan3A = arith.constant -65536 : i32
    %scan3A_30 = arith.constant 0 : i32
    %scan3A_31 = arith.constant 0 : i32
    %scan3A_32 = arith.constant 62 : i32
    %scan3A_33 = arith.addi %scan3A_31, %scan3A_32 : i32
    %scan3A_34 = arith.constant 1 : i32
    %scan3A_35 = scf.for %scan3A_76 = %scan3A_31 to %scan3A_33 step %scan3A_34 iter_args(%scan3A_77 = %scan3A_30) -> (i32)  : i32 {
      %mul3A_78 = arith.constant 2 : i32
      %mul3A_79 = arith.muli %scan3A_76, %mul3A_78 : i32
      %add3A_80 = arith.constant 1 : i32
      %add3A_81 = arith.addi %mul3A_79, %add3A_80 : i32
      %dma_wait3A_82 = arith.constant 0 : i32
      %dma_wait3A_83 = arith.constant 0 : i32
      %dma_wait3A_84 = arith.constant 0 : i32
      %dma_wait3A_85 = tpu.memref_slice %arg2[%dma_wait3A_82, %dma_wait3A_83, %dma_wait3A_84] : memref<26x100000x32xf32, #tpu.memory_space<hbm>> -> memref<26x25x32xf32, #tpu.memory_space<hbm>>
      %dma_wait3A_86 = arith.constant 0 : i32
      %dma_wait3A_87 = arith.constant 0 : i32
      %dma_wait3A_88 = arith.constant 0 : i32
      %dma_wait3A_89 = tpu.memref_slice %arg2[%dma_wait3A_86, %dma_wait3A_87, %dma_wait3A_88] : memref<26x100000x32xf32, #tpu.memory_space<hbm>> -> memref<26x25x32xf32, #tpu.memory_space<hbm>>
      tpu.wait_dma2 semaphore(%arg8 : memref<!tpu.dma_semaphore, #tpu.memory_space<semaphore_mem>>) src(%dma_wait3A_89 : memref<26x25x32xf32, #tpu.memory_space<hbm>>) dst(%arg4 : memref<26x25x32xf32, #tpu.memory_space<vmem>>)
      %dma_wait3A_90 = arith.constant 0 : i32
      %dma_wait3A_91 = arith.constant 0 : i32
      %dma_wait3A_92 = tpu.memref_slice %arg3[%dma_wait3A_90, %dma_wait3A_91] : memref<100000x832xbf16, #tpu.memory_space<hbm>> -> memref<25x832xbf16, #tpu.memory_space<hbm>>
      %dma_wait3A_93 = arith.constant 0 : i32
      %dma_wait3A_94 = arith.constant 0 : i32
      %dma_wait3A_95 = tpu.memref_slice %arg3[%dma_wait3A_93, %dma_wait3A_94] : memref<100000x832xbf16, #tpu.memory_space<hbm>> -> memref<25x832xbf16, #tpu.memory_space<hbm>>
      tpu.wait_dma2 semaphore(%arg10 : memref<!tpu.dma_semaphore, #tpu.memory_space<semaphore_mem>>) src(%arg6 : memref<25x832xbf16, #tpu.memory_space<vmem>>) dst(%dma_wait3A_95 : memref<25x832xbf16, #tpu.memory_space<hbm>>)
      %scan3A_96 = arith.constant 0 : i32
      %scan3A_97 = arith.constant 0 : i32
      %scan3A_98 = arith.constant 25 : i32
      %scan3A_99 = arith.addi %scan3A_97, %scan3A_98 : i32
      %scan3A_100 = arith.constant 1 : i32
      %scan3A_101 = scf.for %scan3A_150 = %scan3A_97 to %scan3A_99 step %scan3A_100 iter_args(%scan3A_151 = %scan3A_96) -> (i32)  : i32 {
        %get3A = arith.constant 0 : i32
        %get3A_152 = arith.index_cast %get3A : i32 to index
        %get3A_153 = arith.index_cast %scan3A_150 : i32 to index
        %get3A_154 = arith.constant 0 : index
        %get3A_155 = tpu.vector_load %arg4[%get3A_152, %get3A_153, %get3A_154] {strides = array<i32>} : memref<26x25x32xf32, #tpu.memory_space<vmem>>, vector<16xf32>,
        %bitcast3A = vector.bitcast %get3A_155 : vector<16xf32> to vector<16xi32>
        %get3A_156 = arith.constant 0 : i32
        %get3A_157 = arith.index_cast %get3A_156 : i32 to index
        %get3A_158 = arith.index_cast %scan3A_150 : i32 to index
        %get3A_159 = arith.constant 16 : index
        %get3A_160 = tpu.vector_load %arg4[%get3A_157, %get3A_158, %get3A_159] {strides = array<i32>} : memref<26x25x32xf32, #tpu.memory_space<vmem>>, vector<16xf32>,
        %bitcast3A_161 = vector.bitcast %get3A_160 : vector<16xf32> to vector<16xi32>
        %shift_right_logical3A = arith.constant 16 : i32
        %shift_right_logical3A_162 = vector.broadcast %shift_right_logical3A : i32 to vector<16xi32>
        %shift_right_logical3A_163 = arith.shrui %bitcast3A, %shift_right_logical3A_162 : vector<16xi32>
        %and3A = vector.broadcast %scan3A : i32 to vector<16xi32>
        %and3A_164 = arith.andi %bitcast3A_161, %and3A : vector<16xi32>
        %or3A = arith.ori %shift_right_logical3A_163, %and3A_164 : vector<16xi32>
        %bitcast3A_165 = vector.bitcast %or3A : vector<16xi32> to vector<32xbf16>
        %swap3A = arith.index_cast %scan3A_150 : i32 to index
        %swap3A_166 = arith.constant 0 : index
        %swap3A_167 = tpu.vector_load %arg6[%swap3A, %swap3A_166] {strides = array<i32>} : memref<25x832xbf16, #tpu.memory_space<vmem>>, vector<32xbf16>,
        tpu.vector_store %arg6[%swap3A, %swap3A_166], %bitcast3A_165 {strides = array<i32>} : memref<25x832xbf16, #tpu.memory_space<vmem>>, vector<32xbf16>,
        %get3A_168 = arith.constant 1 : i32
        %get3A_169 = arith.index_cast %get3A_168 : i32 to index
        %get3A_170 = arith.index_cast %scan3A_150 : i32 to index
        %get3A_171 = arith.constant 0 : index
        %get3A_172 = tpu.vector_load %arg4[%get3A_169, %get3A_170, %get3A_171] {strides = array<i32>} : memref<26x25x32xf32, #tpu.memory_space<vmem>>, vector<16xf32>,
        %bitcast3A_173 = vector.bitcast %get3A_172 : vector<16xf32> to vector<16xi32>
        %get3A_174 = arith.constant 1 : i32
        %get3A_175 = arith.index_cast %get3A_174 : i32 to index
        %get3A_176 = arith.index_cast %scan3A_150 : i32 to index
        %get3A_177 = arith.constant 16 : index
        %get3A_178 = tpu.vector_load %arg4[%get3A_175, %get3A_176, %get3A_177] {strides = array<i32>} : memref<26x25x32xf32, #tpu.memory_space<vmem>>, vector<16xf32>,
        %bitcast3A_179 = vector.bitcast %get3A_178 : vector<16xf32> to vector<16xi32>
        %shift_right_logical3A_180 = arith.constant 16 : i32
        %shift_right_logical3A_181 = vector.broadcast %shift_right_logical3A_180 : i32 to vector<16xi32>
        %shift_right_logical3A_182 = arith.shrui %bitcast3A_173, %shift_right_logical3A_181 : vector<16xi32>
        %and3A_183 = vector.broadcast %scan3A : i32 to vector<16xi32>
        %and3A_184 = arith.andi %bitcast3A_179, %and3A_183 : vector<16xi32>
        %or3A_185 = arith.ori %shift_right_logical3A_182, %and3A_184 : vector<16xi32>
        %bitcast3A_186 = vector.bitcast %or3A_185 : vector<16xi32> to vector<32xbf16>
        %swap3A_187 = arith.index_cast %scan3A_150 : i32 to index
        %swap3A_188 = arith.constant 32 : index
        %swap3A_189 = tpu.vector_load %arg6[%swap3A_187, %swap3A_188] {strides = array<i32>} : memref<25x832xbf16, #tpu.memory_space<vmem>>, vector<32xbf16>,
        tpu.vector_store %arg6[%swap3A_187, %swap3A_188], %bitcast3A_186 {strides = array<i32>} : memref<25x832xbf16, #tpu.memory_space<vmem>>, vector<32xbf16>,
        %get3A_190 = arith.constant 2 : i32
        %get3A_191 = arith.index_cast %get3A_190 : i32 to index
        %get3A_192 = arith.index_cast %scan3A_150 : i32 to index
        %get3A_193 = arith.constant 0 : index
        %get3A_194 = tpu.vector_load %arg4[%get3A_191, %get3A_192, %get3A_193] {strides = array<i32>} : memref<26x25x32xf32, #tpu.memory_space<vmem>>, vector<16xf32>,
        %bitcast3A_195 = vector.bitcast %get3A_194 : vector<16xf32> to vector<16xi32>
        %get3A_196 = arith.constant 2 : i32
        %get3A_197 = arith.index_cast %get3A_196 : i32 to index
        %get3A_198 = arith.index_cast %scan3A_150 : i32 to index
        %get3A_199 = arith.constant 16 : index
        %get3A_200 = tpu.vector_load %arg4[%get3A_197, %get3A_198, %get3A_199] {strides = array<i32>} : memref<26x25x32xf32, #tpu.memory_space<vmem>>, vector<16xf32>,
        %bitcast3A_201 = vector.bitcast %get3A_200 : vector<16xf32> to vector<16xi32>
        %shift_right_logical3A_202 = arith.constant 16 : i32
        %shift_right_logical3A_203 = vector.broadcast %shift_right_logical3A_202 : i32 to vector<16xi32>
        %shift_right_logical3A_204 = arith.shrui %bitcast3A_195, %shift_right_logical3A_203 : vector<16xi32>
        %and3A_205 = vector.broadcast %scan3A : i32 to vector<16xi32>
        %and3A_206 = arith.andi %bitcast3A_201, %and3A_205 : vector<16xi32>
        %or3A_207 = arith.ori %shift_right_logical3A_204, %and3A_206 : vector<16xi32>
        %bitcast3A_208 = vector.bitcast %or3A_207 : vector<16xi32> to vector<32xbf16>
        %swap3A_209 = arith.index_cast %scan3A_150 : i32 to index
        %swap3A_210 = arith.constant 64 : index
        %swap3A_211 = tpu.vector_load %arg6[%swap3A_209, %swap3A_210] {strides = array<i32>} : memref<25x832xbf16, #tpu.memory_space<vmem>>, vector<32xbf16>,
        tpu.vector_store %arg6[%swap3A_209, %swap3A_210], %bitcast3A_208 {strides = array<i32>} : memref<25x832xbf16, #tpu.memory_space<vmem>>, vector<32xbf16>,
        %get3A_212 = arith.constant 3 : i32
        %get3A_213 = arith.index_cast %get3A_212 : i32 to index
        %get3A_214 = arith.index_cast %scan3A_150 : i32 to index
        %get3A_215 = arith.constant 0 : index
        %get3A_216 = tpu.vector_load %arg4[%get3A_213, %get3A_214, %get3A_215] {strides = array<i32>} : memref<26x25x32xf32, #tpu.memory_space<vmem>>, vector<16xf32>,
        %bitcast3A_217 = vector.bitcast %get3A_216 : vector<16xf32> to vector<16xi32>
        %get3A_218 = arith.constant 3 : i32
        %get3A_219 = arith.index_cast %get3A_218 : i32 to index
        %get3A_220 = arith.index_cast %scan3A_150 : i32 to index
        %get3A_221 = arith.constant 16 : index
        %get3A_222 = tpu.vector_load %arg4[%get3A_219, %get3A_220, %get3A_221] {strides = array<i32>} : memref<26x25x32xf32, #tpu.memory_space<vmem>>, vector<16xf32>,
        %bitcast3A_223 = vector.bitcast %get3A_222 : vector<16xf32> to vector<16xi32>
        %shift_right_logical3A_224 = arith.constant 16 : i32
        %shift_right_logical3A_225 = vector.broadcast %shift_right_logical3A_224 : i32 to vector<16xi32>
        %shift_right_logical3A_226 = arith.shrui %bitcast3A_217, %shift_right_logical3A_225 : vector<16xi32>
        %and3A_227 = vector.broadcast %scan3A : i32 to vector<16xi32>
        %and3A_228 = arith.andi %bitcast3A_223, %and3A_227 : vector<16xi32>
        %or3A_229 = arith.ori %shift_right_logical3A_226, %and3A_228 : vector<16xi32>
        %bitcast3A_230 = vector.bitcast %or3A_229 : vector<16xi32> to vector<32xbf16>
        %swap3A_231 = arith.index_cast %scan3A_150 : i32 to index
        %swap3A_232 = arith.constant 96 : index
        %swap3A_233 = tpu.vector_load %arg6[%swap3A_231, %swap3A_232] {strides = array<i32>} : memref<25x832xbf16, #tpu.memory_space<vmem>>, vector<32xbf16>,
        tpu.vector_store %arg6[%swap3A_231, %swap3A_232], %bitcast3A_230 {strides = array<i32>} : memref<25x832xbf16, #tpu.memory_space<vmem>>, vector<32xbf16>,
        %get3A_234 = arith.constant 4 : i32
        %get3A_235 = arith.index_cast %get3A_234 : i32 to index
        %get3A_236 = arith.index_cast %scan3A_150 : i32 to index
        %get3A_237 = arith.constant 0 : index
        %get3A_238 = tpu.vector_load %arg4[%get3A_235, %get3A_236, %get3A_237] {strides = array<i32>} : memref<26x25x32xf32, #tpu.memory_space<vmem>>, vector<16xf32>,
        %bitcast3A_239 = vector.bitcast %get3A_238 : vector<16xf32> to vector<16xi32>
        %get3A_240 = arith.constant 4 : i32
        %get3A_241 = arith.index_cast %get3A_240 : i32 to index
        %get3A_242 = arith.index_cast %scan3A_150 : i32 to index
        %get3A_243 = arith.constant 16 : index
        %get3A_244 = tpu.vector_load %arg4[%get3A_241, %get3A_242, %get3A_243] {strides = array<i32>} : memref<26x25x32xf32, #tpu.memory_space<vmem>>, vector<16xf32>,
        %bitcast3A_245 = vector.bitcast %get3A_244 : vector<16xf32> to vector<16xi32>
        %shift_right_logical3A_246 = arith.constant 16 : i32
        %shift_right_logical3A_247 = vector.broadcast %shift_right_logical3A_246 : i32 to vector<16xi32>
        %shift_right_logical3A_248 = arith.shrui %bitcast3A_239, %shift_right_logical3A_247 : vector<16xi32>
        %and3A_249 = vector.broadcast %scan3A : i32 to vector<16xi32>
        %and3A_250 = arith.andi %bitcast3A_245, %and3A_249 : vector<16xi32>
        %or3A_251 = arith.ori %shift_right_logical3A_248, %and3A_250 : vector<16xi32>
        %bitcast3A_252 = vector.bitcast %or3A_251 : vector<16xi32> to vector<32xbf16>
        %swap3A_253 = arith.index_cast %scan3A_150 : i32 to index
        %swap3A_254 = arith.constant 128 : index
        %swap3A_255 = tpu.vector_load %arg6[%swap3A_253, %swap3A_254] {strides = array<i32>} : memref<25x832xbf16, #tpu.memory_space<vmem>>, vector<32xbf16>,
        tpu.vector_store %arg6[%swap3A_253, %swap3A_254], %bitcast3A_252 {strides = array<i32>} : memref<25x832xbf16, #tpu.memory_space<vmem>>, vector<32xbf16>,
        %get3A_256 = arith.constant 5 : i32
        %get3A_257 = arith.index_cast %get3A_256 : i32 to index
        %get3A_258 = arith.index_cast %scan3A_150 : i32 to index
        %get3A_259 = arith.constant 0 : index
        %get3A_260 = tpu.vector_load %arg4[%get3A_257, %get3A_258, %get3A_259] {strides = array<i32>} : memref<26x25x32xf32, #tpu.memory_space<vmem>>, vector<16xf32>,
        %bitcast3A_261 = vector.bitcast %get3A_260 : vector<16xf32> to vector<16xi32>
        %get3A_262 = arith.constant 5 : i32
        %get3A_263 = arith.index_cast %get3A_262 : i32 to index
        %get3A_264 = arith.index_cast %scan3A_150 : i32 to index
        %get3A_265 = arith.constant 16 : index
        %get3A_266 = tpu.vector_load %arg4[%get3A_263, %get3A_264, %get3A_265] {strides = array<i32>} : memref<26x25x32xf32, #tpu.memory_space<vmem>>, vector<16xf32>,
        %bitcast3A_267 = vector.bitcast %get3A_266 : vector<16xf32> to vector<16xi32>
        %shift_right_logical3A_268 = arith.constant 16 : i32
        %shift_right_logical3A_269 = vector.broadcast %shift_right_logical3A_268 : i32 to vector<16xi32>
        %shift_right_logical3A_270 = arith.shrui %bitcast3A_261, %shift_right_logical3A_269 : vector<16xi32>
        %and3A_271 = vector.broadcast %scan3A : i32 to vector<16xi32>
        %and3A_272 = arith.andi %bitcast3A_267, %and3A_271 : vector<16xi32>
        %or3A_273 = arith.ori %shift_right_logical3A_270, %and3A_272 : vector<16xi32>
        %bitcast3A_274 = vector.bitcast %or3A_273 : vector<16xi32> to vector<32xbf16>
        %swap3A_275 = arith.index_cast %scan3A_150 : i32 to index
        %swap3A_276 = arith.constant 160 : index
        %swap3A_277 = tpu.vector_load %arg6[%swap3A_275, %swap3A_276] {strides = array<i32>} : memref<25x832xbf16, #tpu.memory_space<vmem>>, vector<32xbf16>,
        tpu.vector_store %arg6[%swap3A_275, %swap3A_276], %bitcast3A_274 {strides = array<i32>} : memref<25x832xbf16, #tpu.memory_space<vmem>>, vector<32xbf16>,
        %get3A_278 = arith.constant 6 : i32
        %get3A_279 = arith.index_cast %get3A_278 : i32 to index
        %get3A_280 = arith.index_cast %scan3A_150 : i32 to index
        %get3A_281 = arith.constant 0 : index
        %get3A_282 = tpu.vector_load %arg4[%get3A_279, %get3A_280, %get3A_281] {strides = array<i32>} : memref<26x25x32xf32, #tpu.memory_space<vmem>>, vector<16xf32>,
        %bitcast3A_283 = vector.bitcast %get3A_282 : vector<16xf32> to vector<16xi32>
        %get3A_284 = arith.constant 6 : i32
        %get3A_285 = arith.index_cast %get3A_284 : i32 to index
        %get3A_286 = arith.index_cast %scan3A_150 : i32 to index
        %get3A_287 = arith.constant 16 : index
        %get3A_288 = tpu.vector_load %arg4[%get3A_285, %get3A_286, %get3A_287] {strides = array<i32>} : memref<26x25x32xf32, #tpu.memory_space<vmem>>, vector<16xf32>,
        %bitcast3A_289 = vector.bitcast %get3A_288 : vector<16xf32> to vector<16xi32>
        %shift_right_logical3A_290 = arith.constant 16 : i32
        %shift_right_logical3A_291 = vector.broadcast %shift_right_logical3A_290 : i32 to vector<16xi32>
        %shift_right_logical3A_292 = arith.shrui %bitcast3A_283, %shift_right_logical3A_291 : vector<16xi32>
        %and3A_293 = vector.broadcast %scan3A : i32 to vector<16xi32>
        %and3A_294 = arith.andi %bitcast3A_289, %and3A_293 : vector<16xi32>
        %or3A_295 = arith.ori %shift_right_logical3A_292, %and3A_294 : vector<16xi32>
        %bitcast3A_296 = vector.bitcast %or3A_295 : vector<16xi32> to vector<32xbf16>
        %swap3A_297 = arith.index_cast %scan3A_150 : i32 to index
        %swap3A_298 = arith.constant 192 : index
        %swap3A_299 = tpu.vector_load %arg6[%swap3A_297, %swap3A_298] {strides = array<i32>} : memref<25x832xbf16, #tpu.memory_space<vmem>>, vector<32xbf16>,
        tpu.vector_store %arg6[%swap3A_297, %swap3A_298], %bitcast3A_296 {strides = array<i32>} : memref<25x832xbf16, #tpu.memory_space<vmem>>, vector<32xbf16>,
        %get3A_300 = arith.constant 7 : i32
        %get3A_301 = arith.index_cast %get3A_300 : i32 to index
        %get3A_302 = arith.index_cast %scan3A_150 : i32 to index
        %get3A_303 = arith.constant 0 : index
        %get3A_304 = tpu.vector_load %arg4[%get3A_301, %get3A_302, %get3A_303] {strides = array<i32>} : memref<26x25x32xf32, #tpu.memory_space<vmem>>, vector<16xf32>,
        %bitcast3A_305 = vector.bitcast %get3A_304 : vector<16xf32> to vector<16xi32>
        %get3A_306 = arith.constant 7 : i32
        %get3A_307 = arith.index_cast %get3A_306 : i32 to index
        %get3A_308 = arith.index_cast %scan3A_150 : i32 to index
        %get3A_309 = arith.constant 16 : index
        %get3A_310 = tpu.vector_load %arg4[%get3A_307, %get3A_308, %get3A_309] {strides = array<i32>} : memref<26x25x32xf32, #tpu.memory_space<vmem>>, vector<16xf32>,
        %bitcast3A_311 = vector.bitcast %get3A_310 : vector<16xf32> to vector<16xi32>
        %shift_right_logical3A_312 = arith.constant 16 : i32
        %shift_right_logical3A_313 = vector.broadcast %shift_right_logical3A_312 : i32 to vector<16xi32>
        %shift_right_logical3A_314 = arith.shrui %bitcast3A_305, %shift_right_logical3A_313 : vector<16xi32>
        %and3A_315 = vector.broadcast %scan3A : i32 to vector<16xi32>
        %and3A_316 = arith.andi %bitcast3A_311, %and3A_315 : vector<16xi32>
        %or3A_317 = arith.ori %shift_right_logical3A_314, %and3A_316 : vector<16xi32>
        %bitcast3A_318 = vector.bitcast %or3A_317 : vector<16xi32> to vector<32xbf16>
        %swap3A_319 = arith.index_cast %scan3A_150 : i32 to index
        %swap3A_320 = arith.constant 224 : index
        %swap3A_321 = tpu.vector_load %arg6[%swap3A_319, %swap3A_320] {strides = array<i32>} : memref<25x832xbf16, #tpu.memory_space<vmem>>, vector<32xbf16>,
        tpu.vector_store %arg6[%swap3A_319, %swap3A_320], %bitcast3A_318 {strides = array<i32>} : memref<25x832xbf16, #tpu.memory_space<vmem>>, vector<32xbf16>,
        %get3A_322 = arith.constant 8 : i32
        %get3A_323 = arith.index_cast %get3A_322 : i32 to index
        %get3A_324 = arith.index_cast %scan3A_150 : i32 to index
        %get3A_325 = arith.constant 0 : index
        %get3A_326 = tpu.vector_load %arg4[%get3A_323, %get3A_324, %get3A_325] {strides = array<i32>} : memref<26x25x32xf32, #tpu.memory_space<vmem>>, vector<16xf32>,
        %bitcast3A_327 = vector.bitcast %get3A_326 : vector<16xf32> to vector<16xi32>
        %get3A_328 = arith.constant 8 : i32
        %get3A_329 = arith.index_cast %get3A_328 : i32 to index
        %get3A_330 = arith.index_cast %scan3A_150 : i32 to index
        %get3A_331 = arith.constant 16 : index
        %get3A_332 = tpu.vector_load %arg4[%get3A_329, %get3A_330, %get3A_331] {strides = array<i32>} : memref<26x25x32xf32, #tpu.memory_space<vmem>>, vector<16xf32>,
        %bitcast3A_333 = vector.bitcast %get3A_332 : vector<16xf32> to vector<16xi32>
        %shift_right_logical3A_334 = arith.constant 16 : i32
        %shift_right_logical3A_335 = vector.broadcast %shift_right_logical3A_334 : i32 to vector<16xi32>
        %shift_right_logical3A_336 = arith.shrui %bitcast3A_327, %shift_right_logical3A_335 : vector<16xi32>
        %and3A_337 = vector.broadcast %scan3A : i32 to vector<16xi32>
        %and3A_338 = arith.andi %bitcast3A_333, %and3A_337 : vector<16xi32>
        %or3A_339 = arith.ori %shift_right_logical3A_336, %and3A_338 : vector<16xi32>
        %bitcast3A_340 = vector.bitcast %or3A_339 : vector<16xi32> to vector<32xbf16>
        %swap3A_341 = arith.index_cast %scan3A_150 : i32 to index
        %swap3A_342 = arith.constant 256 : index
        %swap3A_343 = tpu.vector_load %arg6[%swap3A_341, %swap3A_342] {strides = array<i32>} : memref<25x832xbf16, #tpu.memory_space<vmem>>, vector<32xbf16>,
        tpu.vector_store %arg6[%swap3A_341, %swap3A_342], %bitcast3A_340 {strides = array<i32>} : memref<25x832xbf16, #tpu.memory_space<vmem>>, vector<32xbf16>,
        %get3A_344 = arith.constant 9 : i32
        %get3A_345 = arith.index_cast %get3A_344 : i32 to index
        %get3A_346 = arith.index_cast %scan3A_150 : i32 to index
        %get3A_347 = arith.constant 0 : index
        %get3A_348 = tpu.vector_load %arg4[%get3A_345, %get3A_346, %get3A_347] {strides = array<i32>} : memref<26x25x32xf32, #tpu.memory_space<vmem>>, vector<16xf32>,
        %bitcast3A_349 = vector.bitcast %get3A_348 : vector<16xf32> to vector<16xi32>
        %get3A_350 = arith.constant 9 : i32
        %get3A_351 = arith.index_cast %get3A_350 : i32 to index
        %get3A_352 = arith.index_cast %scan3A_150 : i32 to index
        %get3A_353 = arith.constant 16 : index
        %get3A_354 = tpu.vector_load %arg4[%get3A_351, %get3A_352, %get3A_353] {strides = array<i32>} : memref<26x25x32xf32, #tpu.memory_space<vmem>>, vector<16xf32>,
        %bitcast3A_355 = vector.bitcast %get3A_354 : vector<16xf32> to vector<16xi32>
        %shift_right_logical3A_356 = arith.constant 16 : i32
        %shift_right_logical3A_357 = vector.broadcast %shift_right_logical3A_356 : i32 to vector<16xi32>
        %shift_right_logical3A_358 = arith.shrui %bitcast3A_349, %shift_right_logical3A_357 : vector<16xi32>
        %and3A_359 = vector.broadcast %scan3A : i32 to vector<16xi32>
        %and3A_360 = arith.andi %bitcast3A_355, %and3A_359 : vector<16xi32>
        %or3A_361 = arith.ori %shift_right_logical3A_358, %and3A_360 : vector<16xi32>
        %bitcast3A_362 = vector.bitcast %or3A_361 : vector<16xi32> to vector<32xbf16>
        %swap3A_363 = arith.index_cast %scan3A_150 : i32 to index
        %swap3A_364 = arith.constant 288 : index
        %swap3A_365 = tpu.vector_load %arg6[%swap3A_363, %swap3A_364] {strides = array<i32>} : memref<25x832xbf16, #tpu.memory_space<vmem>>, vector<32xbf16>,
        tpu.vector_store %arg6[%swap3A_363, %swap3A_364], %bitcast3A_362 {strides = array<i32>} : memref<25x832xbf16, #tpu.memory_space<vmem>>, vector<32xbf16>,
        %get3A_366 = arith.constant 10 : i32
        %get3A_367 = arith.index_cast %get3A_366 : i32 to index
        %get3A_368 = arith.index_cast %scan3A_150 : i32 to index
        %get3A_369 = arith.constant 0 : index
        %get3A_370 = tpu.vector_load %arg4[%get3A_367, %get3A_368, %get3A_369] {strides = array<i32>} : memref<26x25x32xf32, #tpu.memory_space<vmem>>, vector<16xf32>,
        %bitcast3A_371 = vector.bitcast %get3A_370 : vector<16xf32> to vector<16xi32>
        %get3A_372 = arith.constant 10 : i32
        %get3A_373 = arith.index_cast %get3A_372 : i32 to index
        %get3A_374 = arith.index_cast %scan3A_150 : i32 to index
        %get3A_375 = arith.constant 16 : index
        %get3A_376 = tpu.vector_load %arg4[%get3A_373, %get3A_374, %get3A_375] {strides = array<i32>} : memref<26x25x32xf32, #tpu.memory_space<vmem>>, vector<16xf32>,
        %bitcast3A_377 = vector.bitcast %get3A_376 : vector<16xf32> to vector<16xi32>
        %shift_right_logical3A_378 = arith.constant 16 : i32
        %shift_right_logical3A_379 = vector.broadcast %shift_right_logical3A_378 : i32 to vector<16xi32>
        %shift_right_logical3A_380 = arith.shrui %bitcast3A_371, %shift_right_logical3A_379 : vector<16xi32>
        %and3A_381 = vector.broadcast %scan3A : i32 to vector<16xi32>
        %and3A_382 = arith.andi %bitcast3A_377, %and3A_381 : vector<16xi32>
        %or3A_383 = arith.ori %shift_right_logical3A_380, %and3A_382 : vector<16xi32>
        %bitcast3A_384 = vector.bitcast %or3A_383 : vector<16xi32> to vector<32xbf16>
        %swap3A_385 = arith.index_cast %scan3A_150 : i32 to index
        %swap3A_386 = arith.constant 320 : index
        %swap3A_387 = tpu.vector_load %arg6[%swap3A_385, %swap3A_386] {strides = array<i32>} : memref<25x832xbf16, #tpu.memory_space<vmem>>, vector<32xbf16>,
        tpu.vector_store %arg6[%swap3A_385, %swap3A_386], %bitcast3A_384 {strides = array<i32>} : memref<25x832xbf16, #tpu.memory_space<vmem>>, vector<32xbf16>,
        %get3A_388 = arith.constant 11 : i32
        %get3A_389 = arith.index_cast %get3A_388 : i32 to index
        %get3A_390 = arith.index_cast %scan3A_150 : i32 to index
        %get3A_391 = arith.constant 0 : index
        %get3A_392 = tpu.vector_load %arg4[%get3A_389, %get3A_390, %get3A_391] {strides = array<i32>} : memref<26x25x32xf32, #tpu.memory_space<vmem>>, vector<16xf32>,
        %bitcast3A_393 = vector.bitcast %get3A_392 : vector<16xf32> to vector<16xi32>
        %get3A_394 = arith.constant 11 : i32
        %get3A_395 = arith.index_cast %get3A_394 : i32 to index
        %get3A_396 = arith.index_cast %scan3A_150 : i32 to index
        %get3A_397 = arith.constant 16 : index
        %get3A_398 = tpu.vector_load %arg4[%get3A_395, %get3A_396, %get3A_397] {strides = array<i32>} : memref<26x25x32xf32, #tpu.memory_space<vmem>>, vector<16xf32>,
        %bitcast3A_399 = vector.bitcast %get3A_398 : vector<16xf32> to vector<16xi32>
        %shift_right_logical3A_400 = arith.constant 16 : i32
        %shift_right_logical3A_401 = vector.broadcast %shift_right_logical3A_400 : i32 to vector<16xi32>
        %shift_right_logical3A_402 = arith.shrui %bitcast3A_393, %shift_right_logical3A_401 : vector<16xi32>
        %and3A_403 = vector.broadcast %scan3A : i32 to vector<16xi32>
        %and3A_404 = arith.andi %bitcast3A_399, %and3A_403 : vector<16xi32>
        %or3A_405 = arith.ori %shift_right_logical3A_402, %and3A_404 : vector<16xi32>
        %bitcast3A_406 = vector.bitcast %or3A_405 : vector<16xi32> to vector<32xbf16>
        %swap3A_407 = arith.index_cast %scan3A_150 : i32 to index
        %swap3A_408 = arith.constant 352 : index
        %swap3A_409 = tpu.vector_load %arg6[%swap3A_407, %swap3A_408] {strides = array<i32>} : memref<25x832xbf16, #tpu.memory_space<vmem>>, vector<32xbf16>,
        tpu.vector_store %arg6[%swap3A_407, %swap3A_408], %bitcast3A_406 {strides = array<i32>} : memref<25x832xbf16, #tpu.memory_space<vmem>>, vector<32xbf16>,
        %get3A_410 = arith.constant 12 : i32
        %get3A_411 = arith.index_cast %get3A_410 : i32 to index
        %get3A_412 = arith.index_cast %scan3A_150 : i32 to index
        %get3A_413 = arith.constant 0 : index
        %get3A_414 = tpu.vector_load %arg4[%get3A_411, %get3A_412, %get3A_413] {strides = array<i32>} : memref<26x25x32xf32, #tpu.memory_space<vmem>>, vector<16xf32>,
        %bitcast3A_415 = vector.bitcast %get3A_414 : vector<16xf32> to vector<16xi32>
        %get3A_416 = arith.constant 12 : i32
        %get3A_417 = arith.index_cast %get3A_416 : i32 to index
        %get3A_418 = arith.index_cast %scan3A_150 : i32 to index
        %get3A_419 = arith.constant 16 : index
        %get3A_420 = tpu.vector_load %arg4[%get3A_417, %get3A_418, %get3A_419] {strides = array<i32>} : memref<26x25x32xf32, #tpu.memory_space<vmem>>, vector<16xf32>,
        %bitcast3A_421 = vector.bitcast %get3A_420 : vector<16xf32> to vector<16xi32>
        %shift_right_logical3A_422 = arith.constant 16 : i32
        %shift_right_logical3A_423 = vector.broadcast %shift_right_logical3A_422 : i32 to vector<16xi32>
        %shift_right_logical3A_424 = arith.shrui %bitcast3A_415, %shift_right_logical3A_423 : vector<16xi32>
        %and3A_425 = vector.broadcast %scan3A : i32 to vector<16xi32>
        %and3A_426 = arith.andi %bitcast3A_421, %and3A_425 : vector<16xi32>
        %or3A_427 = arith.ori %shift_right_logical3A_424, %and3A_426 : vector<16xi32>
        %bitcast3A_428 = vector.bitcast %or3A_427 : vector<16xi32> to vector<32xbf16>
        %swap3A_429 = arith.index_cast %scan3A_150 : i32 to index
        %swap3A_430 = arith.constant 384 : index
        %swap3A_431 = tpu.vector_load %arg6[%swap3A_429, %swap3A_430] {strides = array<i32>} : memref<25x832xbf16, #tpu.memory_space<vmem>>, vector<32xbf16>,
        tpu.vector_store %arg6[%swap3A_429, %swap3A_430], %bitcast3A_428 {strides = array<i32>} : memref<25x832xbf16, #tpu.memory_space<vmem>>, vector<32xbf16>,
        %get3A_432 = arith.constant 13 : i32
        %get3A_433 = arith.index_cast %get3A_432 : i32 to index
        %get3A_434 = arith.index_cast %scan3A_150 : i32 to index
        %get3A_435 = arith.constant 0 : index
        %get3A_436 = tpu.vector_load %arg4[%get3A_433, %get3A_434, %get3A_435] {strides = array<i32>} : memref<26x25x32xf32, #tpu.memory_space<vmem>>, vector<16xf32>,
        %bitcast3A_437 = vector.bitcast %get3A_436 : vector<16xf32> to vector<16xi32>
        %get3A_438 = arith.constant 13 : i32
        %get3A_439 = arith.index_cast %get3A_438 : i32 to index
        %get3A_440 = arith.index_cast %scan3A_150 : i32 to index
        %get3A_441 = arith.constant 16 : index
        %get3A_442 = tpu.vector_load %arg4[%get3A_439, %get3A_440, %get3A_441] {strides = array<i32>} : memref<26x25x32xf32, #tpu.memory_space<vmem>>, vector<16xf32>,
        %bitcast3A_443 = vector.bitcast %get3A_442 : vector<16xf32> to vector<16xi32>
        %shift_right_logical3A_444 = arith.constant 16 : i32
        %shift_right_logical3A_445 = vector.broadcast %shift_right_logical3A_444 : i32 to vector<16xi32>
        %shift_right_logical3A_446 = arith.shrui %bitcast3A_437, %shift_right_logical3A_445 : vector<16xi32>
        %and3A_447 = vector.broadcast %scan3A : i32 to vector<16xi32>
        %and3A_448 = arith.andi %bitcast3A_443, %and3A_447 : vector<16xi32>
        %or3A_449 = arith.ori %shift_right_logical3A_446, %and3A_448 : vector<16xi32>
        %bitcast3A_450 = vector.bitcast %or3A_449 : vector<16xi32> to vector<32xbf16>
        %swap3A_451 = arith.index_cast %scan3A_150 : i32 to index
        %swap3A_452 = arith.constant 416 : index
        %swap3A_453 = tpu.vector_load %arg6[%swap3A_451, %swap3A_452] {strides = array<i32>} : memref<25x832xbf16, #tpu.memory_space<vmem>>, vector<32xbf16>,
        tpu.vector_store %arg6[%swap3A_451, %swap3A_452], %bitcast3A_450 {strides = array<i32>} : memref<25x832xbf16, #tpu.memory_space<vmem>>, vector<32xbf16>,
        %get3A_454 = arith.constant 14 : i32
        %get3A_455 = arith.index_cast %get3A_454 : i32 to index
        %get3A_456 = arith.index_cast %scan3A_150 : i32 to index
        %get3A_457 = arith.constant 0 : index
        %get3A_458 = tpu.vector_load %arg4[%get3A_455, %get3A_456, %get3A_457] {strides = array<i32>} : memref<26x25x32xf32, #tpu.memory_space<vmem>>, vector<16xf32>,
        %bitcast3A_459 = vector.bitcast %get3A_458 : vector<16xf32> to vector<16xi32>
        %get3A_460 = arith.constant 14 : i32
        %get3A_461 = arith.index_cast %get3A_460 : i32 to index
        %get3A_462 = arith.index_cast %scan3A_150 : i32 to index
        %get3A_463 = arith.constant 16 : index
        %get3A_464 = tpu.vector_load %arg4[%get3A_461, %get3A_462, %get3A_463] {strides = array<i32>} : memref<26x25x32xf32, #tpu.memory_space<vmem>>, vector<16xf32>,
        %bitcast3A_465 = vector.bitcast %get3A_464 : vector<16xf32> to vector<16xi32>
        %shift_right_logical3A_466 = arith.constant 16 : i32
        %shift_right_logical3A_467 = vector.broadcast %shift_right_logical3A_466 : i32 to vector<16xi32>
        %shift_right_logical3A_468 = arith.shrui %bitcast3A_459, %shift_right_logical3A_467 : vector<16xi32>
        %and3A_469 = vector.broadcast %scan3A : i32 to vector<16xi32>
        %and3A_470 = arith.andi %bitcast3A_465, %and3A_469 : vector<16xi32>
        %or3A_471 = arith.ori %shift_right_logical3A_468, %and3A_470 : vector<16xi32>
        %bitcast3A_472 = vector.bitcast %or3A_471 : vector<16xi32> to vector<32xbf16>
        %swap3A_473 = arith.index_cast %scan3A_150 : i32 to index
        %swap3A_474 = arith.constant 448 : index
        %swap3A_475 = tpu.vector_load %arg6[%swap3A_473, %swap3A_474] {strides = array<i32>} : memref<25x832xbf16, #tpu.memory_space<vmem>>, vector<32xbf16>,
        tpu.vector_store %arg6[%swap3A_473, %swap3A_474], %bitcast3A_472 {strides = array<i32>} : memref<25x832xbf16, #tpu.memory_space<vmem>>, vector<32xbf16>,
        %get3A_476 = arith.constant 15 : i32
        %get3A_477 = arith.index_cast %get3A_476 : i32 to index
        %get3A_478 = arith.index_cast %scan3A_150 : i32 to index
        %get3A_479 = arith.constant 0 : index
        %get3A_480 = tpu.vector_load %arg4[%get3A_477, %get3A_478, %get3A_479] {strides = array<i32>} : memref<26x25x32xf32, #tpu.memory_space<vmem>>, vector<16xf32>,
        %bitcast3A_481 = vector.bitcast %get3A_480 : vector<16xf32> to vector<16xi32>
        %get3A_482 = arith.constant 15 : i32
        %get3A_483 = arith.index_cast %get3A_482 : i32 to index
        %get3A_484 = arith.index_cast %scan3A_150 : i32 to index
        %get3A_485 = arith.constant 16 : index
        %get3A_486 = tpu.vector_load %arg4[%get3A_483, %get3A_484, %get3A_485] {strides = array<i32>} : memref<26x25x32xf32, #tpu.memory_space<vmem>>, vector<16xf32>,
        %bitcast3A_487 = vector.bitcast %get3A_486 : vector<16xf32> to vector<16xi32>
        %shift_right_logical3A_488 = arith.constant 16 : i32
        %shift_right_logical3A_489 = vector.broadcast %shift_right_logical3A_488 : i32 to vector<16xi32>
        %shift_right_logical3A_490 = arith.shrui %bitcast3A_481, %shift_right_logical3A_489 : vector<16xi32>
        %and3A_491 = vector.broadcast %scan3A : i32 to vector<16xi32>
        %and3A_492 = arith.andi %bitcast3A_487, %and3A_491 : vector<16xi32>
        %or3A_493 = arith.ori %shift_right_logical3A_490, %and3A_492 : vector<16xi32>
        %bitcast3A_494 = vector.bitcast %or3A_493 : vector<16xi32> to vector<32xbf16>
        %swap3A_495 = arith.index_cast %scan3A_150 : i32 to index
        %swap3A_496 = arith.constant 480 : index
        %swap3A_497 = tpu.vector_load %arg6[%swap3A_495, %swap3A_496] {strides = array<i32>} : memref<25x832xbf16, #tpu.memory_space<vmem>>, vector<32xbf16>,
        tpu.vector_store %arg6[%swap3A_495, %swap3A_496], %bitcast3A_494 {strides = array<i32>} : memref<25x832xbf16, #tpu.memory_space<vmem>>, vector<32xbf16>,
        %get3A_498 = arith.constant 16 : i32
        %get3A_499 = arith.index_cast %get3A_498 : i32 to index
        %get3A_500 = arith.index_cast %scan3A_150 : i32 to index
        %get3A_501 = arith.constant 0 : index
        %get3A_502 = tpu.vector_load %arg4[%get3A_499, %get3A_500, %get3A_501] {strides = array<i32>} : memref<26x25x32xf32, #tpu.memory_space<vmem>>, vector<16xf32>,
        %bitcast3A_503 = vector.bitcast %get3A_502 : vector<16xf32> to vector<16xi32>
        %get3A_504 = arith.constant 16 : i32
        %get3A_505 = arith.index_cast %get3A_504 : i32 to index
        %get3A_506 = arith.index_cast %scan3A_150 : i32 to index
        %get3A_507 = arith.constant 16 : index
        %get3A_508 = tpu.vector_load %arg4[%get3A_505, %get3A_506, %get3A_507] {strides = array<i32>} : memref<26x25x32xf32, #tpu.memory_space<vmem>>, vector<16xf32>,
        %bitcast3A_509 = vector.bitcast %get3A_508 : vector<16xf32> to vector<16xi32>
        %shift_right_logical3A_510 = arith.constant 16 : i32
        %shift_right_logical3A_511 = vector.broadcast %shift_right_logical3A_510 : i32 to vector<16xi32>
        %shift_right_logical3A_512 = arith.shrui %bitcast3A_503, %shift_right_logical3A_511 : vector<16xi32>
        %and3A_513 = vector.broadcast %scan3A : i32 to vector<16xi32>
        %and3A_514 = arith.andi %bitcast3A_509, %and3A_513 : vector<16xi32>
        %or3A_515 = arith.ori %shift_right_logical3A_512, %and3A_514 : vector<16xi32>
        %bitcast3A_516 = vector.bitcast %or3A_515 : vector<16xi32> to vector<32xbf16>
        %swap3A_517 = arith.index_cast %scan3A_150 : i32 to index
        %swap3A_518 = arith.constant 512 : index
        %swap3A_519 = tpu.vector_load %arg6[%swap3A_517, %swap3A_518] {strides = array<i32>} : memref<25x832xbf16, #tpu.memory_space<vmem>>, vector<32xbf16>,
        tpu.vector_store %arg6[%swap3A_517, %swap3A_518], %bitcast3A_516 {strides = array<i32>} : memref<25x832xbf16, #tpu.memory_space<vmem>>, vector<32xbf16>,
        %get3A_520 = arith.constant 17 : i32
        %get3A_521 = arith.index_cast %get3A_520 : i32 to index
        %get3A_522 = arith.index_cast %scan3A_150 : i32 to index
        %get3A_523 = arith.constant 0 : index
        %get3A_524 = tpu.vector_load %arg4[%get3A_521, %get3A_522, %get3A_523] {strides = array<i32>} : memref<26x25x32xf32, #tpu.memory_space<vmem>>, vector<16xf32>,
        %bitcast3A_525 = vector.bitcast %get3A_524 : vector<16xf32> to vector<16xi32>
        %get3A_526 = arith.constant 17 : i32
        %get3A_527 = arith.index_cast %get3A_526 : i32 to index
        %get3A_528 = arith.index_cast %scan3A_150 : i32 to index
        %get3A_529 = arith.constant 16 : index
        %get3A_530 = tpu.vector_load %arg4[%get3A_527, %get3A_528, %get3A_529] {strides = array<i32>} : memref<26x25x32xf32, #tpu.memory_space<vmem>>, vector<16xf32>,
        %bitcast3A_531 = vector.bitcast %get3A_530 : vector<16xf32> to vector<16xi32>
        %shift_right_logical3A_532 = arith.constant 16 : i32
        %shift_right_logical3A_533 = vector.broadcast %shift_right_logical3A_532 : i32 to vector<16xi32>
        %shift_right_logical3A_534 = arith.shrui %bitcast3A_525, %shift_right_logical3A_533 : vector<16xi32>
        %and3A_535 = vector.broadcast %scan3A : i32 to vector<16xi32>
        %and3A_536 = arith.andi %bitcast3A_531, %and3A_535 : vector<16xi32>
        %or3A_537 = arith.ori %shift_right_logical3A_534, %and3A_536 : vector<16xi32>
        %bitcast3A_538 = vector.bitcast %or3A_537 : vector<16xi32> to vector<32xbf16>
        %swap3A_539 = arith.index_cast %scan3A_150 : i32 to index
        %swap3A_540 = arith.constant 544 : index
        %swap3A_541 = tpu.vector_load %arg6[%swap3A_539, %swap3A_540] {strides = array<i32>} : memref<25x832xbf16, #tpu.memory_space<vmem>>, vector<32xbf16>,
        tpu.vector_store %arg6[%swap3A_539, %swap3A_540], %bitcast3A_538 {strides = array<i32>} : memref<25x832xbf16, #tpu.memory_space<vmem>>, vector<32xbf16>,
        %get3A_542 = arith.constant 18 : i32
        %get3A_543 = arith.index_cast %get3A_542 : i32 to index
        %get3A_544 = arith.index_cast %scan3A_150 : i32 to index
        %get3A_545 = arith.constant 0 : index
        %get3A_546 = tpu.vector_load %arg4[%get3A_543, %get3A_544, %get3A_545] {strides = array<i32>} : memref<26x25x32xf32, #tpu.memory_space<vmem>>, vector<16xf32>,
        %bitcast3A_547 = vector.bitcast %get3A_546 : vector<16xf32> to vector<16xi32>
        %get3A_548 = arith.constant 18 : i32
        %get3A_549 = arith.index_cast %get3A_548 : i32 to index
        %get3A_550 = arith.index_cast %scan3A_150 : i32 to index
        %get3A_551 = arith.constant 16 : index
        %get3A_552 = tpu.vector_load %arg4[%get3A_549, %get3A_550, %get3A_551] {strides = array<i32>} : memref<26x25x32xf32, #tpu.memory_space<vmem>>, vector<16xf32>,
        %bitcast3A_553 = vector.bitcast %get3A_552 : vector<16xf32> to vector<16xi32>
        %shift_right_logical3A_554 = arith.constant 16 : i32
        %shift_right_logical3A_555 = vector.broadcast %shift_right_logical3A_554 : i32 to vector<16xi32>
        %shift_right_logical3A_556 = arith.shrui %bitcast3A_547, %shift_right_logical3A_555 : vector<16xi32>
        %and3A_557 = vector.broadcast %scan3A : i32 to vector<16xi32>
        %and3A_558 = arith.andi %bitcast3A_553, %and3A_557 : vector<16xi32>
        %or3A_559 = arith.ori %shift_right_logical3A_556, %and3A_558 : vector<16xi32>
        %bitcast3A_560 = vector.bitcast %or3A_559 : vector<16xi32> to vector<32xbf16>
        %swap3A_561 = arith.index_cast %scan3A_150 : i32 to index
        %swap3A_562 = arith.constant 576 : index
        %swap3A_563 = tpu.vector_load %arg6[%swap3A_561, %swap3A_562] {strides = array<i32>} : memref<25x832xbf16, #tpu.memory_space<vmem>>, vector<32xbf16>,
        tpu.vector_store %arg6[%swap3A_561, %swap3A_562], %bitcast3A_560 {strides = array<i32>} : memref<25x832xbf16, #tpu.memory_space<vmem>>, vector<32xbf16>,
        %get3A_564 = arith.constant 19 : i32
        %get3A_565 = arith.index_cast %get3A_564 : i32 to index
        %get3A_566 = arith.index_cast %scan3A_150 : i32 to index
        %get3A_567 = arith.constant 0 : index
        %get3A_568 = tpu.vector_load %arg4[%get3A_565, %get3A_566, %get3A_567] {strides = array<i32>} : memref<26x25x32xf32, #tpu.memory_space<vmem>>, vector<16xf32>,
        %bitcast3A_569 = vector.bitcast %get3A_568 : vector<16xf32> to vector<16xi32>
        %get3A_570 = arith.constant 19 : i32
        %get3A_571 = arith.index_cast %get3A_570 : i32 to index
        %get3A_572 = arith.index_cast %scan3A_150 : i32 to index
        %get3A_573 = arith.constant 16 : index
        %get3A_574 = tpu.vector_load %arg4[%get3A_571, %get3A_572, %get3A_573] {strides = array<i32>} : memref<26x25x32xf32, #tpu.memory_space<vmem>>, vector<16xf32>,
        %bitcast3A_575 = vector.bitcast %get3A_574 : vector<16xf32> to vector<16xi32>
        %shift_right_logical3A_576 = arith.constant 16 : i32
        %shift_right_logical3A_577 = vector.broadcast %shift_right_logical3A_576 : i32 to vector<16xi32>
        %shift_right_logical3A_578 = arith.shrui %bitcast3A_569, %shift_right_logical3A_577 : vector<16xi32>
        %and3A_579 = vector.broadcast %scan3A : i32 to vector<16xi32>
        %and3A_580 = arith.andi %bitcast3A_575, %and3A_579 : vector<16xi32>
        %or3A_581 = arith.ori %shift_right_logical3A_578, %and3A_580 : vector<16xi32>
        %bitcast3A_582 = vector.bitcast %or3A_581 : vector<16xi32> to vector<32xbf16>
        %swap3A_583 = arith.index_cast %scan3A_150 : i32 to index
        %swap3A_584 = arith.constant 608 : index
        %swap3A_585 = tpu.vector_load %arg6[%swap3A_583, %swap3A_584] {strides = array<i32>} : memref<25x832xbf16, #tpu.memory_space<vmem>>, vector<32xbf16>,
        tpu.vector_store %arg6[%swap3A_583, %swap3A_584], %bitcast3A_582 {strides = array<i32>} : memref<25x832xbf16, #tpu.memory_space<vmem>>, vector<32xbf16>,
        %get3A_586 = arith.constant 20 : i32
        %get3A_587 = arith.index_cast %get3A_586 : i32 to index
        %get3A_588 = arith.index_cast %scan3A_150 : i32 to index
        %get3A_589 = arith.constant 0 : index
        %get3A_590 = tpu.vector_load %arg4[%get3A_587, %get3A_588, %get3A_589] {strides = array<i32>} : memref<26x25x32xf32, #tpu.memory_space<vmem>>, vector<16xf32>,
        %bitcast3A_591 = vector.bitcast %get3A_590 : vector<16xf32> to vector<16xi32>
        %get3A_592 = arith.constant 20 : i32
        %get3A_593 = arith.index_cast %get3A_592 : i32 to index
        %get3A_594 = arith.index_cast %scan3A_150 : i32 to index
        %get3A_595 = arith.constant 16 : index
        %get3A_596 = tpu.vector_load %arg4[%get3A_593, %get3A_594, %get3A_595] {strides = array<i32>} : memref<26x25x32xf32, #tpu.memory_space<vmem>>, vector<16xf32>,
        %bitcast3A_597 = vector.bitcast %get3A_596 : vector<16xf32> to vector<16xi32>
        %shift_right_logical3A_598 = arith.constant 16 : i32
        %shift_right_logical3A_599 = vector.broadcast %shift_right_logical3A_598 : i32 to vector<16xi32>
        %shift_right_logical3A_600 = arith.shrui %bitcast3A_591, %shift_right_logical3A_599 : vector<16xi32>
        %and3A_601 = vector.broadcast %scan3A : i32 to vector<16xi32>
        %and3A_602 = arith.andi %bitcast3A_597, %and3A_601 : vector<16xi32>
        %or3A_603 = arith.ori %shift_right_logical3A_600, %and3A_602 : vector<16xi32>
        %bitcast3A_604 = vector.bitcast %or3A_603 : vector<16xi32> to vector<32xbf16>
        %swap3A_605 = arith.index_cast %scan3A_150 : i32 to index
        %swap3A_606 = arith.constant 640 : index
        %swap3A_607 = tpu.vector_load %arg6[%swap3A_605, %swap3A_606] {strides = array<i32>} : memref<25x832xbf16, #tpu.memory_space<vmem>>, vector<32xbf16>,
        tpu.vector_store %arg6[%swap3A_605, %swap3A_606], %bitcast3A_604 {strides = array<i32>} : memref<25x832xbf16, #tpu.memory_space<vmem>>, vector<32xbf16>,
        %get3A_608 = arith.constant 21 : i32
        %get3A_609 = arith.index_cast %get3A_608 : i32 to index
        %get3A_610 = arith.index_cast %scan3A_150 : i32 to index
        %get3A_611 = arith.constant 0 : index
        %get3A_612 = tpu.vector_load %arg4[%get3A_609, %get3A_610, %get3A_611] {strides = array<i32>} : memref<26x25x32xf32, #tpu.memory_space<vmem>>, vector<16xf32>,
        %bitcast3A_613 = vector.bitcast %get3A_612 : vector<16xf32> to vector<16xi32>
        %get3A_614 = arith.constant 21 : i32
        %get3A_615 = arith.index_cast %get3A_614 : i32 to index
        %get3A_616 = arith.index_cast %scan3A_150 : i32 to index
        %get3A_617 = arith.constant 16 : index
        %get3A_618 = tpu.vector_load %arg4[%get3A_615, %get3A_616, %get3A_617] {strides = array<i32>} : memref<26x25x32xf32, #tpu.memory_space<vmem>>, vector<16xf32>,
        %bitcast3A_619 = vector.bitcast %get3A_618 : vector<16xf32> to vector<16xi32>
        %shift_right_logical3A_620 = arith.constant 16 : i32
        %shift_right_logical3A_621 = vector.broadcast %shift_right_logical3A_620 : i32 to vector<16xi32>
        %shift_right_logical3A_622 = arith.shrui %bitcast3A_613, %shift_right_logical3A_621 : vector<16xi32>
        %and3A_623 = vector.broadcast %scan3A : i32 to vector<16xi32>
        %and3A_624 = arith.andi %bitcast3A_619, %and3A_623 : vector<16xi32>
        %or3A_625 = arith.ori %shift_right_logical3A_622, %and3A_624 : vector<16xi32>
        %bitcast3A_626 = vector.bitcast %or3A_625 : vector<16xi32> to vector<32xbf16>
        %swap3A_627 = arith.index_cast %scan3A_150 : i32 to index
        %swap3A_628 = arith.constant 672 : index
        %swap3A_629 = tpu.vector_load %arg6[%swap3A_627, %swap3A_628] {strides = array<i32>} : memref<25x832xbf16, #tpu.memory_space<vmem>>, vector<32xbf16>,
        tpu.vector_store %arg6[%swap3A_627, %swap3A_628], %bitcast3A_626 {strides = array<i32>} : memref<25x832xbf16, #tpu.memory_space<vmem>>, vector<32xbf16>,
        %get3A_630 = arith.constant 22 : i32
        %get3A_631 = arith.index_cast %get3A_630 : i32 to index
        %get3A_632 = arith.index_cast %scan3A_150 : i32 to index
        %get3A_633 = arith.constant 0 : index
        %get3A_634 = tpu.vector_load %arg4[%get3A_631, %get3A_632, %get3A_633] {strides = array<i32>} : memref<26x25x32xf32, #tpu.memory_space<vmem>>, vector<16xf32>,
        %bitcast3A_635 = vector.bitcast %get3A_634 : vector<16xf32> to vector<16xi32>
        %get3A_636 = arith.constant 22 : i32
        %get3A_637 = arith.index_cast %get3A_636 : i32 to index
        %get3A_638 = arith.index_cast %scan3A_150 : i32 to index
        %get3A_639 = arith.constant 16 : index
        %get3A_640 = tpu.vector_load %arg4[%get3A_637, %get3A_638, %get3A_639] {strides = array<i32>} : memref<26x25x32xf32, #tpu.memory_space<vmem>>, vector<16xf32>,
        %bitcast3A_641 = vector.bitcast %get3A_640 : vector<16xf32> to vector<16xi32>
        %shift_right_logical3A_642 = arith.constant 16 : i32
        %shift_right_logical3A_643 = vector.broadcast %shift_right_logical3A_642 : i32 to vector<16xi32>
        %shift_right_logical3A_644 = arith.shrui %bitcast3A_635, %shift_right_logical3A_643 : vector<16xi32>
        %and3A_645 = vector.broadcast %scan3A : i32 to vector<16xi32>
        %and3A_646 = arith.andi %bitcast3A_641, %and3A_645 : vector<16xi32>
        %or3A_647 = arith.ori %shift_right_logical3A_644, %and3A_646 : vector<16xi32>
        %bitcast3A_648 = vector.bitcast %or3A_647 : vector<16xi32> to vector<32xbf16>
        %swap3A_649 = arith.index_cast %scan3A_150 : i32 to index
        %swap3A_650 = arith.constant 704 : index
        %swap3A_651 = tpu.vector_load %arg6[%swap3A_649, %swap3A_650] {strides = array<i32>} : memref<25x832xbf16, #tpu.memory_space<vmem>>, vector<32xbf16>,
        tpu.vector_store %arg6[%swap3A_649, %swap3A_650], %bitcast3A_648 {strides = array<i32>} : memref<25x832xbf16, #tpu.memory_space<vmem>>, vector<32xbf16>,
        %get3A_652 = arith.constant 23 : i32
        %get3A_653 = arith.index_cast %get3A_652 : i32 to index
        %get3A_654 = arith.index_cast %scan3A_150 : i32 to index
        %get3A_655 = arith.constant 0 : index
        %get3A_656 = tpu.vector_load %arg4[%get3A_653, %get3A_654, %get3A_655] {strides = array<i32>} : memref<26x25x32xf32, #tpu.memory_space<vmem>>, vector<16xf32>,
        %bitcast3A_657 = vector.bitcast %get3A_656 : vector<16xf32> to vector<16xi32>
        %get3A_658 = arith.constant 23 : i32
        %get3A_659 = arith.index_cast %get3A_658 : i32 to index
        %get3A_660 = arith.index_cast %scan3A_150 : i32 to index
        %get3A_661 = arith.constant 16 : index
        %get3A_662 = tpu.vector_load %arg4[%get3A_659, %get3A_660, %get3A_661] {strides = array<i32>} : memref<26x25x32xf32, #tpu.memory_space<vmem>>, vector<16xf32>,
        %bitcast3A_663 = vector.bitcast %get3A_662 : vector<16xf32> to vector<16xi32>
        %shift_right_logical3A_664 = arith.constant 16 : i32
        %shift_right_logical3A_665 = vector.broadcast %shift_right_logical3A_664 : i32 to vector<16xi32>
        %shift_right_logical3A_666 = arith.shrui %bitcast3A_657, %shift_right_logical3A_665 : vector<16xi32>
        %and3A_667 = vector.broadcast %scan3A : i32 to vector<16xi32>
        %and3A_668 = arith.andi %bitcast3A_663, %and3A_667 : vector<16xi32>
        %or3A_669 = arith.ori %shift_right_logical3A_666, %and3A_668 : vector<16xi32>
        %bitcast3A_670 = vector.bitcast %or3A_669 : vector<16xi32> to vector<32xbf16>
        %swap3A_671 = arith.index_cast %scan3A_150 : i32 to index
        %swap3A_672 = arith.constant 736 : index
        %swap3A_673 = tpu.vector_load %arg6[%swap3A_671, %swap3A_672] {strides = array<i32>} : memref<25x832xbf16, #tpu.memory_space<vmem>>, vector<32xbf16>,
        tpu.vector_store %arg6[%swap3A_671, %swap3A_672], %bitcast3A_670 {strides = array<i32>} : memref<25x832xbf16, #tpu.memory_space<vmem>>, vector<32xbf16>,
        %get3A_674 = arith.constant 24 : i32
        %get3A_675 = arith.index_cast %get3A_674 : i32 to index
        %get3A_676 = arith.index_cast %scan3A_150 : i32 to index
        %get3A_677 = arith.constant 0 : index
        %get3A_678 = tpu.vector_load %arg4[%get3A_675, %get3A_676, %get3A_677] {strides = array<i32>} : memref<26x25x32xf32, #tpu.memory_space<vmem>>, vector<16xf32>,
        %bitcast3A_679 = vector.bitcast %get3A_678 : vector<16xf32> to vector<16xi32>
        %get3A_680 = arith.constant 24 : i32
        %get3A_681 = arith.index_cast %get3A_680 : i32 to index
        %get3A_682 = arith.index_cast %scan3A_150 : i32 to index
        %get3A_683 = arith.constant 16 : index
        %get3A_684 = tpu.vector_load %arg4[%get3A_681, %get3A_682, %get3A_683] {strides = array<i32>} : memref<26x25x32xf32, #tpu.memory_space<vmem>>, vector<16xf32>,
        %bitcast3A_685 = vector.bitcast %get3A_684 : vector<16xf32> to vector<16xi32>
        %shift_right_logical3A_686 = arith.constant 16 : i32
        %shift_right_logical3A_687 = vector.broadcast %shift_right_logical3A_686 : i32 to vector<16xi32>
        %shift_right_logical3A_688 = arith.shrui %bitcast3A_679, %shift_right_logical3A_687 : vector<16xi32>
        %and3A_689 = vector.broadcast %scan3A : i32 to vector<16xi32>
        %and3A_690 = arith.andi %bitcast3A_685, %and3A_689 : vector<16xi32>
        %or3A_691 = arith.ori %shift_right_logical3A_688, %and3A_690 : vector<16xi32>
        %bitcast3A_692 = vector.bitcast %or3A_691 : vector<16xi32> to vector<32xbf16>
        %swap3A_693 = arith.index_cast %scan3A_150 : i32 to index
        %swap3A_694 = arith.constant 768 : index
        %swap3A_695 = tpu.vector_load %arg6[%swap3A_693, %swap3A_694] {strides = array<i32>} : memref<25x832xbf16, #tpu.memory_space<vmem>>, vector<32xbf16>,
        tpu.vector_store %arg6[%swap3A_693, %swap3A_694], %bitcast3A_692 {strides = array<i32>} : memref<25x832xbf16, #tpu.memory_space<vmem>>, vector<32xbf16>,
        %get3A_696 = arith.constant 25 : i32
        %get3A_697 = arith.index_cast %get3A_696 : i32 to index
        %get3A_698 = arith.index_cast %scan3A_150 : i32 to index
        %get3A_699 = arith.constant 0 : index
        %get3A_700 = tpu.vector_load %arg4[%get3A_697, %get3A_698, %get3A_699] {strides = array<i32>} : memref<26x25x32xf32, #tpu.memory_space<vmem>>, vector<16xf32>,
        %bitcast3A_701 = vector.bitcast %get3A_700 : vector<16xf32> to vector<16xi32>
        %get3A_702 = arith.constant 25 : i32
        %get3A_703 = arith.index_cast %get3A_702 : i32 to index
        %get3A_704 = arith.index_cast %scan3A_150 : i32 to index
        %get3A_705 = arith.constant 16 : index
        %get3A_706 = tpu.vector_load %arg4[%get3A_703, %get3A_704, %get3A_705] {strides = array<i32>} : memref<26x25x32xf32, #tpu.memory_space<vmem>>, vector<16xf32>,
        %bitcast3A_707 = vector.bitcast %get3A_706 : vector<16xf32> to vector<16xi32>
        %shift_right_logical3A_708 = arith.constant 16 : i32
        %shift_right_logical3A_709 = vector.broadcast %shift_right_logical3A_708 : i32 to vector<16xi32>
        %shift_right_logical3A_710 = arith.shrui %bitcast3A_701, %shift_right_logical3A_709 : vector<16xi32>
        %and3A_711 = vector.broadcast %scan3A : i32 to vector<16xi32>
        %and3A_712 = arith.andi %bitcast3A_707, %and3A_711 : vector<16xi32>
        %or3A_713 = arith.ori %shift_right_logical3A_710, %and3A_712 : vector<16xi32>
        %bitcast3A_714 = vector.bitcast %or3A_713 : vector<16xi32> to vector<32xbf16>
        %swap3A_715 = arith.index_cast %scan3A_150 : i32 to index
        %swap3A_716 = arith.constant 800 : index
        %swap3A_717 = tpu.vector_load %arg6[%swap3A_715, %swap3A_716] {strides = array<i32>} : memref<25x832xbf16, #tpu.memory_space<vmem>>, vector<32xbf16>,
        tpu.vector_store %arg6[%swap3A_715, %swap3A_716], %bitcast3A_714 {strides = array<i32>} : memref<25x832xbf16, #tpu.memory_space<vmem>>, vector<32xbf16>,
        %scan3A_718 = arith.constant 0 : i32
        scf.yield %scan3A_718 : i32
      }
      %scan3A_102 = arith.constant 25 : i32
      %mul3A_103 = arith.constant 25 : i32
      %mul3A_104 = arith.muli %mul3A_79, %mul3A_103 : i32
      %add3A_105 = arith.addi %mul3A_2, %mul3A_104 : i32
      %dma_start3A_106 = arith.constant 0 : i32
      %dma_start3A_107 = tpu.memref_slice %arg3[%add3A_105, %dma_start3A_106] : memref<100000x832xbf16, #tpu.memory_space<hbm>> -> memref<25x832xbf16, #tpu.memory_space<hbm>>
      %dma_start3A_108 = arith.constant 0 : i32
      %dma_start3A_109 = tpu.memref_slice %arg3[%add3A_105, %dma_start3A_108] : memref<100000x832xbf16, #tpu.memory_space<hbm>> -> memref<25x832xbf16, #tpu.memory_space<hbm>>
      tpu.enqueue_dma source(%arg6 : memref<25x832xbf16, #tpu.memory_space<vmem>>) target(%dma_start3A_109 : memref<25x832xbf16, #tpu.memory_space<hbm>>) target_semaphore(%arg10 : memref<!tpu.dma_semaphore, #tpu.memory_space<semaphore_mem>>)
      %add3A_110 = arith.constant 2 : i32
      %add3A_111 = arith.addi %mul3A_79, %add3A_110 : i32
      %lt3A = arith.constant 125 : i32
      %lt3A_112 = arith.cmpi slt, %add3A_111, %lt3A : i32
      %convert_element_type3A = arith.extui %lt3A_112 : i1 to i32
      %cond3A = arith.constant 0 : i32
      %cond3A_113 = arith.cmpi ne, %convert_element_type3A, %cond3A : i32
      scf.if %cond3A_113 {
        %add3A_150 = arith.constant 2 : i32
        %add3A_151 = arith.addi %mul3A_79, %add3A_150 : i32
        %mul3A_152 = arith.constant 25 : i32
        %mul3A_153 = arith.muli %add3A_151, %mul3A_152 : i32
        %add3A_154 = arith.addi %mul3A_2, %mul3A_153 : i32
        %dma_start3A_155 = arith.constant 0 : i32
        %dma_start3A_156 = arith.constant 0 : i32
        %dma_start3A_157 = tpu.memref_slice %arg2[%dma_start3A_155, %add3A_154, %dma_start3A_156] : memref<26x100000x32xf32, #tpu.memory_space<hbm>> -> memref<26x25x32xf32, #tpu.memory_space<hbm>>
        %dma_start3A_158 = arith.constant 0 : i32
        %dma_start3A_159 = arith.constant 0 : i32
        %dma_start3A_160 = tpu.memref_slice %arg2[%dma_start3A_158, %add3A_154, %dma_start3A_159] : memref<26x100000x32xf32, #tpu.memory_space<hbm>> -> memref<26x25x32xf32, #tpu.memory_space<hbm>>
        tpu.enqueue_dma source(%dma_start3A_160 : memref<26x25x32xf32, #tpu.memory_space<hbm>>) target(%arg4 : memref<26x25x32xf32, #tpu.memory_space<vmem>>) target_semaphore(%arg8 : memref<!tpu.dma_semaphore, #tpu.memory_space<semaphore_mem>>)
      } else {
      }
      %dma_wait3A_114 = arith.constant 0 : i32
      %dma_wait3A_115 = arith.constant 0 : i32
      %dma_wait3A_116 = arith.constant 0 : i32
      %dma_wait3A_117 = tpu.memref_slice %arg2[%dma_wait3A_114, %dma_wait3A_115, %dma_wait3A_116] : memref<26x100000x32xf32, #tpu.memory_space<hbm>> -> memref<26x25x32xf32, #tpu.memory_space<hbm>>
      %dma_wait3A_118 = arith.constant 0 : i32
      %dma_wait3A_119 = arith.constant 0 : i32
      %dma_wait3A_120 = arith.constant 0 : i32
      %dma_wait3A_121 = tpu.memref_slice %arg2[%dma_wait3A_118, %dma_wait3A_119, %dma_wait3A_120] : memref<26x100000x32xf32, #tpu.memory_space<hbm>> -> memref<26x25x32xf32, #tpu.memory_space<hbm>>
      tpu.wait_dma2 semaphore(%arg9 : memref<!tpu.dma_semaphore, #tpu.memory_space<semaphore_mem>>) src(%dma_wait3A_121 : memref<26x25x32xf32, #tpu.memory_space<hbm>>) dst(%arg5 : memref<26x25x32xf32, #tpu.memory_space<vmem>>)
      %dma_wait3A_122 = arith.constant 0 : i32
      %dma_wait3A_123 = arith.constant 0 : i32
      %dma_wait3A_124 = tpu.memref_slice %arg3[%dma_wait3A_122, %dma_wait3A_123] : memref<100000x832xbf16, #tpu.memory_space<hbm>> -> memref<25x832xbf16, #tpu.memory_space<hbm>>
      %dma_wait3A_125 = arith.constant 0 : i32
      %dma_wait3A_126 = arith.constant 0 : i32
      %dma_wait3A_127 = tpu.memref_slice %arg3[%dma_wait3A_125, %dma_wait3A_126] : memref<100000x832xbf16, #tpu.memory_space<hbm>> -> memref<25x832xbf16, #tpu.memory_space<hbm>>
      tpu.wait_dma2 semaphore(%arg11 : memref<!tpu.dma_semaphore, #tpu.memory_space<semaphore_mem>>) src(%arg7 : memref<25x832xbf16, #tpu.memory_space<vmem>>) dst(%dma_wait3A_127 : memref<25x832xbf16, #tpu.memory_space<hbm>>)
      %scan3A_128 = arith.constant 0 : i32
      %scan3A_129 = arith.constant 0 : i32
      %scan3A_130 = arith.constant 25 : i32
      %scan3A_131 = arith.addi %scan3A_129, %scan3A_130 : i32
      %scan3A_132 = arith.constant 1 : i32
      %scan3A_133 = scf.for %scan3A_150 = %scan3A_129 to %scan3A_131 step %scan3A_132 iter_args(%scan3A_151 = %scan3A_128) -> (i32)  : i32 {
        %get3A = arith.constant 0 : i32
        %get3A_152 = arith.index_cast %get3A : i32 to index
        %get3A_153 = arith.index_cast %scan3A_150 : i32 to index
        %get3A_154 = arith.constant 0 : index
        %get3A_155 = tpu.vector_load %arg5[%get3A_152, %get3A_153, %get3A_154] {strides = array<i32>} : memref<26x25x32xf32, #tpu.memory_space<vmem>>, vector<16xf32>,
        %bitcast3A = vector.bitcast %get3A_155 : vector<16xf32> to vector<16xi32>
        %get3A_156 = arith.constant 0 : i32
        %get3A_157 = arith.index_cast %get3A_156 : i32 to index
        %get3A_158 = arith.index_cast %scan3A_150 : i32 to index
        %get3A_159 = arith.constant 16 : index
        %get3A_160 = tpu.vector_load %arg5[%get3A_157, %get3A_158, %get3A_159] {strides = array<i32>} : memref<26x25x32xf32, #tpu.memory_space<vmem>>, vector<16xf32>,
        %bitcast3A_161 = vector.bitcast %get3A_160 : vector<16xf32> to vector<16xi32>
        %shift_right_logical3A = arith.constant 16 : i32
        %shift_right_logical3A_162 = vector.broadcast %shift_right_logical3A : i32 to vector<16xi32>
        %shift_right_logical3A_163 = arith.shrui %bitcast3A, %shift_right_logical3A_162 : vector<16xi32>
        %and3A = vector.broadcast %scan3A : i32 to vector<16xi32>
        %and3A_164 = arith.andi %bitcast3A_161, %and3A : vector<16xi32>
        %or3A = arith.ori %shift_right_logical3A_163, %and3A_164 : vector<16xi32>
        %bitcast3A_165 = vector.bitcast %or3A : vector<16xi32> to vector<32xbf16>
        %swap3A = arith.index_cast %scan3A_150 : i32 to index
        %swap3A_166 = arith.constant 0 : index
        %swap3A_167 = tpu.vector_load %arg7[%swap3A, %swap3A_166] {strides = array<i32>} : memref<25x832xbf16, #tpu.memory_space<vmem>>, vector<32xbf16>,
        tpu.vector_store %arg7[%swap3A, %swap3A_166], %bitcast3A_165 {strides = array<i32>} : memref<25x832xbf16, #tpu.memory_space<vmem>>, vector<32xbf16>,
        %get3A_168 = arith.constant 1 : i32
        %get3A_169 = arith.index_cast %get3A_168 : i32 to index
        %get3A_170 = arith.index_cast %scan3A_150 : i32 to index
        %get3A_171 = arith.constant 0 : index
        %get3A_172 = tpu.vector_load %arg5[%get3A_169, %get3A_170, %get3A_171] {strides = array<i32>} : memref<26x25x32xf32, #tpu.memory_space<vmem>>, vector<16xf32>,
        %bitcast3A_173 = vector.bitcast %get3A_172 : vector<16xf32> to vector<16xi32>
        %get3A_174 = arith.constant 1 : i32
        %get3A_175 = arith.index_cast %get3A_174 : i32 to index
        %get3A_176 = arith.index_cast %scan3A_150 : i32 to index
        %get3A_177 = arith.constant 16 : index
        %get3A_178 = tpu.vector_load %arg5[%get3A_175, %get3A_176, %get3A_177] {strides = array<i32>} : memref<26x25x32xf32, #tpu.memory_space<vmem>>, vector<16xf32>,
        %bitcast3A_179 = vector.bitcast %get3A_178 : vector<16xf32> to vector<16xi32>
        %shift_right_logical3A_180 = arith.constant 16 : i32
        %shift_right_logical3A_181 = vector.broadcast %shift_right_logical3A_180 : i32 to vector<16xi32>
        %shift_right_logical3A_182 = arith.shrui %bitcast3A_173, %shift_right_logical3A_181 : vector<16xi32>
        %and3A_183 = vector.broadcast %scan3A : i32 to vector<16xi32>
        %and3A_184 = arith.andi %bitcast3A_179, %and3A_183 : vector<16xi32>
        %or3A_185 = arith.ori %shift_right_logical3A_182, %and3A_184 : vector<16xi32>
        %bitcast3A_186 = vector.bitcast %or3A_185 : vector<16xi32> to vector<32xbf16>
        %swap3A_187 = arith.index_cast %scan3A_150 : i32 to index
        %swap3A_188 = arith.constant 32 : index
        %swap3A_189 = tpu.vector_load %arg7[%swap3A_187, %swap3A_188] {strides = array<i32>} : memref<25x832xbf16, #tpu.memory_space<vmem>>, vector<32xbf16>,
        tpu.vector_store %arg7[%swap3A_187, %swap3A_188], %bitcast3A_186 {strides = array<i32>} : memref<25x832xbf16, #tpu.memory_space<vmem>>, vector<32xbf16>,
        %get3A_190 = arith.constant 2 : i32
        %get3A_191 = arith.index_cast %get3A_190 : i32 to index
        %get3A_192 = arith.index_cast %scan3A_150 : i32 to index
        %get3A_193 = arith.constant 0 : index
        %get3A_194 = tpu.vector_load %arg5[%get3A_191, %get3A_192, %get3A_193] {strides = array<i32>} : memref<26x25x32xf32, #tpu.memory_space<vmem>>, vector<16xf32>,
        %bitcast3A_195 = vector.bitcast %get3A_194 : vector<16xf32> to vector<16xi32>
        %get3A_196 = arith.constant 2 : i32
        %get3A_197 = arith.index_cast %get3A_196 : i32 to index
        %get3A_198 = arith.index_cast %scan3A_150 : i32 to index
        %get3A_199 = arith.constant 16 : index
        %get3A_200 = tpu.vector_load %arg5[%get3A_197, %get3A_198, %get3A_199] {strides = array<i32>} : memref<26x25x32xf32, #tpu.memory_space<vmem>>, vector<16xf32>,
        %bitcast3A_201 = vector.bitcast %get3A_200 : vector<16xf32> to vector<16xi32>
        %shift_right_logical3A_202 = arith.constant 16 : i32
        %shift_right_logical3A_203 = vector.broadcast %shift_right_logical3A_202 : i32 to vector<16xi32>
        %shift_right_logical3A_204 = arith.shrui %bitcast3A_195, %shift_right_logical3A_203 : vector<16xi32>
        %and3A_205 = vector.broadcast %scan3A : i32 to vector<16xi32>
        %and3A_206 = arith.andi %bitcast3A_201, %and3A_205 : vector<16xi32>
        %or3A_207 = arith.ori %shift_right_logical3A_204, %and3A_206 : vector<16xi32>
        %bitcast3A_208 = vector.bitcast %or3A_207 : vector<16xi32> to vector<32xbf16>
        %swap3A_209 = arith.index_cast %scan3A_150 : i32 to index
        %swap3A_210 = arith.constant 64 : index
        %swap3A_211 = tpu.vector_load %arg7[%swap3A_209, %swap3A_210] {strides = array<i32>} : memref<25x832xbf16, #tpu.memory_space<vmem>>, vector<32xbf16>,
        tpu.vector_store %arg7[%swap3A_209, %swap3A_210], %bitcast3A_208 {strides = array<i32>} : memref<25x832xbf16, #tpu.memory_space<vmem>>, vector<32xbf16>,
        %get3A_212 = arith.constant 3 : i32
        %get3A_213 = arith.index_cast %get3A_212 : i32 to index
        %get3A_214 = arith.index_cast %scan3A_150 : i32 to index
        %get3A_215 = arith.constant 0 : index
        %get3A_216 = tpu.vector_load %arg5[%get3A_213, %get3A_214, %get3A_215] {strides = array<i32>} : memref<26x25x32xf32, #tpu.memory_space<vmem>>, vector<16xf32>,
        %bitcast3A_217 = vector.bitcast %get3A_216 : vector<16xf32> to vector<16xi32>
        %get3A_218 = arith.constant 3 : i32
        %get3A_219 = arith.index_cast %get3A_218 : i32 to index
        %get3A_220 = arith.index_cast %scan3A_150 : i32 to index
        %get3A_221 = arith.constant 16 : index
        %get3A_222 = tpu.vector_load %arg5[%get3A_219, %get3A_220, %get3A_221] {strides = array<i32>} : memref<26x25x32xf32, #tpu.memory_space<vmem>>, vector<16xf32>,
        %bitcast3A_223 = vector.bitcast %get3A_222 : vector<16xf32> to vector<16xi32>
        %shift_right_logical3A_224 = arith.constant 16 : i32
        %shift_right_logical3A_225 = vector.broadcast %shift_right_logical3A_224 : i32 to vector<16xi32>
        %shift_right_logical3A_226 = arith.shrui %bitcast3A_217, %shift_right_logical3A_225 : vector<16xi32>
        %and3A_227 = vector.broadcast %scan3A : i32 to vector<16xi32>
        %and3A_228 = arith.andi %bitcast3A_223, %and3A_227 : vector<16xi32>
        %or3A_229 = arith.ori %shift_right_logical3A_226, %and3A_228 : vector<16xi32>
        %bitcast3A_230 = vector.bitcast %or3A_229 : vector<16xi32> to vector<32xbf16>
        %swap3A_231 = arith.index_cast %scan3A_150 : i32 to index
        %swap3A_232 = arith.constant 96 : index
        %swap3A_233 = tpu.vector_load %arg7[%swap3A_231, %swap3A_232] {strides = array<i32>} : memref<25x832xbf16, #tpu.memory_space<vmem>>, vector<32xbf16>,
        tpu.vector_store %arg7[%swap3A_231, %swap3A_232], %bitcast3A_230 {strides = array<i32>} : memref<25x832xbf16, #tpu.memory_space<vmem>>, vector<32xbf16>,
        %get3A_234 = arith.constant 4 : i32
        %get3A_235 = arith.index_cast %get3A_234 : i32 to index
        %get3A_236 = arith.index_cast %scan3A_150 : i32 to index
        %get3A_237 = arith.constant 0 : index
        %get3A_238 = tpu.vector_load %arg5[%get3A_235, %get3A_236, %get3A_237] {strides = array<i32>} : memref<26x25x32xf32, #tpu.memory_space<vmem>>, vector<16xf32>,
        %bitcast3A_239 = vector.bitcast %get3A_238 : vector<16xf32> to vector<16xi32>
        %get3A_240 = arith.constant 4 : i32
        %get3A_241 = arith.index_cast %get3A_240 : i32 to index
        %get3A_242 = arith.index_cast %scan3A_150 : i32 to index
        %get3A_243 = arith.constant 16 : index
        %get3A_244 = tpu.vector_load %arg5[%get3A_241, %get3A_242, %get3A_243] {strides = array<i32>} : memref<26x25x32xf32, #tpu.memory_space<vmem>>, vector<16xf32>,
        %bitcast3A_245 = vector.bitcast %get3A_244 : vector<16xf32> to vector<16xi32>
        %shift_right_logical3A_246 = arith.constant 16 : i32
        %shift_right_logical3A_247 = vector.broadcast %shift_right_logical3A_246 : i32 to vector<16xi32>
        %shift_right_logical3A_248 = arith.shrui %bitcast3A_239, %shift_right_logical3A_247 : vector<16xi32>
        %and3A_249 = vector.broadcast %scan3A : i32 to vector<16xi32>
        %and3A_250 = arith.andi %bitcast3A_245, %and3A_249 : vector<16xi32>
        %or3A_251 = arith.ori %shift_right_logical3A_248, %and3A_250 : vector<16xi32>
        %bitcast3A_252 = vector.bitcast %or3A_251 : vector<16xi32> to vector<32xbf16>
        %swap3A_253 = arith.index_cast %scan3A_150 : i32 to index
        %swap3A_254 = arith.constant 128 : index
        %swap3A_255 = tpu.vector_load %arg7[%swap3A_253, %swap3A_254] {strides = array<i32>} : memref<25x832xbf16, #tpu.memory_space<vmem>>, vector<32xbf16>,
        tpu.vector_store %arg7[%swap3A_253, %swap3A_254], %bitcast3A_252 {strides = array<i32>} : memref<25x832xbf16, #tpu.memory_space<vmem>>, vector<32xbf16>,
        %get3A_256 = arith.constant 5 : i32
        %get3A_257 = arith.index_cast %get3A_256 : i32 to index
        %get3A_258 = arith.index_cast %scan3A_150 : i32 to index
        %get3A_259 = arith.constant 0 : index
        %get3A_260 = tpu.vector_load %arg5[%get3A_257, %get3A_258, %get3A_259] {strides = array<i32>} : memref<26x25x32xf32, #tpu.memory_space<vmem>>, vector<16xf32>,
        %bitcast3A_261 = vector.bitcast %get3A_260 : vector<16xf32> to vector<16xi32>
        %get3A_262 = arith.constant 5 : i32
        %get3A_263 = arith.index_cast %get3A_262 : i32 to index
        %get3A_264 = arith.index_cast %scan3A_150 : i32 to index
        %get3A_265 = arith.constant 16 : index
        %get3A_266 = tpu.vector_load %arg5[%get3A_263, %get3A_264, %get3A_265] {strides = array<i32>} : memref<26x25x32xf32, #tpu.memory_space<vmem>>, vector<16xf32>,
        %bitcast3A_267 = vector.bitcast %get3A_266 : vector<16xf32> to vector<16xi32>
        %shift_right_logical3A_268 = arith.constant 16 : i32
        %shift_right_logical3A_269 = vector.broadcast %shift_right_logical3A_268 : i32 to vector<16xi32>
        %shift_right_logical3A_270 = arith.shrui %bitcast3A_261, %shift_right_logical3A_269 : vector<16xi32>
        %and3A_271 = vector.broadcast %scan3A : i32 to vector<16xi32>
        %and3A_272 = arith.andi %bitcast3A_267, %and3A_271 : vector<16xi32>
        %or3A_273 = arith.ori %shift_right_logical3A_270, %and3A_272 : vector<16xi32>
        %bitcast3A_274 = vector.bitcast %or3A_273 : vector<16xi32> to vector<32xbf16>
        %swap3A_275 = arith.index_cast %scan3A_150 : i32 to index
        %swap3A_276 = arith.constant 160 : index
        %swap3A_277 = tpu.vector_load %arg7[%swap3A_275, %swap3A_276] {strides = array<i32>} : memref<25x832xbf16, #tpu.memory_space<vmem>>, vector<32xbf16>,
        tpu.vector_store %arg7[%swap3A_275, %swap3A_276], %bitcast3A_274 {strides = array<i32>} : memref<25x832xbf16, #tpu.memory_space<vmem>>, vector<32xbf16>,
        %get3A_278 = arith.constant 6 : i32
        %get3A_279 = arith.index_cast %get3A_278 : i32 to index
        %get3A_280 = arith.index_cast %scan3A_150 : i32 to index
        %get3A_281 = arith.constant 0 : index
        %get3A_282 = tpu.vector_load %arg5[%get3A_279, %get3A_280, %get3A_281] {strides = array<i32>} : memref<26x25x32xf32, #tpu.memory_space<vmem>>, vector<16xf32>,
        %bitcast3A_283 = vector.bitcast %get3A_282 : vector<16xf32> to vector<16xi32>
        %get3A_284 = arith.constant 6 : i32
        %get3A_285 = arith.index_cast %get3A_284 : i32 to index
        %get3A_286 = arith.index_cast %scan3A_150 : i32 to index
        %get3A_287 = arith.constant 16 : index
        %get3A_288 = tpu.vector_load %arg5[%get3A_285, %get3A_286, %get3A_287] {strides = array<i32>} : memref<26x25x32xf32, #tpu.memory_space<vmem>>, vector<16xf32>,
        %bitcast3A_289 = vector.bitcast %get3A_288 : vector<16xf32> to vector<16xi32>
        %shift_right_logical3A_290 = arith.constant 16 : i32
        %shift_right_logical3A_291 = vector.broadcast %shift_right_logical3A_290 : i32 to vector<16xi32>
        %shift_right_logical3A_292 = arith.shrui %bitcast3A_283, %shift_right_logical3A_291 : vector<16xi32>
        %and3A_293 = vector.broadcast %scan3A : i32 to vector<16xi32>
        %and3A_294 = arith.andi %bitcast3A_289, %and3A_293 : vector<16xi32>
        %or3A_295 = arith.ori %shift_right_logical3A_292, %and3A_294 : vector<16xi32>
        %bitcast3A_296 = vector.bitcast %or3A_295 : vector<16xi32> to vector<32xbf16>
        %swap3A_297 = arith.index_cast %scan3A_150 : i32 to index
        %swap3A_298 = arith.constant 192 : index
        %swap3A_299 = tpu.vector_load %arg7[%swap3A_297, %swap3A_298] {strides = array<i32>} : memref<25x832xbf16, #tpu.memory_space<vmem>>, vector<32xbf16>,
        tpu.vector_store %arg7[%swap3A_297, %swap3A_298], %bitcast3A_296 {strides = array<i32>} : memref<25x832xbf16, #tpu.memory_space<vmem>>, vector<32xbf16>,
        %get3A_300 = arith.constant 7 : i32
        %get3A_301 = arith.index_cast %get3A_300 : i32 to index
        %get3A_302 = arith.index_cast %scan3A_150 : i32 to index
        %get3A_303 = arith.constant 0 : index
        %get3A_304 = tpu.vector_load %arg5[%get3A_301, %get3A_302, %get3A_303] {strides = array<i32>} : memref<26x25x32xf32, #tpu.memory_space<vmem>>, vector<16xf32>,
        %bitcast3A_305 = vector.bitcast %get3A_304 : vector<16xf32> to vector<16xi32>
        %get3A_306 = arith.constant 7 : i32
        %get3A_307 = arith.index_cast %get3A_306 : i32 to index
        %get3A_308 = arith.index_cast %scan3A_150 : i32 to index
        %get3A_309 = arith.constant 16 : index
        %get3A_310 = tpu.vector_load %arg5[%get3A_307, %get3A_308, %get3A_309] {strides = array<i32>} : memref<26x25x32xf32, #tpu.memory_space<vmem>>, vector<16xf32>,
        %bitcast3A_311 = vector.bitcast %get3A_310 : vector<16xf32> to vector<16xi32>
        %shift_right_logical3A_312 = arith.constant 16 : i32
        %shift_right_logical3A_313 = vector.broadcast %shift_right_logical3A_312 : i32 to vector<16xi32>
        %shift_right_logical3A_314 = arith.shrui %bitcast3A_305, %shift_right_logical3A_313 : vector<16xi32>
        %and3A_315 = vector.broadcast %scan3A : i32 to vector<16xi32>
        %and3A_316 = arith.andi %bitcast3A_311, %and3A_315 : vector<16xi32>
        %or3A_317 = arith.ori %shift_right_logical3A_314, %and3A_316 : vector<16xi32>
        %bitcast3A_318 = vector.bitcast %or3A_317 : vector<16xi32> to vector<32xbf16>
        %swap3A_319 = arith.index_cast %scan3A_150 : i32 to index
        %swap3A_320 = arith.constant 224 : index
        %swap3A_321 = tpu.vector_load %arg7[%swap3A_319, %swap3A_320] {strides = array<i32>} : memref<25x832xbf16, #tpu.memory_space<vmem>>, vector<32xbf16>,
        tpu.vector_store %arg7[%swap3A_319, %swap3A_320], %bitcast3A_318 {strides = array<i32>} : memref<25x832xbf16, #tpu.memory_space<vmem>>, vector<32xbf16>,
        %get3A_322 = arith.constant 8 : i32
        %get3A_323 = arith.index_cast %get3A_322 : i32 to index
        %get3A_324 = arith.index_cast %scan3A_150 : i32 to index
        %get3A_325 = arith.constant 0 : index
        %get3A_326 = tpu.vector_load %arg5[%get3A_323, %get3A_324, %get3A_325] {strides = array<i32>} : memref<26x25x32xf32, #tpu.memory_space<vmem>>, vector<16xf32>,
        %bitcast3A_327 = vector.bitcast %get3A_326 : vector<16xf32> to vector<16xi32>
        %get3A_328 = arith.constant 8 : i32
        %get3A_329 = arith.index_cast %get3A_328 : i32 to index
        %get3A_330 = arith.index_cast %scan3A_150 : i32 to index
        %get3A_331 = arith.constant 16 : index
        %get3A_332 = tpu.vector_load %arg5[%get3A_329, %get3A_330, %get3A_331] {strides = array<i32>} : memref<26x25x32xf32, #tpu.memory_space<vmem>>, vector<16xf32>,
        %bitcast3A_333 = vector.bitcast %get3A_332 : vector<16xf32> to vector<16xi32>
        %shift_right_logical3A_334 = arith.constant 16 : i32
        %shift_right_logical3A_335 = vector.broadcast %shift_right_logical3A_334 : i32 to vector<16xi32>
        %shift_right_logical3A_336 = arith.shrui %bitcast3A_327, %shift_right_logical3A_335 : vector<16xi32>
        %and3A_337 = vector.broadcast %scan3A : i32 to vector<16xi32>
        %and3A_338 = arith.andi %bitcast3A_333, %and3A_337 : vector<16xi32>
        %or3A_339 = arith.ori %shift_right_logical3A_336, %and3A_338 : vector<16xi32>
        %bitcast3A_340 = vector.bitcast %or3A_339 : vector<16xi32> to vector<32xbf16>
        %swap3A_341 = arith.index_cast %scan3A_150 : i32 to index
        %swap3A_342 = arith.constant 256 : index
        %swap3A_343 = tpu.vector_load %arg7[%swap3A_341, %swap3A_342] {strides = array<i32>} : memref<25x832xbf16, #tpu.memory_space<vmem>>, vector<32xbf16>,
        tpu.vector_store %arg7[%swap3A_341, %swap3A_342], %bitcast3A_340 {strides = array<i32>} : memref<25x832xbf16, #tpu.memory_space<vmem>>, vector<32xbf16>,
        %get3A_344 = arith.constant 9 : i32
        %get3A_345 = arith.index_cast %get3A_344 : i32 to index
        %get3A_346 = arith.index_cast %scan3A_150 : i32 to index
        %get3A_347 = arith.constant 0 : index
        %get3A_348 = tpu.vector_load %arg5[%get3A_345, %get3A_346, %get3A_347] {strides = array<i32>} : memref<26x25x32xf32, #tpu.memory_space<vmem>>, vector<16xf32>,
        %bitcast3A_349 = vector.bitcast %get3A_348 : vector<16xf32> to vector<16xi32>
        %get3A_350 = arith.constant 9 : i32
        %get3A_351 = arith.index_cast %get3A_350 : i32 to index
        %get3A_352 = arith.index_cast %scan3A_150 : i32 to index
        %get3A_353 = arith.constant 16 : index
        %get3A_354 = tpu.vector_load %arg5[%get3A_351, %get3A_352, %get3A_353] {strides = array<i32>} : memref<26x25x32xf32, #tpu.memory_space<vmem>>, vector<16xf32>,
        %bitcast3A_355 = vector.bitcast %get3A_354 : vector<16xf32> to vector<16xi32>
        %shift_right_logical3A_356 = arith.constant 16 : i32
        %shift_right_logical3A_357 = vector.broadcast %shift_right_logical3A_356 : i32 to vector<16xi32>
        %shift_right_logical3A_358 = arith.shrui %bitcast3A_349, %shift_right_logical3A_357 : vector<16xi32>
        %and3A_359 = vector.broadcast %scan3A : i32 to vector<16xi32>
        %and3A_360 = arith.andi %bitcast3A_355, %and3A_359 : vector<16xi32>
        %or3A_361 = arith.ori %shift_right_logical3A_358, %and3A_360 : vector<16xi32>
        %bitcast3A_362 = vector.bitcast %or3A_361 : vector<16xi32> to vector<32xbf16>
        %swap3A_363 = arith.index_cast %scan3A_150 : i32 to index
        %swap3A_364 = arith.constant 288 : index
        %swap3A_365 = tpu.vector_load %arg7[%swap3A_363, %swap3A_364] {strides = array<i32>} : memref<25x832xbf16, #tpu.memory_space<vmem>>, vector<32xbf16>,
        tpu.vector_store %arg7[%swap3A_363, %swap3A_364], %bitcast3A_362 {strides = array<i32>} : memref<25x832xbf16, #tpu.memory_space<vmem>>, vector<32xbf16>,
        %get3A_366 = arith.constant 10 : i32
        %get3A_367 = arith.index_cast %get3A_366 : i32 to index
        %get3A_368 = arith.index_cast %scan3A_150 : i32 to index
        %get3A_369 = arith.constant 0 : index
        %get3A_370 = tpu.vector_load %arg5[%get3A_367, %get3A_368, %get3A_369] {strides = array<i32>} : memref<26x25x32xf32, #tpu.memory_space<vmem>>, vector<16xf32>,
        %bitcast3A_371 = vector.bitcast %get3A_370 : vector<16xf32> to vector<16xi32>
        %get3A_372 = arith.constant 10 : i32
        %get3A_373 = arith.index_cast %get3A_372 : i32 to index
        %get3A_374 = arith.index_cast %scan3A_150 : i32 to index
        %get3A_375 = arith.constant 16 : index
        %get3A_376 = tpu.vector_load %arg5[%get3A_373, %get3A_374, %get3A_375] {strides = array<i32>} : memref<26x25x32xf32, #tpu.memory_space<vmem>>, vector<16xf32>,
        %bitcast3A_377 = vector.bitcast %get3A_376 : vector<16xf32> to vector<16xi32>
        %shift_right_logical3A_378 = arith.constant 16 : i32
        %shift_right_logical3A_379 = vector.broadcast %shift_right_logical3A_378 : i32 to vector<16xi32>
        %shift_right_logical3A_380 = arith.shrui %bitcast3A_371, %shift_right_logical3A_379 : vector<16xi32>
        %and3A_381 = vector.broadcast %scan3A : i32 to vector<16xi32>
        %and3A_382 = arith.andi %bitcast3A_377, %and3A_381 : vector<16xi32>
        %or3A_383 = arith.ori %shift_right_logical3A_380, %and3A_382 : vector<16xi32>
        %bitcast3A_384 = vector.bitcast %or3A_383 : vector<16xi32> to vector<32xbf16>
        %swap3A_385 = arith.index_cast %scan3A_150 : i32 to index
        %swap3A_386 = arith.constant 320 : index
        %swap3A_387 = tpu.vector_load %arg7[%swap3A_385, %swap3A_386] {strides = array<i32>} : memref<25x832xbf16, #tpu.memory_space<vmem>>, vector<32xbf16>,
        tpu.vector_store %arg7[%swap3A_385, %swap3A_386], %bitcast3A_384 {strides = array<i32>} : memref<25x832xbf16, #tpu.memory_space<vmem>>, vector<32xbf16>,
        %get3A_388 = arith.constant 11 : i32
        %get3A_389 = arith.index_cast %get3A_388 : i32 to index
        %get3A_390 = arith.index_cast %scan3A_150 : i32 to index
        %get3A_391 = arith.constant 0 : index
        %get3A_392 = tpu.vector_load %arg5[%get3A_389, %get3A_390, %get3A_391] {strides = array<i32>} : memref<26x25x32xf32, #tpu.memory_space<vmem>>, vector<16xf32>,
        %bitcast3A_393 = vector.bitcast %get3A_392 : vector<16xf32> to vector<16xi32>
        %get3A_394 = arith.constant 11 : i32
        %get3A_395 = arith.index_cast %get3A_394 : i32 to index
        %get3A_396 = arith.index_cast %scan3A_150 : i32 to index
        %get3A_397 = arith.constant 16 : index
        %get3A_398 = tpu.vector_load %arg5[%get3A_395, %get3A_396, %get3A_397] {strides = array<i32>} : memref<26x25x32xf32, #tpu.memory_space<vmem>>, vector<16xf32>,
        %bitcast3A_399 = vector.bitcast %get3A_398 : vector<16xf32> to vector<16xi32>
        %shift_right_logical3A_400 = arith.constant 16 : i32
        %shift_right_logical3A_401 = vector.broadcast %shift_right_logical3A_400 : i32 to vector<16xi32>
        %shift_right_logical3A_402 = arith.shrui %bitcast3A_393, %shift_right_logical3A_401 : vector<16xi32>
        %and3A_403 = vector.broadcast %scan3A : i32 to vector<16xi32>
        %and3A_404 = arith.andi %bitcast3A_399, %and3A_403 : vector<16xi32>
        %or3A_405 = arith.ori %shift_right_logical3A_402, %and3A_404 : vector<16xi32>
        %bitcast3A_406 = vector.bitcast %or3A_405 : vector<16xi32> to vector<32xbf16>
        %swap3A_407 = arith.index_cast %scan3A_150 : i32 to index
        %swap3A_408 = arith.constant 352 : index
        %swap3A_409 = tpu.vector_load %arg7[%swap3A_407, %swap3A_408] {strides = array<i32>} : memref<25x832xbf16, #tpu.memory_space<vmem>>, vector<32xbf16>,
        tpu.vector_store %arg7[%swap3A_407, %swap3A_408], %bitcast3A_406 {strides = array<i32>} : memref<25x832xbf16, #tpu.memory_space<vmem>>, vector<32xbf16>,
        %get3A_410 = arith.constant 12 : i32
        %get3A_411 = arith.index_cast %get3A_410 : i32 to index
        %get3A_412 = arith.index_cast %scan3A_150 : i32 to index
        %get3A_413 = arith.constant 0 : index
        %get3A_414 = tpu.vector_load %arg5[%get3A_411, %get3A_412, %get3A_413] {strides = array<i32>} : memref<26x25x32xf32, #tpu.memory_space<vmem>>, vector<16xf32>,
        %bitcast3A_415 = vector.bitcast %get3A_414 : vector<16xf32> to vector<16xi32>
        %get3A_416 = arith.constant 12 : i32
        %get3A_417 = arith.index_cast %get3A_416 : i32 to index
        %get3A_418 = arith.index_cast %scan3A_150 : i32 to index
        %get3A_419 = arith.constant 16 : index
        %get3A_420 = tpu.vector_load %arg5[%get3A_417, %get3A_418, %get3A_419] {strides = array<i32>} : memref<26x25x32xf32, #tpu.memory_space<vmem>>, vector<16xf32>,
        %bitcast3A_421 = vector.bitcast %get3A_420 : vector<16xf32> to vector<16xi32>
        %shift_right_logical3A_422 = arith.constant 16 : i32
        %shift_right_logical3A_423 = vector.broadcast %shift_right_logical3A_422 : i32 to vector<16xi32>
        %shift_right_logical3A_424 = arith.shrui %bitcast3A_415, %shift_right_logical3A_423 : vector<16xi32>
        %and3A_425 = vector.broadcast %scan3A : i32 to vector<16xi32>
        %and3A_426 = arith.andi %bitcast3A_421, %and3A_425 : vector<16xi32>
        %or3A_427 = arith.ori %shift_right_logical3A_424, %and3A_426 : vector<16xi32>
        %bitcast3A_428 = vector.bitcast %or3A_427 : vector<16xi32> to vector<32xbf16>
        %swap3A_429 = arith.index_cast %scan3A_150 : i32 to index
        %swap3A_430 = arith.constant 384 : index
        %swap3A_431 = tpu.vector_load %arg7[%swap3A_429, %swap3A_430] {strides = array<i32>} : memref<25x832xbf16, #tpu.memory_space<vmem>>, vector<32xbf16>,
        tpu.vector_store %arg7[%swap3A_429, %swap3A_430], %bitcast3A_428 {strides = array<i32>} : memref<25x832xbf16, #tpu.memory_space<vmem>>, vector<32xbf16>,
        %get3A_432 = arith.constant 13 : i32
        %get3A_433 = arith.index_cast %get3A_432 : i32 to index
        %get3A_434 = arith.index_cast %scan3A_150 : i32 to index
        %get3A_435 = arith.constant 0 : index
        %get3A_436 = tpu.vector_load %arg5[%get3A_433, %get3A_434, %get3A_435] {strides = array<i32>} : memref<26x25x32xf32, #tpu.memory_space<vmem>>, vector<16xf32>,
        %bitcast3A_437 = vector.bitcast %get3A_436 : vector<16xf32> to vector<16xi32>
        %get3A_438 = arith.constant 13 : i32
        %get3A_439 = arith.index_cast %get3A_438 : i32 to index
        %get3A_440 = arith.index_cast %scan3A_150 : i32 to index
        %get3A_441 = arith.constant 16 : index
        %get3A_442 = tpu.vector_load %arg5[%get3A_439, %get3A_440, %get3A_441] {strides = array<i32>} : memref<26x25x32xf32, #tpu.memory_space<vmem>>, vector<16xf32>,
        %bitcast3A_443 = vector.bitcast %get3A_442 : vector<16xf32> to vector<16xi32>
        %shift_right_logical3A_444 = arith.constant 16 : i32
        %shift_right_logical3A_445 = vector.broadcast %shift_right_logical3A_444 : i32 to vector<16xi32>
        %shift_right_logical3A_446 = arith.shrui %bitcast3A_437, %shift_right_logical3A_445 : vector<16xi32>
        %and3A_447 = vector.broadcast %scan3A : i32 to vector<16xi32>
        %and3A_448 = arith.andi %bitcast3A_443, %and3A_447 : vector<16xi32>
        %or3A_449 = arith.ori %shift_right_logical3A_446, %and3A_448 : vector<16xi32>
        %bitcast3A_450 = vector.bitcast %or3A_449 : vector<16xi32> to vector<32xbf16>
        %swap3A_451 = arith.index_cast %scan3A_150 : i32 to index
        %swap3A_452 = arith.constant 416 : index
        %swap3A_453 = tpu.vector_load %arg7[%swap3A_451, %swap3A_452] {strides = array<i32>} : memref<25x832xbf16, #tpu.memory_space<vmem>>, vector<32xbf16>,
        tpu.vector_store %arg7[%swap3A_451, %swap3A_452], %bitcast3A_450 {strides = array<i32>} : memref<25x832xbf16, #tpu.memory_space<vmem>>, vector<32xbf16>,
        %get3A_454 = arith.constant 14 : i32
        %get3A_455 = arith.index_cast %get3A_454 : i32 to index
        %get3A_456 = arith.index_cast %scan3A_150 : i32 to index
        %get3A_457 = arith.constant 0 : index
        %get3A_458 = tpu.vector_load %arg5[%get3A_455, %get3A_456, %get3A_457] {strides = array<i32>} : memref<26x25x32xf32, #tpu.memory_space<vmem>>, vector<16xf32>,
        %bitcast3A_459 = vector.bitcast %get3A_458 : vector<16xf32> to vector<16xi32>
        %get3A_460 = arith.constant 14 : i32
        %get3A_461 = arith.index_cast %get3A_460 : i32 to index
        %get3A_462 = arith.index_cast %scan3A_150 : i32 to index
        %get3A_463 = arith.constant 16 : index
        %get3A_464 = tpu.vector_load %arg5[%get3A_461, %get3A_462, %get3A_463] {strides = array<i32>} : memref<26x25x32xf32, #tpu.memory_space<vmem>>, vector<16xf32>,
        %bitcast3A_465 = vector.bitcast %get3A_464 : vector<16xf32> to vector<16xi32>
        %shift_right_logical3A_466 = arith.constant 16 : i32
        %shift_right_logical3A_467 = vector.broadcast %shift_right_logical3A_466 : i32 to vector<16xi32>
        %shift_right_logical3A_468 = arith.shrui %bitcast3A_459, %shift_right_logical3A_467 : vector<16xi32>
        %and3A_469 = vector.broadcast %scan3A : i32 to vector<16xi32>
        %and3A_470 = arith.andi %bitcast3A_465, %and3A_469 : vector<16xi32>
        %or3A_471 = arith.ori %shift_right_logical3A_468, %and3A_470 : vector<16xi32>
        %bitcast3A_472 = vector.bitcast %or3A_471 : vector<16xi32> to vector<32xbf16>
        %swap3A_473 = arith.index_cast %scan3A_150 : i32 to index
        %swap3A_474 = arith.constant 448 : index
        %swap3A_475 = tpu.vector_load %arg7[%swap3A_473, %swap3A_474] {strides = array<i32>} : memref<25x832xbf16, #tpu.memory_space<vmem>>, vector<32xbf16>,
        tpu.vector_store %arg7[%swap3A_473, %swap3A_474], %bitcast3A_472 {strides = array<i32>} : memref<25x832xbf16, #tpu.memory_space<vmem>>, vector<32xbf16>,
        %get3A_476 = arith.constant 15 : i32
        %get3A_477 = arith.index_cast %get3A_476 : i32 to index
        %get3A_478 = arith.index_cast %scan3A_150 : i32 to index
        %get3A_479 = arith.constant 0 : index
        %get3A_480 = tpu.vector_load %arg5[%get3A_477, %get3A_478, %get3A_479] {strides = array<i32>} : memref<26x25x32xf32, #tpu.memory_space<vmem>>, vector<16xf32>,
        %bitcast3A_481 = vector.bitcast %get3A_480 : vector<16xf32> to vector<16xi32>
        %get3A_482 = arith.constant 15 : i32
        %get3A_483 = arith.index_cast %get3A_482 : i32 to index
        %get3A_484 = arith.index_cast %scan3A_150 : i32 to index
        %get3A_485 = arith.constant 16 : index
        %get3A_486 = tpu.vector_load %arg5[%get3A_483, %get3A_484, %get3A_485] {strides = array<i32>} : memref<26x25x32xf32, #tpu.memory_space<vmem>>, vector<16xf32>,
        %bitcast3A_487 = vector.bitcast %get3A_486 : vector<16xf32> to vector<16xi32>
        %shift_right_logical3A_488 = arith.constant 16 : i32
        %shift_right_logical3A_489 = vector.broadcast %shift_right_logical3A_488 : i32 to vector<16xi32>
        %shift_right_logical3A_490 = arith.shrui %bitcast3A_481, %shift_right_logical3A_489 : vector<16xi32>
        %and3A_491 = vector.broadcast %scan3A : i32 to vector<16xi32>
        %and3A_492 = arith.andi %bitcast3A_487, %and3A_491 : vector<16xi32>
        %or3A_493 = arith.ori %shift_right_logical3A_490, %and3A_492 : vector<16xi32>
        %bitcast3A_494 = vector.bitcast %or3A_493 : vector<16xi32> to vector<32xbf16>
        %swap3A_495 = arith.index_cast %scan3A_150 : i32 to index
        %swap3A_496 = arith.constant 480 : index
        %swap3A_497 = tpu.vector_load %arg7[%swap3A_495, %swap3A_496] {strides = array<i32>} : memref<25x832xbf16, #tpu.memory_space<vmem>>, vector<32xbf16>,
        tpu.vector_store %arg7[%swap3A_495, %swap3A_496], %bitcast3A_494 {strides = array<i32>} : memref<25x832xbf16, #tpu.memory_space<vmem>>, vector<32xbf16>,
        %get3A_498 = arith.constant 16 : i32
        %get3A_499 = arith.index_cast %get3A_498 : i32 to index
        %get3A_500 = arith.index_cast %scan3A_150 : i32 to index
        %get3A_501 = arith.constant 0 : index
        %get3A_502 = tpu.vector_load %arg5[%get3A_499, %get3A_500, %get3A_501] {strides = array<i32>} : memref<26x25x32xf32, #tpu.memory_space<vmem>>, vector<16xf32>,
        %bitcast3A_503 = vector.bitcast %get3A_502 : vector<16xf32> to vector<16xi32>
        %get3A_504 = arith.constant 16 : i32
        %get3A_505 = arith.index_cast %get3A_504 : i32 to index
        %get3A_506 = arith.index_cast %scan3A_150 : i32 to index
        %get3A_507 = arith.constant 16 : index
        %get3A_508 = tpu.vector_load %arg5[%get3A_505, %get3A_506, %get3A_507] {strides = array<i32>} : memref<26x25x32xf32, #tpu.memory_space<vmem>>, vector<16xf32>,
        %bitcast3A_509 = vector.bitcast %get3A_508 : vector<16xf32> to vector<16xi32>
        %shift_right_logical3A_510 = arith.constant 16 : i32
        %shift_right_logical3A_511 = vector.broadcast %shift_right_logical3A_510 : i32 to vector<16xi32>
        %shift_right_logical3A_512 = arith.shrui %bitcast3A_503, %shift_right_logical3A_511 : vector<16xi32>
        %and3A_513 = vector.broadcast %scan3A : i32 to vector<16xi32>
        %and3A_514 = arith.andi %bitcast3A_509, %and3A_513 : vector<16xi32>
        %or3A_515 = arith.ori %shift_right_logical3A_512, %and3A_514 : vector<16xi32>
        %bitcast3A_516 = vector.bitcast %or3A_515 : vector<16xi32> to vector<32xbf16>
        %swap3A_517 = arith.index_cast %scan3A_150 : i32 to index
        %swap3A_518 = arith.constant 512 : index
        %swap3A_519 = tpu.vector_load %arg7[%swap3A_517, %swap3A_518] {strides = array<i32>} : memref<25x832xbf16, #tpu.memory_space<vmem>>, vector<32xbf16>,
        tpu.vector_store %arg7[%swap3A_517, %swap3A_518], %bitcast3A_516 {strides = array<i32>} : memref<25x832xbf16, #tpu.memory_space<vmem>>, vector<32xbf16>,
        %get3A_520 = arith.constant 17 : i32
        %get3A_521 = arith.index_cast %get3A_520 : i32 to index
        %get3A_522 = arith.index_cast %scan3A_150 : i32 to index
        %get3A_523 = arith.constant 0 : index
        %get3A_524 = tpu.vector_load %arg5[%get3A_521, %get3A_522, %get3A_523] {strides = array<i32>} : memref<26x25x32xf32, #tpu.memory_space<vmem>>, vector<16xf32>,
        %bitcast3A_525 = vector.bitcast %get3A_524 : vector<16xf32> to vector<16xi32>
        %get3A_526 = arith.constant 17 : i32
        %get3A_527 = arith.index_cast %get3A_526 : i32 to index
        %get3A_528 = arith.index_cast %scan3A_150 : i32 to index
        %get3A_529 = arith.constant 16 : index
        %get3A_530 = tpu.vector_load %arg5[%get3A_527, %get3A_528, %get3A_529] {strides = array<i32>} : memref<26x25x32xf32, #tpu.memory_space<vmem>>, vector<16xf32>,
        %bitcast3A_531 = vector.bitcast %get3A_530 : vector<16xf32> to vector<16xi32>
        %shift_right_logical3A_532 = arith.constant 16 : i32
        %shift_right_logical3A_533 = vector.broadcast %shift_right_logical3A_532 : i32 to vector<16xi32>
        %shift_right_logical3A_534 = arith.shrui %bitcast3A_525, %shift_right_logical3A_533 : vector<16xi32>
        %and3A_535 = vector.broadcast %scan3A : i32 to vector<16xi32>
        %and3A_536 = arith.andi %bitcast3A_531, %and3A_535 : vector<16xi32>
        %or3A_537 = arith.ori %shift_right_logical3A_534, %and3A_536 : vector<16xi32>
        %bitcast3A_538 = vector.bitcast %or3A_537 : vector<16xi32> to vector<32xbf16>
        %swap3A_539 = arith.index_cast %scan3A_150 : i32 to index
        %swap3A_540 = arith.constant 544 : index
        %swap3A_541 = tpu.vector_load %arg7[%swap3A_539, %swap3A_540] {strides = array<i32>} : memref<25x832xbf16, #tpu.memory_space<vmem>>, vector<32xbf16>,
        tpu.vector_store %arg7[%swap3A_539, %swap3A_540], %bitcast3A_538 {strides = array<i32>} : memref<25x832xbf16, #tpu.memory_space<vmem>>, vector<32xbf16>,
        %get3A_542 = arith.constant 18 : i32
        %get3A_543 = arith.index_cast %get3A_542 : i32 to index
        %get3A_544 = arith.index_cast %scan3A_150 : i32 to index
        %get3A_545 = arith.constant 0 : index
        %get3A_546 = tpu.vector_load %arg5[%get3A_543, %get3A_544, %get3A_545] {strides = array<i32>} : memref<26x25x32xf32, #tpu.memory_space<vmem>>, vector<16xf32>,
        %bitcast3A_547 = vector.bitcast %get3A_546 : vector<16xf32> to vector<16xi32>
        %get3A_548 = arith.constant 18 : i32
        %get3A_549 = arith.index_cast %get3A_548 : i32 to index
        %get3A_550 = arith.index_cast %scan3A_150 : i32 to index
        %get3A_551 = arith.constant 16 : index
        %get3A_552 = tpu.vector_load %arg5[%get3A_549, %get3A_550, %get3A_551] {strides = array<i32>} : memref<26x25x32xf32, #tpu.memory_space<vmem>>, vector<16xf32>,
        %bitcast3A_553 = vector.bitcast %get3A_552 : vector<16xf32> to vector<16xi32>
        %shift_right_logical3A_554 = arith.constant 16 : i32
        %shift_right_logical3A_555 = vector.broadcast %shift_right_logical3A_554 : i32 to vector<16xi32>
        %shift_right_logical3A_556 = arith.shrui %bitcast3A_547, %shift_right_logical3A_555 : vector<16xi32>
        %and3A_557 = vector.broadcast %scan3A : i32 to vector<16xi32>
        %and3A_558 = arith.andi %bitcast3A_553, %and3A_557 : vector<16xi32>
        %or3A_559 = arith.ori %shift_right_logical3A_556, %and3A_558 : vector<16xi32>
        %bitcast3A_560 = vector.bitcast %or3A_559 : vector<16xi32> to vector<32xbf16>
        %swap3A_561 = arith.index_cast %scan3A_150 : i32 to index
        %swap3A_562 = arith.constant 576 : index
        %swap3A_563 = tpu.vector_load %arg7[%swap3A_561, %swap3A_562] {strides = array<i32>} : memref<25x832xbf16, #tpu.memory_space<vmem>>, vector<32xbf16>,
        tpu.vector_store %arg7[%swap3A_561, %swap3A_562], %bitcast3A_560 {strides = array<i32>} : memref<25x832xbf16, #tpu.memory_space<vmem>>, vector<32xbf16>,
        %get3A_564 = arith.constant 19 : i32
        %get3A_565 = arith.index_cast %get3A_564 : i32 to index
        %get3A_566 = arith.index_cast %scan3A_150 : i32 to index
        %get3A_567 = arith.constant 0 : index
        %get3A_568 = tpu.vector_load %arg5[%get3A_565, %get3A_566, %get3A_567] {strides = array<i32>} : memref<26x25x32xf32, #tpu.memory_space<vmem>>, vector<16xf32>,
        %bitcast3A_569 = vector.bitcast %get3A_568 : vector<16xf32> to vector<16xi32>
        %get3A_570 = arith.constant 19 : i32
        %get3A_571 = arith.index_cast %get3A_570 : i32 to index
        %get3A_572 = arith.index_cast %scan3A_150 : i32 to index
        %get3A_573 = arith.constant 16 : index
        %get3A_574 = tpu.vector_load %arg5[%get3A_571, %get3A_572, %get3A_573] {strides = array<i32>} : memref<26x25x32xf32, #tpu.memory_space<vmem>>, vector<16xf32>,
        %bitcast3A_575 = vector.bitcast %get3A_574 : vector<16xf32> to vector<16xi32>
        %shift_right_logical3A_576 = arith.constant 16 : i32
        %shift_right_logical3A_577 = vector.broadcast %shift_right_logical3A_576 : i32 to vector<16xi32>
        %shift_right_logical3A_578 = arith.shrui %bitcast3A_569, %shift_right_logical3A_577 : vector<16xi32>
        %and3A_579 = vector.broadcast %scan3A : i32 to vector<16xi32>
        %and3A_580 = arith.andi %bitcast3A_575, %and3A_579 : vector<16xi32>
        %or3A_581 = arith.ori %shift_right_logical3A_578, %and3A_580 : vector<16xi32>
        %bitcast3A_582 = vector.bitcast %or3A_581 : vector<16xi32> to vector<32xbf16>
        %swap3A_583 = arith.index_cast %scan3A_150 : i32 to index
        %swap3A_584 = arith.constant 608 : index
        %swap3A_585 = tpu.vector_load %arg7[%swap3A_583, %swap3A_584] {strides = array<i32>} : memref<25x832xbf16, #tpu.memory_space<vmem>>, vector<32xbf16>,
        tpu.vector_store %arg7[%swap3A_583, %swap3A_584], %bitcast3A_582 {strides = array<i32>} : memref<25x832xbf16, #tpu.memory_space<vmem>>, vector<32xbf16>,
        %get3A_586 = arith.constant 20 : i32
        %get3A_587 = arith.index_cast %get3A_586 : i32 to index
        %get3A_588 = arith.index_cast %scan3A_150 : i32 to index
        %get3A_589 = arith.constant 0 : index
        %get3A_590 = tpu.vector_load %arg5[%get3A_587, %get3A_588, %get3A_589] {strides = array<i32>} : memref<26x25x32xf32, #tpu.memory_space<vmem>>, vector<16xf32>,
        %bitcast3A_591 = vector.bitcast %get3A_590 : vector<16xf32> to vector<16xi32>
        %get3A_592 = arith.constant 20 : i32
        %get3A_593 = arith.index_cast %get3A_592 : i32 to index
        %get3A_594 = arith.index_cast %scan3A_150 : i32 to index
        %get3A_595 = arith.constant 16 : index
        %get3A_596 = tpu.vector_load %arg5[%get3A_593, %get3A_594, %get3A_595] {strides = array<i32>} : memref<26x25x32xf32, #tpu.memory_space<vmem>>, vector<16xf32>,
        %bitcast3A_597 = vector.bitcast %get3A_596 : vector<16xf32> to vector<16xi32>
        %shift_right_logical3A_598 = arith.constant 16 : i32
        %shift_right_logical3A_599 = vector.broadcast %shift_right_logical3A_598 : i32 to vector<16xi32>
        %shift_right_logical3A_600 = arith.shrui %bitcast3A_591, %shift_right_logical3A_599 : vector<16xi32>
        %and3A_601 = vector.broadcast %scan3A : i32 to vector<16xi32>
        %and3A_602 = arith.andi %bitcast3A_597, %and3A_601 : vector<16xi32>
        %or3A_603 = arith.ori %shift_right_logical3A_600, %and3A_602 : vector<16xi32>
        %bitcast3A_604 = vector.bitcast %or3A_603 : vector<16xi32> to vector<32xbf16>
        %swap3A_605 = arith.index_cast %scan3A_150 : i32 to index
        %swap3A_606 = arith.constant 640 : index
        %swap3A_607 = tpu.vector_load %arg7[%swap3A_605, %swap3A_606] {strides = array<i32>} : memref<25x832xbf16, #tpu.memory_space<vmem>>, vector<32xbf16>,
        tpu.vector_store %arg7[%swap3A_605, %swap3A_606], %bitcast3A_604 {strides = array<i32>} : memref<25x832xbf16, #tpu.memory_space<vmem>>, vector<32xbf16>,
        %get3A_608 = arith.constant 21 : i32
        %get3A_609 = arith.index_cast %get3A_608 : i32 to index
        %get3A_610 = arith.index_cast %scan3A_150 : i32 to index
        %get3A_611 = arith.constant 0 : index
        %get3A_612 = tpu.vector_load %arg5[%get3A_609, %get3A_610, %get3A_611] {strides = array<i32>} : memref<26x25x32xf32, #tpu.memory_space<vmem>>, vector<16xf32>,
        %bitcast3A_613 = vector.bitcast %get3A_612 : vector<16xf32> to vector<16xi32>
        %get3A_614 = arith.constant 21 : i32
        %get3A_615 = arith.index_cast %get3A_614 : i32 to index
        %get3A_616 = arith.index_cast %scan3A_150 : i32 to index
        %get3A_617 = arith.constant 16 : index
        %get3A_618 = tpu.vector_load %arg5[%get3A_615, %get3A_616, %get3A_617] {strides = array<i32>} : memref<26x25x32xf32, #tpu.memory_space<vmem>>, vector<16xf32>,
        %bitcast3A_619 = vector.bitcast %get3A_618 : vector<16xf32> to vector<16xi32>
        %shift_right_logical3A_620 = arith.constant 16 : i32
        %shift_right_logical3A_621 = vector.broadcast %shift_right_logical3A_620 : i32 to vector<16xi32>
        %shift_right_logical3A_622 = arith.shrui %bitcast3A_613, %shift_right_logical3A_621 : vector<16xi32>
        %and3A_623 = vector.broadcast %scan3A : i32 to vector<16xi32>
        %and3A_624 = arith.andi %bitcast3A_619, %and3A_623 : vector<16xi32>
        %or3A_625 = arith.ori %shift_right_logical3A_622, %and3A_624 : vector<16xi32>
        %bitcast3A_626 = vector.bitcast %or3A_625 : vector<16xi32> to vector<32xbf16>
        %swap3A_627 = arith.index_cast %scan3A_150 : i32 to index
        %swap3A_628 = arith.constant 672 : index
        %swap3A_629 = tpu.vector_load %arg7[%swap3A_627, %swap3A_628] {strides = array<i32>} : memref<25x832xbf16, #tpu.memory_space<vmem>>, vector<32xbf16>,
        tpu.vector_store %arg7[%swap3A_627, %swap3A_628], %bitcast3A_626 {strides = array<i32>} : memref<25x832xbf16, #tpu.memory_space<vmem>>, vector<32xbf16>,
        %get3A_630 = arith.constant 22 : i32
        %get3A_631 = arith.index_cast %get3A_630 : i32 to index
        %get3A_632 = arith.index_cast %scan3A_150 : i32 to index
        %get3A_633 = arith.constant 0 : index
        %get3A_634 = tpu.vector_load %arg5[%get3A_631, %get3A_632, %get3A_633] {strides = array<i32>} : memref<26x25x32xf32, #tpu.memory_space<vmem>>, vector<16xf32>,
        %bitcast3A_635 = vector.bitcast %get3A_634 : vector<16xf32> to vector<16xi32>
        %get3A_636 = arith.constant 22 : i32
        %get3A_637 = arith.index_cast %get3A_636 : i32 to index
        %get3A_638 = arith.index_cast %scan3A_150 : i32 to index
        %get3A_639 = arith.constant 16 : index
        %get3A_640 = tpu.vector_load %arg5[%get3A_637, %get3A_638, %get3A_639] {strides = array<i32>} : memref<26x25x32xf32, #tpu.memory_space<vmem>>, vector<16xf32>,
        %bitcast3A_641 = vector.bitcast %get3A_640 : vector<16xf32> to vector<16xi32>
        %shift_right_logical3A_642 = arith.constant 16 : i32
        %shift_right_logical3A_643 = vector.broadcast %shift_right_logical3A_642 : i32 to vector<16xi32>
        %shift_right_logical3A_644 = arith.shrui %bitcast3A_635, %shift_right_logical3A_643 : vector<16xi32>
        %and3A_645 = vector.broadcast %scan3A : i32 to vector<16xi32>
        %and3A_646 = arith.andi %bitcast3A_641, %and3A_645 : vector<16xi32>
        %or3A_647 = arith.ori %shift_right_logical3A_644, %and3A_646 : vector<16xi32>
        %bitcast3A_648 = vector.bitcast %or3A_647 : vector<16xi32> to vector<32xbf16>
        %swap3A_649 = arith.index_cast %scan3A_150 : i32 to index
        %swap3A_650 = arith.constant 704 : index
        %swap3A_651 = tpu.vector_load %arg7[%swap3A_649, %swap3A_650] {strides = array<i32>} : memref<25x832xbf16, #tpu.memory_space<vmem>>, vector<32xbf16>,
        tpu.vector_store %arg7[%swap3A_649, %swap3A_650], %bitcast3A_648 {strides = array<i32>} : memref<25x832xbf16, #tpu.memory_space<vmem>>, vector<32xbf16>,
        %get3A_652 = arith.constant 23 : i32
        %get3A_653 = arith.index_cast %get3A_652 : i32 to index
        %get3A_654 = arith.index_cast %scan3A_150 : i32 to index
        %get3A_655 = arith.constant 0 : index
        %get3A_656 = tpu.vector_load %arg5[%get3A_653, %get3A_654, %get3A_655] {strides = array<i32>} : memref<26x25x32xf32, #tpu.memory_space<vmem>>, vector<16xf32>,
        %bitcast3A_657 = vector.bitcast %get3A_656 : vector<16xf32> to vector<16xi32>
        %get3A_658 = arith.constant 23 : i32
        %get3A_659 = arith.index_cast %get3A_658 : i32 to index
        %get3A_660 = arith.index_cast %scan3A_150 : i32 to index
        %get3A_661 = arith.constant 16 : index
        %get3A_662 = tpu.vector_load %arg5[%get3A_659, %get3A_660, %get3A_661] {strides = array<i32>} : memref<26x25x32xf32, #tpu.memory_space<vmem>>, vector<16xf32>,
        %bitcast3A_663 = vector.bitcast %get3A_662 : vector<16xf32> to vector<16xi32>
        %shift_right_logical3A_664 = arith.constant 16 : i32
        %shift_right_logical3A_665 = vector.broadcast %shift_right_logical3A_664 : i32 to vector<16xi32>
        %shift_right_logical3A_666 = arith.shrui %bitcast3A_657, %shift_right_logical3A_665 : vector<16xi32>
        %and3A_667 = vector.broadcast %scan3A : i32 to vector<16xi32>
        %and3A_668 = arith.andi %bitcast3A_663, %and3A_667 : vector<16xi32>
        %or3A_669 = arith.ori %shift_right_logical3A_666, %and3A_668 : vector<16xi32>
        %bitcast3A_670 = vector.bitcast %or3A_669 : vector<16xi32> to vector<32xbf16>
        %swap3A_671 = arith.index_cast %scan3A_150 : i32 to index
        %swap3A_672 = arith.constant 736 : index
        %swap3A_673 = tpu.vector_load %arg7[%swap3A_671, %swap3A_672] {strides = array<i32>} : memref<25x832xbf16, #tpu.memory_space<vmem>>, vector<32xbf16>,
        tpu.vector_store %arg7[%swap3A_671, %swap3A_672], %bitcast3A_670 {strides = array<i32>} : memref<25x832xbf16, #tpu.memory_space<vmem>>, vector<32xbf16>,
        %get3A_674 = arith.constant 24 : i32
        %get3A_675 = arith.index_cast %get3A_674 : i32 to index
        %get3A_676 = arith.index_cast %scan3A_150 : i32 to index
        %get3A_677 = arith.constant 0 : index
        %get3A_678 = tpu.vector_load %arg5[%get3A_675, %get3A_676, %get3A_677] {strides = array<i32>} : memref<26x25x32xf32, #tpu.memory_space<vmem>>, vector<16xf32>,
        %bitcast3A_679 = vector.bitcast %get3A_678 : vector<16xf32> to vector<16xi32>
        %get3A_680 = arith.constant 24 : i32
        %get3A_681 = arith.index_cast %get3A_680 : i32 to index
        %get3A_682 = arith.index_cast %scan3A_150 : i32 to index
        %get3A_683 = arith.constant 16 : index
        %get3A_684 = tpu.vector_load %arg5[%get3A_681, %get3A_682, %get3A_683] {strides = array<i32>} : memref<26x25x32xf32, #tpu.memory_space<vmem>>, vector<16xf32>,
        %bitcast3A_685 = vector.bitcast %get3A_684 : vector<16xf32> to vector<16xi32>
        %shift_right_logical3A_686 = arith.constant 16 : i32
        %shift_right_logical3A_687 = vector.broadcast %shift_right_logical3A_686 : i32 to vector<16xi32>
        %shift_right_logical3A_688 = arith.shrui %bitcast3A_679, %shift_right_logical3A_687 : vector<16xi32>
        %and3A_689 = vector.broadcast %scan3A : i32 to vector<16xi32>
        %and3A_690 = arith.andi %bitcast3A_685, %and3A_689 : vector<16xi32>
        %or3A_691 = arith.ori %shift_right_logical3A_688, %and3A_690 : vector<16xi32>
        %bitcast3A_692 = vector.bitcast %or3A_691 : vector<16xi32> to vector<32xbf16>
        %swap3A_693 = arith.index_cast %scan3A_150 : i32 to index
        %swap3A_694 = arith.constant 768 : index
        %swap3A_695 = tpu.vector_load %arg7[%swap3A_693, %swap3A_694] {strides = array<i32>} : memref<25x832xbf16, #tpu.memory_space<vmem>>, vector<32xbf16>,
        tpu.vector_store %arg7[%swap3A_693, %swap3A_694], %bitcast3A_692 {strides = array<i32>} : memref<25x832xbf16, #tpu.memory_space<vmem>>, vector<32xbf16>,
        %get3A_696 = arith.constant 25 : i32
        %get3A_697 = arith.index_cast %get3A_696 : i32 to index
        %get3A_698 = arith.index_cast %scan3A_150 : i32 to index
        %get3A_699 = arith.constant 0 : index
        %get3A_700 = tpu.vector_load %arg5[%get3A_697, %get3A_698, %get3A_699] {strides = array<i32>} : memref<26x25x32xf32, #tpu.memory_space<vmem>>, vector<16xf32>,
        %bitcast3A_701 = vector.bitcast %get3A_700 : vector<16xf32> to vector<16xi32>
        %get3A_702 = arith.constant 25 : i32
        %get3A_703 = arith.index_cast %get3A_702 : i32 to index
        %get3A_704 = arith.index_cast %scan3A_150 : i32 to index
        %get3A_705 = arith.constant 16 : index
        %get3A_706 = tpu.vector_load %arg5[%get3A_703, %get3A_704, %get3A_705] {strides = array<i32>} : memref<26x25x32xf32, #tpu.memory_space<vmem>>, vector<16xf32>,
        %bitcast3A_707 = vector.bitcast %get3A_706 : vector<16xf32> to vector<16xi32>
        %shift_right_logical3A_708 = arith.constant 16 : i32
        %shift_right_logical3A_709 = vector.broadcast %shift_right_logical3A_708 : i32 to vector<16xi32>
        %shift_right_logical3A_710 = arith.shrui %bitcast3A_701, %shift_right_logical3A_709 : vector<16xi32>
        %and3A_711 = vector.broadcast %scan3A : i32 to vector<16xi32>
        %and3A_712 = arith.andi %bitcast3A_707, %and3A_711 : vector<16xi32>
        %or3A_713 = arith.ori %shift_right_logical3A_710, %and3A_712 : vector<16xi32>
        %bitcast3A_714 = vector.bitcast %or3A_713 : vector<16xi32> to vector<32xbf16>
        %swap3A_715 = arith.index_cast %scan3A_150 : i32 to index
        %swap3A_716 = arith.constant 800 : index
        %swap3A_717 = tpu.vector_load %arg7[%swap3A_715, %swap3A_716] {strides = array<i32>} : memref<25x832xbf16, #tpu.memory_space<vmem>>, vector<32xbf16>,
        tpu.vector_store %arg7[%swap3A_715, %swap3A_716], %bitcast3A_714 {strides = array<i32>} : memref<25x832xbf16, #tpu.memory_space<vmem>>, vector<32xbf16>,
        %scan3A_718 = arith.constant 0 : i32
        scf.yield %scan3A_718 : i32
      }
      %scan3A_134 = arith.constant 25 : i32
      %mul3A_135 = arith.constant 25 : i32
      %mul3A_136 = arith.muli %add3A_81, %mul3A_135 : i32
      %add3A_137 = arith.addi %mul3A_2, %mul3A_136 : i32
      %dma_start3A_138 = arith.constant 0 : i32
      %dma_start3A_139 = tpu.memref_slice %arg3[%add3A_137, %dma_start3A_138] : memref<100000x832xbf16, #tpu.memory_space<hbm>> -> memref<25x832xbf16, #tpu.memory_space<hbm>>
      %dma_start3A_140 = arith.constant 0 : i32
      %dma_start3A_141 = tpu.memref_slice %arg3[%add3A_137, %dma_start3A_140] : memref<100000x832xbf16, #tpu.memory_space<hbm>> -> memref<25x832xbf16, #tpu.memory_space<hbm>>
      tpu.enqueue_dma source(%arg7 : memref<25x832xbf16, #tpu.memory_space<vmem>>) target(%dma_start3A_141 : memref<25x832xbf16, #tpu.memory_space<hbm>>) target_semaphore(%arg11 : memref<!tpu.dma_semaphore, #tpu.memory_space<semaphore_mem>>)
      %add3A_142 = arith.constant 2 : i32
      %add3A_143 = arith.addi %add3A_81, %add3A_142 : i32
      %lt3A_144 = arith.constant 125 : i32
      %lt3A_145 = arith.cmpi slt, %add3A_143, %lt3A_144 : i32
      %convert_element_type3A_146 = arith.extui %lt3A_145 : i1 to i32
      %cond3A_147 = arith.constant 0 : i32
      %cond3A_148 = arith.cmpi ne, %convert_element_type3A_146, %cond3A_147 : i32
      scf.if %cond3A_148 {
        %add3A_150 = arith.constant 2 : i32
        %add3A_151 = arith.addi %add3A_81, %add3A_150 : i32
        %mul3A_152 = arith.constant 25 : i32
        %mul3A_153 = arith.muli %add3A_151, %mul3A_152 : i32
        %add3A_154 = arith.addi %mul3A_2, %mul3A_153 : i32
        %dma_start3A_155 = arith.constant 0 : i32
        %dma_start3A_156 = arith.constant 0 : i32
        %dma_start3A_157 = tpu.memref_slice %arg2[%dma_start3A_155, %add3A_154, %dma_start3A_156] : memref<26x100000x32xf32, #tpu.memory_space<hbm>> -> memref<26x25x32xf32, #tpu.memory_space<hbm>>
        %dma_start3A_158 = arith.constant 0 : i32
        %dma_start3A_159 = arith.constant 0 : i32
        %dma_start3A_160 = tpu.memref_slice %arg2[%dma_start3A_158, %add3A_154, %dma_start3A_159] : memref<26x100000x32xf32, #tpu.memory_space<hbm>> -> memref<26x25x32xf32, #tpu.memory_space<hbm>>
        tpu.enqueue_dma source(%dma_start3A_160 : memref<26x25x32xf32, #tpu.memory_space<hbm>>) target(%arg5 : memref<26x25x32xf32, #tpu.memory_space<vmem>>) target_semaphore(%arg9 : memref<!tpu.dma_semaphore, #tpu.memory_space<semaphore_mem>>)
      } else {
      }
      %scan3A_149 = arith.constant 0 : i32
      scf.yield %scan3A_149 : i32
    }
    %scan3A_36 = arith.constant 62 : i32
    %dma_wait3A = arith.constant 0 : i32
    %dma_wait3A_37 = arith.constant 0 : i32
    %dma_wait3A_38 = arith.constant 0 : i32
    %dma_wait3A_39 = tpu.memref_slice %arg2[%dma_wait3A, %dma_wait3A_37, %dma_wait3A_38] : memref<26x100000x32xf32, #tpu.memory_space<hbm>> -> memref<26x25x32xf32, #tpu.memory_space<hbm>>
    %dma_wait3A_40 = arith.constant 0 : i32
    %dma_wait3A_41 = arith.constant 0 : i32
    %dma_wait3A_42 = arith.constant 0 : i32
    %dma_wait3A_43 = tpu.memref_slice %arg2[%dma_wait3A_40, %dma_wait3A_41, %dma_wait3A_42] : memref<26x100000x32xf32, #tpu.memory_space<hbm>> -> memref<26x25x32xf32, #tpu.memory_space<hbm>>
    tpu.wait_dma2 semaphore(%arg8 : memref<!tpu.dma_semaphore, #tpu.memory_space<semaphore_mem>>) src(%dma_wait3A_43 : memref<26x25x32xf32, #tpu.memory_space<hbm>>) dst(%arg4 : memref<26x25x32xf32, #tpu.memory_space<vmem>>)
    %dma_wait3A_44 = arith.constant 0 : i32
    %dma_wait3A_45 = arith.constant 0 : i32
    %dma_wait3A_46 = tpu.memref_slice %arg3[%dma_wait3A_44, %dma_wait3A_45] : memref<100000x832xbf16, #tpu.memory_space<hbm>> -> memref<25x832xbf16, #tpu.memory_space<hbm>>
    %dma_wait3A_47 = arith.constant 0 : i32
    %dma_wait3A_48 = arith.constant 0 : i32
    %dma_wait3A_49 = tpu.memref_slice %arg3[%dma_wait3A_47, %dma_wait3A_48] : memref<100000x832xbf16, #tpu.memory_space<hbm>> -> memref<25x832xbf16, #tpu.memory_space<hbm>>
    tpu.wait_dma2 semaphore(%arg10 : memref<!tpu.dma_semaphore, #tpu.memory_space<semaphore_mem>>) src(%arg6 : memref<25x832xbf16, #tpu.memory_space<vmem>>) dst(%dma_wait3A_49 : memref<25x832xbf16, #tpu.memory_space<hbm>>)
    %scan3A_50 = arith.constant -65536 : i32
    %scan3A_51 = arith.constant 0 : i32
    %scan3A_52 = arith.constant 0 : i32
    %scan3A_53 = arith.constant 25 : i32
    %scan3A_54 = arith.addi %scan3A_52, %scan3A_53 : i32
    %scan3A_55 = arith.constant 1 : i32
    %scan3A_56 = scf.for %scan3A_76 = %scan3A_52 to %scan3A_54 step %scan3A_55 iter_args(%scan3A_77 = %scan3A_51) -> (i32)  : i32 {
      %get3A = arith.constant 0 : i32
      %get3A_78 = arith.index_cast %get3A : i32 to index
      %get3A_79 = arith.index_cast %scan3A_76 : i32 to index
      %get3A_80 = arith.constant 0 : index
      %get3A_81 = tpu.vector_load %arg4[%get3A_78, %get3A_79, %get3A_80] {strides = array<i32>} : memref<26x25x32xf32, #tpu.memory_space<vmem>>, vector<16xf32>,
      %bitcast3A = vector.bitcast %get3A_81 : vector<16xf32> to vector<16xi32>
      %get3A_82 = arith.constant 0 : i32
      %get3A_83 = arith.index_cast %get3A_82 : i32 to index
      %get3A_84 = arith.index_cast %scan3A_76 : i32 to index
      %get3A_85 = arith.constant 16 : index
      %get3A_86 = tpu.vector_load %arg4[%get3A_83, %get3A_84, %get3A_85] {strides = array<i32>} : memref<26x25x32xf32, #tpu.memory_space<vmem>>, vector<16xf32>,
      %bitcast3A_87 = vector.bitcast %get3A_86 : vector<16xf32> to vector<16xi32>
      %shift_right_logical3A = arith.constant 16 : i32
      %shift_right_logical3A_88 = vector.broadcast %shift_right_logical3A : i32 to vector<16xi32>
      %shift_right_logical3A_89 = arith.shrui %bitcast3A, %shift_right_logical3A_88 : vector<16xi32>
      %and3A = vector.broadcast %scan3A_50 : i32 to vector<16xi32>
      %and3A_90 = arith.andi %bitcast3A_87, %and3A : vector<16xi32>
      %or3A = arith.ori %shift_right_logical3A_89, %and3A_90 : vector<16xi32>
      %bitcast3A_91 = vector.bitcast %or3A : vector<16xi32> to vector<32xbf16>
      %swap3A = arith.index_cast %scan3A_76 : i32 to index
      %swap3A_92 = arith.constant 0 : index
      %swap3A_93 = tpu.vector_load %arg6[%swap3A, %swap3A_92] {strides = array<i32>} : memref<25x832xbf16, #tpu.memory_space<vmem>>, vector<32xbf16>,
      tpu.vector_store %arg6[%swap3A, %swap3A_92], %bitcast3A_91 {strides = array<i32>} : memref<25x832xbf16, #tpu.memory_space<vmem>>, vector<32xbf16>,
      %get3A_94 = arith.constant 1 : i32
      %get3A_95 = arith.index_cast %get3A_94 : i32 to index
      %get3A_96 = arith.index_cast %scan3A_76 : i32 to index
      %get3A_97 = arith.constant 0 : index
      %get3A_98 = tpu.vector_load %arg4[%get3A_95, %get3A_96, %get3A_97] {strides = array<i32>} : memref<26x25x32xf32, #tpu.memory_space<vmem>>, vector<16xf32>,
      %bitcast3A_99 = vector.bitcast %get3A_98 : vector<16xf32> to vector<16xi32>
      %get3A_100 = arith.constant 1 : i32
      %get3A_101 = arith.index_cast %get3A_100 : i32 to index
      %get3A_102 = arith.index_cast %scan3A_76 : i32 to index
      %get3A_103 = arith.constant 16 : index
      %get3A_104 = tpu.vector_load %arg4[%get3A_101, %get3A_102, %get3A_103] {strides = array<i32>} : memref<26x25x32xf32, #tpu.memory_space<vmem>>, vector<16xf32>,
      %bitcast3A_105 = vector.bitcast %get3A_104 : vector<16xf32> to vector<16xi32>
      %shift_right_logical3A_106 = arith.constant 16 : i32
      %shift_right_logical3A_107 = vector.broadcast %shift_right_logical3A_106 : i32 to vector<16xi32>
      %shift_right_logical3A_108 = arith.shrui %bitcast3A_99, %shift_right_logical3A_107 : vector<16xi32>
      %and3A_109 = vector.broadcast %scan3A_50 : i32 to vector<16xi32>
      %and3A_110 = arith.andi %bitcast3A_105, %and3A_109 : vector<16xi32>
      %or3A_111 = arith.ori %shift_right_logical3A_108, %and3A_110 : vector<16xi32>
      %bitcast3A_112 = vector.bitcast %or3A_111 : vector<16xi32> to vector<32xbf16>
      %swap3A_113 = arith.index_cast %scan3A_76 : i32 to index
      %swap3A_114 = arith.constant 32 : index
      %swap3A_115 = tpu.vector_load %arg6[%swap3A_113, %swap3A_114] {strides = array<i32>} : memref<25x832xbf16, #tpu.memory_space<vmem>>, vector<32xbf16>,
      tpu.vector_store %arg6[%swap3A_113, %swap3A_114], %bitcast3A_112 {strides = array<i32>} : memref<25x832xbf16, #tpu.memory_space<vmem>>, vector<32xbf16>,
      %get3A_116 = arith.constant 2 : i32
      %get3A_117 = arith.index_cast %get3A_116 : i32 to index
      %get3A_118 = arith.index_cast %scan3A_76 : i32 to index
      %get3A_119 = arith.constant 0 : index
      %get3A_120 = tpu.vector_load %arg4[%get3A_117, %get3A_118, %get3A_119] {strides = array<i32>} : memref<26x25x32xf32, #tpu.memory_space<vmem>>, vector<16xf32>,
      %bitcast3A_121 = vector.bitcast %get3A_120 : vector<16xf32> to vector<16xi32>
      %get3A_122 = arith.constant 2 : i32
      %get3A_123 = arith.index_cast %get3A_122 : i32 to index
      %get3A_124 = arith.index_cast %scan3A_76 : i32 to index
      %get3A_125 = arith.constant 16 : index
      %get3A_126 = tpu.vector_load %arg4[%get3A_123, %get3A_124, %get3A_125] {strides = array<i32>} : memref<26x25x32xf32, #tpu.memory_space<vmem>>, vector<16xf32>,
      %bitcast3A_127 = vector.bitcast %get3A_126 : vector<16xf32> to vector<16xi32>
      %shift_right_logical3A_128 = arith.constant 16 : i32
      %shift_right_logical3A_129 = vector.broadcast %shift_right_logical3A_128 : i32 to vector<16xi32>
      %shift_right_logical3A_130 = arith.shrui %bitcast3A_121, %shift_right_logical3A_129 : vector<16xi32>
      %and3A_131 = vector.broadcast %scan3A_50 : i32 to vector<16xi32>
      %and3A_132 = arith.andi %bitcast3A_127, %and3A_131 : vector<16xi32>
      %or3A_133 = arith.ori %shift_right_logical3A_130, %and3A_132 : vector<16xi32>
      %bitcast3A_134 = vector.bitcast %or3A_133 : vector<16xi32> to vector<32xbf16>
      %swap3A_135 = arith.index_cast %scan3A_76 : i32 to index
      %swap3A_136 = arith.constant 64 : index
      %swap3A_137 = tpu.vector_load %arg6[%swap3A_135, %swap3A_136] {strides = array<i32>} : memref<25x832xbf16, #tpu.memory_space<vmem>>, vector<32xbf16>,
      tpu.vector_store %arg6[%swap3A_135, %swap3A_136], %bitcast3A_134 {strides = array<i32>} : memref<25x832xbf16, #tpu.memory_space<vmem>>, vector<32xbf16>,
      %get3A_138 = arith.constant 3 : i32
      %get3A_139 = arith.index_cast %get3A_138 : i32 to index
      %get3A_140 = arith.index_cast %scan3A_76 : i32 to index
      %get3A_141 = arith.constant 0 : index
      %get3A_142 = tpu.vector_load %arg4[%get3A_139, %get3A_140, %get3A_141] {strides = array<i32>} : memref<26x25x32xf32, #tpu.memory_space<vmem>>, vector<16xf32>,
      %bitcast3A_143 = vector.bitcast %get3A_142 : vector<16xf32> to vector<16xi32>
      %get3A_144 = arith.constant 3 : i32
      %get3A_145 = arith.index_cast %get3A_144 : i32 to index
      %get3A_146 = arith.index_cast %scan3A_76 : i32 to index
      %get3A_147 = arith.constant 16 : index
      %get3A_148 = tpu.vector_load %arg4[%get3A_145, %get3A_146, %get3A_147] {strides = array<i32>} : memref<26x25x32xf32, #tpu.memory_space<vmem>>, vector<16xf32>,
      %bitcast3A_149 = vector.bitcast %get3A_148 : vector<16xf32> to vector<16xi32>
      %shift_right_logical3A_150 = arith.constant 16 : i32
      %shift_right_logical3A_151 = vector.broadcast %shift_right_logical3A_150 : i32 to vector<16xi32>
      %shift_right_logical3A_152 = arith.shrui %bitcast3A_143, %shift_right_logical3A_151 : vector<16xi32>
      %and3A_153 = vector.broadcast %scan3A_50 : i32 to vector<16xi32>
      %and3A_154 = arith.andi %bitcast3A_149, %and3A_153 : vector<16xi32>
      %or3A_155 = arith.ori %shift_right_logical3A_152, %and3A_154 : vector<16xi32>
      %bitcast3A_156 = vector.bitcast %or3A_155 : vector<16xi32> to vector<32xbf16>
      %swap3A_157 = arith.index_cast %scan3A_76 : i32 to index
      %swap3A_158 = arith.constant 96 : index
      %swap3A_159 = tpu.vector_load %arg6[%swap3A_157, %swap3A_158] {strides = array<i32>} : memref<25x832xbf16, #tpu.memory_space<vmem>>, vector<32xbf16>,
      tpu.vector_store %arg6[%swap3A_157, %swap3A_158], %bitcast3A_156 {strides = array<i32>} : memref<25x832xbf16, #tpu.memory_space<vmem>>, vector<32xbf16>,
      %get3A_160 = arith.constant 4 : i32
      %get3A_161 = arith.index_cast %get3A_160 : i32 to index
      %get3A_162 = arith.index_cast %scan3A_76 : i32 to index
      %get3A_163 = arith.constant 0 : index
      %get3A_164 = tpu.vector_load %arg4[%get3A_161, %get3A_162, %get3A_163] {strides = array<i32>} : memref<26x25x32xf32, #tpu.memory_space<vmem>>, vector<16xf32>,
      %bitcast3A_165 = vector.bitcast %get3A_164 : vector<16xf32> to vector<16xi32>
      %get3A_166 = arith.constant 4 : i32
      %get3A_167 = arith.index_cast %get3A_166 : i32 to index
      %get3A_168 = arith.index_cast %scan3A_76 : i32 to index
      %get3A_169 = arith.constant 16 : index
      %get3A_170 = tpu.vector_load %arg4[%get3A_167, %get3A_168, %get3A_169] {strides = array<i32>} : memref<26x25x32xf32, #tpu.memory_space<vmem>>, vector<16xf32>,
      %bitcast3A_171 = vector.bitcast %get3A_170 : vector<16xf32> to vector<16xi32>
      %shift_right_logical3A_172 = arith.constant 16 : i32
      %shift_right_logical3A_173 = vector.broadcast %shift_right_logical3A_172 : i32 to vector<16xi32>
      %shift_right_logical3A_174 = arith.shrui %bitcast3A_165, %shift_right_logical3A_173 : vector<16xi32>
      %and3A_175 = vector.broadcast %scan3A_50 : i32 to vector<16xi32>
      %and3A_176 = arith.andi %bitcast3A_171, %and3A_175 : vector<16xi32>
      %or3A_177 = arith.ori %shift_right_logical3A_174, %and3A_176 : vector<16xi32>
      %bitcast3A_178 = vector.bitcast %or3A_177 : vector<16xi32> to vector<32xbf16>
      %swap3A_179 = arith.index_cast %scan3A_76 : i32 to index
      %swap3A_180 = arith.constant 128 : index
      %swap3A_181 = tpu.vector_load %arg6[%swap3A_179, %swap3A_180] {strides = array<i32>} : memref<25x832xbf16, #tpu.memory_space<vmem>>, vector<32xbf16>,
      tpu.vector_store %arg6[%swap3A_179, %swap3A_180], %bitcast3A_178 {strides = array<i32>} : memref<25x832xbf16, #tpu.memory_space<vmem>>, vector<32xbf16>,
      %get3A_182 = arith.constant 5 : i32
      %get3A_183 = arith.index_cast %get3A_182 : i32 to index
      %get3A_184 = arith.index_cast %scan3A_76 : i32 to index
      %get3A_185 = arith.constant 0 : index
      %get3A_186 = tpu.vector_load %arg4[%get3A_183, %get3A_184, %get3A_185] {strides = array<i32>} : memref<26x25x32xf32, #tpu.memory_space<vmem>>, vector<16xf32>,
      %bitcast3A_187 = vector.bitcast %get3A_186 : vector<16xf32> to vector<16xi32>
      %get3A_188 = arith.constant 5 : i32
      %get3A_189 = arith.index_cast %get3A_188 : i32 to index
      %get3A_190 = arith.index_cast %scan3A_76 : i32 to index
      %get3A_191 = arith.constant 16 : index
      %get3A_192 = tpu.vector_load %arg4[%get3A_189, %get3A_190, %get3A_191] {strides = array<i32>} : memref<26x25x32xf32, #tpu.memory_space<vmem>>, vector<16xf32>,
      %bitcast3A_193 = vector.bitcast %get3A_192 : vector<16xf32> to vector<16xi32>
      %shift_right_logical3A_194 = arith.constant 16 : i32
      %shift_right_logical3A_195 = vector.broadcast %shift_right_logical3A_194 : i32 to vector<16xi32>
      %shift_right_logical3A_196 = arith.shrui %bitcast3A_187, %shift_right_logical3A_195 : vector<16xi32>
      %and3A_197 = vector.broadcast %scan3A_50 : i32 to vector<16xi32>
      %and3A_198 = arith.andi %bitcast3A_193, %and3A_197 : vector<16xi32>
      %or3A_199 = arith.ori %shift_right_logical3A_196, %and3A_198 : vector<16xi32>
      %bitcast3A_200 = vector.bitcast %or3A_199 : vector<16xi32> to vector<32xbf16>
      %swap3A_201 = arith.index_cast %scan3A_76 : i32 to index
      %swap3A_202 = arith.constant 160 : index
      %swap3A_203 = tpu.vector_load %arg6[%swap3A_201, %swap3A_202] {strides = array<i32>} : memref<25x832xbf16, #tpu.memory_space<vmem>>, vector<32xbf16>,
      tpu.vector_store %arg6[%swap3A_201, %swap3A_202], %bitcast3A_200 {strides = array<i32>} : memref<25x832xbf16, #tpu.memory_space<vmem>>, vector<32xbf16>,
      %get3A_204 = arith.constant 6 : i32
      %get3A_205 = arith.index_cast %get3A_204 : i32 to index
      %get3A_206 = arith.index_cast %scan3A_76 : i32 to index
      %get3A_207 = arith.constant 0 : index
      %get3A_208 = tpu.vector_load %arg4[%get3A_205, %get3A_206, %get3A_207] {strides = array<i32>} : memref<26x25x32xf32, #tpu.memory_space<vmem>>, vector<16xf32>,
      %bitcast3A_209 = vector.bitcast %get3A_208 : vector<16xf32> to vector<16xi32>
      %get3A_210 = arith.constant 6 : i32
      %get3A_211 = arith.index_cast %get3A_210 : i32 to index
      %get3A_212 = arith.index_cast %scan3A_76 : i32 to index
      %get3A_213 = arith.constant 16 : index
      %get3A_214 = tpu.vector_load %arg4[%get3A_211, %get3A_212, %get3A_213] {strides = array<i32>} : memref<26x25x32xf32, #tpu.memory_space<vmem>>, vector<16xf32>,
      %bitcast3A_215 = vector.bitcast %get3A_214 : vector<16xf32> to vector<16xi32>
      %shift_right_logical3A_216 = arith.constant 16 : i32
      %shift_right_logical3A_217 = vector.broadcast %shift_right_logical3A_216 : i32 to vector<16xi32>
      %shift_right_logical3A_218 = arith.shrui %bitcast3A_209, %shift_right_logical3A_217 : vector<16xi32>
      %and3A_219 = vector.broadcast %scan3A_50 : i32 to vector<16xi32>
      %and3A_220 = arith.andi %bitcast3A_215, %and3A_219 : vector<16xi32>
      %or3A_221 = arith.ori %shift_right_logical3A_218, %and3A_220 : vector<16xi32>
      %bitcast3A_222 = vector.bitcast %or3A_221 : vector<16xi32> to vector<32xbf16>
      %swap3A_223 = arith.index_cast %scan3A_76 : i32 to index
      %swap3A_224 = arith.constant 192 : index
      %swap3A_225 = tpu.vector_load %arg6[%swap3A_223, %swap3A_224] {strides = array<i32>} : memref<25x832xbf16, #tpu.memory_space<vmem>>, vector<32xbf16>,
      tpu.vector_store %arg6[%swap3A_223, %swap3A_224], %bitcast3A_222 {strides = array<i32>} : memref<25x832xbf16, #tpu.memory_space<vmem>>, vector<32xbf16>,
      %get3A_226 = arith.constant 7 : i32
      %get3A_227 = arith.index_cast %get3A_226 : i32 to index
      %get3A_228 = arith.index_cast %scan3A_76 : i32 to index
      %get3A_229 = arith.constant 0 : index
      %get3A_230 = tpu.vector_load %arg4[%get3A_227, %get3A_228, %get3A_229] {strides = array<i32>} : memref<26x25x32xf32, #tpu.memory_space<vmem>>, vector<16xf32>,
      %bitcast3A_231 = vector.bitcast %get3A_230 : vector<16xf32> to vector<16xi32>
      %get3A_232 = arith.constant 7 : i32
      %get3A_233 = arith.index_cast %get3A_232 : i32 to index
      %get3A_234 = arith.index_cast %scan3A_76 : i32 to index
      %get3A_235 = arith.constant 16 : index
      %get3A_236 = tpu.vector_load %arg4[%get3A_233, %get3A_234, %get3A_235] {strides = array<i32>} : memref<26x25x32xf32, #tpu.memory_space<vmem>>, vector<16xf32>,
      %bitcast3A_237 = vector.bitcast %get3A_236 : vector<16xf32> to vector<16xi32>
      %shift_right_logical3A_238 = arith.constant 16 : i32
      %shift_right_logical3A_239 = vector.broadcast %shift_right_logical3A_238 : i32 to vector<16xi32>
      %shift_right_logical3A_240 = arith.shrui %bitcast3A_231, %shift_right_logical3A_239 : vector<16xi32>
      %and3A_241 = vector.broadcast %scan3A_50 : i32 to vector<16xi32>
      %and3A_242 = arith.andi %bitcast3A_237, %and3A_241 : vector<16xi32>
      %or3A_243 = arith.ori %shift_right_logical3A_240, %and3A_242 : vector<16xi32>
      %bitcast3A_244 = vector.bitcast %or3A_243 : vector<16xi32> to vector<32xbf16>
      %swap3A_245 = arith.index_cast %scan3A_76 : i32 to index
      %swap3A_246 = arith.constant 224 : index
      %swap3A_247 = tpu.vector_load %arg6[%swap3A_245, %swap3A_246] {strides = array<i32>} : memref<25x832xbf16, #tpu.memory_space<vmem>>, vector<32xbf16>,
      tpu.vector_store %arg6[%swap3A_245, %swap3A_246], %bitcast3A_244 {strides = array<i32>} : memref<25x832xbf16, #tpu.memory_space<vmem>>, vector<32xbf16>,
      %get3A_248 = arith.constant 8 : i32
      %get3A_249 = arith.index_cast %get3A_248 : i32 to index
      %get3A_250 = arith.index_cast %scan3A_76 : i32 to index
      %get3A_251 = arith.constant 0 : index
      %get3A_252 = tpu.vector_load %arg4[%get3A_249, %get3A_250, %get3A_251] {strides = array<i32>} : memref<26x25x32xf32, #tpu.memory_space<vmem>>, vector<16xf32>,
      %bitcast3A_253 = vector.bitcast %get3A_252 : vector<16xf32> to vector<16xi32>
      %get3A_254 = arith.constant 8 : i32
      %get3A_255 = arith.index_cast %get3A_254 : i32 to index
      %get3A_256 = arith.index_cast %scan3A_76 : i32 to index
      %get3A_257 = arith.constant 16 : index
      %get3A_258 = tpu.vector_load %arg4[%get3A_255, %get3A_256, %get3A_257] {strides = array<i32>} : memref<26x25x32xf32, #tpu.memory_space<vmem>>, vector<16xf32>,
      %bitcast3A_259 = vector.bitcast %get3A_258 : vector<16xf32> to vector<16xi32>
      %shift_right_logical3A_260 = arith.constant 16 : i32
      %shift_right_logical3A_261 = vector.broadcast %shift_right_logical3A_260 : i32 to vector<16xi32>
      %shift_right_logical3A_262 = arith.shrui %bitcast3A_253, %shift_right_logical3A_261 : vector<16xi32>
      %and3A_263 = vector.broadcast %scan3A_50 : i32 to vector<16xi32>
      %and3A_264 = arith.andi %bitcast3A_259, %and3A_263 : vector<16xi32>
      %or3A_265 = arith.ori %shift_right_logical3A_262, %and3A_264 : vector<16xi32>
      %bitcast3A_266 = vector.bitcast %or3A_265 : vector<16xi32> to vector<32xbf16>
      %swap3A_267 = arith.index_cast %scan3A_76 : i32 to index
      %swap3A_268 = arith.constant 256 : index
      %swap3A_269 = tpu.vector_load %arg6[%swap3A_267, %swap3A_268] {strides = array<i32>} : memref<25x832xbf16, #tpu.memory_space<vmem>>, vector<32xbf16>,
      tpu.vector_store %arg6[%swap3A_267, %swap3A_268], %bitcast3A_266 {strides = array<i32>} : memref<25x832xbf16, #tpu.memory_space<vmem>>, vector<32xbf16>,
      %get3A_270 = arith.constant 9 : i32
      %get3A_271 = arith.index_cast %get3A_270 : i32 to index
      %get3A_272 = arith.index_cast %scan3A_76 : i32 to index
      %get3A_273 = arith.constant 0 : index
      %get3A_274 = tpu.vector_load %arg4[%get3A_271, %get3A_272, %get3A_273] {strides = array<i32>} : memref<26x25x32xf32, #tpu.memory_space<vmem>>, vector<16xf32>,
      %bitcast3A_275 = vector.bitcast %get3A_274 : vector<16xf32> to vector<16xi32>
      %get3A_276 = arith.constant 9 : i32
      %get3A_277 = arith.index_cast %get3A_276 : i32 to index
      %get3A_278 = arith.index_cast %scan3A_76 : i32 to index
      %get3A_279 = arith.constant 16 : index
      %get3A_280 = tpu.vector_load %arg4[%get3A_277, %get3A_278, %get3A_279] {strides = array<i32>} : memref<26x25x32xf32, #tpu.memory_space<vmem>>, vector<16xf32>,
      %bitcast3A_281 = vector.bitcast %get3A_280 : vector<16xf32> to vector<16xi32>
      %shift_right_logical3A_282 = arith.constant 16 : i32
      %shift_right_logical3A_283 = vector.broadcast %shift_right_logical3A_282 : i32 to vector<16xi32>
      %shift_right_logical3A_284 = arith.shrui %bitcast3A_275, %shift_right_logical3A_283 : vector<16xi32>
      %and3A_285 = vector.broadcast %scan3A_50 : i32 to vector<16xi32>
      %and3A_286 = arith.andi %bitcast3A_281, %and3A_285 : vector<16xi32>
      %or3A_287 = arith.ori %shift_right_logical3A_284, %and3A_286 : vector<16xi32>
      %bitcast3A_288 = vector.bitcast %or3A_287 : vector<16xi32> to vector<32xbf16>
      %swap3A_289 = arith.index_cast %scan3A_76 : i32 to index
      %swap3A_290 = arith.constant 288 : index
      %swap3A_291 = tpu.vector_load %arg6[%swap3A_289, %swap3A_290] {strides = array<i32>} : memref<25x832xbf16, #tpu.memory_space<vmem>>, vector<32xbf16>,
      tpu.vector_store %arg6[%swap3A_289, %swap3A_290], %bitcast3A_288 {strides = array<i32>} : memref<25x832xbf16, #tpu.memory_space<vmem>>, vector<32xbf16>,
      %get3A_292 = arith.constant 10 : i32
      %get3A_293 = arith.index_cast %get3A_292 : i32 to index
      %get3A_294 = arith.index_cast %scan3A_76 : i32 to index
      %get3A_295 = arith.constant 0 : index
      %get3A_296 = tpu.vector_load %arg4[%get3A_293, %get3A_294, %get3A_295] {strides = array<i32>} : memref<26x25x32xf32, #tpu.memory_space<vmem>>, vector<16xf32>,
      %bitcast3A_297 = vector.bitcast %get3A_296 : vector<16xf32> to vector<16xi32>
      %get3A_298 = arith.constant 10 : i32
      %get3A_299 = arith.index_cast %get3A_298 : i32 to index
      %get3A_300 = arith.index_cast %scan3A_76 : i32 to index
      %get3A_301 = arith.constant 16 : index
      %get3A_302 = tpu.vector_load %arg4[%get3A_299, %get3A_300, %get3A_301] {strides = array<i32>} : memref<26x25x32xf32, #tpu.memory_space<vmem>>, vector<16xf32>,
      %bitcast3A_303 = vector.bitcast %get3A_302 : vector<16xf32> to vector<16xi32>
      %shift_right_logical3A_304 = arith.constant 16 : i32
      %shift_right_logical3A_305 = vector.broadcast %shift_right_logical3A_304 : i32 to vector<16xi32>
      %shift_right_logical3A_306 = arith.shrui %bitcast3A_297, %shift_right_logical3A_305 : vector<16xi32>
      %and3A_307 = vector.broadcast %scan3A_50 : i32 to vector<16xi32>
      %and3A_308 = arith.andi %bitcast3A_303, %and3A_307 : vector<16xi32>
      %or3A_309 = arith.ori %shift_right_logical3A_306, %and3A_308 : vector<16xi32>
      %bitcast3A_310 = vector.bitcast %or3A_309 : vector<16xi32> to vector<32xbf16>
      %swap3A_311 = arith.index_cast %scan3A_76 : i32 to index
      %swap3A_312 = arith.constant 320 : index
      %swap3A_313 = tpu.vector_load %arg6[%swap3A_311, %swap3A_312] {strides = array<i32>} : memref<25x832xbf16, #tpu.memory_space<vmem>>, vector<32xbf16>,
      tpu.vector_store %arg6[%swap3A_311, %swap3A_312], %bitcast3A_310 {strides = array<i32>} : memref<25x832xbf16, #tpu.memory_space<vmem>>, vector<32xbf16>,
      %get3A_314 = arith.constant 11 : i32
      %get3A_315 = arith.index_cast %get3A_314 : i32 to index
      %get3A_316 = arith.index_cast %scan3A_76 : i32 to index
      %get3A_317 = arith.constant 0 : index
      %get3A_318 = tpu.vector_load %arg4[%get3A_315, %get3A_316, %get3A_317] {strides = array<i32>} : memref<26x25x32xf32, #tpu.memory_space<vmem>>, vector<16xf32>,
      %bitcast3A_319 = vector.bitcast %get3A_318 : vector<16xf32> to vector<16xi32>
      %get3A_320 = arith.constant 11 : i32
      %get3A_321 = arith.index_cast %get3A_320 : i32 to index
      %get3A_322 = arith.index_cast %scan3A_76 : i32 to index
      %get3A_323 = arith.constant 16 : index
      %get3A_324 = tpu.vector_load %arg4[%get3A_321, %get3A_322, %get3A_323] {strides = array<i32>} : memref<26x25x32xf32, #tpu.memory_space<vmem>>, vector<16xf32>,
      %bitcast3A_325 = vector.bitcast %get3A_324 : vector<16xf32> to vector<16xi32>
      %shift_right_logical3A_326 = arith.constant 16 : i32
      %shift_right_logical3A_327 = vector.broadcast %shift_right_logical3A_326 : i32 to vector<16xi32>
      %shift_right_logical3A_328 = arith.shrui %bitcast3A_319, %shift_right_logical3A_327 : vector<16xi32>
      %and3A_329 = vector.broadcast %scan3A_50 : i32 to vector<16xi32>
      %and3A_330 = arith.andi %bitcast3A_325, %and3A_329 : vector<16xi32>
      %or3A_331 = arith.ori %shift_right_logical3A_328, %and3A_330 : vector<16xi32>
      %bitcast3A_332 = vector.bitcast %or3A_331 : vector<16xi32> to vector<32xbf16>
      %swap3A_333 = arith.index_cast %scan3A_76 : i32 to index
      %swap3A_334 = arith.constant 352 : index
      %swap3A_335 = tpu.vector_load %arg6[%swap3A_333, %swap3A_334] {strides = array<i32>} : memref<25x832xbf16, #tpu.memory_space<vmem>>, vector<32xbf16>,
      tpu.vector_store %arg6[%swap3A_333, %swap3A_334], %bitcast3A_332 {strides = array<i32>} : memref<25x832xbf16, #tpu.memory_space<vmem>>, vector<32xbf16>,
      %get3A_336 = arith.constant 12 : i32
      %get3A_337 = arith.index_cast %get3A_336 : i32 to index
      %get3A_338 = arith.index_cast %scan3A_76 : i32 to index
      %get3A_339 = arith.constant 0 : index
      %get3A_340 = tpu.vector_load %arg4[%get3A_337, %get3A_338, %get3A_339] {strides = array<i32>} : memref<26x25x32xf32, #tpu.memory_space<vmem>>, vector<16xf32>,
      %bitcast3A_341 = vector.bitcast %get3A_340 : vector<16xf32> to vector<16xi32>
      %get3A_342 = arith.constant 12 : i32
      %get3A_343 = arith.index_cast %get3A_342 : i32 to index
      %get3A_344 = arith.index_cast %scan3A_76 : i32 to index
      %get3A_345 = arith.constant 16 : index
      %get3A_346 = tpu.vector_load %arg4[%get3A_343, %get3A_344, %get3A_345] {strides = array<i32>} : memref<26x25x32xf32, #tpu.memory_space<vmem>>, vector<16xf32>,
      %bitcast3A_347 = vector.bitcast %get3A_346 : vector<16xf32> to vector<16xi32>
      %shift_right_logical3A_348 = arith.constant 16 : i32
      %shift_right_logical3A_349 = vector.broadcast %shift_right_logical3A_348 : i32 to vector<16xi32>
      %shift_right_logical3A_350 = arith.shrui %bitcast3A_341, %shift_right_logical3A_349 : vector<16xi32>
      %and3A_351 = vector.broadcast %scan3A_50 : i32 to vector<16xi32>
      %and3A_352 = arith.andi %bitcast3A_347, %and3A_351 : vector<16xi32>
      %or3A_353 = arith.ori %shift_right_logical3A_350, %and3A_352 : vector<16xi32>
      %bitcast3A_354 = vector.bitcast %or3A_353 : vector<16xi32> to vector<32xbf16>
      %swap3A_355 = arith.index_cast %scan3A_76 : i32 to index
      %swap3A_356 = arith.constant 384 : index
      %swap3A_357 = tpu.vector_load %arg6[%swap3A_355, %swap3A_356] {strides = array<i32>} : memref<25x832xbf16, #tpu.memory_space<vmem>>, vector<32xbf16>,
      tpu.vector_store %arg6[%swap3A_355, %swap3A_356], %bitcast3A_354 {strides = array<i32>} : memref<25x832xbf16, #tpu.memory_space<vmem>>, vector<32xbf16>,
      %get3A_358 = arith.constant 13 : i32
      %get3A_359 = arith.index_cast %get3A_358 : i32 to index
      %get3A_360 = arith.index_cast %scan3A_76 : i32 to index
      %get3A_361 = arith.constant 0 : index
      %get3A_362 = tpu.vector_load %arg4[%get3A_359, %get3A_360, %get3A_361] {strides = array<i32>} : memref<26x25x32xf32, #tpu.memory_space<vmem>>, vector<16xf32>,
      %bitcast3A_363 = vector.bitcast %get3A_362 : vector<16xf32> to vector<16xi32>
      %get3A_364 = arith.constant 13 : i32
      %get3A_365 = arith.index_cast %get3A_364 : i32 to index
      %get3A_366 = arith.index_cast %scan3A_76 : i32 to index
      %get3A_367 = arith.constant 16 : index
      %get3A_368 = tpu.vector_load %arg4[%get3A_365, %get3A_366, %get3A_367] {strides = array<i32>} : memref<26x25x32xf32, #tpu.memory_space<vmem>>, vector<16xf32>,
      %bitcast3A_369 = vector.bitcast %get3A_368 : vector<16xf32> to vector<16xi32>
      %shift_right_logical3A_370 = arith.constant 16 : i32
      %shift_right_logical3A_371 = vector.broadcast %shift_right_logical3A_370 : i32 to vector<16xi32>
      %shift_right_logical3A_372 = arith.shrui %bitcast3A_363, %shift_right_logical3A_371 : vector<16xi32>
      %and3A_373 = vector.broadcast %scan3A_50 : i32 to vector<16xi32>
      %and3A_374 = arith.andi %bitcast3A_369, %and3A_373 : vector<16xi32>
      %or3A_375 = arith.ori %shift_right_logical3A_372, %and3A_374 : vector<16xi32>
      %bitcast3A_376 = vector.bitcast %or3A_375 : vector<16xi32> to vector<32xbf16>
      %swap3A_377 = arith.index_cast %scan3A_76 : i32 to index
      %swap3A_378 = arith.constant 416 : index
      %swap3A_379 = tpu.vector_load %arg6[%swap3A_377, %swap3A_378] {strides = array<i32>} : memref<25x832xbf16, #tpu.memory_space<vmem>>, vector<32xbf16>,
      tpu.vector_store %arg6[%swap3A_377, %swap3A_378], %bitcast3A_376 {strides = array<i32>} : memref<25x832xbf16, #tpu.memory_space<vmem>>, vector<32xbf16>,
      %get3A_380 = arith.constant 14 : i32
      %get3A_381 = arith.index_cast %get3A_380 : i32 to index
      %get3A_382 = arith.index_cast %scan3A_76 : i32 to index
      %get3A_383 = arith.constant 0 : index
      %get3A_384 = tpu.vector_load %arg4[%get3A_381, %get3A_382, %get3A_383] {strides = array<i32>} : memref<26x25x32xf32, #tpu.memory_space<vmem>>, vector<16xf32>,
      %bitcast3A_385 = vector.bitcast %get3A_384 : vector<16xf32> to vector<16xi32>
      %get3A_386 = arith.constant 14 : i32
      %get3A_387 = arith.index_cast %get3A_386 : i32 to index
      %get3A_388 = arith.index_cast %scan3A_76 : i32 to index
      %get3A_389 = arith.constant 16 : index
      %get3A_390 = tpu.vector_load %arg4[%get3A_387, %get3A_388, %get3A_389] {strides = array<i32>} : memref<26x25x32xf32, #tpu.memory_space<vmem>>, vector<16xf32>,
      %bitcast3A_391 = vector.bitcast %get3A_390 : vector<16xf32> to vector<16xi32>
      %shift_right_logical3A_392 = arith.constant 16 : i32
      %shift_right_logical3A_393 = vector.broadcast %shift_right_logical3A_392 : i32 to vector<16xi32>
      %shift_right_logical3A_394 = arith.shrui %bitcast3A_385, %shift_right_logical3A_393 : vector<16xi32>
      %and3A_395 = vector.broadcast %scan3A_50 : i32 to vector<16xi32>
      %and3A_396 = arith.andi %bitcast3A_391, %and3A_395 : vector<16xi32>
      %or3A_397 = arith.ori %shift_right_logical3A_394, %and3A_396 : vector<16xi32>
      %bitcast3A_398 = vector.bitcast %or3A_397 : vector<16xi32> to vector<32xbf16>
      %swap3A_399 = arith.index_cast %scan3A_76 : i32 to index
      %swap3A_400 = arith.constant 448 : index
      %swap3A_401 = tpu.vector_load %arg6[%swap3A_399, %swap3A_400] {strides = array<i32>} : memref<25x832xbf16, #tpu.memory_space<vmem>>, vector<32xbf16>,
      tpu.vector_store %arg6[%swap3A_399, %swap3A_400], %bitcast3A_398 {strides = array<i32>} : memref<25x832xbf16, #tpu.memory_space<vmem>>, vector<32xbf16>,
      %get3A_402 = arith.constant 15 : i32
      %get3A_403 = arith.index_cast %get3A_402 : i32 to index
      %get3A_404 = arith.index_cast %scan3A_76 : i32 to index
      %get3A_405 = arith.constant 0 : index
      %get3A_406 = tpu.vector_load %arg4[%get3A_403, %get3A_404, %get3A_405] {strides = array<i32>} : memref<26x25x32xf32, #tpu.memory_space<vmem>>, vector<16xf32>,
      %bitcast3A_407 = vector.bitcast %get3A_406 : vector<16xf32> to vector<16xi32>
      %get3A_408 = arith.constant 15 : i32
      %get3A_409 = arith.index_cast %get3A_408 : i32 to index
      %get3A_410 = arith.index_cast %scan3A_76 : i32 to index
      %get3A_411 = arith.constant 16 : index
      %get3A_412 = tpu.vector_load %arg4[%get3A_409, %get3A_410, %get3A_411] {strides = array<i32>} : memref<26x25x32xf32, #tpu.memory_space<vmem>>, vector<16xf32>,
      %bitcast3A_413 = vector.bitcast %get3A_412 : vector<16xf32> to vector<16xi32>
      %shift_right_logical3A_414 = arith.constant 16 : i32
      %shift_right_logical3A_415 = vector.broadcast %shift_right_logical3A_414 : i32 to vector<16xi32>
      %shift_right_logical3A_416 = arith.shrui %bitcast3A_407, %shift_right_logical3A_415 : vector<16xi32>
      %and3A_417 = vector.broadcast %scan3A_50 : i32 to vector<16xi32>
      %and3A_418 = arith.andi %bitcast3A_413, %and3A_417 : vector<16xi32>
      %or3A_419 = arith.ori %shift_right_logical3A_416, %and3A_418 : vector<16xi32>
      %bitcast3A_420 = vector.bitcast %or3A_419 : vector<16xi32> to vector<32xbf16>
      %swap3A_421 = arith.index_cast %scan3A_76 : i32 to index
      %swap3A_422 = arith.constant 480 : index
      %swap3A_423 = tpu.vector_load %arg6[%swap3A_421, %swap3A_422] {strides = array<i32>} : memref<25x832xbf16, #tpu.memory_space<vmem>>, vector<32xbf16>,
      tpu.vector_store %arg6[%swap3A_421, %swap3A_422], %bitcast3A_420 {strides = array<i32>} : memref<25x832xbf16, #tpu.memory_space<vmem>>, vector<32xbf16>,
      %get3A_424 = arith.constant 16 : i32
      %get3A_425 = arith.index_cast %get3A_424 : i32 to index
      %get3A_426 = arith.index_cast %scan3A_76 : i32 to index
      %get3A_427 = arith.constant 0 : index
      %get3A_428 = tpu.vector_load %arg4[%get3A_425, %get3A_426, %get3A_427] {strides = array<i32>} : memref<26x25x32xf32, #tpu.memory_space<vmem>>, vector<16xf32>,
      %bitcast3A_429 = vector.bitcast %get3A_428 : vector<16xf32> to vector<16xi32>
      %get3A_430 = arith.constant 16 : i32
      %get3A_431 = arith.index_cast %get3A_430 : i32 to index
      %get3A_432 = arith.index_cast %scan3A_76 : i32 to index
      %get3A_433 = arith.constant 16 : index
      %get3A_434 = tpu.vector_load %arg4[%get3A_431, %get3A_432, %get3A_433] {strides = array<i32>} : memref<26x25x32xf32, #tpu.memory_space<vmem>>, vector<16xf32>,
      %bitcast3A_435 = vector.bitcast %get3A_434 : vector<16xf32> to vector<16xi32>
      %shift_right_logical3A_436 = arith.constant 16 : i32
      %shift_right_logical3A_437 = vector.broadcast %shift_right_logical3A_436 : i32 to vector<16xi32>
      %shift_right_logical3A_438 = arith.shrui %bitcast3A_429, %shift_right_logical3A_437 : vector<16xi32>
      %and3A_439 = vector.broadcast %scan3A_50 : i32 to vector<16xi32>
      %and3A_440 = arith.andi %bitcast3A_435, %and3A_439 : vector<16xi32>
      %or3A_441 = arith.ori %shift_right_logical3A_438, %and3A_440 : vector<16xi32>
      %bitcast3A_442 = vector.bitcast %or3A_441 : vector<16xi32> to vector<32xbf16>
      %swap3A_443 = arith.index_cast %scan3A_76 : i32 to index
      %swap3A_444 = arith.constant 512 : index
      %swap3A_445 = tpu.vector_load %arg6[%swap3A_443, %swap3A_444] {strides = array<i32>} : memref<25x832xbf16, #tpu.memory_space<vmem>>, vector<32xbf16>,
      tpu.vector_store %arg6[%swap3A_443, %swap3A_444], %bitcast3A_442 {strides = array<i32>} : memref<25x832xbf16, #tpu.memory_space<vmem>>, vector<32xbf16>,
      %get3A_446 = arith.constant 17 : i32
      %get3A_447 = arith.index_cast %get3A_446 : i32 to index
      %get3A_448 = arith.index_cast %scan3A_76 : i32 to index
      %get3A_449 = arith.constant 0 : index
      %get3A_450 = tpu.vector_load %arg4[%get3A_447, %get3A_448, %get3A_449] {strides = array<i32>} : memref<26x25x32xf32, #tpu.memory_space<vmem>>, vector<16xf32>,
      %bitcast3A_451 = vector.bitcast %get3A_450 : vector<16xf32> to vector<16xi32>
      %get3A_452 = arith.constant 17 : i32
      %get3A_453 = arith.index_cast %get3A_452 : i32 to index
      %get3A_454 = arith.index_cast %scan3A_76 : i32 to index
      %get3A_455 = arith.constant 16 : index
      %get3A_456 = tpu.vector_load %arg4[%get3A_453, %get3A_454, %get3A_455] {strides = array<i32>} : memref<26x25x32xf32, #tpu.memory_space<vmem>>, vector<16xf32>,
      %bitcast3A_457 = vector.bitcast %get3A_456 : vector<16xf32> to vector<16xi32>
      %shift_right_logical3A_458 = arith.constant 16 : i32
      %shift_right_logical3A_459 = vector.broadcast %shift_right_logical3A_458 : i32 to vector<16xi32>
      %shift_right_logical3A_460 = arith.shrui %bitcast3A_451, %shift_right_logical3A_459 : vector<16xi32>
      %and3A_461 = vector.broadcast %scan3A_50 : i32 to vector<16xi32>
      %and3A_462 = arith.andi %bitcast3A_457, %and3A_461 : vector<16xi32>
      %or3A_463 = arith.ori %shift_right_logical3A_460, %and3A_462 : vector<16xi32>
      %bitcast3A_464 = vector.bitcast %or3A_463 : vector<16xi32> to vector<32xbf16>
      %swap3A_465 = arith.index_cast %scan3A_76 : i32 to index
      %swap3A_466 = arith.constant 544 : index
      %swap3A_467 = tpu.vector_load %arg6[%swap3A_465, %swap3A_466] {strides = array<i32>} : memref<25x832xbf16, #tpu.memory_space<vmem>>, vector<32xbf16>,
      tpu.vector_store %arg6[%swap3A_465, %swap3A_466], %bitcast3A_464 {strides = array<i32>} : memref<25x832xbf16, #tpu.memory_space<vmem>>, vector<32xbf16>,
      %get3A_468 = arith.constant 18 : i32
      %get3A_469 = arith.index_cast %get3A_468 : i32 to index
      %get3A_470 = arith.index_cast %scan3A_76 : i32 to index
      %get3A_471 = arith.constant 0 : index
      %get3A_472 = tpu.vector_load %arg4[%get3A_469, %get3A_470, %get3A_471] {strides = array<i32>} : memref<26x25x32xf32, #tpu.memory_space<vmem>>, vector<16xf32>,
      %bitcast3A_473 = vector.bitcast %get3A_472 : vector<16xf32> to vector<16xi32>
      %get3A_474 = arith.constant 18 : i32
      %get3A_475 = arith.index_cast %get3A_474 : i32 to index
      %get3A_476 = arith.index_cast %scan3A_76 : i32 to index
      %get3A_477 = arith.constant 16 : index
      %get3A_478 = tpu.vector_load %arg4[%get3A_475, %get3A_476, %get3A_477] {strides = array<i32>} : memref<26x25x32xf32, #tpu.memory_space<vmem>>, vector<16xf32>,
      %bitcast3A_479 = vector.bitcast %get3A_478 : vector<16xf32> to vector<16xi32>
      %shift_right_logical3A_480 = arith.constant 16 : i32
      %shift_right_logical3A_481 = vector.broadcast %shift_right_logical3A_480 : i32 to vector<16xi32>
      %shift_right_logical3A_482 = arith.shrui %bitcast3A_473, %shift_right_logical3A_481 : vector<16xi32>
      %and3A_483 = vector.broadcast %scan3A_50 : i32 to vector<16xi32>
      %and3A_484 = arith.andi %bitcast3A_479, %and3A_483 : vector<16xi32>
      %or3A_485 = arith.ori %shift_right_logical3A_482, %and3A_484 : vector<16xi32>
      %bitcast3A_486 = vector.bitcast %or3A_485 : vector<16xi32> to vector<32xbf16>
      %swap3A_487 = arith.index_cast %scan3A_76 : i32 to index
      %swap3A_488 = arith.constant 576 : index
      %swap3A_489 = tpu.vector_load %arg6[%swap3A_487, %swap3A_488] {strides = array<i32>} : memref<25x832xbf16, #tpu.memory_space<vmem>>, vector<32xbf16>,
      tpu.vector_store %arg6[%swap3A_487, %swap3A_488], %bitcast3A_486 {strides = array<i32>} : memref<25x832xbf16, #tpu.memory_space<vmem>>, vector<32xbf16>,
      %get3A_490 = arith.constant 19 : i32
      %get3A_491 = arith.index_cast %get3A_490 : i32 to index
      %get3A_492 = arith.index_cast %scan3A_76 : i32 to index
      %get3A_493 = arith.constant 0 : index
      %get3A_494 = tpu.vector_load %arg4[%get3A_491, %get3A_492, %get3A_493] {strides = array<i32>} : memref<26x25x32xf32, #tpu.memory_space<vmem>>, vector<16xf32>,
      %bitcast3A_495 = vector.bitcast %get3A_494 : vector<16xf32> to vector<16xi32>
      %get3A_496 = arith.constant 19 : i32
      %get3A_497 = arith.index_cast %get3A_496 : i32 to index
      %get3A_498 = arith.index_cast %scan3A_76 : i32 to index
      %get3A_499 = arith.constant 16 : index
      %get3A_500 = tpu.vector_load %arg4[%get3A_497, %get3A_498, %get3A_499] {strides = array<i32>} : memref<26x25x32xf32, #tpu.memory_space<vmem>>, vector<16xf32>,
      %bitcast3A_501 = vector.bitcast %get3A_500 : vector<16xf32> to vector<16xi32>
      %shift_right_logical3A_502 = arith.constant 16 : i32
      %shift_right_logical3A_503 = vector.broadcast %shift_right_logical3A_502 : i32 to vector<16xi32>
      %shift_right_logical3A_504 = arith.shrui %bitcast3A_495, %shift_right_logical3A_503 : vector<16xi32>
      %and3A_505 = vector.broadcast %scan3A_50 : i32 to vector<16xi32>
      %and3A_506 = arith.andi %bitcast3A_501, %and3A_505 : vector<16xi32>
      %or3A_507 = arith.ori %shift_right_logical3A_504, %and3A_506 : vector<16xi32>
      %bitcast3A_508 = vector.bitcast %or3A_507 : vector<16xi32> to vector<32xbf16>
      %swap3A_509 = arith.index_cast %scan3A_76 : i32 to index
      %swap3A_510 = arith.constant 608 : index
      %swap3A_511 = tpu.vector_load %arg6[%swap3A_509, %swap3A_510] {strides = array<i32>} : memref<25x832xbf16, #tpu.memory_space<vmem>>, vector<32xbf16>,
      tpu.vector_store %arg6[%swap3A_509, %swap3A_510], %bitcast3A_508 {strides = array<i32>} : memref<25x832xbf16, #tpu.memory_space<vmem>>, vector<32xbf16>,
      %get3A_512 = arith.constant 20 : i32
      %get3A_513 = arith.index_cast %get3A_512 : i32 to index
      %get3A_514 = arith.index_cast %scan3A_76 : i32 to index
      %get3A_515 = arith.constant 0 : index
      %get3A_516 = tpu.vector_load %arg4[%get3A_513, %get3A_514, %get3A_515] {strides = array<i32>} : memref<26x25x32xf32, #tpu.memory_space<vmem>>, vector<16xf32>,
      %bitcast3A_517 = vector.bitcast %get3A_516 : vector<16xf32> to vector<16xi32>
      %get3A_518 = arith.constant 20 : i32
      %get3A_519 = arith.index_cast %get3A_518 : i32 to index
      %get3A_520 = arith.index_cast %scan3A_76 : i32 to index
      %get3A_521 = arith.constant 16 : index
      %get3A_522 = tpu.vector_load %arg4[%get3A_519, %get3A_520, %get3A_521] {strides = array<i32>} : memref<26x25x32xf32, #tpu.memory_space<vmem>>, vector<16xf32>,
      %bitcast3A_523 = vector.bitcast %get3A_522 : vector<16xf32> to vector<16xi32>
      %shift_right_logical3A_524 = arith.constant 16 : i32
      %shift_right_logical3A_525 = vector.broadcast %shift_right_logical3A_524 : i32 to vector<16xi32>
      %shift_right_logical3A_526 = arith.shrui %bitcast3A_517, %shift_right_logical3A_525 : vector<16xi32>
      %and3A_527 = vector.broadcast %scan3A_50 : i32 to vector<16xi32>
      %and3A_528 = arith.andi %bitcast3A_523, %and3A_527 : vector<16xi32>
      %or3A_529 = arith.ori %shift_right_logical3A_526, %and3A_528 : vector<16xi32>
      %bitcast3A_530 = vector.bitcast %or3A_529 : vector<16xi32> to vector<32xbf16>
      %swap3A_531 = arith.index_cast %scan3A_76 : i32 to index
      %swap3A_532 = arith.constant 640 : index
      %swap3A_533 = tpu.vector_load %arg6[%swap3A_531, %swap3A_532] {strides = array<i32>} : memref<25x832xbf16, #tpu.memory_space<vmem>>, vector<32xbf16>,
      tpu.vector_store %arg6[%swap3A_531, %swap3A_532], %bitcast3A_530 {strides = array<i32>} : memref<25x832xbf16, #tpu.memory_space<vmem>>, vector<32xbf16>,
      %get3A_534 = arith.constant 21 : i32
      %get3A_535 = arith.index_cast %get3A_534 : i32 to index
      %get3A_536 = arith.index_cast %scan3A_76 : i32 to index
      %get3A_537 = arith.constant 0 : index
      %get3A_538 = tpu.vector_load %arg4[%get3A_535, %get3A_536, %get3A_537] {strides = array<i32>} : memref<26x25x32xf32, #tpu.memory_space<vmem>>, vector<16xf32>,
      %bitcast3A_539 = vector.bitcast %get3A_538 : vector<16xf32> to vector<16xi32>
      %get3A_540 = arith.constant 21 : i32
      %get3A_541 = arith.index_cast %get3A_540 : i32 to index
      %get3A_542 = arith.index_cast %scan3A_76 : i32 to index
      %get3A_543 = arith.constant 16 : index
      %get3A_544 = tpu.vector_load %arg4[%get3A_541, %get3A_542, %get3A_543] {strides = array<i32>} : memref<26x25x32xf32, #tpu.memory_space<vmem>>, vector<16xf32>,
      %bitcast3A_545 = vector.bitcast %get3A_544 : vector<16xf32> to vector<16xi32>
      %shift_right_logical3A_546 = arith.constant 16 : i32
      %shift_right_logical3A_547 = vector.broadcast %shift_right_logical3A_546 : i32 to vector<16xi32>
      %shift_right_logical3A_548 = arith.shrui %bitcast3A_539, %shift_right_logical3A_547 : vector<16xi32>
      %and3A_549 = vector.broadcast %scan3A_50 : i32 to vector<16xi32>
      %and3A_550 = arith.andi %bitcast3A_545, %and3A_549 : vector<16xi32>
      %or3A_551 = arith.ori %shift_right_logical3A_548, %and3A_550 : vector<16xi32>
      %bitcast3A_552 = vector.bitcast %or3A_551 : vector<16xi32> to vector<32xbf16>
      %swap3A_553 = arith.index_cast %scan3A_76 : i32 to index
      %swap3A_554 = arith.constant 672 : index
      %swap3A_555 = tpu.vector_load %arg6[%swap3A_553, %swap3A_554] {strides = array<i32>} : memref<25x832xbf16, #tpu.memory_space<vmem>>, vector<32xbf16>,
      tpu.vector_store %arg6[%swap3A_553, %swap3A_554], %bitcast3A_552 {strides = array<i32>} : memref<25x832xbf16, #tpu.memory_space<vmem>>, vector<32xbf16>,
      %get3A_556 = arith.constant 22 : i32
      %get3A_557 = arith.index_cast %get3A_556 : i32 to index
      %get3A_558 = arith.index_cast %scan3A_76 : i32 to index
      %get3A_559 = arith.constant 0 : index
      %get3A_560 = tpu.vector_load %arg4[%get3A_557, %get3A_558, %get3A_559] {strides = array<i32>} : memref<26x25x32xf32, #tpu.memory_space<vmem>>, vector<16xf32>,
      %bitcast3A_561 = vector.bitcast %get3A_560 : vector<16xf32> to vector<16xi32>
      %get3A_562 = arith.constant 22 : i32
      %get3A_563 = arith.index_cast %get3A_562 : i32 to index
      %get3A_564 = arith.index_cast %scan3A_76 : i32 to index
      %get3A_565 = arith.constant 16 : index
      %get3A_566 = tpu.vector_load %arg4[%get3A_563, %get3A_564, %get3A_565] {strides = array<i32>} : memref<26x25x32xf32, #tpu.memory_space<vmem>>, vector<16xf32>,
      %bitcast3A_567 = vector.bitcast %get3A_566 : vector<16xf32> to vector<16xi32>
      %shift_right_logical3A_568 = arith.constant 16 : i32
      %shift_right_logical3A_569 = vector.broadcast %shift_right_logical3A_568 : i32 to vector<16xi32>
      %shift_right_logical3A_570 = arith.shrui %bitcast3A_561, %shift_right_logical3A_569 : vector<16xi32>
      %and3A_571 = vector.broadcast %scan3A_50 : i32 to vector<16xi32>
      %and3A_572 = arith.andi %bitcast3A_567, %and3A_571 : vector<16xi32>
      %or3A_573 = arith.ori %shift_right_logical3A_570, %and3A_572 : vector<16xi32>
      %bitcast3A_574 = vector.bitcast %or3A_573 : vector<16xi32> to vector<32xbf16>
      %swap3A_575 = arith.index_cast %scan3A_76 : i32 to index
      %swap3A_576 = arith.constant 704 : index
      %swap3A_577 = tpu.vector_load %arg6[%swap3A_575, %swap3A_576] {strides = array<i32>} : memref<25x832xbf16, #tpu.memory_space<vmem>>, vector<32xbf16>,
      tpu.vector_store %arg6[%swap3A_575, %swap3A_576], %bitcast3A_574 {strides = array<i32>} : memref<25x832xbf16, #tpu.memory_space<vmem>>, vector<32xbf16>,
      %get3A_578 = arith.constant 23 : i32
      %get3A_579 = arith.index_cast %get3A_578 : i32 to index
      %get3A_580 = arith.index_cast %scan3A_76 : i32 to index
      %get3A_581 = arith.constant 0 : index
      %get3A_582 = tpu.vector_load %arg4[%get3A_579, %get3A_580, %get3A_581] {strides = array<i32>} : memref<26x25x32xf32, #tpu.memory_space<vmem>>, vector<16xf32>,
      %bitcast3A_583 = vector.bitcast %get3A_582 : vector<16xf32> to vector<16xi32>
      %get3A_584 = arith.constant 23 : i32
      %get3A_585 = arith.index_cast %get3A_584 : i32 to index
      %get3A_586 = arith.index_cast %scan3A_76 : i32 to index
      %get3A_587 = arith.constant 16 : index
      %get3A_588 = tpu.vector_load %arg4[%get3A_585, %get3A_586, %get3A_587] {strides = array<i32>} : memref<26x25x32xf32, #tpu.memory_space<vmem>>, vector<16xf32>,
      %bitcast3A_589 = vector.bitcast %get3A_588 : vector<16xf32> to vector<16xi32>
      %shift_right_logical3A_590 = arith.constant 16 : i32
      %shift_right_logical3A_591 = vector.broadcast %shift_right_logical3A_590 : i32 to vector<16xi32>
      %shift_right_logical3A_592 = arith.shrui %bitcast3A_583, %shift_right_logical3A_591 : vector<16xi32>
      %and3A_593 = vector.broadcast %scan3A_50 : i32 to vector<16xi32>
      %and3A_594 = arith.andi %bitcast3A_589, %and3A_593 : vector<16xi32>
      %or3A_595 = arith.ori %shift_right_logical3A_592, %and3A_594 : vector<16xi32>
      %bitcast3A_596 = vector.bitcast %or3A_595 : vector<16xi32> to vector<32xbf16>
      %swap3A_597 = arith.index_cast %scan3A_76 : i32 to index
      %swap3A_598 = arith.constant 736 : index
      %swap3A_599 = tpu.vector_load %arg6[%swap3A_597, %swap3A_598] {strides = array<i32>} : memref<25x832xbf16, #tpu.memory_space<vmem>>, vector<32xbf16>,
      tpu.vector_store %arg6[%swap3A_597, %swap3A_598], %bitcast3A_596 {strides = array<i32>} : memref<25x832xbf16, #tpu.memory_space<vmem>>, vector<32xbf16>,
      %get3A_600 = arith.constant 24 : i32
      %get3A_601 = arith.index_cast %get3A_600 : i32 to index
      %get3A_602 = arith.index_cast %scan3A_76 : i32 to index
      %get3A_603 = arith.constant 0 : index
      %get3A_604 = tpu.vector_load %arg4[%get3A_601, %get3A_602, %get3A_603] {strides = array<i32>} : memref<26x25x32xf32, #tpu.memory_space<vmem>>, vector<16xf32>,
      %bitcast3A_605 = vector.bitcast %get3A_604 : vector<16xf32> to vector<16xi32>
      %get3A_606 = arith.constant 24 : i32
      %get3A_607 = arith.index_cast %get3A_606 : i32 to index
      %get3A_608 = arith.index_cast %scan3A_76 : i32 to index
      %get3A_609 = arith.constant 16 : index
      %get3A_610 = tpu.vector_load %arg4[%get3A_607, %get3A_608, %get3A_609] {strides = array<i32>} : memref<26x25x32xf32, #tpu.memory_space<vmem>>, vector<16xf32>,
      %bitcast3A_611 = vector.bitcast %get3A_610 : vector<16xf32> to vector<16xi32>
      %shift_right_logical3A_612 = arith.constant 16 : i32
      %shift_right_logical3A_613 = vector.broadcast %shift_right_logical3A_612 : i32 to vector<16xi32>
      %shift_right_logical3A_614 = arith.shrui %bitcast3A_605, %shift_right_logical3A_613 : vector<16xi32>
      %and3A_615 = vector.broadcast %scan3A_50 : i32 to vector<16xi32>
      %and3A_616 = arith.andi %bitcast3A_611, %and3A_615 : vector<16xi32>
      %or3A_617 = arith.ori %shift_right_logical3A_614, %and3A_616 : vector<16xi32>
      %bitcast3A_618 = vector.bitcast %or3A_617 : vector<16xi32> to vector<32xbf16>
      %swap3A_619 = arith.index_cast %scan3A_76 : i32 to index
      %swap3A_620 = arith.constant 768 : index
      %swap3A_621 = tpu.vector_load %arg6[%swap3A_619, %swap3A_620] {strides = array<i32>} : memref<25x832xbf16, #tpu.memory_space<vmem>>, vector<32xbf16>,
      tpu.vector_store %arg6[%swap3A_619, %swap3A_620], %bitcast3A_618 {strides = array<i32>} : memref<25x832xbf16, #tpu.memory_space<vmem>>, vector<32xbf16>,
      %get3A_622 = arith.constant 25 : i32
      %get3A_623 = arith.index_cast %get3A_622 : i32 to index
      %get3A_624 = arith.index_cast %scan3A_76 : i32 to index
      %get3A_625 = arith.constant 0 : index
      %get3A_626 = tpu.vector_load %arg4[%get3A_623, %get3A_624, %get3A_625] {strides = array<i32>} : memref<26x25x32xf32, #tpu.memory_space<vmem>>, vector<16xf32>,
      %bitcast3A_627 = vector.bitcast %get3A_626 : vector<16xf32> to vector<16xi32>
      %get3A_628 = arith.constant 25 : i32
      %get3A_629 = arith.index_cast %get3A_628 : i32 to index
      %get3A_630 = arith.index_cast %scan3A_76 : i32 to index
      %get3A_631 = arith.constant 16 : index
      %get3A_632 = tpu.vector_load %arg4[%get3A_629, %get3A_630, %get3A_631] {strides = array<i32>} : memref<26x25x32xf32, #tpu.memory_space<vmem>>, vector<16xf32>,
      %bitcast3A_633 = vector.bitcast %get3A_632 : vector<16xf32> to vector<16xi32>
      %shift_right_logical3A_634 = arith.constant 16 : i32
      %shift_right_logical3A_635 = vector.broadcast %shift_right_logical3A_634 : i32 to vector<16xi32>
      %shift_right_logical3A_636 = arith.shrui %bitcast3A_627, %shift_right_logical3A_635 : vector<16xi32>
      %and3A_637 = vector.broadcast %scan3A_50 : i32 to vector<16xi32>
      %and3A_638 = arith.andi %bitcast3A_633, %and3A_637 : vector<16xi32>
      %or3A_639 = arith.ori %shift_right_logical3A_636, %and3A_638 : vector<16xi32>
      %bitcast3A_640 = vector.bitcast %or3A_639 : vector<16xi32> to vector<32xbf16>
      %swap3A_641 = arith.index_cast %scan3A_76 : i32 to index
      %swap3A_642 = arith.constant 800 : index
      %swap3A_643 = tpu.vector_load %arg6[%swap3A_641, %swap3A_642] {strides = array<i32>} : memref<25x832xbf16, #tpu.memory_space<vmem>>, vector<32xbf16>,
      tpu.vector_store %arg6[%swap3A_641, %swap3A_642], %bitcast3A_640 {strides = array<i32>} : memref<25x832xbf16, #tpu.memory_space<vmem>>, vector<32xbf16>,
      %scan3A_644 = arith.constant 0 : i32
      scf.yield %scan3A_644 : i32
    }
    %scan3A_57 = arith.constant 25 : i32
    %add3A_58 = arith.constant 3100 : i32
    %add3A_59 = arith.addi %mul3A_2, %add3A_58 : i32
    %dma_start3A_60 = arith.constant 0 : i32
    %dma_start3A_61 = tpu.memref_slice %arg3[%add3A_59, %dma_start3A_60] : memref<100000x832xbf16, #tpu.memory_space<hbm>> -> memref<25x832xbf16, #tpu.memory_space<hbm>>
    %dma_start3A_62 = arith.constant 0 : i32
    %dma_start3A_63 = tpu.memref_slice %arg3[%add3A_59, %dma_start3A_62] : memref<100000x832xbf16, #tpu.memory_space<hbm>> -> memref<25x832xbf16, #tpu.memory_space<hbm>>
    tpu.enqueue_dma source(%arg6 : memref<25x832xbf16, #tpu.memory_space<vmem>>) target(%dma_start3A_63 : memref<25x832xbf16, #tpu.memory_space<hbm>>) target_semaphore(%arg10 : memref<!tpu.dma_semaphore, #tpu.memory_space<semaphore_mem>>)
    %dma_wait3A_64 = arith.constant 0 : i32
    %dma_wait3A_65 = arith.constant 0 : i32
    %dma_wait3A_66 = tpu.memref_slice %arg3[%dma_wait3A_64, %dma_wait3A_65] : memref<100000x832xbf16, #tpu.memory_space<hbm>> -> memref<25x832xbf16, #tpu.memory_space<hbm>>
    %dma_wait3A_67 = arith.constant 0 : i32
    %dma_wait3A_68 = arith.constant 0 : i32
    %dma_wait3A_69 = tpu.memref_slice %arg3[%dma_wait3A_67, %dma_wait3A_68] : memref<100000x832xbf16, #tpu.memory_space<hbm>> -> memref<25x832xbf16, #tpu.memory_space<hbm>>
    tpu.wait_dma2 semaphore(%arg10 : memref<!tpu.dma_semaphore, #tpu.memory_space<semaphore_mem>>) src(%arg6 : memref<25x832xbf16, #tpu.memory_space<vmem>>) dst(%dma_wait3A_69 : memref<25x832xbf16, #tpu.memory_space<hbm>>)
    %dma_wait3A_70 = arith.constant 0 : i32
    %dma_wait3A_71 = arith.constant 0 : i32
    %dma_wait3A_72 = tpu.memref_slice %arg3[%dma_wait3A_70, %dma_wait3A_71] : memref<100000x832xbf16, #tpu.memory_space<hbm>> -> memref<25x832xbf16, #tpu.memory_space<hbm>>
    %dma_wait3A_73 = arith.constant 0 : i32
    %dma_wait3A_74 = arith.constant 0 : i32
    %dma_wait3A_75 = tpu.memref_slice %arg3[%dma_wait3A_73, %dma_wait3A_74] : memref<100000x832xbf16, #tpu.memory_space<hbm>> -> memref<25x832xbf16, #tpu.memory_space<hbm>>
    tpu.wait_dma2 semaphore(%arg11 : memref<!tpu.dma_semaphore, #tpu.memory_space<semaphore_mem>>) src(%arg7 : memref<25x832xbf16, #tpu.memory_space<vmem>>) dst(%dma_wait3A_75 : memref<25x832xbf16, #tpu.memory_space<hbm>>)
    return
  }
}

</mosaic_0001>

<sc_bundles>
// kernel: _run.4.cloned.1.call-start
scs
__scs_entry_jumppad:
0x0: {  	(pc) =	sbr.rel $0x88, $3  }
0x1: {  	(tag) =	ssettag $0x0;
	lr =	simm.s32 $0x1  }
0x2: {  	[smem:$0x3F9F] =	sst lr;
	_ =	strace $0xD0000000  }
0x3: {  	_ = 	snop  }
0x4: {  	_ = 	snop  }
0x5: {  	_ = 	snop  }
0x6: {  	_ = 	snop  }
0x7: {  	_ = 	snop  }
__scs_overlays_trampoline_lowered:
0x8: {  	[smem:$0x3FAE] =	sst s0  }
0x9: {  	[smem:$0x3FAF] =	sst s1  }
0xa: {  	[smem:$0x3FB0] =	sst s2  }
0xb: {  	[smem:$0x3FB1] =	sst s3  }
0xc: {  	[smem:$0x3FB2] =	sst s4  }
0xd: {  	[smem:$0x3FB3] =	sst s5  }
0xe: {  	[smem:$0x3FB4] =	sst s6  }
0xf: {  	[smem:$0x3FB5] =	sst s7  }
0x10: {  	[smem:$0x3FB6] =	sst s8  }
0x11: {  	[smem:$0x3FB7] =	sst s9;
	s0 =	simm.s32 @!p0 $0x0  }
0x12: {  	s1 =	sld [smem:$0x3F9D];
	s0 =	simm.s32 @p0 $0x1  }
0x13: {  	[smem:$0x3FB8] =	sst s0;
	s0 =	simm.s32 @!p1 $0x0  }
0x14: {  	s2 =	sld [smem:$0x3F9C];
	s0 =	simm.s32 @p1 $0x1  }
0x15: {  	[smem:$0x3FB9] =	sst s0;
	s0 =	simm.s32 @!p2 $0x0  }
0x16: {  	s3 =	sld [smem:$0x3FDB];
	s0 =	simm.s32 @p2 $0x1  }
0x17: {  	s4 =	simm.s32 $0x1BF5;
	[smem:$0x3FBB] =	sst s0  }
0x18: {  	s0 =	sld [smem:$0x3F9E];
	_ =	swait.ge [sflag:s4], $0x0  }
0x19: {  	s7 =	sld [smem:$0x3F9F]  }
0x1a: {  	s8 =	sadd.s32 $0xFFFFE003, lr  }
0x1b: {  	s9 =	sadd.s32 $0xFFFFFEF7, lr;
	s5 =	simm.s32 $0xFFFFFFFF;
	p2 =	slt.u32 s8, $0xFFFFF086  }
0x1c: {  	p1 =	slt.u32 s9, $0xF7A;
	s5 =	simm.s32 @!p2 $0x0  }
0x1d: {  	s5 =	simm.s32 @p1 $0x1;
	p0 =	seq.s32 s7, s2  }
0x1e: {  	s7 =	smul.u32 @!p0 $0xF7A, s2;
	p2 =	seq.s32 @!p0 s5, $0x0  }
0x1f: {  	s9 =	smul.u32 $0xF7A, s1;
	s8 =	simm.s32 @!p0 $0x1BF5;
	p2 =	por !p2, p0  }
0x20: {  	[sflag:s8] =	ssyncset.s32 @!p0 $0xFFFFF086;
	s6 =	sadd.s32 @!p0 s3, s7;
	s7 =	simm.s32 @!p0 $0x108  }
0x21: {  	s3 =	sadd.s32 s3, s9;
	s6 =	sadd.s32 @!p0 $0x88, s6;
	s7 =	simm.s32 @p2 $0x1082  }
0x22: {  	[simem:s7], [sflag:s8] =	dma.local @!p0 [hbm:s6], $0xF7A  }
0x23: {  	s9 =	sor.u32 $0xD0000000, s2;
	s6 =	simm.s32 $0x108;
	_ =	swait.ge @!p0 [sflag:s8], $0x0  }
0x24: {  	s3 =	sadd.s32 $0x88, s3;
	s6 =	simm.s32 @!p1 $0x1082;
	[sflag:s4] =	ssyncset.s32 $0xFFFFF086  }
0x25: {  	[simem:s6], [sflag:s4] =	dma.local [hbm:s3], $0xF7A  }
0x26: {  	[smem:$0x3F9F] =	sst s1;
	(tag) =	ssettag s2;
	_ =	strace s9  }
0x27: {  	s1 =	sld [smem:$0x3FAF]  }
0x28: {  	s2 =	sld [smem:$0x3FB0]  }
0x29: {  	s4 =	sld [smem:$0x3FB2]  }
0x2a: {  	p0 =	seq.s32 s5, $0x0;
	s5 =	sld [smem:$0x3FB3]  }
0x2b: {  	s6 =	sld [smem:$0x3FB4]  }
0x2c: {  	s7 =	sld [smem:$0x3FB5]  }
0x2d: {  	s3 =	simm.s32 $0x108;
	s8 =	sld [smem:$0x3FB6]  }
0x2e: {  	s3 =	simm.s32 @!p0 $0x1082;
	s9 =	sld [smem:$0x3FB7]  }
0x2f: {  	lr =	sadd.s32 s0, s3;
	s0 =	sld [smem:$0x3FAE]  }
0x30: {  	s3 =	sld [smem:$0x3FB1]  }
0x31: {  	[smem:$0x3FBA] =	sst s10  }
0x32: {  	s10 =	sld [smem:$0x3FB8];
	_ =	sdelay $0x3  }
0x33: {  	p0 =	seq.s32 s10, $0x1;
	s10 =	sld [smem:$0x3FBA];
	_ =	sdelay $0x3  }
0x34: {  	[smem:$0x3FBA] =	sst s10  }
0x35: {  	s10 =	sld [smem:$0x3FB9];
	_ =	sdelay $0x3  }
0x36: {  	p1 =	seq.s32 s10, $0x1;
	s10 =	sld [smem:$0x3FBA];
	_ =	sdelay $0x3  }
0x37: {  	[smem:$0x3FBA] =	sst s10  }
0x38: {  	s10 =	sld [smem:$0x3FBB]  }
0x39: {  	_ = 	snop;
	(pc) =	sbr.ind lr, $3  }
0x3a: {  	_ = 	snop  }
0x3b: {  	_ = 	snop  }
0x3c: {  	p2 =	seq.s32 s10, $0x1;
	s10 =	sld [smem:$0x3FBA]  }
0x3d: {  	_ =	shalt  }
0x3e: {  	_ =	shalt  }
0x3f: {  	_ =	shalt  }
0x40: {  	_ =	shalt  }
0x41: {  	_ =	shalt  }
0x42: {  	_ =	shalt  }
0x43: {  	_ =	shalt  }
0x44: {  	_ =	shalt  }
0x45: {  	_ =	shalt  }
0x46: {  	_ =	shalt  }
0x47: {  	_ =	shalt  }
0x48: {  	_ =	shalt  }
0x49: {  	_ =	shalt  }
0x4a: {  	_ =	shalt  }
0x4b: {  	_ =	shalt  }
0x4c: {  	_ =	shalt  }
0x4d: {  	_ =	shalt  }
0x4e: {  	_ =	shalt  }
0x4f: {  	_ =	shalt  }
0x50: {  	_ =	shalt  }
0x51: {  	_ =	shalt  }
0x52: {  	_ =	shalt  }
0x53: {  	_ =	shalt  }
0x54: {  	_ =	shalt  }
0x55: {  	_ =	shalt  }
0x56: {  	_ =	shalt  }
0x57: {  	_ =	shalt  }
0x58: {  	_ =	shalt  }
0x59: {  	_ =	shalt  }
0x5a: {  	_ =	shalt  }
0x5b: {  	_ =	shalt  }
0x5c: {  	_ =	shalt  }
0x5d: {  	_ =	shalt  }
0x5e: {  	_ =	shalt  }
0x5f: {  	_ =	shalt  }
0x60: {  	_ =	shalt  }
0x61: {  	_ =	shalt  }
0x62: {  	_ =	shalt  }
0x63: {  	_ =	shalt  }
0x64: {  	_ =	shalt  }
0x65: {  	_ =	shalt  }
0x66: {  	_ =	shalt  }
0x67: {  	_ =	shalt  }
0x68: {  	_ =	shalt  }
0x69: {  	_ =	shalt  }
0x6a: {  	_ =	shalt  }
0x6b: {  	_ =	shalt  }
0x6c: {  	_ =	shalt  }
0x6d: {  	_ =	shalt  }
0x6e: {  	_ =	shalt  }
0x6f: {  	_ =	shalt  }
0x70: {  	_ =	shalt  }
0x71: {  	_ =	shalt  }
0x72: {  	_ =	shalt  }
0x73: {  	_ =	shalt  }
0x74: {  	_ =	shalt  }
0x75: {  	_ =	shalt  }
0x76: {  	_ =	shalt  }
0x77: {  	_ =	shalt  }
0x78: {  	_ =	shalt  }
0x79: {  	_ =	shalt  }
0x7a: {  	_ =	shalt  }
0x7b: {  	_ =	shalt  }
0x7c: {  	_ =	shalt  }
0x7d: {  	_ =	shalt  }
0x7e: {  	_ =	shalt  }
0x7f: {  	_ =	shalt  }
0x80: {  	_ =	shalt  }
0x81: {  	_ =	shalt  }
0x82: {  	_ =	shalt  }
0x83: {  	_ =	shalt  }
0x84: {  	_ =	shalt  }
0x85: {  	_ =	shalt  }
0x86: {  	_ =	shalt  }
0x87: {  	_ =	shalt  }
.Lfunc_end0:
.L_simem_size_0:
called_computation_lowered:
.L_overlay_start_0:
0x88: {  	s2 =	sld [smem:$0x3FD9]  }
0x89: {  	s3 =	sld [smem:$0x3FFE];
	_ =	sdelay $0x1  }
0x8a: {  	s1 =	srdreg.scid  }
0x8b: {  	s0 =	sand.u32 $0x1, s1  }
0x8c: {  	s16 =	sshll.u32 s0, $0xA;
	s2 =	sadd.s32 s3, s2  }
0x8d: {  	s2 =	sadd.s32 s2, s16  }
0x8e: {  	[smem:$0x3FC6] =	sst s2  }
0x8f: {  	_ = 	snop  }
0x90: {  	(tm) =	ssettm $0x1  }
0x91: {  	s17 =	sld [smem:$0x3FFB];
	_ =	sdelay $0x3  }
0x92: {  	_ =	strace s17  }
0x93: {  	s2 =	sld [smem:$0x3FFC];
	_ =	sdelay $0x3  }
0x94: {  	_ =	strace s2  }
0x95: {  	s2 =	sld [smem:$0x3FFD];
	_ =	sdelay $0x3  }
0x96: {  	_ =	strace s2  }
0x97: {  	_ =	strace $0x8FFFFFFF  }
0x98: {  	s18 =	sld [smem:$0x3FDB];
	_ =	sdelay $0x1  }
0x99: {  	s19 =	simm.s32 $_scs_section_size  }
0x9a: {  	s4 =	simm.s32 $_size__tile_overlayer_lowered;
	s5 =	simm.s32 $_tile_overlayer_lowered  }
0x9b: {  	s22 =	simm.s32 $0x1BFF;
	s21 =	sshll.u32 s5, $0x1;
	s2 =	sadd.s32 s19, s18  }
0x9c: {  	s6 =	simm.s32 $0x0;
	s20 =	sshll.u32 s4, $0x1;
	s4 =	sadd.s32 s21, s2  }
0x9d: {  	[timem:s6], [sflag:s22] =	dma.local [hbm:s4], s20  }
0x9e: {  	_ =	swait.ge [sflag:s22], s20  }
0x9f: {  	s3 =	ssub.s32 $0x0, s20;
	[sflag:s22] =	ssyncset.done $0x0  }
0xa0: {  	[sflag:s22] =	ssyncadd.s32 s3;
	_ =	sdelay $0x1  }
0xa1: {  	s23 =	simm.s32 $0x1B8B  }
0xa2: {  	_ =	swait.ge [sflag:s23], $0x1  }
0xa3: {  	[sflag:s23] =	ssyncset.done $0x0  }
0xa4: {  	s25 =	simm.s32 $0x1B8E;
	s24 =	sld [smem:$0x3FFE];
	[sflag:s23] =	ssyncadd.s32 $0xFFFFFFFF  }
0xa5: {  	s26 =	simm.s32 $execute0_lowered;
	[smem:$0x3FD2] =	sst s25  }
0xa6: {  	s4 =	sshll.u32 s26, $0x1;
	_ =	strace $0x80000046;
	[dreg:$0x1] =	wrdreg $0xFFFFFFFF  }
0xa7: {  	s28 =	simm.s32 $_size_execute0_lowered;
	s2 =	sadd.s32 s2, s4;
	[dreg:$0x0] =	wrdreg $0x0  }
0xa8: {  	s4 =	sshll.u32 s28, $0x1;
	[dreg:$0x2] =	wrdreg s2  }
0xa9: {  	[dreg:$0x3] =	wrdreg s4  }
0xaa: {  	[dreg:$0x4] =	wrdreg $0xC0  }
0xab: {  	_ =	task [dreg:s6], $0x5FFFF  }
0xac: {  	[dreg:$0x1] =	wrdreg $0xFFFFFFFF  }
0xad: {  	[dreg:$0x0] =	wrdreg $0x60  }
0xae: {  	[dreg:$0x2] =	wrdreg s24  }
0xaf: {  	[dreg:$0x3] =	wrdreg $0x9  }
0xb0: {  	_ =	task.clear_ibuf [dreg:s6], $0x4FFFF;
	_ =	strace $0x90000046  }
0xb1: {  	s29 =	simm.s32 $0x9;
	_ =	strace $0x80000048  }
0xb2: {  	_ =	swait.ge [sflag:s29], $0x1  }
0xb3: {  	[sflag:s29] =	ssyncadd.s32 $0xFFFFFFFF  }
0xb4: {  	_ =	strace $0x90000048  }
0xb5: {  	_ =	sfence  }
0xb6: {  	s30 =	sld [smem:$0x0];
	_ =	sdelay $0x2  }
0xb7: {  	s31 =	sshll.u32 s1, $0xD;
	s1 =	sshrl.u32 s1, $0x2  }
0xb8: {  	s3 =	sand.u32 $0x4000, s31;
	s1 =	sadd.s32 s1, s30  }
0xb9: {  	s0 =	sor.u32 s3, s0;
	s1 =	sshll.u32 s1, $0x11  }
0xba: {  	s0 =	sor.u32 s1, s0  }
0xbb: {  	s0 =	sadd.s32 $0x8F2B, s0  }
0xbc: {  	[sflag:s0] =	ssyncadd.remote.s32 $0x1  }
0xbd: {  	_ =	sfence.sel $0xFFFF  }
0xbe: {  	[dreg:$0x0] =	wrdreg $0xFFFFFFFF;
	(pc) =	sbr.abs _section_cstart, $3  }
0xbf: {  	[dreg:$0x1] =	wrdreg $0xFFFFFFFF  }
0xc0: {  	_ =	task.clear_ibuf [dreg:s6], $0x2FFFF;
	_ =	strace $0x9FFFFFFF  }
0xc1: {  	(tm) =	ssettm $0x7FFFFFFF  }
tec
execute0_lowered:
.L_overlay_start_1:
0x0: {  	(tag) =	ssettag $0x1  }
0x1: {  	s1 =	srdreg.scid;
	s0 =	stileid.u32  }
0x2: {  	s6 =	rddreg [dreg:$0x0];
	s2 =	simm.s32 $0x0;
	s16 =	simm.s32 $0x30D400  }
0x3: {  	s17 =	simm.s32 $0x5140;
	s18 =	simm.s32 $0xA280;
	s19 =	simm.s32 $0xCB20  }
0x4: {  	s20 =	simm.s32 $0x1;
	s7 =	sand.u32 $0x1, s1;
	s3 =	sshll.u32 s0, $0x1  }
0x5: {  	s21 =	simm.s32 $0x3;
	s22 =	simm.s32 $0x2;
	s8 =	sor.u32 s7, s3  }
0x6: {  	s23 =	simm.s32 $0x4;
	s24 =	simm.s32 $0x0;
	s3 =	smul.u32 $0xC35, s8  }
0x7: {  	[smem:$0x7FF] =	sst s2;
	s4 =	sadd.s32 $0x27ACE00, s6;
	s9 =	smul.u32 $0x30D4, s8  }
0x8: {  	s6 =	sadd.s32 $0xA00, s6;
	s7 =	ssub.s32 $0x2, s7;
	s10 =	smul.u32 $0x27AC4, s8  }
0x9: {  	_ =	strace $0x80000047;
	s12 =	sshrl.u32 s7, $0x1;
	s14 =	smul.u32 $0x27AC40, s8  }
0xa: {  	s15 =	ssub.s32 s7, s12;
	s5 =	sadd.s32 $0x19, s3;
	s7 =	sadd.s32 s4, s9  }
0xb: {  	s9 =	sadd.s32 s6, s10;
	s31 =	sshrl.u32 s14, $0x4;
	s12 =	sadd.s32 $0x4B, s3  }
0xc: {  	s14 =	smax.u32 s15, $0x1;
	s11 =	smul.u32 $0x34, s5;
	s13 =	sshll.u32 s5, $0x2  }
0xd: {  	s15 =	simm.s32 $0x320;
	s8 =	sadd.s32 s4, s13;
	s13 =	sadd.s32 s6, s31  }
0xe: {  	s10 =	sadd.s32 s6, s11;
	s11 =	sadd.s32 $0x32, s3;
	s13 =	sadd.s32 $0x275B0, s13  }
.LBB2_1:
0xf: {  	[tilespmem:s2], [sflag:$0x1] =	stream.strided.gather [hbm4b:s7+s15], $0x5140, s16, s15, $0x38;
	[tilespmem:$0xF3C0] =	vst v63  }
0x10: {  	_ = 	snop  }
0x11: {  	[tilespmem:s17], [sflag:$0x2] =	stream.strided.gather [hbm4b:s8+s15], $0x5140, s16, s15, $0x38;
	[tilespmem:$0xF3C0] =	vst v63  }
0x12: {  	_ = 	snop  }
0x13: {  	[hbm4b:s9+s2] =	stream.linear.scatter [tilespmem:s18], [sflag:$0x3], $0x28A0, $0x38;
	[tilespmem:$0xF3C0] =	vst v63  }
0x14: {  	s25 =	simm.s32 $0x0  }
0x15: {  	[hbm4b:s10+s2] =	stream.linear.scatter [tilespmem:s19], [sflag:$0x4], $0x28A0, $0x38;
	[tilespmem:$0xF3C0] =	vst v63  }
.LBB2_2:
0x16: {  	_ =	swait.ge [sflag:s20], $0x5140  }
0x17: {  	[sflag:s20] =	ssyncset.done $0x0  }
0x18: {  	[sflag:s20] =	ssyncadd.s32 $0xFFFFAEC0  }
0x19: {  	_ =	swait.ge [sflag:s21], $0x28A0  }
0x1a: {  	[sflag:s21] =	ssyncset.done $0x0  }
0x1b: {  	s26 =	simm.s32 $0x0;
	[sflag:s21] =	ssyncadd.s32 $0xFFFFD760  }
0x1c: {  	v0 =	vld [tilespmem:s26+$0x0]  }
0x1d: {  	v1 =	vld [tilespmem:s26+$0x10];
	_ =	sdelay $0x4  }
0x1e: {  	v0 =	vshrl.u32 v0, $0x10;
	v1 =	vand.u32 $0xFFFF0000, v1  }
0x1f: {  	s28 =	simm.s32 $0xA350;
	v0 =	vor.u32 v0, v1  }
0x20: {  	[tilespmem:s28+$0xFFFFFF30] =	vst v0  }
0x21: {  	v0 =	vld [tilespmem:s26+$0x320]  }
0x22: {  	v42 =	vld [tilespmem:s26+$0x330];
	_ =	sdelay $0x4  }
0x23: {  	v0 =	vshrl.u32 v0, $0x10;
	v1 =	vand.u32 $0xFFFF0000, v42  }
0x24: {  	v0 =	vor.u32 v0, v1  }
0x25: {  	[tilespmem:s28+$0xFFFFFF40] =	vst v0  }
0x26: {  	v0 =	vld [tilespmem:s26+$0x640]  }
0x27: {  	v43 =	vld [tilespmem:s26+$0x650];
	_ =	sdelay $0x4  }
0x28: {  	v0 =	vshrl.u32 v0, $0x10;
	v1 =	vand.u32 $0xFFFF0000, v43  }
0x29: {  	v0 =	vor.u32 v0, v1  }
0x2a: {  	[tilespmem:s28+$0xFFFFFF50] =	vst v0  }
0x2b: {  	v0 =	vld [tilespmem:s26+$0x960]  }
0x2c: {  	v44 =	vld [tilespmem:s26+$0x970];
	_ =	sdelay $0x4  }
0x2d: {  	v0 =	vshrl.u32 v0, $0x10;
	v1 =	vand.u32 $0xFFFF0000, v44  }
0x2e: {  	v0 =	vor.u32 v0, v1  }
0x2f: {  	[tilespmem:s28+$0xFFFFFF60] =	vst v0  }
0x30: {  	v0 =	vld [tilespmem:s26+$0xC80]  }
0x31: {  	v45 =	vld [tilespmem:s26+$0xC90];
	_ =	sdelay $0x4  }
0x32: {  	v0 =	vshrl.u32 v0, $0x10;
	v1 =	vand.u32 $0xFFFF0000, v45  }
0x33: {  	v0 =	vor.u32 v0, v1  }
0x34: {  	[tilespmem:s28+$0xFFFFFF70] =	vst v0  }
0x35: {  	v0 =	vld [tilespmem:s26+$0xFA0]  }
0x36: {  	v46 =	vld [tilespmem:s26+$0xFB0];
	_ =	sdelay $0x4  }
0x37: {  	v0 =	vshrl.u32 v0, $0x10;
	v1 =	vand.u32 $0xFFFF0000, v46  }
0x38: {  	v0 =	vor.u32 v0, v1  }
0x39: {  	[tilespmem:s28+$0xFFFFFF80] =	vst v0  }
0x3a: {  	v0 =	vld [tilespmem:s26+$0x12C0]  }
0x3b: {  	v47 =	vld [tilespmem:s26+$0x12D0];
	_ =	sdelay $0x4  }
0x3c: {  	v0 =	vshrl.u32 v0, $0x10;
	v1 =	vand.u32 $0xFFFF0000, v47  }
0x3d: {  	v0 =	vor.u32 v0, v1  }
0x3e: {  	[tilespmem:s28+$0xFFFFFF90] =	vst v0  }
0x3f: {  	v0 =	vld [tilespmem:s26+$0x15E0]  }
0x40: {  	v48 =	vld [tilespmem:s26+$0x15F0];
	_ =	sdelay $0x4  }
0x41: {  	v0 =	vshrl.u32 v0, $0x10;
	v1 =	vand.u32 $0xFFFF0000, v48  }
0x42: {  	v0 =	vor.u32 v0, v1  }
0x43: {  	[tilespmem:s28+$0xFFFFFFA0] =	vst v0  }
0x44: {  	v0 =	vld [tilespmem:s26+$0x1900]  }
0x45: {  	v49 =	vld [tilespmem:s26+$0x1910];
	_ =	sdelay $0x4  }
0x46: {  	v0 =	vshrl.u32 v0, $0x10;
	v1 =	vand.u32 $0xFFFF0000, v49  }
0x47: {  	v0 =	vor.u32 v0, v1  }
0x48: {  	[tilespmem:s28+$0xFFFFFFB0] =	vst v0  }
0x49: {  	v0 =	vld [tilespmem:s26+$0x1C20]  }
0x4a: {  	v50 =	vld [tilespmem:s26+$0x1C30];
	_ =	sdelay $0x4  }
0x4b: {  	v0 =	vshrl.u32 v0, $0x10;
	v1 =	vand.u32 $0xFFFF0000, v50  }
0x4c: {  	v0 =	vor.u32 v0, v1  }
0x4d: {  	[tilespmem:s28+$0xFFFFFFC0] =	vst v0  }
0x4e: {  	v0 =	vld [tilespmem:s26+$0x1F40]  }
0x4f: {  	v51 =	vld [tilespmem:s26+$0x1F50];
	_ =	sdelay $0x4  }
0x50: {  	v0 =	vshrl.u32 v0, $0x10;
	v1 =	vand.u32 $0xFFFF0000, v51  }
0x51: {  	v0 =	vor.u32 v0, v1  }
0x52: {  	[tilespmem:s28+$0xFFFFFFD0] =	vst v0  }
0x53: {  	v0 =	vld [tilespmem:s26+$0x2260]  }
0x54: {  	v52 =	vld [tilespmem:s26+$0x2270];
	_ =	sdelay $0x4  }
0x55: {  	v0 =	vshrl.u32 v0, $0x10;
	v1 =	vand.u32 $0xFFFF0000, v52  }
0x56: {  	v0 =	vor.u32 v0, v1  }
0x57: {  	[tilespmem:s28+$0xFFFFFFE0] =	vst v0  }
0x58: {  	v0 =	vld [tilespmem:s26+$0x2580]  }
0x59: {  	v53 =	vld [tilespmem:s26+$0x2590];
	_ =	sdelay $0x4  }
0x5a: {  	v0 =	vshrl.u32 v0, $0x10;
	v1 =	vand.u32 $0xFFFF0000, v53  }
0x5b: {  	v0 =	vor.u32 v0, v1  }
0x5c: {  	[tilespmem:s28+$0xFFFFFFF0] =	vst v0  }
0x5d: {  	v0 =	vld [tilespmem:s26+$0x28A0]  }
0x5e: {  	v54 =	vld [tilespmem:s26+$0x28B0];
	_ =	sdelay $0x4  }
0x5f: {  	v0 =	vshrl.u32 v0, $0x10;
	v1 =	vand.u32 $0xFFFF0000, v54  }
0x60: {  	v0 =	vor.u32 v0, v1  }
0x61: {  	[tilespmem:s28+$0x0] =	vst v0  }
0x62: {  	v0 =	vld [tilespmem:s26+$0x2BC0]  }
0x63: {  	v55 =	vld [tilespmem:s26+$0x2BD0];
	_ =	sdelay $0x4  }
0x64: {  	v0 =	vshrl.u32 v0, $0x10;
	v1 =	vand.u32 $0xFFFF0000, v55  }
0x65: {  	v0 =	vor.u32 v0, v1  }
0x66: {  	[tilespmem:s28+$0x10] =	vst v0  }
0x67: {  	v0 =	vld [tilespmem:s26+$0x2EE0]  }
0x68: {  	v56 =	vld [tilespmem:s26+$0x2EF0];
	_ =	sdelay $0x4  }
0x69: {  	v0 =	vshrl.u32 v0, $0x10;
	v1 =	vand.u32 $0xFFFF0000, v56  }
0x6a: {  	v0 =	vor.u32 v0, v1  }
0x6b: {  	[tilespmem:s28+$0x20] =	vst v0  }
0x6c: {  	v0 =	vld [tilespmem:s26+$0x3200]  }
0x6d: {  	v57 =	vld [tilespmem:s26+$0x3210];
	_ =	sdelay $0x4  }
0x6e: {  	v0 =	vshrl.u32 v0, $0x10;
	v1 =	vand.u32 $0xFFFF0000, v57  }
0x6f: {  	v0 =	vor.u32 v0, v1  }
0x70: {  	[tilespmem:s28+$0x30] =	vst v0  }
0x71: {  	v0 =	vld [tilespmem:s26+$0x3520]  }
0x72: {  	v58 =	vld [tilespmem:s26+$0x3530];
	_ =	sdelay $0x4  }
0x73: {  	v0 =	vshrl.u32 v0, $0x10;
	v1 =	vand.u32 $0xFFFF0000, v58  }
0x74: {  	v0 =	vor.u32 v0, v1  }
0x75: {  	[tilespmem:s28+$0x40] =	vst v0  }
0x76: {  	v0 =	vld [tilespmem:s26+$0x3840]  }
0x77: {  	v59 =	vld [tilespmem:s26+$0x3850];
	_ =	sdelay $0x4  }
0x78: {  	v0 =	vshrl.u32 v0, $0x10;
	v1 =	vand.u32 $0xFFFF0000, v59  }
0x79: {  	v0 =	vor.u32 v0, v1  }
0x7a: {  	[tilespmem:s28+$0x50] =	vst v0  }
0x7b: {  	v0 =	vld [tilespmem:s26+$0x3B60]  }
0x7c: {  	v60 =	vld [tilespmem:s26+$0x3B70];
	_ =	sdelay $0x4  }
0x7d: {  	v0 =	vshrl.u32 v0, $0x10;
	v1 =	vand.u32 $0xFFFF0000, v60  }
0x7e: {  	v0 =	vor.u32 v0, v1  }
0x7f: {  	[tilespmem:s28+$0x60] =	vst v0  }
0x80: {  	v0 =	vld [tilespmem:s26+$0x3E80]  }
0x81: {  	v61 =	vld [tilespmem:s26+$0x3E90];
	_ =	sdelay $0x4  }
0x82: {  	v0 =	vshrl.u32 v0, $0x10;
	v1 =	vand.u32 $0xFFFF0000, v61  }
0x83: {  	v0 =	vor.u32 v0, v1  }
0x84: {  	[tilespmem:s28+$0x70] =	vst v0  }
0x85: {  	v0 =	vld [tilespmem:s26+$0x41A0]  }
0x86: {  	v62 =	vld [tilespmem:s26+$0x41B0];
	_ =	sdelay $0x4  }
0x87: {  	v0 =	vshrl.u32 v0, $0x10;
	v1 =	vand.u32 $0xFFFF0000, v62  }
0x88: {  	v0 =	vor.u32 v0, v1  }
0x89: {  	[tilespmem:s28+$0x80] =	vst v0  }
0x8a: {  	v0 =	vld [tilespmem:s26+$0x44C0]  }
0x8b: {  	v63 =	vld [tilespmem:s26+$0x44D0];
	_ =	sdelay $0x4  }
0x8c: {  	v0 =	vshrl.u32 v0, $0x10;
	v1 =	vand.u32 $0xFFFF0000, v63  }
0x8d: {  	v0 =	vor.u32 v0, v1  }
0x8e: {  	s30 =	simm.s32 $0x80;
	s29 =	simm.s32 $0xA350;
	[tilespmem:s28+$0x90] =	vst v0  }
.LBB2_3:
0x8f: {  	p0 =	sne.s32 s30, $0xC00  }
0x90: {  	v0 =	vld [tilespmem:s26+$0x47E0];
	s28 =	sadd.s32 $0x1A0, s28;
	s31 =	smov.u32 s30;
	s30 =	sadd.s32 $0x80, s30  }
0x91: {  	v1 =	vld [tilespmem:s26+$0x47F0];
	_ =	sdelay $0x3  }
0x92: {  	v0 =	vshrl.u32 v0, $0x10  }
0x93: {  	v1 =	vand.u32 $0xFFFF0000, v1  }
0x94: {  	v0 =	vor.u32 v0, v1  }
0x95: {  	[tilespmem:s29+$0xA0] =	vst v0  }
0x96: {  	v0 =	vld [tilespmem:s26+$0x4B00]  }
0x97: {  	v1 =	vld [tilespmem:s26+$0x4B10];
	_ =	sdelay $0x3  }
0x98: {  	v0 =	vshrl.u32 v0, $0x10  }
0x99: {  	v1 =	vand.u32 $0xFFFF0000, v1  }
0x9a: {  	v0 =	vor.u32 v0, v1  }
0x9b: {  	[tilespmem:s29+$0xB0] =	vst v0  }
0x9c: {  	v0 =	vld [tilespmem:s26+$0x4E20]  }
0x9d: {  	v1 =	vld [tilespmem:s26+$0x4E30];
	_ =	sdelay $0x3  }
0x9e: {  	v0 =	vshrl.u32 v0, $0x10  }
0x9f: {  	v1 =	vand.u32 $0xFFFF0000, v1  }
0xa0: {  	v0 =	vor.u32 v0, v1  }
0xa1: {  	s26 =	sshra.s32 s31, $0x2;
	[tilespmem:s29+$0xC0] =	vst v0;
	s29 =	smov.u32 s28  }
0xa2: {  	v0 =	vld [tilespmem:s26+$0x0]  }
0xa3: {  	v1 =	vld [tilespmem:s26+$0x10];
	_ =	sdelay $0x3  }
0xa4: {  	v0 =	vshrl.u32 v0, $0x10  }
0xa5: {  	v1 =	vand.u32 $0xFFFF0000, v1  }
0xa6: {  	v0 =	vor.u32 v0, v1  }
0xa7: {  	[tilespmem:s28+$0xFFFFFF30] =	vst v0  }
0xa8: {  	v0 =	vld [tilespmem:s26+$0x320]  }
0xa9: {  	v1 =	vld [tilespmem:s26+$0x330];
	_ =	sdelay $0x3  }
0xaa: {  	v0 =	vshrl.u32 v0, $0x10  }
0xab: {  	v1 =	vand.u32 $0xFFFF0000, v1  }
0xac: {  	v0 =	vor.u32 v0, v1  }
0xad: {  	[tilespmem:s28+$0xFFFFFF40] =	vst v0  }
0xae: {  	v0 =	vld [tilespmem:s26+$0x640]  }
0xaf: {  	v1 =	vld [tilespmem:s26+$0x650];
	_ =	sdelay $0x3  }
0xb0: {  	v0 =	vshrl.u32 v0, $0x10  }
0xb1: {  	v1 =	vand.u32 $0xFFFF0000, v1  }
0xb2: {  	v0 =	vor.u32 v0, v1  }
0xb3: {  	[tilespmem:s28+$0xFFFFFF50] =	vst v0  }
0xb4: {  	v0 =	vld [tilespmem:s26+$0x960]  }
0xb5: {  	v1 =	vld [tilespmem:s26+$0x970];
	_ =	sdelay $0x3  }
0xb6: {  	v0 =	vshrl.u32 v0, $0x10  }
0xb7: {  	v1 =	vand.u32 $0xFFFF0000, v1  }
0xb8: {  	v0 =	vor.u32 v0, v1  }
0xb9: {  	[tilespmem:s28+$0xFFFFFF60] =	vst v0  }
0xba: {  	v0 =	vld [tilespmem:s26+$0xC80]  }
0xbb: {  	v1 =	vld [tilespmem:s26+$0xC90];
	_ =	sdelay $0x3  }
0xbc: {  	v0 =	vshrl.u32 v0, $0x10  }
0xbd: {  	v1 =	vand.u32 $0xFFFF0000, v1  }
0xbe: {  	v0 =	vor.u32 v0, v1  }
0xbf: {  	[tilespmem:s28+$0xFFFFFF70] =	vst v0  }
0xc0: {  	v0 =	vld [tilespmem:s26+$0xFA0]  }
0xc1: {  	v1 =	vld [tilespmem:s26+$0xFB0];
	_ =	sdelay $0x3  }
0xc2: {  	v0 =	vshrl.u32 v0, $0x10  }
0xc3: {  	v1 =	vand.u32 $0xFFFF0000, v1  }
0xc4: {  	v0 =	vor.u32 v0, v1  }
0xc5: {  	[tilespmem:s28+$0xFFFFFF80] =	vst v0  }
0xc6: {  	v0 =	vld [tilespmem:s26+$0x12C0]  }
0xc7: {  	v1 =	vld [tilespmem:s26+$0x12D0];
	_ =	sdelay $0x3  }
0xc8: {  	v0 =	vshrl.u32 v0, $0x10  }
0xc9: {  	v1 =	vand.u32 $0xFFFF0000, v1  }
0xca: {  	v0 =	vor.u32 v0, v1  }
0xcb: {  	[tilespmem:s28+$0xFFFFFF90] =	vst v0  }
0xcc: {  	v0 =	vld [tilespmem:s26+$0x15E0]  }
0xcd: {  	v1 =	vld [tilespmem:s26+$0x15F0];
	_ =	sdelay $0x3  }
0xce: {  	v0 =	vshrl.u32 v0, $0x10  }
0xcf: {  	v1 =	vand.u32 $0xFFFF0000, v1  }
0xd0: {  	v0 =	vor.u32 v0, v1  }
0xd1: {  	[tilespmem:s28+$0xFFFFFFA0] =	vst v0  }
0xd2: {  	v0 =	vld [tilespmem:s26+$0x1900]  }
0xd3: {  	v1 =	vld [tilespmem:s26+$0x1910];
	_ =	sdelay $0x3  }
0xd4: {  	v0 =	vshrl.u32 v0, $0x10  }
0xd5: {  	v1 =	vand.u32 $0xFFFF0000, v1  }
0xd6: {  	v0 =	vor.u32 v0, v1  }
0xd7: {  	[tilespmem:s28+$0xFFFFFFB0] =	vst v0  }
0xd8: {  	v0 =	vld [tilespmem:s26+$0x1C20]  }
0xd9: {  	v1 =	vld [tilespmem:s26+$0x1C30];
	_ =	sdelay $0x3  }
0xda: {  	v0 =	vshrl.u32 v0, $0x10  }
0xdb: {  	v1 =	vand.u32 $0xFFFF0000, v1  }
0xdc: {  	v0 =	vor.u32 v0, v1  }
0xdd: {  	[tilespmem:s28+$0xFFFFFFC0] =	vst v0  }
0xde: {  	v0 =	vld [tilespmem:s26+$0x1F40]  }
0xdf: {  	v1 =	vld [tilespmem:s26+$0x1F50];
	_ =	sdelay $0x3  }
0xe0: {  	v0 =	vshrl.u32 v0, $0x10  }
0xe1: {  	v1 =	vand.u32 $0xFFFF0000, v1  }
0xe2: {  	v0 =	vor.u32 v0, v1  }
0xe3: {  	[tilespmem:s28+$0xFFFFFFD0] =	vst v0  }
0xe4: {  	v0 =	vld [tilespmem:s26+$0x2260]  }
0xe5: {  	v1 =	vld [tilespmem:s26+$0x2270];
	_ =	sdelay $0x3  }
0xe6: {  	v0 =	vshrl.u32 v0, $0x10  }
0xe7: {  	v1 =	vand.u32 $0xFFFF0000, v1  }
0xe8: {  	v0 =	vor.u32 v0, v1  }
0xe9: {  	[tilespmem:s28+$0xFFFFFFE0] =	vst v0  }
0xea: {  	v0 =	vld [tilespmem:s26+$0x2580]  }
0xeb: {  	v1 =	vld [tilespmem:s26+$0x2590];
	_ =	sdelay $0x3  }
0xec: {  	v0 =	vshrl.u32 v0, $0x10  }
0xed: {  	v1 =	vand.u32 $0xFFFF0000, v1  }
0xee: {  	v0 =	vor.u32 v0, v1  }
0xef: {  	[tilespmem:s28+$0xFFFFFFF0] =	vst v0  }
0xf0: {  	v0 =	vld [tilespmem:s26+$0x28A0]  }
0xf1: {  	v1 =	vld [tilespmem:s26+$0x28B0];
	_ =	sdelay $0x3  }
0xf2: {  	v0 =	vshrl.u32 v0, $0x10  }
0xf3: {  	v1 =	vand.u32 $0xFFFF0000, v1  }
0xf4: {  	v0 =	vor.u32 v0, v1  }
0xf5: {  	[tilespmem:s28+$0x0] =	vst v0  }
0xf6: {  	v0 =	vld [tilespmem:s26+$0x2BC0]  }
0xf7: {  	v1 =	vld [tilespmem:s26+$0x2BD0];
	_ =	sdelay $0x3  }
0xf8: {  	v0 =	vshrl.u32 v0, $0x10  }
0xf9: {  	v1 =	vand.u32 $0xFFFF0000, v1  }
0xfa: {  	v0 =	vor.u32 v0, v1  }
0xfb: {  	[tilespmem:s28+$0x10] =	vst v0  }
0xfc: {  	v0 =	vld [tilespmem:s26+$0x2EE0]  }
0xfd: {  	v1 =	vld [tilespmem:s26+$0x2EF0];
	_ =	sdelay $0x3  }
0xfe: {  	v0 =	vshrl.u32 v0, $0x10  }
0xff: {  	v1 =	vand.u32 $0xFFFF0000, v1  }
0x100: {  	v0 =	vor.u32 v0, v1  }
0x101: {  	[tilespmem:s28+$0x20] =	vst v0  }
0x102: {  	v0 =	vld [tilespmem:s26+$0x3200]  }
0x103: {  	v1 =	vld [tilespmem:s26+$0x3210];
	_ =	sdelay $0x3  }
0x104: {  	v0 =	vshrl.u32 v0, $0x10  }
0x105: {  	v1 =	vand.u32 $0xFFFF0000, v1  }
0x106: {  	v0 =	vor.u32 v0, v1  }
0x107: {  	[tilespmem:s28+$0x30] =	vst v0  }
0x108: {  	v0 =	vld [tilespmem:s26+$0x3520]  }
0x109: {  	v1 =	vld [tilespmem:s26+$0x3530];
	_ =	sdelay $0x3  }
0x10a: {  	v0 =	vshrl.u32 v0, $0x10  }
0x10b: {  	v1 =	vand.u32 $0xFFFF0000, v1  }
0x10c: {  	v0 =	vor.u32 v0, v1  }
0x10d: {  	[tilespmem:s28+$0x40] =	vst v0  }
0x10e: {  	v0 =	vld [tilespmem:s26+$0x3840]  }
0x10f: {  	v1 =	vld [tilespmem:s26+$0x3850];
	_ =	sdelay $0x3  }
0x110: {  	v0 =	vshrl.u32 v0, $0x10  }
0x111: {  	v1 =	vand.u32 $0xFFFF0000, v1  }
0x112: {  	v0 =	vor.u32 v0, v1  }
0x113: {  	[tilespmem:s28+$0x50] =	vst v0  }
0x114: {  	v0 =	vld [tilespmem:s26+$0x3B60]  }
0x115: {  	v1 =	vld [tilespmem:s26+$0x3B70];
	_ =	sdelay $0x3  }
0x116: {  	v0 =	vshrl.u32 v0, $0x10  }
0x117: {  	v1 =	vand.u32 $0xFFFF0000, v1  }
0x118: {  	v0 =	vor.u32 v0, v1  }
0x119: {  	[tilespmem:s28+$0x60] =	vst v0  }
0x11a: {  	v0 =	vld [tilespmem:s26+$0x3E80]  }
0x11b: {  	v1 =	vld [tilespmem:s26+$0x3E90];
	_ =	sdelay $0x3  }
0x11c: {  	v0 =	vshrl.u32 v0, $0x10  }
0x11d: {  	v1 =	vand.u32 $0xFFFF0000, v1  }
0x11e: {  	v0 =	vor.u32 v0, v1  }
0x11f: {  	[tilespmem:s28+$0x70] =	vst v0  }
0x120: {  	v0 =	vld [tilespmem:s26+$0x41A0]  }
0x121: {  	v1 =	vld [tilespmem:s26+$0x41B0];
	_ =	sdelay $0x3  }
0x122: {  	v0 =	vshrl.u32 v0, $0x10  }
0x123: {  	v1 =	vand.u32 $0xFFFF0000, v1  }
0x124: {  	v0 =	vor.u32 v0, v1  }
0x125: {  	[tilespmem:s28+$0x80] =	vst v0  }
0x126: {  	v0 =	vld [tilespmem:s26+$0x44C0]  }
0x127: {  	v1 =	vld [tilespmem:s26+$0x44D0];
	_ =	sdelay $0x2  }
.Ltmp0:
0x128: {  	(pc) =	sbr.rel @p0 .LBB2_3-.Ltmp0, $4  }
0x129: {  	v0 =	vshrl.u32 v0, $0x10  }
0x12a: {  	v1 =	vand.u32 $0xFFFF0000, v1  }
0x12b: {  	v0 =	vor.u32 v0, v1  }
0x12c: {  	[tilespmem:s28+$0x90] =	vst v0  }
0x12d: {  	v0 =	vld [tilespmem:s26+$0x47E0]  }
0x12e: {  	v1 =	vld [tilespmem:s26+$0x47F0];
	_ =	sdelay $0x4  }
0x12f: {  	v0 =	vshrl.u32 v0, $0x10;
	v1 =	vand.u32 $0xFFFF0000, v1  }
0x130: {  	v0 =	vor.u32 v0, v1  }
0x131: {  	[tilespmem:s29+$0xA0] =	vst v0  }
0x132: {  	v0 =	vld [tilespmem:s26+$0x4B00]  }
0x133: {  	v38 =	vld [tilespmem:s26+$0x4B10];
	_ =	sdelay $0x4  }
0x134: {  	v0 =	vshrl.u32 v0, $0x10;
	v1 =	vand.u32 $0xFFFF0000, v38  }
0x135: {  	v0 =	vor.u32 v0, v1  }
0x136: {  	[tilespmem:s29+$0xB0] =	vst v0  }
0x137: {  	v0 =	vld [tilespmem:s26+$0x4E20]  }
0x138: {  	v39 =	vld [tilespmem:s26+$0x4E30];
	_ =	sdelay $0x1  }
0x139: {  	s26 =	smul.u32 $0x32, s25;
	_ =	sdelay $0x1  }
0x13a: {  	s28 =	sadd.s32 s3, s26  }
0x13b: {  	s28 =	smul.u32 $0x34, s28;
	v0 =	vshrl.u32 v0, $0x10;
	v1 =	vand.u32 $0xFFFF0000, v39  }
0x13c: {  	v0 =	vor.u32 v0, v1  }
0x13d: {  	s28 =	sadd.s32 s6, s28;
	[tilespmem:s29+$0xC0] =	vst v0;
	s29 =	simm.s32 $0x0  }
0x13e: {  	[hbm4b:s28+s29] =	stream.linear.scatter [tilespmem:s18], [sflag:$0x3], $0x28A0, $0x38;
	[tilespmem:$0xF3C0] =	vst v63  }
0x13f: {  	s28 =	sadd.s32 s26, s11  }
0x140: {  	s28 =	sshll.u32 s28, $0x2  }
0x141: {  	s28 =	sand.u32 $0x1FFFFFFC, s28  }
0x142: {  	s28 =	sadd.s32 s4, s28  }
0x143: {  	[tilespmem:s29], [sflag:$0x1] =	stream.strided.gather [hbm4b:s28+s15], $0x5140, s16, s15, $0x38;
	[tilespmem:$0xF3C0] =	vst v63  }
0x144: {  	_ =	swait.ge [sflag:s22], $0x5140  }
0x145: {  	[sflag:s22] =	ssyncset.done $0x0  }
0x146: {  	[sflag:s22] =	ssyncadd.s32 $0xFFFFAEC0  }
0x147: {  	_ =	swait.ge [sflag:s23], $0x28A0  }
0x148: {  	[sflag:s23] =	ssyncset.done $0x0  }
0x149: {  	s28 =	simm.s32 $0x0;
	[sflag:s23] =	ssyncadd.s32 $0xFFFFD760  }
0x14a: {  	v40 =	vld [tilespmem:s28+$0x5140]  }
0x14b: {  	v41 =	vld [tilespmem:s28+$0x5150];
	_ =	sdelay $0x4  }
0x14c: {  	v0 =	vshrl.u32 v40, $0x10;
	v1 =	vand.u32 $0xFFFF0000, v41  }
0x14d: {  	s29 =	simm.s32 $0xCBF0;
	v0 =	vor.u32 v0, v1  }
0x14e: {  	[tilespmem:s29+$0xFFFFFF30] =	vst v0  }
0x14f: {  	v0 =	vld [tilespmem:s28+$0x5460]  }
0x150: {  	v42 =	vld [tilespmem:s28+$0x5470];
	_ =	sdelay $0x4  }
0x151: {  	v0 =	vshrl.u32 v0, $0x10;
	v1 =	vand.u32 $0xFFFF0000, v42  }
0x152: {  	v0 =	vor.u32 v0, v1  }
0x153: {  	[tilespmem:s29+$0xFFFFFF40] =	vst v0  }
0x154: {  	v0 =	vld [tilespmem:s28+$0x5780]  }
0x155: {  	v43 =	vld [tilespmem:s28+$0x5790];
	_ =	sdelay $0x4  }
0x156: {  	v0 =	vshrl.u32 v0, $0x10;
	v1 =	vand.u32 $0xFFFF0000, v43  }
0x157: {  	v0 =	vor.u32 v0, v1  }
0x158: {  	[tilespmem:s29+$0xFFFFFF50] =	vst v0  }
0x159: {  	v0 =	vld [tilespmem:s28+$0x5AA0]  }
0x15a: {  	v44 =	vld [tilespmem:s28+$0x5AB0];
	_ =	sdelay $0x4  }
0x15b: {  	v0 =	vshrl.u32 v0, $0x10;
	v1 =	vand.u32 $0xFFFF0000, v44  }
0x15c: {  	v0 =	vor.u32 v0, v1  }
0x15d: {  	[tilespmem:s29+$0xFFFFFF60] =	vst v0  }
0x15e: {  	v0 =	vld [tilespmem:s28+$0x5DC0]  }
0x15f: {  	v45 =	vld [tilespmem:s28+$0x5DD0];
	_ =	sdelay $0x4  }
0x160: {  	v0 =	vshrl.u32 v0, $0x10;
	v1 =	vand.u32 $0xFFFF0000, v45  }
0x161: {  	v0 =	vor.u32 v0, v1  }
0x162: {  	[tilespmem:s29+$0xFFFFFF70] =	vst v0  }
0x163: {  	v0 =	vld [tilespmem:s28+$0x60E0]  }
0x164: {  	v46 =	vld [tilespmem:s28+$0x60F0];
	_ =	sdelay $0x4  }
0x165: {  	v0 =	vshrl.u32 v0, $0x10;
	v1 =	vand.u32 $0xFFFF0000, v46  }
0x166: {  	v0 =	vor.u32 v0, v1  }
0x167: {  	[tilespmem:s29+$0xFFFFFF80] =	vst v0  }
0x168: {  	v0 =	vld [tilespmem:s28+$0x6400]  }
0x169: {  	v47 =	vld [tilespmem:s28+$0x6410];
	_ =	sdelay $0x4  }
0x16a: {  	v0 =	vshrl.u32 v0, $0x10;
	v1 =	vand.u32 $0xFFFF0000, v47  }
0x16b: {  	v0 =	vor.u32 v0, v1  }
0x16c: {  	[tilespmem:s29+$0xFFFFFF90] =	vst v0  }
0x16d: {  	v0 =	vld [tilespmem:s28+$0x6720]  }
0x16e: {  	v48 =	vld [tilespmem:s28+$0x6730];
	_ =	sdelay $0x4  }
0x16f: {  	v0 =	vshrl.u32 v0, $0x10;
	v1 =	vand.u32 $0xFFFF0000, v48  }
0x170: {  	v0 =	vor.u32 v0, v1  }
0x171: {  	[tilespmem:s29+$0xFFFFFFA0] =	vst v0  }
0x172: {  	v0 =	vld [tilespmem:s28+$0x6A40]  }
0x173: {  	v49 =	vld [tilespmem:s28+$0x6A50];
	_ =	sdelay $0x4  }
0x174: {  	v0 =	vshrl.u32 v0, $0x10;
	v1 =	vand.u32 $0xFFFF0000, v49  }
0x175: {  	v0 =	vor.u32 v0, v1  }
0x176: {  	[tilespmem:s29+$0xFFFFFFB0] =	vst v0  }
0x177: {  	v0 =	vld [tilespmem:s28+$0x6D60]  }
0x178: {  	v50 =	vld [tilespmem:s28+$0x6D70];
	_ =	sdelay $0x4  }
0x179: {  	v0 =	vshrl.u32 v0, $0x10;
	v1 =	vand.u32 $0xFFFF0000, v50  }
0x17a: {  	v0 =	vor.u32 v0, v1  }
0x17b: {  	[tilespmem:s29+$0xFFFFFFC0] =	vst v0  }
0x17c: {  	v0 =	vld [tilespmem:s28+$0x7080]  }
0x17d: {  	v51 =	vld [tilespmem:s28+$0x7090];
	_ =	sdelay $0x4  }
0x17e: {  	v0 =	vshrl.u32 v0, $0x10;
	v1 =	vand.u32 $0xFFFF0000, v51  }
0x17f: {  	v0 =	vor.u32 v0, v1  }
0x180: {  	[tilespmem:s29+$0xFFFFFFD0] =	vst v0  }
0x181: {  	v0 =	vld [tilespmem:s28+$0x73A0]  }
0x182: {  	v52 =	vld [tilespmem:s28+$0x73B0];
	_ =	sdelay $0x4  }
0x183: {  	v0 =	vshrl.u32 v0, $0x10;
	v1 =	vand.u32 $0xFFFF0000, v52  }
0x184: {  	v0 =	vor.u32 v0, v1  }
0x185: {  	[tilespmem:s29+$0xFFFFFFE0] =	vst v0  }
0x186: {  	v0 =	vld [tilespmem:s28+$0x76C0]  }
0x187: {  	v53 =	vld [tilespmem:s28+$0x76D0];
	_ =	sdelay $0x4  }
0x188: {  	v0 =	vshrl.u32 v0, $0x10;
	v1 =	vand.u32 $0xFFFF0000, v53  }
0x189: {  	v0 =	vor.u32 v0, v1  }
0x18a: {  	[tilespmem:s29+$0xFFFFFFF0] =	vst v0  }
0x18b: {  	v0 =	vld [tilespmem:s28+$0x79E0]  }
0x18c: {  	v54 =	vld [tilespmem:s28+$0x79F0];
	_ =	sdelay $0x4  }
0x18d: {  	v0 =	vshrl.u32 v0, $0x10;
	v1 =	vand.u32 $0xFFFF0000, v54  }
0x18e: {  	v0 =	vor.u32 v0, v1  }
0x18f: {  	[tilespmem:s29+$0x0] =	vst v0  }
0x190: {  	v0 =	vld [tilespmem:s28+$0x7D00]  }
0x191: {  	v55 =	vld [tilespmem:s28+$0x7D10];
	_ =	sdelay $0x4  }
0x192: {  	v0 =	vshrl.u32 v0, $0x10;
	v1 =	vand.u32 $0xFFFF0000, v55  }
0x193: {  	v0 =	vor.u32 v0, v1  }
0x194: {  	[tilespmem:s29+$0x10] =	vst v0  }
0x195: {  	v0 =	vld [tilespmem:s28+$0x8020]  }
0x196: {  	v56 =	vld [tilespmem:s28+$0x8030];
	_ =	sdelay $0x4  }
0x197: {  	v0 =	vshrl.u32 v0, $0x10;
	v1 =	vand.u32 $0xFFFF0000, v56  }
0x198: {  	v0 =	vor.u32 v0, v1  }
0x199: {  	[tilespmem:s29+$0x20] =	vst v0  }
0x19a: {  	v0 =	vld [tilespmem:s28+$0x8340]  }
0x19b: {  	v57 =	vld [tilespmem:s28+$0x8350];
	_ =	sdelay $0x4  }
0x19c: {  	v0 =	vshrl.u32 v0, $0x10;
	v1 =	vand.u32 $0xFFFF0000, v57  }
0x19d: {  	v0 =	vor.u32 v0, v1  }
0x19e: {  	[tilespmem:s29+$0x30] =	vst v0  }
0x19f: {  	v0 =	vld [tilespmem:s28+$0x8660]  }
0x1a0: {  	v58 =	vld [tilespmem:s28+$0x8670];
	_ =	sdelay $0x4  }
0x1a1: {  	v0 =	vshrl.u32 v0, $0x10;
	v1 =	vand.u32 $0xFFFF0000, v58  }
0x1a2: {  	v0 =	vor.u32 v0, v1  }
0x1a3: {  	[tilespmem:s29+$0x40] =	vst v0  }
0x1a4: {  	v0 =	vld [tilespmem:s28+$0x8980]  }
0x1a5: {  	v59 =	vld [tilespmem:s28+$0x8990];
	_ =	sdelay $0x4  }
0x1a6: {  	v0 =	vshrl.u32 v0, $0x10;
	v1 =	vand.u32 $0xFFFF0000, v59  }
0x1a7: {  	v0 =	vor.u32 v0, v1  }
0x1a8: {  	[tilespmem:s29+$0x50] =	vst v0  }
0x1a9: {  	v0 =	vld [tilespmem:s28+$0x8CA0]  }
0x1aa: {  	v60 =	vld [tilespmem:s28+$0x8CB0];
	_ =	sdelay $0x4  }
0x1ab: {  	v0 =	vshrl.u32 v0, $0x10;
	v1 =	vand.u32 $0xFFFF0000, v60  }
0x1ac: {  	v0 =	vor.u32 v0, v1  }
0x1ad: {  	[tilespmem:s29+$0x60] =	vst v0  }
0x1ae: {  	v0 =	vld [tilespmem:s28+$0x8FC0]  }
0x1af: {  	v61 =	vld [tilespmem:s28+$0x8FD0];
	_ =	sdelay $0x4  }
0x1b0: {  	v0 =	vshrl.u32 v0, $0x10;
	v1 =	vand.u32 $0xFFFF0000, v61  }
0x1b1: {  	v0 =	vor.u32 v0, v1  }
0x1b2: {  	[tilespmem:s29+$0x70] =	vst v0  }
0x1b3: {  	v0 =	vld [tilespmem:s28+$0x92E0]  }
0x1b4: {  	v62 =	vld [tilespmem:s28+$0x92F0];
	_ =	sdelay $0x4  }
0x1b5: {  	v0 =	vshrl.u32 v0, $0x10;
	v1 =	vand.u32 $0xFFFF0000, v62  }
0x1b6: {  	v0 =	vor.u32 v0, v1  }
0x1b7: {  	[tilespmem:s29+$0x80] =	vst v0  }
0x1b8: {  	v0 =	vld [tilespmem:s28+$0x9600]  }
0x1b9: {  	v63 =	vld [tilespmem:s28+$0x9610];
	_ =	sdelay $0x4  }
0x1ba: {  	v0 =	vshrl.u32 v0, $0x10;
	v1 =	vand.u32 $0xFFFF0000, v63  }
0x1bb: {  	v0 =	vor.u32 v0, v1  }
0x1bc: {  	s31 =	simm.s32 $0x80;
	s30 =	simm.s32 $0xCBF0;
	[tilespmem:s29+$0x90] =	vst v0  }
.LBB2_5:
0x1bd: {  	p0 =	sne.s32 s31, $0xC00  }
0x1be: {  	v0 =	vld [tilespmem:s28+$0x9920];
	s29 =	sadd.s32 $0x1A0, s29;
	s1 =	smov.u32 s31;
	s31 =	sadd.s32 $0x80, s31  }
0x1bf: {  	v1 =	vld [tilespmem:s28+$0x9930];
	_ =	sdelay $0x3  }
0x1c0: {  	v0 =	vshrl.u32 v0, $0x10  }
0x1c1: {  	v1 =	vand.u32 $0xFFFF0000, v1  }
0x1c2: {  	v0 =	vor.u32 v0, v1  }
0x1c3: {  	[tilespmem:s30+$0xA0] =	vst v0  }
0x1c4: {  	v0 =	vld [tilespmem:s28+$0x9C40]  }
0x1c5: {  	v1 =	vld [tilespmem:s28+$0x9C50];
	_ =	sdelay $0x3  }
0x1c6: {  	v0 =	vshrl.u32 v0, $0x10  }
0x1c7: {  	v1 =	vand.u32 $0xFFFF0000, v1  }
0x1c8: {  	v0 =	vor.u32 v0, v1  }
0x1c9: {  	[tilespmem:s30+$0xB0] =	vst v0  }
0x1ca: {  	v0 =	vld [tilespmem:s28+$0x9F60]  }
0x1cb: {  	v1 =	vld [tilespmem:s28+$0x9F70];
	_ =	sdelay $0x3  }
0x1cc: {  	v0 =	vshrl.u32 v0, $0x10  }
0x1cd: {  	v1 =	vand.u32 $0xFFFF0000, v1  }
0x1ce: {  	v0 =	vor.u32 v0, v1  }
0x1cf: {  	s28 =	sshra.s32 s1, $0x2;
	[tilespmem:s30+$0xC0] =	vst v0;
	s30 =	smov.u32 s29  }
0x1d0: {  	v0 =	vld [tilespmem:s28+$0x5140]  }
0x1d1: {  	v1 =	vld [tilespmem:s28+$0x5150];
	_ =	sdelay $0x3  }
0x1d2: {  	v0 =	vshrl.u32 v0, $0x10  }
0x1d3: {  	v1 =	vand.u32 $0xFFFF0000, v1  }
0x1d4: {  	v0 =	vor.u32 v0, v1  }
0x1d5: {  	[tilespmem:s29+$0xFFFFFF30] =	vst v0  }
0x1d6: {  	v0 =	vld [tilespmem:s28+$0x5460]  }
0x1d7: {  	v1 =	vld [tilespmem:s28+$0x5470];
	_ =	sdelay $0x3  }
0x1d8: {  	v0 =	vshrl.u32 v0, $0x10  }
0x1d9: {  	v1 =	vand.u32 $0xFFFF0000, v1  }
0x1da: {  	v0 =	vor.u32 v0, v1  }
0x1db: {  	[tilespmem:s29+$0xFFFFFF40] =	vst v0  }
0x1dc: {  	v0 =	vld [tilespmem:s28+$0x5780]  }
0x1dd: {  	v1 =	vld [tilespmem:s28+$0x5790];
	_ =	sdelay $0x3  }
0x1de: {  	v0 =	vshrl.u32 v0, $0x10  }
0x1df: {  	v1 =	vand.u32 $0xFFFF0000, v1  }
0x1e0: {  	v0 =	vor.u32 v0, v1  }
0x1e1: {  	[tilespmem:s29+$0xFFFFFF50] =	vst v0  }
0x1e2: {  	v0 =	vld [tilespmem:s28+$0x5AA0]  }
0x1e3: {  	v1 =	vld [tilespmem:s28+$0x5AB0];
	_ =	sdelay $0x3  }
0x1e4: {  	v0 =	vshrl.u32 v0, $0x10  }
0x1e5: {  	v1 =	vand.u32 $0xFFFF0000, v1  }
0x1e6: {  	v0 =	vor.u32 v0, v1  }
0x1e7: {  	[tilespmem:s29+$0xFFFFFF60] =	vst v0  }
0x1e8: {  	v0 =	vld [tilespmem:s28+$0x5DC0]  }
0x1e9: {  	v1 =	vld [tilespmem:s28+$0x5DD0];
	_ =	sdelay $0x3  }
0x1ea: {  	v0 =	vshrl.u32 v0, $0x10  }
0x1eb: {  	v1 =	vand.u32 $0xFFFF0000, v1  }
0x1ec: {  	v0 =	vor.u32 v0, v1  }
0x1ed: {  	[tilespmem:s29+$0xFFFFFF70] =	vst v0  }
0x1ee: {  	v0 =	vld [tilespmem:s28+$0x60E0]  }
0x1ef: {  	v1 =	vld [tilespmem:s28+$0x60F0];
	_ =	sdelay $0x3  }
0x1f0: {  	v0 =	vshrl.u32 v0, $0x10  }
0x1f1: {  	v1 =	vand.u32 $0xFFFF0000, v1  }
0x1f2: {  	v0 =	vor.u32 v0, v1  }
0x1f3: {  	[tilespmem:s29+$0xFFFFFF80] =	vst v0  }
0x1f4: {  	v0 =	vld [tilespmem:s28+$0x6400]  }
0x1f5: {  	v1 =	vld [tilespmem:s28+$0x6410];
	_ =	sdelay $0x3  }
0x1f6: {  	v0 =	vshrl.u32 v0, $0x10  }
0x1f7: {  	v1 =	vand.u32 $0xFFFF0000, v1  }
0x1f8: {  	v0 =	vor.u32 v0, v1  }
0x1f9: {  	[tilespmem:s29+$0xFFFFFF90] =	vst v0  }
0x1fa: {  	v0 =	vld [tilespmem:s28+$0x6720]  }
0x1fb: {  	v1 =	vld [tilespmem:s28+$0x6730];
	_ =	sdelay $0x3  }
0x1fc: {  	v0 =	vshrl.u32 v0, $0x10  }
0x1fd: {  	v1 =	vand.u32 $0xFFFF0000, v1  }
0x1fe: {  	v0 =	vor.u32 v0, v1  }
0x1ff: {  	[tilespmem:s29+$0xFFFFFFA0] =	vst v0  }
0x200: {  	v0 =	vld [tilespmem:s28+$0x6A40]  }
0x201: {  	v1 =	vld [tilespmem:s28+$0x6A50];
	_ =	sdelay $0x3  }
0x202: {  	v0 =	vshrl.u32 v0, $0x10  }
0x203: {  	v1 =	vand.u32 $0xFFFF0000, v1  }
0x204: {  	v0 =	vor.u32 v0, v1  }
0x205: {  	[tilespmem:s29+$0xFFFFFFB0] =	vst v0  }
0x206: {  	v0 =	vld [tilespmem:s28+$0x6D60]  }
0x207: {  	v1 =	vld [tilespmem:s28+$0x6D70];
	_ =	sdelay $0x3  }
0x208: {  	v0 =	vshrl.u32 v0, $0x10  }
0x209: {  	v1 =	vand.u32 $0xFFFF0000, v1  }
0x20a: {  	v0 =	vor.u32 v0, v1  }
0x20b: {  	[tilespmem:s29+$0xFFFFFFC0] =	vst v0  }
0x20c: {  	v0 =	vld [tilespmem:s28+$0x7080]  }
0x20d: {  	v1 =	vld [tilespmem:s28+$0x7090];
	_ =	sdelay $0x3  }
0x20e: {  	v0 =	vshrl.u32 v0, $0x10  }
0x20f: {  	v1 =	vand.u32 $0xFFFF0000, v1  }
0x210: {  	v0 =	vor.u32 v0, v1  }
0x211: {  	[tilespmem:s29+$0xFFFFFFD0] =	vst v0  }
0x212: {  	v0 =	vld [tilespmem:s28+$0x73A0]  }
0x213: {  	v1 =	vld [tilespmem:s28+$0x73B0];
	_ =	sdelay $0x3  }
0x214: {  	v0 =	vshrl.u32 v0, $0x10  }
0x215: {  	v1 =	vand.u32 $0xFFFF0000, v1  }
0x216: {  	v0 =	vor.u32 v0, v1  }
0x217: {  	[tilespmem:s29+$0xFFFFFFE0] =	vst v0  }
0x218: {  	v0 =	vld [tilespmem:s28+$0x76C0]  }
0x219: {  	v1 =	vld [tilespmem:s28+$0x76D0];
	_ =	sdelay $0x3  }
0x21a: {  	v0 =	vshrl.u32 v0, $0x10  }
0x21b: {  	v1 =	vand.u32 $0xFFFF0000, v1  }
0x21c: {  	v0 =	vor.u32 v0, v1  }
0x21d: {  	[tilespmem:s29+$0xFFFFFFF0] =	vst v0  }
0x21e: {  	v0 =	vld [tilespmem:s28+$0x79E0]  }
0x21f: {  	v1 =	vld [tilespmem:s28+$0x79F0];
	_ =	sdelay $0x3  }
0x220: {  	v0 =	vshrl.u32 v0, $0x10  }
0x221: {  	v1 =	vand.u32 $0xFFFF0000, v1  }
0x222: {  	v0 =	vor.u32 v0, v1  }
0x223: {  	[tilespmem:s29+$0x0] =	vst v0  }
0x224: {  	v0 =	vld [tilespmem:s28+$0x7D00]  }
0x225: {  	v1 =	vld [tilespmem:s28+$0x7D10];
	_ =	sdelay $0x3  }
0x226: {  	v0 =	vshrl.u32 v0, $0x10  }
0x227: {  	v1 =	vand.u32 $0xFFFF0000, v1  }
0x228: {  	v0 =	vor.u32 v0, v1  }
0x229: {  	[tilespmem:s29+$0x10] =	vst v0  }
0x22a: {  	v0 =	vld [tilespmem:s28+$0x8020]  }
0x22b: {  	v1 =	vld [tilespmem:s28+$0x8030];
	_ =	sdelay $0x3  }
0x22c: {  	v0 =	vshrl.u32 v0, $0x10  }
0x22d: {  	v1 =	vand.u32 $0xFFFF0000, v1  }
0x22e: {  	v0 =	vor.u32 v0, v1  }
0x22f: {  	[tilespmem:s29+$0x20] =	vst v0  }
0x230: {  	v0 =	vld [tilespmem:s28+$0x8340]  }
0x231: {  	v1 =	vld [tilespmem:s28+$0x8350];
	_ =	sdelay $0x3  }
0x232: {  	v0 =	vshrl.u32 v0, $0x10  }
0x233: {  	v1 =	vand.u32 $0xFFFF0000, v1  }
0x234: {  	v0 =	vor.u32 v0, v1  }
0x235: {  	[tilespmem:s29+$0x30] =	vst v0  }
0x236: {  	v0 =	vld [tilespmem:s28+$0x8660]  }
0x237: {  	v1 =	vld [tilespmem:s28+$0x8670];
	_ =	sdelay $0x3  }
0x238: {  	v0 =	vshrl.u32 v0, $0x10  }
0x239: {  	v1 =	vand.u32 $0xFFFF0000, v1  }
0x23a: {  	v0 =	vor.u32 v0, v1  }
0x23b: {  	[tilespmem:s29+$0x40] =	vst v0  }
0x23c: {  	v0 =	vld [tilespmem:s28+$0x8980]  }
0x23d: {  	v1 =	vld [tilespmem:s28+$0x8990];
	_ =	sdelay $0x3  }
0x23e: {  	v0 =	vshrl.u32 v0, $0x10  }
0x23f: {  	v1 =	vand.u32 $0xFFFF0000, v1  }
0x240: {  	v0 =	vor.u32 v0, v1  }
0x241: {  	[tilespmem:s29+$0x50] =	vst v0  }
0x242: {  	v0 =	vld [tilespmem:s28+$0x8CA0]  }
0x243: {  	v1 =	vld [tilespmem:s28+$0x8CB0];
	_ =	sdelay $0x3  }
0x244: {  	v0 =	vshrl.u32 v0, $0x10  }
0x245: {  	v1 =	vand.u32 $0xFFFF0000, v1  }
0x246: {  	v0 =	vor.u32 v0, v1  }
0x247: {  	[tilespmem:s29+$0x60] =	vst v0  }
0x248: {  	v0 =	vld [tilespmem:s28+$0x8FC0]  }
0x249: {  	v1 =	vld [tilespmem:s28+$0x8FD0];
	_ =	sdelay $0x3  }
0x24a: {  	v0 =	vshrl.u32 v0, $0x10  }
0x24b: {  	v1 =	vand.u32 $0xFFFF0000, v1  }
0x24c: {  	v0 =	vor.u32 v0, v1  }
0x24d: {  	[tilespmem:s29+$0x70] =	vst v0  }
0x24e: {  	v0 =	vld [tilespmem:s28+$0x92E0]  }
0x24f: {  	v1 =	vld [tilespmem:s28+$0x92F0];
	_ =	sdelay $0x3  }
0x250: {  	v0 =	vshrl.u32 v0, $0x10  }
0x251: {  	v1 =	vand.u32 $0xFFFF0000, v1  }
0x252: {  	v0 =	vor.u32 v0, v1  }
0x253: {  	[tilespmem:s29+$0x80] =	vst v0  }
0x254: {  	v0 =	vld [tilespmem:s28+$0x9600]  }
0x255: {  	v1 =	vld [tilespmem:s28+$0x9610];
	_ =	sdelay $0x2  }
.Ltmp1:
0x256: {  	(pc) =	sbr.rel @p0 .LBB2_5-.Ltmp1, $4  }
0x257: {  	v0 =	vshrl.u32 v0, $0x10  }
0x258: {  	v1 =	vand.u32 $0xFFFF0000, v1  }
0x259: {  	v0 =	vor.u32 v0, v1  }
0x25a: {  	[tilespmem:s29+$0x90] =	vst v0  }
0x25b: {  	v0 =	vld [tilespmem:s28+$0x9920]  }
0x25c: {  	v1 =	vld [tilespmem:s28+$0x9930];
	_ =	sdelay $0x4  }
0x25d: {  	v0 =	vshrl.u32 v0, $0x10;
	v1 =	vand.u32 $0xFFFF0000, v1  }
0x25e: {  	v0 =	vor.u32 v0, v1  }
0x25f: {  	[tilespmem:s30+$0xA0] =	vst v0  }
0x260: {  	v0 =	vld [tilespmem:s28+$0x9C40]  }
0x261: {  	v62 =	vld [tilespmem:s28+$0x9C50];
	_ =	sdelay $0x4  }
0x262: {  	v0 =	vshrl.u32 v0, $0x10;
	v1 =	vand.u32 $0xFFFF0000, v62  }
0x263: {  	v0 =	vor.u32 v0, v1  }
0x264: {  	[tilespmem:s30+$0xB0] =	vst v0  }
0x265: {  	v0 =	vld [tilespmem:s28+$0x9F60]  }
0x266: {  	v63 =	vld [tilespmem:s28+$0x9F70];
	_ =	sdelay $0x2  }
0x267: {  	p0 =	seq.s32 s25, $0x3D  }
.Ltmp2:
0x268: {  	s1 =	sadd.s32 s26, s5;
	(pc) =	sbr.rel @p0 .LBB2_8-.Ltmp2, $4  }
0x269: {  	s1 =	smul.u32 $0x34, s1;
	v0 =	vshrl.u32 v0, $0x10;
	v1 =	vand.u32 $0xFFFF0000, v63  }
0x26a: {  	v0 =	vor.u32 v0, v1  }
0x26b: {  	s1 =	sadd.s32 s6, s1;
	[tilespmem:s30+$0xC0] =	vst v0  }
0x26c: {  	[hbm4b:s1+s2] =	stream.linear.scatter [tilespmem:s19], [sflag:$0x4], $0x28A0, $0x38;
	[tilespmem:$0xF3C0] =	vst v63  }
.Ltmp3:
0x26d: {  	s1 =	sadd.s32 s26, s12;
	(pc) =	sbr.rel .LBB2_2-.Ltmp3, $4  }
0x26e: {  	s1 =	sshll.u32 s1, $0x2  }
0x26f: {  	s1 =	sand.u32 $0x1FFFFFFC, s1  }
0x270: {  	s25 =	sadd.s32 $0x1, s25;
	s1 =	sadd.s32 s4, s1  }
0x271: {  	[tilespmem:s17], [sflag:$0x2] =	stream.strided.gather [hbm4b:s1+s15], $0x5140, s16, s15, $0x38;
	[tilespmem:$0xF3C0] =	vst v63  }
.LBB2_8:
0x272: {  	_ =	swait.ge [sflag:s20], $0x5140  }
0x273: {  	[sflag:s20] =	ssyncset.done $0x0  }
0x274: {  	[sflag:s20] =	ssyncadd.s32 $0xFFFFAEC0  }
0x275: {  	_ =	swait.ge [sflag:s21], $0x28A0  }
0x276: {  	[sflag:s21] =	ssyncset.done $0x0  }
0x277: {  	s25 =	simm.s32 $0x0;
	[sflag:s21] =	ssyncadd.s32 $0xFFFFD760  }
0x278: {  	v0 =	vld [tilespmem:s25+$0x0]  }
0x279: {  	v1 =	vld [tilespmem:s25+$0x10];
	_ =	sdelay $0x4  }
0x27a: {  	v0 =	vshrl.u32 v0, $0x10;
	v1 =	vand.u32 $0xFFFF0000, v1  }
0x27b: {  	s26 =	simm.s32 $0xA350;
	v0 =	vor.u32 v0, v1  }
0x27c: {  	[tilespmem:s26+$0xFFFFFF30] =	vst v0  }
0x27d: {  	v0 =	vld [tilespmem:s25+$0x320]  }
0x27e: {  	v42 =	vld [tilespmem:s25+$0x330];
	_ =	sdelay $0x4  }
0x27f: {  	v0 =	vshrl.u32 v0, $0x10;
	v1 =	vand.u32 $0xFFFF0000, v42  }
0x280: {  	v0 =	vor.u32 v0, v1  }
0x281: {  	[tilespmem:s26+$0xFFFFFF40] =	vst v0  }
0x282: {  	v0 =	vld [tilespmem:s25+$0x640]  }
0x283: {  	v43 =	vld [tilespmem:s25+$0x650];
	_ =	sdelay $0x4  }
0x284: {  	v0 =	vshrl.u32 v0, $0x10;
	v1 =	vand.u32 $0xFFFF0000, v43  }
0x285: {  	v0 =	vor.u32 v0, v1  }
0x286: {  	[tilespmem:s26+$0xFFFFFF50] =	vst v0  }
0x287: {  	v0 =	vld [tilespmem:s25+$0x960]  }
0x288: {  	v44 =	vld [tilespmem:s25+$0x970];
	_ =	sdelay $0x4  }
0x289: {  	v0 =	vshrl.u32 v0, $0x10;
	v1 =	vand.u32 $0xFFFF0000, v44  }
0x28a: {  	v0 =	vor.u32 v0, v1  }
0x28b: {  	[tilespmem:s26+$0xFFFFFF60] =	vst v0  }
0x28c: {  	v0 =	vld [tilespmem:s25+$0xC80]  }
0x28d: {  	v45 =	vld [tilespmem:s25+$0xC90];
	_ =	sdelay $0x4  }
0x28e: {  	v0 =	vshrl.u32 v0, $0x10;
	v1 =	vand.u32 $0xFFFF0000, v45  }
0x28f: {  	v0 =	vor.u32 v0, v1  }
0x290: {  	[tilespmem:s26+$0xFFFFFF70] =	vst v0  }
0x291: {  	v0 =	vld [tilespmem:s25+$0xFA0]  }
0x292: {  	v46 =	vld [tilespmem:s25+$0xFB0];
	_ =	sdelay $0x4  }
0x293: {  	v0 =	vshrl.u32 v0, $0x10;
	v1 =	vand.u32 $0xFFFF0000, v46  }
0x294: {  	v0 =	vor.u32 v0, v1  }
0x295: {  	[tilespmem:s26+$0xFFFFFF80] =	vst v0  }
0x296: {  	v0 =	vld [tilespmem:s25+$0x12C0]  }
0x297: {  	v47 =	vld [tilespmem:s25+$0x12D0];
	_ =	sdelay $0x4  }
0x298: {  	v0 =	vshrl.u32 v0, $0x10;
	v1 =	vand.u32 $0xFFFF0000, v47  }
0x299: {  	v0 =	vor.u32 v0, v1  }
0x29a: {  	[tilespmem:s26+$0xFFFFFF90] =	vst v0  }
0x29b: {  	v0 =	vld [tilespmem:s25+$0x15E0]  }
0x29c: {  	v48 =	vld [tilespmem:s25+$0x15F0];
	_ =	sdelay $0x4  }
0x29d: {  	v0 =	vshrl.u32 v0, $0x10;
	v1 =	vand.u32 $0xFFFF0000, v48  }
0x29e: {  	v0 =	vor.u32 v0, v1  }
0x29f: {  	[tilespmem:s26+$0xFFFFFFA0] =	vst v0  }
0x2a0: {  	v0 =	vld [tilespmem:s25+$0x1900]  }
0x2a1: {  	v49 =	vld [tilespmem:s25+$0x1910];
	_ =	sdelay $0x4  }
0x2a2: {  	v0 =	vshrl.u32 v0, $0x10;
	v1 =	vand.u32 $0xFFFF0000, v49  }
0x2a3: {  	v0 =	vor.u32 v0, v1  }
0x2a4: {  	[tilespmem:s26+$0xFFFFFFB0] =	vst v0  }
0x2a5: {  	v0 =	vld [tilespmem:s25+$0x1C20]  }
0x2a6: {  	v50 =	vld [tilespmem:s25+$0x1C30];
	_ =	sdelay $0x4  }
0x2a7: {  	v0 =	vshrl.u32 v0, $0x10;
	v1 =	vand.u32 $0xFFFF0000, v50  }
0x2a8: {  	v0 =	vor.u32 v0, v1  }
0x2a9: {  	[tilespmem:s26+$0xFFFFFFC0] =	vst v0  }
0x2aa: {  	v0 =	vld [tilespmem:s25+$0x1F40]  }
0x2ab: {  	v51 =	vld [tilespmem:s25+$0x1F50];
	_ =	sdelay $0x4  }
0x2ac: {  	v0 =	vshrl.u32 v0, $0x10;
	v1 =	vand.u32 $0xFFFF0000, v51  }
0x2ad: {  	v0 =	vor.u32 v0, v1  }
0x2ae: {  	[tilespmem:s26+$0xFFFFFFD0] =	vst v0  }
0x2af: {  	v0 =	vld [tilespmem:s25+$0x2260]  }
0x2b0: {  	v52 =	vld [tilespmem:s25+$0x2270];
	_ =	sdelay $0x4  }
0x2b1: {  	v0 =	vshrl.u32 v0, $0x10;
	v1 =	vand.u32 $0xFFFF0000, v52  }
0x2b2: {  	v0 =	vor.u32 v0, v1  }
0x2b3: {  	[tilespmem:s26+$0xFFFFFFE0] =	vst v0  }
0x2b4: {  	v0 =	vld [tilespmem:s25+$0x2580]  }
0x2b5: {  	v53 =	vld [tilespmem:s25+$0x2590];
	_ =	sdelay $0x4  }
0x2b6: {  	v0 =	vshrl.u32 v0, $0x10;
	v1 =	vand.u32 $0xFFFF0000, v53  }
0x2b7: {  	v0 =	vor.u32 v0, v1  }
0x2b8: {  	[tilespmem:s26+$0xFFFFFFF0] =	vst v0  }
0x2b9: {  	v0 =	vld [tilespmem:s25+$0x28A0]  }
0x2ba: {  	v54 =	vld [tilespmem:s25+$0x28B0];
	_ =	sdelay $0x4  }
0x2bb: {  	v0 =	vshrl.u32 v0, $0x10;
	v1 =	vand.u32 $0xFFFF0000, v54  }
0x2bc: {  	v0 =	vor.u32 v0, v1  }
0x2bd: {  	[tilespmem:s26+$0x0] =	vst v0  }
0x2be: {  	v0 =	vld [tilespmem:s25+$0x2BC0]  }
0x2bf: {  	v55 =	vld [tilespmem:s25+$0x2BD0];
	_ =	sdelay $0x4  }
0x2c0: {  	v0 =	vshrl.u32 v0, $0x10;
	v1 =	vand.u32 $0xFFFF0000, v55  }
0x2c1: {  	v0 =	vor.u32 v0, v1  }
0x2c2: {  	[tilespmem:s26+$0x10] =	vst v0  }
0x2c3: {  	v0 =	vld [tilespmem:s25+$0x2EE0]  }
0x2c4: {  	v56 =	vld [tilespmem:s25+$0x2EF0];
	_ =	sdelay $0x4  }
0x2c5: {  	v0 =	vshrl.u32 v0, $0x10;
	v1 =	vand.u32 $0xFFFF0000, v56  }
0x2c6: {  	v0 =	vor.u32 v0, v1  }
0x2c7: {  	[tilespmem:s26+$0x20] =	vst v0  }
0x2c8: {  	v0 =	vld [tilespmem:s25+$0x3200]  }
0x2c9: {  	v57 =	vld [tilespmem:s25+$0x3210];
	_ =	sdelay $0x4  }
0x2ca: {  	v0 =	vshrl.u32 v0, $0x10;
	v1 =	vand.u32 $0xFFFF0000, v57  }
0x2cb: {  	v0 =	vor.u32 v0, v1  }
0x2cc: {  	[tilespmem:s26+$0x30] =	vst v0  }
0x2cd: {  	v0 =	vld [tilespmem:s25+$0x3520]  }
0x2ce: {  	v58 =	vld [tilespmem:s25+$0x3530];
	_ =	sdelay $0x4  }
0x2cf: {  	v0 =	vshrl.u32 v0, $0x10;
	v1 =	vand.u32 $0xFFFF0000, v58  }
0x2d0: {  	v0 =	vor.u32 v0, v1  }
0x2d1: {  	[tilespmem:s26+$0x40] =	vst v0  }
0x2d2: {  	v0 =	vld [tilespmem:s25+$0x3840]  }
0x2d3: {  	v59 =	vld [tilespmem:s25+$0x3850];
	_ =	sdelay $0x4  }
0x2d4: {  	v0 =	vshrl.u32 v0, $0x10;
	v1 =	vand.u32 $0xFFFF0000, v59  }
0x2d5: {  	v0 =	vor.u32 v0, v1  }
0x2d6: {  	[tilespmem:s26+$0x50] =	vst v0  }
0x2d7: {  	v0 =	vld [tilespmem:s25+$0x3B60]  }
0x2d8: {  	v60 =	vld [tilespmem:s25+$0x3B70];
	_ =	sdelay $0x4  }
0x2d9: {  	v0 =	vshrl.u32 v0, $0x10;
	v1 =	vand.u32 $0xFFFF0000, v60  }
0x2da: {  	v0 =	vor.u32 v0, v1  }
0x2db: {  	[tilespmem:s26+$0x60] =	vst v0  }
0x2dc: {  	v0 =	vld [tilespmem:s25+$0x3E80]  }
0x2dd: {  	v61 =	vld [tilespmem:s25+$0x3E90];
	_ =	sdelay $0x4  }
0x2de: {  	v0 =	vshrl.u32 v0, $0x10;
	v1 =	vand.u32 $0xFFFF0000, v61  }
0x2df: {  	v0 =	vor.u32 v0, v1  }
0x2e0: {  	[tilespmem:s26+$0x70] =	vst v0  }
0x2e1: {  	v0 =	vld [tilespmem:s25+$0x41A0]  }
0x2e2: {  	v62 =	vld [tilespmem:s25+$0x41B0];
	_ =	sdelay $0x4  }
0x2e3: {  	v0 =	vshrl.u32 v0, $0x10;
	v1 =	vand.u32 $0xFFFF0000, v62  }
0x2e4: {  	v0 =	vor.u32 v0, v1  }
0x2e5: {  	[tilespmem:s26+$0x80] =	vst v0  }
0x2e6: {  	v0 =	vld [tilespmem:s25+$0x44C0]  }
0x2e7: {  	v63 =	vld [tilespmem:s25+$0x44D0];
	_ =	sdelay $0x4  }
0x2e8: {  	v0 =	vshrl.u32 v0, $0x10;
	v1 =	vand.u32 $0xFFFF0000, v63  }
0x2e9: {  	v0 =	vor.u32 v0, v1  }
0x2ea: {  	s29 =	simm.s32 $0x80;
	s28 =	simm.s32 $0xA350;
	[tilespmem:s26+$0x90] =	vst v0  }
.LBB2_9:
0x2eb: {  	p0 =	sne.s32 s29, $0xC00  }
0x2ec: {  	v0 =	vld [tilespmem:s25+$0x47E0];
	s26 =	sadd.s32 $0x1A0, s26;
	s1 =	smov.u32 s29;
	s29 =	sadd.s32 $0x80, s29  }
0x2ed: {  	v1 =	vld [tilespmem:s25+$0x47F0];
	_ =	sdelay $0x3  }
0x2ee: {  	v0 =	vshrl.u32 v0, $0x10  }
0x2ef: {  	v1 =	vand.u32 $0xFFFF0000, v1  }
0x2f0: {  	v0 =	vor.u32 v0, v1  }
0x2f1: {  	[tilespmem:s28+$0xA0] =	vst v0  }
0x2f2: {  	v0 =	vld [tilespmem:s25+$0x4B00]  }
0x2f3: {  	v1 =	vld [tilespmem:s25+$0x4B10];
	_ =	sdelay $0x3  }
0x2f4: {  	v0 =	vshrl.u32 v0, $0x10  }
0x2f5: {  	v1 =	vand.u32 $0xFFFF0000, v1  }
0x2f6: {  	v0 =	vor.u32 v0, v1  }
0x2f7: {  	[tilespmem:s28+$0xB0] =	vst v0  }
0x2f8: {  	v0 =	vld [tilespmem:s25+$0x4E20]  }
0x2f9: {  	v1 =	vld [tilespmem:s25+$0x4E30];
	_ =	sdelay $0x3  }
0x2fa: {  	v0 =	vshrl.u32 v0, $0x10  }
0x2fb: {  	v1 =	vand.u32 $0xFFFF0000, v1  }
0x2fc: {  	v0 =	vor.u32 v0, v1  }
0x2fd: {  	s25 =	sshra.s32 s1, $0x2;
	[tilespmem:s28+$0xC0] =	vst v0;
	s28 =	smov.u32 s26  }
0x2fe: {  	v0 =	vld [tilespmem:s25+$0x0]  }
0x2ff: {  	v1 =	vld [tilespmem:s25+$0x10];
	_ =	sdelay $0x3  }
0x300: {  	v0 =	vshrl.u32 v0, $0x10  }
0x301: {  	v1 =	vand.u32 $0xFFFF0000, v1  }
0x302: {  	v0 =	vor.u32 v0, v1  }
0x303: {  	[tilespmem:s26+$0xFFFFFF30] =	vst v0  }
0x304: {  	v0 =	vld [tilespmem:s25+$0x320]  }
0x305: {  	v1 =	vld [tilespmem:s25+$0x330];
	_ =	sdelay $0x3  }
0x306: {  	v0 =	vshrl.u32 v0, $0x10  }
0x307: {  	v1 =	vand.u32 $0xFFFF0000, v1  }
0x308: {  	v0 =	vor.u32 v0, v1  }
0x309: {  	[tilespmem:s26+$0xFFFFFF40] =	vst v0  }
0x30a: {  	v0 =	vld [tilespmem:s25+$0x640]  }
0x30b: {  	v1 =	vld [tilespmem:s25+$0x650];
	_ =	sdelay $0x3  }
0x30c: {  	v0 =	vshrl.u32 v0, $0x10  }
0x30d: {  	v1 =	vand.u32 $0xFFFF0000, v1  }
0x30e: {  	v0 =	vor.u32 v0, v1  }
0x30f: {  	[tilespmem:s26+$0xFFFFFF50] =	vst v0  }
0x310: {  	v0 =	vld [tilespmem:s25+$0x960]  }
0x311: {  	v1 =	vld [tilespmem:s25+$0x970];
	_ =	sdelay $0x3  }
0x312: {  	v0 =	vshrl.u32 v0, $0x10  }
0x313: {  	v1 =	vand.u32 $0xFFFF0000, v1  }
0x314: {  	v0 =	vor.u32 v0, v1  }
0x315: {  	[tilespmem:s26+$0xFFFFFF60] =	vst v0  }
0x316: {  	v0 =	vld [tilespmem:s25+$0xC80]  }
0x317: {  	v1 =	vld [tilespmem:s25+$0xC90];
	_ =	sdelay $0x3  }
0x318: {  	v0 =	vshrl.u32 v0, $0x10  }
0x319: {  	v1 =	vand.u32 $0xFFFF0000, v1  }
0x31a: {  	v0 =	vor.u32 v0, v1  }
0x31b: {  	[tilespmem:s26+$0xFFFFFF70] =	vst v0  }
0x31c: {  	v0 =	vld [tilespmem:s25+$0xFA0]  }
0x31d: {  	v1 =	vld [tilespmem:s25+$0xFB0];
	_ =	sdelay $0x3  }
0x31e: {  	v0 =	vshrl.u32 v0, $0x10  }
0x31f: {  	v1 =	vand.u32 $0xFFFF0000, v1  }
0x320: {  	v0 =	vor.u32 v0, v1  }
0x321: {  	[tilespmem:s26+$0xFFFFFF80] =	vst v0  }
0x322: {  	v0 =	vld [tilespmem:s25+$0x12C0]  }
0x323: {  	v1 =	vld [tilespmem:s25+$0x12D0];
	_ =	sdelay $0x3  }
0x324: {  	v0 =	vshrl.u32 v0, $0x10  }
0x325: {  	v1 =	vand.u32 $0xFFFF0000, v1  }
0x326: {  	v0 =	vor.u32 v0, v1  }
0x327: {  	[tilespmem:s26+$0xFFFFFF90] =	vst v0  }
0x328: {  	v0 =	vld [tilespmem:s25+$0x15E0]  }
0x329: {  	v1 =	vld [tilespmem:s25+$0x15F0];
	_ =	sdelay $0x3  }
0x32a: {  	v0 =	vshrl.u32 v0, $0x10  }
0x32b: {  	v1 =	vand.u32 $0xFFFF0000, v1  }
0x32c: {  	v0 =	vor.u32 v0, v1  }
0x32d: {  	[tilespmem:s26+$0xFFFFFFA0] =	vst v0  }
0x32e: {  	v0 =	vld [tilespmem:s25+$0x1900]  }
0x32f: {  	v1 =	vld [tilespmem:s25+$0x1910];
	_ =	sdelay $0x3  }
0x330: {  	v0 =	vshrl.u32 v0, $0x10  }
0x331: {  	v1 =	vand.u32 $0xFFFF0000, v1  }
0x332: {  	v0 =	vor.u32 v0, v1  }
0x333: {  	[tilespmem:s26+$0xFFFFFFB0] =	vst v0  }
0x334: {  	v0 =	vld [tilespmem:s25+$0x1C20]  }
0x335: {  	v1 =	vld [tilespmem:s25+$0x1C30];
	_ =	sdelay $0x3  }
0x336: {  	v0 =	vshrl.u32 v0, $0x10  }
0x337: {  	v1 =	vand.u32 $0xFFFF0000, v1  }
0x338: {  	v0 =	vor.u32 v0, v1  }
0x339: {  	[tilespmem:s26+$0xFFFFFFC0] =	vst v0  }
0x33a: {  	v0 =	vld [tilespmem:s25+$0x1F40]  }
0x33b: {  	v1 =	vld [tilespmem:s25+$0x1F50];
	_ =	sdelay $0x3  }
0x33c: {  	v0 =	vshrl.u32 v0, $0x10  }
0x33d: {  	v1 =	vand.u32 $0xFFFF0000, v1  }
0x33e: {  	v0 =	vor.u32 v0, v1  }
0x33f: {  	[tilespmem:s26+$0xFFFFFFD0] =	vst v0  }
0x340: {  	v0 =	vld [tilespmem:s25+$0x2260]  }
0x341: {  	v1 =	vld [tilespmem:s25+$0x2270];
	_ =	sdelay $0x3  }
0x342: {  	v0 =	vshrl.u32 v0, $0x10  }
0x343: {  	v1 =	vand.u32 $0xFFFF0000, v1  }
0x344: {  	v0 =	vor.u32 v0, v1  }
0x345: {  	[tilespmem:s26+$0xFFFFFFE0] =	vst v0  }
0x346: {  	v0 =	vld [tilespmem:s25+$0x2580]  }
0x347: {  	v1 =	vld [tilespmem:s25+$0x2590];
	_ =	sdelay $0x3  }
0x348: {  	v0 =	vshrl.u32 v0, $0x10  }
0x349: {  	v1 =	vand.u32 $0xFFFF0000, v1  }
0x34a: {  	v0 =	vor.u32 v0, v1  }
0x34b: {  	[tilespmem:s26+$0xFFFFFFF0] =	vst v0  }
0x34c: {  	v0 =	vld [tilespmem:s25+$0x28A0]  }
0x34d: {  	v1 =	vld [tilespmem:s25+$0x28B0];
	_ =	sdelay $0x3  }
0x34e: {  	v0 =	vshrl.u32 v0, $0x10  }
0x34f: {  	v1 =	vand.u32 $0xFFFF0000, v1  }
0x350: {  	v0 =	vor.u32 v0, v1  }
0x351: {  	[tilespmem:s26+$0x0] =	vst v0  }
0x352: {  	v0 =	vld [tilespmem:s25+$0x2BC0]  }
0x353: {  	v1 =	vld [tilespmem:s25+$0x2BD0];
	_ =	sdelay $0x3  }
0x354: {  	v0 =	vshrl.u32 v0, $0x10  }
0x355: {  	v1 =	vand.u32 $0xFFFF0000, v1  }
0x356: {  	v0 =	vor.u32 v0, v1  }
0x357: {  	[tilespmem:s26+$0x10] =	vst v0  }
0x358: {  	v0 =	vld [tilespmem:s25+$0x2EE0]  }
0x359: {  	v1 =	vld [tilespmem:s25+$0x2EF0];
	_ =	sdelay $0x3  }
0x35a: {  	v0 =	vshrl.u32 v0, $0x10  }
0x35b: {  	v1 =	vand.u32 $0xFFFF0000, v1  }
0x35c: {  	v0 =	vor.u32 v0, v1  }
0x35d: {  	[tilespmem:s26+$0x20] =	vst v0  }
0x35e: {  	v0 =	vld [tilespmem:s25+$0x3200]  }
0x35f: {  	v1 =	vld [tilespmem:s25+$0x3210];
	_ =	sdelay $0x3  }
0x360: {  	v0 =	vshrl.u32 v0, $0x10  }
0x361: {  	v1 =	vand.u32 $0xFFFF0000, v1  }
0x362: {  	v0 =	vor.u32 v0, v1  }
0x363: {  	[tilespmem:s26+$0x30] =	vst v0  }
0x364: {  	v0 =	vld [tilespmem:s25+$0x3520]  }
0x365: {  	v1 =	vld [tilespmem:s25+$0x3530];
	_ =	sdelay $0x3  }
0x366: {  	v0 =	vshrl.u32 v0, $0x10  }
0x367: {  	v1 =	vand.u32 $0xFFFF0000, v1  }
0x368: {  	v0 =	vor.u32 v0, v1  }
0x369: {  	[tilespmem:s26+$0x40] =	vst v0  }
0x36a: {  	v0 =	vld [tilespmem:s25+$0x3840]  }
0x36b: {  	v1 =	vld [tilespmem:s25+$0x3850];
	_ =	sdelay $0x3  }
0x36c: {  	v0 =	vshrl.u32 v0, $0x10  }
0x36d: {  	v1 =	vand.u32 $0xFFFF0000, v1  }
0x36e: {  	v0 =	vor.u32 v0, v1  }
0x36f: {  	[tilespmem:s26+$0x50] =	vst v0  }
0x370: {  	v0 =	vld [tilespmem:s25+$0x3B60]  }
0x371: {  	v1 =	vld [tilespmem:s25+$0x3B70];
	_ =	sdelay $0x3  }
0x372: {  	v0 =	vshrl.u32 v0, $0x10  }
0x373: {  	v1 =	vand.u32 $0xFFFF0000, v1  }
0x374: {  	v0 =	vor.u32 v0, v1  }
0x375: {  	[tilespmem:s26+$0x60] =	vst v0  }
0x376: {  	v0 =	vld [tilespmem:s25+$0x3E80]  }
0x377: {  	v1 =	vld [tilespmem:s25+$0x3E90];
	_ =	sdelay $0x3  }
0x378: {  	v0 =	vshrl.u32 v0, $0x10  }
0x379: {  	v1 =	vand.u32 $0xFFFF0000, v1  }
0x37a: {  	v0 =	vor.u32 v0, v1  }
0x37b: {  	[tilespmem:s26+$0x70] =	vst v0  }
0x37c: {  	v0 =	vld [tilespmem:s25+$0x41A0]  }
0x37d: {  	v1 =	vld [tilespmem:s25+$0x41B0];
	_ =	sdelay $0x3  }
0x37e: {  	v0 =	vshrl.u32 v0, $0x10  }
0x37f: {  	v1 =	vand.u32 $0xFFFF0000, v1  }
0x380: {  	v0 =	vor.u32 v0, v1  }
0x381: {  	[tilespmem:s26+$0x80] =	vst v0  }
0x382: {  	v0 =	vld [tilespmem:s25+$0x44C0]  }
0x383: {  	v1 =	vld [tilespmem:s25+$0x44D0];
	_ =	sdelay $0x2  }
.Ltmp4:
0x384: {  	(pc) =	sbr.rel @p0 .LBB2_9-.Ltmp4, $4  }
0x385: {  	v0 =	vshrl.u32 v0, $0x10  }
0x386: {  	v1 =	vand.u32 $0xFFFF0000, v1  }
0x387: {  	v0 =	vor.u32 v0, v1  }
0x388: {  	[tilespmem:s26+$0x90] =	vst v0  }
0x389: {  	v0 =	vld [tilespmem:s25+$0x47E0]  }
0x38a: {  	v1 =	vld [tilespmem:s25+$0x47F0];
	_ =	sdelay $0x4  }
0x38b: {  	v0 =	vshrl.u32 v0, $0x10;
	v1 =	vand.u32 $0xFFFF0000, v1  }
0x38c: {  	v0 =	vor.u32 v0, v1  }
0x38d: {  	[tilespmem:s28+$0xA0] =	vst v0  }
0x38e: {  	v0 =	vld [tilespmem:s25+$0x4B00]  }
0x38f: {  	v62 =	vld [tilespmem:s25+$0x4B10];
	_ =	sdelay $0x4  }
0x390: {  	v0 =	vshrl.u32 v0, $0x10;
	v1 =	vand.u32 $0xFFFF0000, v62  }
0x391: {  	v0 =	vor.u32 v0, v1  }
0x392: {  	[tilespmem:s28+$0xB0] =	vst v0  }
0x393: {  	v0 =	vld [tilespmem:s25+$0x4E20]  }
0x394: {  	v63 =	vld [tilespmem:s25+$0x4E30];
	_ =	sdelay $0x4  }
0x395: {  	v0 =	vshrl.u32 v0, $0x10;
	v1 =	vand.u32 $0xFFFF0000, v63  }
0x396: {  	v0 =	vor.u32 v0, v1  }
0x397: {  	s24 =	sadd.s32 $0x1, s24;
	[tilespmem:s28+$0xC0] =	vst v0  }
0x398: {  	[hbm4b:s13+s2] =	stream.linear.scatter [tilespmem:s18], [sflag:$0x3], $0x28A0, $0x38;
	[tilespmem:$0xF3C0] =	vst v63  }
0x399: {  	p0 =	sne.s32 s24, s14;
	_ =	swait.ge [sflag:s21], $0x28A0  }
.Ltmp5:
0x39a: {  	[sflag:s21] =	ssyncset.done $0x0;
	(pc) =	sbr.rel @p0 .LBB2_1-.Ltmp5, $4  }
0x39b: {  	[sflag:s21] =	ssyncadd.s32 $0xFFFFD760  }
0x39c: {  	_ =	swait.ge [sflag:s23], $0x28A0  }
0x39d: {  	[sflag:s23] =	ssyncset.done $0x0  }
0x39e: {  	[sflag:s23] =	ssyncadd.s32 $0xFFFFD760  }
0x39f: {  	_ =	sfence.sel $0x180000  }
0x3a0: {  	[bflag:$0x0] =	sbarrier.arrive $0xFFFF  }
0x3a1: {  	_ =	strace $0x90000047  }
0x3a2: {  	[bflag:$0x2] =	sbarrier.arrive $0xFFFF  }
0x3a3: {  	p0 =	sne.s32 s0, $0x0;
	s0 =	rddreg [dreg:$0x1]  }
0x3a4: {  	s0 =	sadd.s32 @!p0 $0x100000, s0  }
0x3a5: {  	[sflag:s0] =	ssyncadd.tile.s32 @!p0 $0x1;
	_ =	shalt  }
.Lfunc_end2:
_tile_overlayer_lowered:
.L_overlay_start_2:
0x3a6: {  	(tag) =	ssettag $0x2  }
0x3a7: {  	s0 =	rddreg [dreg:$0x0];
	s2 =	stileid.u32  }
0x3a8: {  	s1 =	rddreg [dreg:$0x1];
	p0 =	sne.s32 s2, $0x0  }
0x3a9: {  	s3 =	rddreg [dreg:$0x2];
	[bflag:$0x3] =	sbarrier.arrive $0xFFFF;
	s2 =	simm.s32 @!p0 $0x1C05  }
0x3aa: {  	[timem:s3], [sflag:s2] =	dma.local @!p0 [hbm:s0], s1  }
0x3ab: {  	s0 =	simm.s32 @!p0 $0x5  }
0x3ac: {  	_ =	swait.ge @!p0 [sflag:s0], s1  }
0x3ad: {  	s1 =	ssub.s32 @!p0 $0x0, s1;
	[sflag:s0] =	ssyncset.done @!p0 $0x0  }
0x3ae: {  	[sflag:s0] =	ssyncadd.s32 @!p0 s1  }
0x3af: {  	[bflag:$0x3] =	sbarrier.arrive $0xFFFF  }
0x3b0: {  	_ =	shalt  }

// kernel: _run.7.cloned.1.call-start
scs
__scs_entry_jumppad:
0x0: {  	(pc) =	sbr.rel $0x88, $3  }
0x1: {  	(tag) =	ssettag $0x0;
	lr =	simm.s32 $0x1  }
0x2: {  	[smem:$0x3F9F] =	sst lr;
	_ =	strace $0xD0000000  }
0x3: {  	_ = 	snop  }
0x4: {  	_ = 	snop  }
0x5: {  	_ = 	snop  }
0x6: {  	_ = 	snop  }
0x7: {  	_ = 	snop  }
__scs_overlays_trampoline_lowered:
0x8: {  	[smem:$0x3FAE] =	sst s0  }
0x9: {  	[smem:$0x3FAF] =	sst s1  }
0xa: {  	[smem:$0x3FB0] =	sst s2  }
0xb: {  	[smem:$0x3FB1] =	sst s3  }
0xc: {  	[smem:$0x3FB2] =	sst s4  }
0xd: {  	[smem:$0x3FB3] =	sst s5  }
0xe: {  	[smem:$0x3FB4] =	sst s6  }
0xf: {  	[smem:$0x3FB5] =	sst s7  }
0x10: {  	[smem:$0x3FB6] =	sst s8  }
0x11: {  	[smem:$0x3FB7] =	sst s9;
	s0 =	simm.s32 @!p0 $0x0  }
0x12: {  	s1 =	sld [smem:$0x3F9D];
	s0 =	simm.s32 @p0 $0x1  }
0x13: {  	[smem:$0x3FB8] =	sst s0;
	s0 =	simm.s32 @!p1 $0x0  }
0x14: {  	s2 =	sld [smem:$0x3F9C];
	s0 =	simm.s32 @p1 $0x1  }
0x15: {  	[smem:$0x3FB9] =	sst s0;
	s0 =	simm.s32 @!p2 $0x0  }
0x16: {  	s3 =	sld [smem:$0x3FDB];
	s0 =	simm.s32 @p2 $0x1  }
0x17: {  	s4 =	simm.s32 $0x1BF5;
	[smem:$0x3FBB] =	sst s0  }
0x18: {  	s0 =	sld [smem:$0x3F9E];
	_ =	swait.ge [sflag:s4], $0x0  }
0x19: {  	s7 =	sld [smem:$0x3F9F]  }
0x1a: {  	s8 =	sadd.s32 $0xFFFFE003, lr  }
0x1b: {  	s9 =	sadd.s32 $0xFFFFFEF7, lr;
	s5 =	simm.s32 $0xFFFFFFFF;
	p2 =	slt.u32 s8, $0xFFFFF086  }
0x1c: {  	p1 =	slt.u32 s9, $0xF7A;
	s5 =	simm.s32 @!p2 $0x0  }
0x1d: {  	s5 =	simm.s32 @p1 $0x1;
	p0 =	seq.s32 s7, s2  }
0x1e: {  	s7 =	smul.u32 @!p0 $0xF7A, s2;
	p2 =	seq.s32 @!p0 s5, $0x0  }
0x1f: {  	s9 =	smul.u32 $0xF7A, s1;
	s8 =	simm.s32 @!p0 $0x1BF5;
	p2 =	por !p2, p0  }
0x20: {  	[sflag:s8] =	ssyncset.s32 @!p0 $0xFFFFF086;
	s6 =	sadd.s32 @!p0 s3, s7;
	s7 =	simm.s32 @!p0 $0x108  }
0x21: {  	s3 =	sadd.s32 s3, s9;
	s6 =	sadd.s32 @!p0 $0x88, s6;
	s7 =	simm.s32 @p2 $0x1082  }
0x22: {  	[simem:s7], [sflag:s8] =	dma.local @!p0 [hbm:s6], $0xF7A  }
0x23: {  	s9 =	sor.u32 $0xD0000000, s2;
	s6 =	simm.s32 $0x108;
	_ =	swait.ge @!p0 [sflag:s8], $0x0  }
0x24: {  	s3 =	sadd.s32 $0x88, s3;
	s6 =	simm.s32 @!p1 $0x1082;
	[sflag:s4] =	ssyncset.s32 $0xFFFFF086  }
0x25: {  	[simem:s6], [sflag:s4] =	dma.local [hbm:s3], $0xF7A  }
0x26: {  	[smem:$0x3F9F] =	sst s1;
	(tag) =	ssettag s2;
	_ =	strace s9  }
0x27: {  	s1 =	sld [smem:$0x3FAF]  }
0x28: {  	s2 =	sld [smem:$0x3FB0]  }
0x29: {  	s4 =	sld [smem:$0x3FB2]  }
0x2a: {  	p0 =	seq.s32 s5, $0x0;
	s5 =	sld [smem:$0x3FB3]  }
0x2b: {  	s6 =	sld [smem:$0x3FB4]  }
0x2c: {  	s7 =	sld [smem:$0x3FB5]  }
0x2d: {  	s3 =	simm.s32 $0x108;
	s8 =	sld [smem:$0x3FB6]  }
0x2e: {  	s3 =	simm.s32 @!p0 $0x1082;
	s9 =	sld [smem:$0x3FB7]  }
0x2f: {  	lr =	sadd.s32 s0, s3;
	s0 =	sld [smem:$0x3FAE]  }
0x30: {  	s3 =	sld [smem:$0x3FB1]  }
0x31: {  	[smem:$0x3FBA] =	sst s10  }
0x32: {  	s10 =	sld [smem:$0x3FB8];
	_ =	sdelay $0x3  }
0x33: {  	p0 =	seq.s32 s10, $0x1;
	s10 =	sld [smem:$0x3FBA];
	_ =	sdelay $0x3  }
0x34: {  	[smem:$0x3FBA] =	sst s10  }
0x35: {  	s10 =	sld [smem:$0x3FB9];
	_ =	sdelay $0x3  }
0x36: {  	p1 =	seq.s32 s10, $0x1;
	s10 =	sld [smem:$0x3FBA];
	_ =	sdelay $0x3  }
0x37: {  	[smem:$0x3FBA] =	sst s10  }
0x38: {  	s10 =	sld [smem:$0x3FBB]  }
0x39: {  	_ = 	snop;
	(pc) =	sbr.ind lr, $3  }
0x3a: {  	_ = 	snop  }
0x3b: {  	_ = 	snop  }
0x3c: {  	p2 =	seq.s32 s10, $0x1;
	s10 =	sld [smem:$0x3FBA]  }
0x3d: {  	_ =	shalt  }
0x3e: {  	_ =	shalt  }
0x3f: {  	_ =	shalt  }
0x40: {  	_ =	shalt  }
0x41: {  	_ =	shalt  }
0x42: {  	_ =	shalt  }
0x43: {  	_ =	shalt  }
0x44: {  	_ =	shalt  }
0x45: {  	_ =	shalt  }
0x46: {  	_ =	shalt  }
0x47: {  	_ =	shalt  }
0x48: {  	_ =	shalt  }
0x49: {  	_ =	shalt  }
0x4a: {  	_ =	shalt  }
0x4b: {  	_ =	shalt  }
0x4c: {  	_ =	shalt  }
0x4d: {  	_ =	shalt  }
0x4e: {  	_ =	shalt  }
0x4f: {  	_ =	shalt  }
0x50: {  	_ =	shalt  }
0x51: {  	_ =	shalt  }
0x52: {  	_ =	shalt  }
0x53: {  	_ =	shalt  }
0x54: {  	_ =	shalt  }
0x55: {  	_ =	shalt  }
0x56: {  	_ =	shalt  }
0x57: {  	_ =	shalt  }
0x58: {  	_ =	shalt  }
0x59: {  	_ =	shalt  }
0x5a: {  	_ =	shalt  }
0x5b: {  	_ =	shalt  }
0x5c: {  	_ =	shalt  }
0x5d: {  	_ =	shalt  }
0x5e: {  	_ =	shalt  }
0x5f: {  	_ =	shalt  }
0x60: {  	_ =	shalt  }
0x61: {  	_ =	shalt  }
0x62: {  	_ =	shalt  }
0x63: {  	_ =	shalt  }
0x64: {  	_ =	shalt  }
0x65: {  	_ =	shalt  }
0x66: {  	_ =	shalt  }
0x67: {  	_ =	shalt  }
0x68: {  	_ =	shalt  }
0x69: {  	_ =	shalt  }
0x6a: {  	_ =	shalt  }
0x6b: {  	_ =	shalt  }
0x6c: {  	_ =	shalt  }
0x6d: {  	_ =	shalt  }
0x6e: {  	_ =	shalt  }
0x6f: {  	_ =	shalt  }
0x70: {  	_ =	shalt  }
0x71: {  	_ =	shalt  }
0x72: {  	_ =	shalt  }
0x73: {  	_ =	shalt  }
0x74: {  	_ =	shalt  }
0x75: {  	_ =	shalt  }
0x76: {  	_ =	shalt  }
0x77: {  	_ =	shalt  }
0x78: {  	_ =	shalt  }
0x79: {  	_ =	shalt  }
0x7a: {  	_ =	shalt  }
0x7b: {  	_ =	shalt  }
0x7c: {  	_ =	shalt  }
0x7d: {  	_ =	shalt  }
0x7e: {  	_ =	shalt  }
0x7f: {  	_ =	shalt  }
0x80: {  	_ =	shalt  }
0x81: {  	_ =	shalt  }
0x82: {  	_ =	shalt  }
0x83: {  	_ =	shalt  }
0x84: {  	_ =	shalt  }
0x85: {  	_ =	shalt  }
0x86: {  	_ =	shalt  }
0x87: {  	_ =	shalt  }
.Lfunc_end0:
.L_simem_size_0:
called_computation.1_lowered:
.L_overlay_start_0:
0x88: {  	s2 =	sld [smem:$0x3FD9]  }
0x89: {  	s3 =	sld [smem:$0x3FFE];
	_ =	sdelay $0x1  }
0x8a: {  	s1 =	srdreg.scid  }
0x8b: {  	s0 =	sand.u32 $0x1, s1  }
0x8c: {  	s17 =	sshll.u32 s0, $0xA;
	s2 =	sadd.s32 s3, s2  }
0x8d: {  	s2 =	sadd.s32 s2, s17  }
0x8e: {  	[smem:$0x3FC6] =	sst s2  }
0x8f: {  	_ = 	snop  }
0x90: {  	s2 =	sld [smem:$0x3FD0];
	(tm) =	ssettm $0x1  }
0x91: {  	s18 =	sld [smem:$0x3FFB];
	_ =	sdelay $0x3  }
0x92: {  	_ =	strace s18  }
0x93: {  	s3 =	sld [smem:$0x3FFC];
	_ =	sdelay $0x3  }
0x94: {  	_ =	strace s3  }
0x95: {  	s3 =	sld [smem:$0x3FFD];
	_ =	sdelay $0x3  }
0x96: {  	_ =	strace s3  }
0x97: {  	_ =	strace $0x8FFFFFFF  }
0x98: {  	s19 =	sld [smem:$0x3FDB];
	_ =	sdelay $0x1  }
0x99: {  	s4 =	simm.s32 $_scs_section_size  }
0x9a: {  	s5 =	simm.s32 $_size__tile_overlayer_lowered;
	s6 =	simm.s32 $_tile_overlayer_lowered  }
0x9b: {  	s22 =	simm.s32 $0x1BFF;
	s21 =	sshll.u32 s6, $0x1;
	s3 =	sadd.s32 s4, s19  }
0x9c: {  	s7 =	simm.s32 $0x0;
	s20 =	sshll.u32 s5, $0x1;
	s5 =	sadd.s32 s21, s3  }
0x9d: {  	[timem:s7], [sflag:s22] =	dma.local [hbm:s5], s20  }
0x9e: {  	_ =	swait.ge [sflag:s22], s20  }
0x9f: {  	s4 =	ssub.s32 $0x0, s20;
	[sflag:s22] =	ssyncset.done $0x0  }
0xa0: {  	[sflag:s22] =	ssyncadd.s32 s4;
	_ =	sdelay $0x1  }
0xa1: {  	s23 =	simm.s32 $0x1B8B  }
0xa2: {  	_ =	swait.ge [sflag:s23], $0x1  }
0xa3: {  	[sflag:s23] =	ssyncset.done $0x0  }
0xa4: {  	s25 =	simm.s32 $0x1B8E;
	s24 =	sld [smem:$0x3FFE];
	[sflag:s23] =	ssyncadd.s32 $0xFFFFFFFF  }
0xa5: {  	s26 =	simm.s32 $execute0_lowered;
	[smem:$0x3FD2] =	sst s25  }
0xa6: {  	s5 =	sshll.u32 s26, $0x1;
	_ =	strace $0x80000049;
	[dreg:$0x1] =	wrdreg $0xFFFFFFFF  }
0xa7: {  	s28 =	simm.s32 $_size_execute0_lowered;
	s3 =	sadd.s32 s3, s5;
	[dreg:$0x0] =	wrdreg $0x0  }
0xa8: {  	s5 =	sshll.u32 s28, $0x1;
	[dreg:$0x2] =	wrdreg s3  }
0xa9: {  	[dreg:$0x3] =	wrdreg s5  }
0xaa: {  	[dreg:$0x4] =	wrdreg $0xC0  }
0xab: {  	_ =	task [dreg:s7], $0x5FFFF  }
0xac: {  	[dreg:$0x1] =	wrdreg $0xFFFFFFFF  }
0xad: {  	[dreg:$0x0] =	wrdreg $0x60  }
0xae: {  	[dreg:$0x2] =	wrdreg s24  }
0xaf: {  	[dreg:$0x3] =	wrdreg s2  }
0xb0: {  	[dreg:$0x4] =	wrdreg $0x9  }
0xb1: {  	_ =	task.clear_ibuf [dreg:s7], $0x5FFFF;
	_ =	strace $0x90000049  }
0xb2: {  	s29 =	simm.s32 $0x9;
	_ =	strace $0x8000004B  }
0xb3: {  	_ =	swait.ge [sflag:s29], $0x1  }
0xb4: {  	[sflag:s29] =	ssyncadd.s32 $0xFFFFFFFF  }
0xb5: {  	_ =	strace $0x9000004B  }
0xb6: {  	_ =	sfence  }
0xb7: {  	s30 =	sld [smem:$0x0];
	_ =	sdelay $0x2  }
0xb8: {  	s31 =	sshll.u32 s1, $0xD;
	s1 =	sshrl.u32 s1, $0x2  }
0xb9: {  	s3 =	sand.u32 $0x4000, s31;
	s1 =	sadd.s32 s1, s30  }
0xba: {  	s0 =	sor.u32 s3, s0;
	s1 =	sshll.u32 s1, $0x11  }
0xbb: {  	s0 =	sor.u32 s1, s0  }
0xbc: {  	s0 =	sadd.s32 $0x8F2B, s0  }
0xbd: {  	[sflag:s0] =	ssyncadd.remote.s32 $0x1  }
0xbe: {  	_ =	sfence.sel $0xFFFF  }
0xbf: {  	[dreg:$0x0] =	wrdreg $0xFFFFFFFF;
	(pc) =	sbr.abs _section_cstart, $3  }
0xc0: {  	[dreg:$0x1] =	wrdreg $0xFFFFFFFF  }
0xc1: {  	_ =	task.clear_ibuf [dreg:s7], $0x2FFFF;
	_ =	strace $0x9FFFFFFF  }
0xc2: {  	(tm) =	ssettm $0x7FFFFFFF  }
0xc3: {  	_ =	shalt  }
tec
execute0_lowered:
.L_overlay_start_1:
0x0: {  	(tag) =	ssettag $0x1  }
0x1: {  	s1 =	srdreg.scid  }
0x2: {  	s5 =	rddreg [dreg:$0x0];
	s0 =	stileid.u32  }
0x3: {  	s2 =	rddreg [dreg:$0x1];
	s3 =	simm.s32 $0x0;
	s9 =	simm.s32 $0x32  }
0x4: {  	s10 =	simm.s32 $0x1C00;
	s11 =	simm.s32 $0x6D40;
	s6 =	sand.u32 $0x1, s1  }
0x5: {  	s12 =	simm.s32 $0x1;
	s4 =	sshll.u32 s0, $0x8;
	s7 =	sshll.u32 s6, $0x7  }
0x6: {  	s13 =	simm.s32 $0x2;
	s14 =	simm.s32 $0x0;
	s4 =	sor.u32 s7, s4  }
0x7: {  	[smem:$0x7FF] =	sst s3;
	s6 =	ssub.s32 $0x2, s6;
	s7 =	smul.u32 $0x7, s4  }
0x8: {  	s1 =	rddreg [dreg:$0x2];
	_ =	strace $0x8000004A;
	s8 =	sshrl.u32 s6, $0x1  }
0x9: {  	s8 =	ssub.s32 s6, s8;
	s7 =	sadd.s32 s7, s5;
	s5 =	sadd.s32 $0xA00, s5  }
0xa: {  	s6 =	sadd.s32 $0x4F6400, s7;
	s7 =	smax.u32 s8, $0x1;
	s8 =	simm.s32 $0x3  }
.LBB2_1:
0xb: {  	[tilespmem:s3], [sflag:$0x3] =	stream.linear.gather [hbm4b:s6+s3], $0x1C00, $0x38;
	[tilespmem:$0xF280] =	vst v63  }
0xc: {  	_ =	swait.ge [sflag:s8], $0x1C00  }
0xd: {  	s15 =	simm.s32 $0x0;
	[sflag:s8] =	ssyncset.done $0x0  }
0xe: {  	s16 =	simm.s32 $0x0;
	s17 =	simm.s32 $0x0;
	[sflag:s8] =	ssyncadd.s32 $0xFFFFE400  }
0xf: {  	[tilespmem:s10], [sflag:$0x1] =	stream.indirect.gather [hbm4b:s5+s9], $0x1A0, s3, s9, $0xb8;
	[tilespmem:$0xF280] =	vst v63  }
.LBB2_2:
0x10: {  	s20 =	sshllo.u32 s17, $0x1  }
0x11: {  	s18 =	smul.u32 $0xE0, s20;
	_ =	sdelay $0x1  }
0x12: {  	s18 =	sshra.s32 s18, $0x2  }
0x13: {  	[tilespmem:s11], [sflag:$0x2] =	stream.indirect.gather [hbm4b:s5+s9], $0x1A0, s18, s9, $0xb8;
	[tilespmem:$0xF280] =	vst v63  }
0x14: {  	_ =	swait.ge [sflag:s12], $0x5140  }
0x15: {  	[sflag:s12] =	ssyncset.done $0x0  }
0x16: {  	s21 =	simm.s32 $0x0;
	[sflag:s12] =	ssyncadd.s32 $0xFFFFAEC0  }
0x17: {  	v2 =	vld [tilespmem:s21+$0x2760]  }
0x18: {  	v3 =	vld [tilespmem:s21+$0x2280]  }
0x19: {  	v4 =	vld [tilespmem:s21+$0x2420]  }
0x1a: {  	v0 =	vld [tilespmem:s21+$0x61E0]  }
0x1b: {  	v1 =	vld [tilespmem:s21+$0x20E0]  }
0x1c: {  	v5 =	vld [tilespmem:s21+$0x1F40]  }
0x1d: {  	v6 =	vld [tilespmem:s21+$0x1DA0]  }
0x1e: {  	v7 =	vld [tilespmem:s21+$0x1C00]  }
0x1f: {  	v8 =	vld [tilespmem:s21+$0x25C0]  }
0x20: {  	v13 =	vld [tilespmem:s21+$0x2900];
	v9 =	vshll.u32 v1, $0x10;
	v10 =	vand.u32 $0xFFFF0000, v1;
	v1 =	vand.u32 $0xFFFF0000, v0  }
0x21: {  	v12 =	vshll.u32 v5, $0x10;
	v5 =	vand.u32 $0xFFFF0000, v5;
	v14 =	vshll.u32 v4, $0x10  }
0x22: {  	v11 =	vld [tilespmem:s21+$0x2AA0];
	v15 =	vshll.u32 v6, $0x10;
	v16 =	vshll.u32 v3, $0x10;
	v4 =	vand.u32 $0xFFFF0000, v4  }
0x23: {  	v17 =	vshll.u32 v7, $0x10;
	v3 =	vand.u32 $0xFFFF0000, v3;
	v18 =	vshll.u32 v2, $0x10  }
0x24: {  	v20 =	vld [tilespmem:s21+$0x2DE0];
	v7 =	vand.u32 $0xFFFF0000, v7;
	v6 =	vand.u32 $0xFFFF0000, v6;
	v19 =	vand.u32 $0xFFFF0000, v8  }
0x25: {  	v22 =	vld [tilespmem:s21+$0x3120];
	v2 =	vand.u32 $0xFFFF0000, v2;
	v21 =	vshll.u32 v13, $0x10;
	v13 =	vand.u32 $0xFFFF0000, v13  }
0x26: {  	v59 =	vld [tilespmem:s21+$0x54E0];
	v5 =	vadd.f32 v5, v7;
	v7 =	vshll.u32 v8, $0x10;
	v6 =	vadd.f32 v10, v6  }
0x27: {  	v8 =	vld [tilespmem:s21+$0x2C40];
	v10 =	vshll.u32 v11, $0x10;
	v12 =	vadd.f32 v12, v17;
	v9 =	vadd.f32 v9, v15  }
0x28: {  	v11 =	vand.u32 $0xFFFF0000, v11;
	v15 =	vld [tilespmem:s21+$0x32C0];
	v3 =	vadd.f32 v3, v5;
	v4 =	vadd.f32 v4, v6  }
0x29: {  	v5 =	vld [tilespmem:s21+$0x2F80];
	v12 =	vadd.f32 v16, v12;
	v16 =	vshll.u32 v20, $0x10;
	v9 =	vadd.f32 v14, v9  }
0x2a: {  	v6 =	vld [tilespmem:s21+$0x3460];
	v14 =	vand.u32 $0xFFFF0000, v20;
	v3 =	vadd.f32 v19, v3;
	v2 =	vadd.f32 v2, v4  }
0x2b: {  	v55 =	vld [tilespmem:s21+$0x3AE0];
	v4 =	vshll.u32 v22, $0x10;
	v9 =	vadd.f32 v18, v9;
	v7 =	vadd.f32 v7, v12  }
0x2c: {  	v23 =	vld [tilespmem:s21+$0x3940];
	v19 =	vand.u32 $0xFFFF0000, v22;
	v17 =	vshll.u32 v8, $0x10;
	v3 =	vadd.f32 v13, v3  }
0x2d: {  	v18 =	vld [tilespmem:s21+$0x37A0];
	v8 =	vand.u32 $0xFFFF0000, v8;
	v9 =	vadd.f32 v10, v9;
	v2 =	vadd.f32 v11, v2  }
0x2e: {  	v7 =	vadd.f32 v21, v7;
	v10 =	vand.u32 $0xFFFF0000, v15;
	v21 =	vand.u32 $0xFFFF0000, v59  }
0x2f: {  	v12 =	vld [tilespmem:s21+$0x3600];
	v13 =	vand.u32 $0xFFFF0000, v5;
	v5 =	vshll.u32 v5, $0x10;
	v54 =	vshll.u32 v6, $0x10  }
0x30: {  	v11 =	vld [tilespmem:s21+$0x3E20];
	v6 =	vand.u32 $0xFFFF0000, v6;
	v3 =	vadd.f32 v8, v3;
	v8 =	vshll.u32 v15, $0x10  }
0x31: {  	v9 =	vadd.f32 v16, v9;
	v2 =	vadd.f32 v14, v2;
	v16 =	vshll.u32 v55, $0x10  }
0x32: {  	v7 =	vadd.f32 v17, v7;
	v17 =	vshll.u32 v23, $0x10;
	v14 =	vshll.u32 v18, $0x10  }
0x33: {  	v15 =	vand.u32 $0xFFFF0000, v18;
	v18 =	vld [tilespmem:s21+$0x3FC0];
	v3 =	vadd.f32 v13, v3;
	v2 =	vadd.f32 v19, v2  }
0x34: {  	v13 =	vld [tilespmem:s21+$0x3C80];
	v4 =	vadd.f32 v4, v9;
	v19 =	vand.u32 $0xFFFF0000, v55;
	v5 =	vadd.f32 v5, v7  }
0x35: {  	v9 =	vld [tilespmem:s21+$0x4160];
	v7 =	vand.u32 $0xFFFF0000, v11;
	v3 =	vadd.f32 v10, v3;
	v10 =	vshll.u32 v12, $0x10  }
0x36: {  	v12 =	vand.u32 $0xFFFF0000, v12;
	v2 =	vadd.f32 v6, v2;
	v4 =	vadd.f32 v54, v4  }
0x37: {  	v6 =	vshll.u32 v11, $0x10;
	v5 =	vadd.f32 v8, v5;
	v3 =	vadd.f32 v12, v3  }
0x38: {  	v57 =	vld [tilespmem:s21+$0x44A0];
	v12 =	vand.u32 $0xFFFF0000, v23;
	v2 =	vadd.f32 v15, v2;
	v4 =	vadd.f32 v14, v4  }
0x39: {  	v14 =	vshll.u32 v18, $0x10;
	v5 =	vadd.f32 v10, v5;
	v56 =	vshll.u32 v13, $0x10  }
0x3a: {  	v11 =	vld [tilespmem:s21+$0x4300];
	v8 =	vshll.u32 v9, $0x10;
	v9 =	vand.u32 $0xFFFF0000, v9;
	v3 =	vadd.f32 v12, v3  }
0x3b: {  	v12 =	vand.u32 $0xFFFF0000, v13;
	v13 =	vld [tilespmem:s21+$0x47E0];
	v2 =	vadd.f32 v19, v2;
	v5 =	vadd.f32 v17, v5  }
0x3c: {  	v19 =	vld [tilespmem:s21+$0x4980];
	v4 =	vadd.f32 v16, v4;
	v3 =	vadd.f32 v12, v3;
	v12 =	vand.u32 $0xFFFF0000, v18  }
0x3d: {  	v15 =	vld [tilespmem:s21+$0x4640];
	v18 =	vand.u32 $0xFFFF0000, v57;
	v2 =	vadd.f32 v7, v2;
	v5 =	vadd.f32 v56, v5  }
0x3e: {  	v7 =	vshll.u32 v57, $0x10;
	v4 =	vadd.f32 v6, v4;
	v3 =	vadd.f32 v12, v3  }
0x3f: {  	v10 =	vld [tilespmem:s21+$0x4B20];
	v12 =	vshll.u32 v11, $0x10;
	v11 =	vand.u32 $0xFFFF0000, v11;
	v2 =	vadd.f32 v9, v2  }
0x40: {  	v58 =	vld [tilespmem:s21+$0x4CC0];
	v5 =	vadd.f32 v14, v5;
	v4 =	vadd.f32 v8, v4;
	v16 =	vshll.u32 v13, $0x10  }
0x41: {  	v9 =	vld [tilespmem:s21+$0x51A0];
	v13 =	vand.u32 $0xFFFF0000, v13;
	v14 =	vand.u32 $0xFFFF0000, v19;
	v3 =	vadd.f32 v11, v3  }
0x42: {  	v17 =	vld [tilespmem:s21+$0x4E60];
	v11 =	vshll.u32 v15, $0x10;
	v15 =	vand.u32 $0xFFFF0000, v15;
	v2 =	vadd.f32 v18, v2  }
0x43: {  	v6 =	vshll.u32 v19, $0x10;
	v18 =	vld [tilespmem:s21+$0x5000];
	v5 =	vadd.f32 v12, v5;
	v3 =	vadd.f32 v15, v3  }
0x44: {  	v7 =	vadd.f32 v7, v4;
	v15 =	vshll.u32 v10, $0x10;
	v2 =	vadd.f32 v13, v2  }
0x45: {  	v10 =	vand.u32 $0xFFFF0000, v10;
	v8 =	vadd.f32 v11, v5;
	v14 =	vadd.f32 v14, v3  }
0x46: {  	v60 =	vld [tilespmem:s21+$0x5340];
	v11 =	vand.u32 $0xFFFF0000, v58;
	v12 =	vand.u32 $0xFFFF0000, v9;
	v3 =	vshll.u32 v9, $0x10  }
0x47: {  	v9 =	vshll.u32 v58, $0x10;
	v10 =	vadd.f32 v10, v2;
	v11 =	vadd.f32 v11, v14  }
0x48: {  	v5 =	vld [tilespmem:s21+$0x5820];
	v6 =	vadd.f32 v6, v8;
	v8 =	vand.u32 $0xFFFF0000, v17;
	v13 =	vand.u32 $0xFFFF0000, v18  }
0x49: {  	v14 =	vshll.u32 v18, $0x10;
	v18 =	vld [tilespmem:s21+$0x5680];
	v10 =	vadd.f32 v8, v10;
	v61 =	vadd.f32 v13, v11  }
0x4a: {  	v19 =	vshll.u32 v17, $0x10;
	v2 =	vld [tilespmem:s21+$0x6040];
	v13 =	vadd.f32 v16, v7;
	v16 =	vadd.f32 v9, v6  }
0x4b: {  	s31 =	sand.u32 $0x7, s16;
	v4 =	vshll.u32 v59, $0x10;
	v17 =	vand.u32 $0xFFFF0000, v60;
	v11 =	vld [tilespmem:s21+$0x59C0];
	v63 =	vadd.f32 v12, v10  }
0x4c: {  	s19 =	sand.u32 $0xF, s15;
	s18 =	sshll.u32 s31, $0x6;
	v8 =	vshll.u32 v60, $0x10;
	v7 =	vld [tilespmem:s21+$0x5B60];
	v62 =	vadd.f32 v15, v13;
	v13 =	vadd.f32 v14, v16  }
0x4d: {  	s24 =	simm.s32 $0x40;
	s19 =	sshll.u32 s19, $0x5;
	s23 =	sadd.s32 $0xBE90, s18;
	v6 =	vshll.u32 v5, $0x10;
	v9 =	vld [tilespmem:s21+$0x5D00];
	v15 =	vadd.f32 v17, v61;
	v14 =	vadd.f32 v21, v63  }
0x4e: {  	s19 =	sadd.s32 $0xBEB0, s19;
	s18 =	sshll.u32 s17, $0x1;
	s22 =	smov.u32 s23;
	v10 =	vld [tilespmem:s21+$0x5EA0];
	v16 =	vand.u32 $0xFFFF0000, v18;
	v12 =	vshll.u32 v18, $0x10;
	v17 =	vadd.f32 v19, v62  }
.LBB2_3:
0x4f: {  	p0 =	sne.s32 s24, $0x640  }
0x50: {  	v18 =	vshll.u32 v11, $0x10;
	v11 =	vand.u32 $0xFFFF0000, v11;
	v5 =	vand.u32 $0xFFFF0000, v5;
	s23 =	sadd.s32 $0x200, s23;
	s25 =	smov.u32 s24;
	s24 =	sadd.s32 $0x40, s24  }
0x51: {  	v15 =	vadd.f32 v16, v15;
	v16 =	vshll.u32 v7, $0x10;
	v7 =	vand.u32 $0xFFFF0000, v7  }
0x52: {  	v8 =	vadd.f32 v8, v13;
	v3 =	vadd.f32 v3, v17;
	v13 =	vshll.u32 v9, $0x10  }
0x53: {  	v5 =	vadd.f32 v5, v14;
	v9 =	vand.u32 $0xFFFF0000, v9;
	v14 =	vshll.u32 v10, $0x10  }
0x54: {  	v8 =	vadd.f32 v12, v8;
	v3 =	vadd.f32 v4, v3;
	v4 =	vand.u32 $0xFFFF0000, v10;
	v10 =	vld [tilespmem:s21+$0x6520]  }
0x55: {  	v0 =	vshll.u32 v0, $0x10;
	v11 =	vadd.f32 v11, v15;
	v5 =	vadd.f32 v7, v5;
	v12 =	vld [tilespmem:s21+$0x6380]  }
0x56: {  	v7 =	vadd.f32 v18, v8;
	v8 =	vand.u32 $0xFFFF0000, v2;
	v3 =	vadd.f32 v6, v3;
	v6 =	vld [tilespmem:s21+$0x6860]  }
0x57: {  	v9 =	vadd.f32 v9, v11;
	v4 =	vadd.f32 v4, v5;
	v11 =	vld [tilespmem:s21+$0x66C0]  }
0x58: {  	v2 =	vshll.u32 v2, $0x10;
	v5 =	vadd.f32 v13, v7;
	v3 =	vadd.f32 v16, v3  }
0x59: {  	v7 =	vadd.f32 v8, v9;
	v1 =	vadd.f32 v1, v4;
	v4 =	vshll.u32 v10, $0x10;
	v8 =	vld [tilespmem:s21+$0x6BA0]  }
0x5a: {  	v2 =	vadd.f32 v2, v5;
	v3 =	vadd.f32 v14, v3;
	v5 =	vand.u32 $0xFFFF0000, v10  }
0x5b: {  	v9 =	vshll.u32 v12, $0x10;
	v10 =	vand.u32 $0xFFFF0000, v12;
	v1 =	vadd.f32 v5, v1;
	v12 =	vld [tilespmem:s21+$0x6A00]  }
0x5c: {  	v0 =	vadd.f32 v0, v3;
	v3 =	vand.u32 $0xFFFF0000, v6;
	v5 =	vshll.u32 v11, $0x10  }
0x5d: {  	v2 =	vadd.f32 v9, v2;
	v9 =	vand.u32 $0xFFFF0000, v11;
	v1 =	vadd.f32 v3, v1  }
0x5e: {  	v3 =	vadd.f32 v10, v7;
	v0 =	vadd.f32 v4, v0;
	v4 =	vshll.u32 v6, $0x10  }
0x5f: {  	v2 =	vadd.f32 v5, v2;
	v5 =	vshll.u32 v8, $0x10;
	v6 =	vand.u32 $0xFFFF0000, v8  }
0x60: {  	v3 =	vadd.f32 v9, v3;
	v0 =	vadd.f32 v4, v0;
	v7 =	vshll.u32 v12, $0x10  }
0x61: {  	v1 =	vadd.f32 v6, v1;
	v4 =	vand.u32 $0xFFFF0000, v12;
	v2 =	vadd.f32 v7, v2  }
0x62: {  	v3 =	vadd.f32 v4, v3;
	v0 =	vadd.f32 v5, v0;
	_ =	sdelay $0x1  }
0x63: {  	v0 =	vadd.f32 v0, v2;
	v1 =	vadd.f32 v1, v3;
	_ =	sdelay $0x1  }
0x64: {  	[tilespmem:s22+$0xFFFFFFF0] =	vst v0  }
0x65: {  	s21 =	sshra.s32 s25, $0x2;
	[tilespmem:s22+$0x0] =	vst v1;
	s22 =	smov.u32 s23  }
0x66: {  	v2 =	vld [tilespmem:s21+$0x2760]  }
0x67: {  	v3 =	vld [tilespmem:s21+$0x2280]  }
0x68: {  	v4 =	vld [tilespmem:s21+$0x2420]  }
0x69: {  	v0 =	vld [tilespmem:s21+$0x61E0]  }
0x6a: {  	v1 =	vld [tilespmem:s21+$0x20E0]  }
0x6b: {  	v5 =	vld [tilespmem:s21+$0x1F40]  }
0x6c: {  	v6 =	vld [tilespmem:s21+$0x1DA0]  }
0x6d: {  	v7 =	vld [tilespmem:s21+$0x1C00]  }
0x6e: {  	v8 =	vld [tilespmem:s21+$0x25C0]  }
0x6f: {  	v9 =	vshll.u32 v1, $0x10;
	v10 =	vand.u32 $0xFFFF0000, v1;
	v11 =	vld [tilespmem:s21+$0x2AA0];
	v1 =	vand.u32 $0xFFFF0000, v0  }
0x70: {  	v14 =	vshll.u32 v4, $0x10;
	v12 =	vshll.u32 v5, $0x10;
	v5 =	vand.u32 $0xFFFF0000, v5;
	v13 =	vld [tilespmem:s21+$0x2900]  }
0x71: {  	v16 =	vshll.u32 v3, $0x10;
	v4 =	vand.u32 $0xFFFF0000, v4;
	v15 =	vshll.u32 v6, $0x10  }
0x72: {  	v18 =	vshll.u32 v2, $0x10;
	v3 =	vand.u32 $0xFFFF0000, v3;
	v17 =	vshll.u32 v7, $0x10  }
0x73: {  	v6 =	vand.u32 $0xFFFF0000, v6;
	v7 =	vand.u32 $0xFFFF0000, v7;
	v19 =	vand.u32 $0xFFFF0000, v8;
	v20 =	vld [tilespmem:s21+$0x2DE0]  }
0x74: {  	v2 =	vand.u32 $0xFFFF0000, v2;
	v5 =	vadd.f32 v5, v7;
	v7 =	vshll.u32 v8, $0x10;
	v8 =	vld [tilespmem:s21+$0x2C40]  }
0x75: {  	v6 =	vadd.f32 v10, v6;
	v10 =	vshll.u32 v11, $0x10;
	v21 =	vshll.u32 v13, $0x10;
	v22 =	vld [tilespmem:s21+$0x3120]  }
0x76: {  	v12 =	vadd.f32 v12, v17;
	v11 =	vand.u32 $0xFFFF0000, v11;
	v3 =	vadd.f32 v3, v5;
	v5 =	vld [tilespmem:s21+$0x2F80]  }
0x77: {  	v9 =	vadd.f32 v9, v15;
	v4 =	vadd.f32 v4, v6;
	v13 =	vand.u32 $0xFFFF0000, v13;
	v6 =	vld [tilespmem:s21+$0x3460]  }
0x78: {  	v12 =	vadd.f32 v16, v12;
	v3 =	vadd.f32 v19, v3;
	v15 =	vld [tilespmem:s21+$0x32C0];
	v16 =	vshll.u32 v20, $0x10  }
0x79: {  	v9 =	vadd.f32 v14, v9;
	v14 =	vand.u32 $0xFFFF0000, v20;
	v17 =	vshll.u32 v8, $0x10  }
0x7a: {  	v2 =	vadd.f32 v2, v4;
	v8 =	vand.u32 $0xFFFF0000, v8;
	v4 =	vshll.u32 v22, $0x10  }
0x7b: {  	v9 =	vadd.f32 v18, v9;
	v3 =	vadd.f32 v13, v3;
	v13 =	vand.u32 $0xFFFF0000, v5;
	v18 =	vld [tilespmem:s21+$0x37A0]  }
0x7c: {  	v7 =	vadd.f32 v7, v12;
	v19 =	vand.u32 $0xFFFF0000, v22;
	v5 =	vshll.u32 v5, $0x10;
	v12 =	vld [tilespmem:s21+$0x3600]  }
0x7d: {  	v3 =	vadd.f32 v8, v3;
	v20 =	vshll.u32 v6, $0x10;
	v8 =	vshll.u32 v15, $0x10;
	v22 =	vld [tilespmem:s21+$0x3AE0]  }
0x7e: {  	v9 =	vadd.f32 v10, v9;
	v2 =	vadd.f32 v11, v2;
	v6 =	vand.u32 $0xFFFF0000, v6;
	v23 =	vld [tilespmem:s21+$0x3940]  }
0x7f: {  	v7 =	vadd.f32 v21, v7;
	v3 =	vadd.f32 v13, v3;
	v10 =	vand.u32 $0xFFFF0000, v15;
	v11 =	vld [tilespmem:s21+$0x3E20]  }
0x80: {  	v9 =	vadd.f32 v16, v9;
	v2 =	vadd.f32 v14, v2;
	v13 =	vld [tilespmem:s21+$0x3C80];
	v14 =	vshll.u32 v18, $0x10  }
0x81: {  	v3 =	vadd.f32 v10, v3;
	v15 =	vand.u32 $0xFFFF0000, v18;
	v10 =	vshll.u32 v12, $0x10  }
0x82: {  	v2 =	vadd.f32 v19, v2;
	v12 =	vand.u32 $0xFFFF0000, v12;
	v16 =	vshll.u32 v22, $0x10  }
0x83: {  	v4 =	vadd.f32 v4, v9;
	v3 =	vadd.f32 v12, v3;
	v12 =	vand.u32 $0xFFFF0000, v23;
	v9 =	vld [tilespmem:s21+$0x4160]  }
0x84: {  	v7 =	vadd.f32 v17, v7;
	v19 =	vand.u32 $0xFFFF0000, v22;
	v17 =	vshll.u32 v23, $0x10;
	v18 =	vld [tilespmem:s21+$0x3FC0]  }
0x85: {  	v6 =	vadd.f32 v6, v2;
	v22 =	vshll.u32 v11, $0x10;
	v21 =	vshll.u32 v13, $0x10;
	v23 =	vld [tilespmem:s21+$0x44A0]  }
0x86: {  	v5 =	vadd.f32 v5, v7;
	v4 =	vadd.f32 v20, v4;
	v11 =	vand.u32 $0xFFFF0000, v11;
	v7 =	vld [tilespmem:s21+$0x4300]  }
0x87: {  	v6 =	vadd.f32 v15, v6;
	v3 =	vadd.f32 v12, v3;
	v12 =	vand.u32 $0xFFFF0000, v13;
	v2 =	vld [tilespmem:s21+$0x6040]  }
0x88: {  	v5 =	vadd.f32 v8, v5;
	v4 =	vadd.f32 v14, v4;
	v8 =	vshll.u32 v9, $0x10;
	v13 =	vld [tilespmem:s21+$0x47E0]  }
0x89: {  	v6 =	vadd.f32 v19, v6;
	v9 =	vand.u32 $0xFFFF0000, v9;
	v14 =	vshll.u32 v18, $0x10;
	v15 =	vld [tilespmem:s21+$0x4640]  }
0x8a: {  	v3 =	vadd.f32 v12, v3;
	v12 =	vand.u32 $0xFFFF0000, v18;
	v18 =	vand.u32 $0xFFFF0000, v23  }
0x8b: {  	v5 =	vadd.f32 v10, v5;
	v6 =	vadd.f32 v11, v6;
	v10 =	vshll.u32 v23, $0x10;
	v11 =	vld [tilespmem:s21+$0x4B20]  }
0x8c: {  	v3 =	vadd.f32 v12, v3;
	v12 =	vshll.u32 v7, $0x10;
	v7 =	vand.u32 $0xFFFF0000, v7;
	v19 =	vld [tilespmem:s21+$0x4980]  }
0x8d: {  	v4 =	vadd.f32 v16, v4;
	v5 =	vadd.f32 v17, v5;
	v16 =	vshll.u32 v13, $0x10;
	v17 =	vld [tilespmem:s21+$0x4E60]  }
0x8e: {  	v6 =	vadd.f32 v9, v6;
	v3 =	vadd.f32 v7, v3;
	v7 =	vshll.u32 v15, $0x10;
	v9 =	vld [tilespmem:s21+$0x51A0]  }
0x8f: {  	v5 =	vadd.f32 v21, v5;
	v13 =	vand.u32 $0xFFFF0000, v13;
	v15 =	vand.u32 $0xFFFF0000, v15;
	v20 =	vld [tilespmem:s21+$0x4CC0]  }
0x90: {  	v6 =	vadd.f32 v18, v6;
	v3 =	vadd.f32 v15, v3;
	v15 =	vshll.u32 v11, $0x10  }
0x91: {  	v4 =	vadd.f32 v22, v4;
	v5 =	vadd.f32 v14, v5;
	v14 =	vand.u32 $0xFFFF0000, v19;
	v18 =	vld [tilespmem:s21+$0x5000]  }
0x92: {  	v11 =	vand.u32 $0xFFFF0000, v11;
	v19 =	vshll.u32 v19, $0x10;
	v14 =	vadd.f32 v14, v3  }
0x93: {  	v5 =	vadd.f32 v12, v5;
	v21 =	vshll.u32 v17, $0x10;
	v12 =	vand.u32 $0xFFFF0000, v9;
	v22 =	vld [tilespmem:s21+$0x54E0]  }
0x94: {  	v4 =	vadd.f32 v8, v4;
	v6 =	vadd.f32 v13, v6;
	v3 =	vshll.u32 v9, $0x10;
	v23 =	vld [tilespmem:s21+$0x5340]  }
0x95: {  	v7 =	vadd.f32 v7, v5;
	v8 =	vshll.u32 v20, $0x10;
	v9 =	vand.u32 $0xFFFF0000, v20;
	v5 =	vld [tilespmem:s21+$0x5820]  }
0x96: {  	v6 =	vadd.f32 v11, v6;
	v9 =	vadd.f32 v9, v14;
	v13 =	vand.u32 $0xFFFF0000, v18  }
0x97: {  	v10 =	vadd.f32 v10, v4;
	v14 =	vadd.f32 v19, v7;
	v18 =	vshll.u32 v18, $0x10;
	v19 =	vld [tilespmem:s21+$0x5680]  }
0x98: {  	v20 =	vadd.f32 v13, v9;
	v9 =	vand.u32 $0xFFFF0000, v17;
	v4 =	vshll.u32 v22, $0x10;
	v7 =	vld [tilespmem:s21+$0x5B60]  }
.Ltmp0:
0x99: {  	v10 =	vadd.f32 v16, v10;
	v6 =	vadd.f32 v9, v6;
	v17 =	vand.u32 $0xFFFF0000, v23;
	v11 =	vld [tilespmem:s21+$0x59C0];
	(pc) =	sbr.rel @p0 .LBB2_3-.Ltmp0, $4  }
0x9a: {  	v13 =	vadd.f32 v8, v14;
	v14 =	vand.u32 $0xFFFF0000, v22;
	v8 =	vshll.u32 v23, $0x10  }
0x9b: {  	v22 =	vadd.f32 v15, v10;
	v23 =	vadd.f32 v12, v6;
	v6 =	vshll.u32 v5, $0x10;
	v9 =	vld [tilespmem:s21+$0x5D00]  }
0x9c: {  	v13 =	vadd.f32 v18, v13;
	v15 =	vadd.f32 v17, v20;
	v16 =	vand.u32 $0xFFFF0000, v19;
	v10 =	vld [tilespmem:s21+$0x5EA0]  }
0x9d: {  	v17 =	vadd.f32 v21, v22;
	v12 =	vshll.u32 v19, $0x10;
	v14 =	vadd.f32 v14, v23  }
0x9e: {  	v18 =	vshll.u32 v11, $0x10;
	v11 =	vand.u32 $0xFFFF0000, v11;
	v5 =	vand.u32 $0xFFFF0000, v5  }
0x9f: {  	v15 =	vadd.f32 v16, v15;
	v16 =	vshll.u32 v7, $0x10;
	v3 =	vadd.f32 v3, v17  }
0xa0: {  	v7 =	vand.u32 $0xFFFF0000, v7;
	v8 =	vadd.f32 v8, v13;
	v0 =	vshll.u32 v0, $0x10  }
0xa1: {  	v5 =	vadd.f32 v5, v14;
	v13 =	vshll.u32 v9, $0x10;
	v3 =	vadd.f32 v4, v3  }
0xa2: {  	v14 =	vld [tilespmem:s21+$0x6380];
	v8 =	vadd.f32 v12, v8;
	v11 =	vadd.f32 v11, v15;
	v4 =	vand.u32 $0xFFFF0000, v9  }
0xa3: {  	v9 =	vld [tilespmem:s21+$0x6520];
	v12 =	vshll.u32 v10, $0x10;
	v5 =	vadd.f32 v7, v5;
	v3 =	vadd.f32 v6, v3  }
0xa4: {  	v7 =	vadd.f32 v18, v8;
	v4 =	vadd.f32 v4, v11;
	v6 =	vand.u32 $0xFFFF0000, v10  }
0xa5: {  	v8 =	vld [tilespmem:s21+$0x6860];
	v10 =	vand.u32 $0xFFFF0000, v2;
	v5 =	vadd.f32 v6, v5;
	v3 =	vadd.f32 v16, v3  }
0xa6: {  	v11 =	vld [tilespmem:s21+$0x66C0];
	v2 =	vshll.u32 v2, $0x10;
	v6 =	vadd.f32 v13, v7;
	v4 =	vadd.f32 v10, v4  }
0xa7: {  	v10 =	vand.u32 $0xFFFF0000, v14;
	v1 =	vadd.f32 v1, v5;
	v3 =	vadd.f32 v12, v3  }
0xa8: {  	v7 =	vld [tilespmem:s21+$0x6BA0];
	v5 =	vshll.u32 v9, $0x10;
	v2 =	vadd.f32 v2, v6;
	v6 =	vand.u32 $0xFFFF0000, v9  }
0xa9: {  	v9 =	vshll.u32 v14, $0x10;
	v4 =	vadd.f32 v10, v4;
	v12 =	vld [tilespmem:s21+$0x6A00];
	v0 =	vadd.f32 v0, v3  }
0xaa: {  	v1 =	vadd.f32 v6, v1;
	v6 =	vand.u32 $0xFFFF0000, v8;
	v2 =	vadd.f32 v9, v2  }
0xab: {  	v9 =	vand.u32 $0xFFFF0000, v11;
	v3 =	vshll.u32 v11, $0x10;
	v0 =	vadd.f32 v5, v0  }
0xac: {  	v4 =	vadd.f32 v9, v4;
	v1 =	vadd.f32 v6, v1;
	v5 =	vshll.u32 v8, $0x10  }
0xad: {  	v2 =	vadd.f32 v3, v2;
	v0 =	vadd.f32 v5, v0  }
0xae: {  	v3 =	vshll.u32 v7, $0x10;
	v6 =	vshll.u32 v12, $0x10;
	v5 =	vand.u32 $0xFFFF0000, v7  }
0xaf: {  	v7 =	vand.u32 $0xFFFF0000, v12;
	v2 =	vadd.f32 v6, v2;
	v0 =	vadd.f32 v3, v0  }
0xb0: {  	p0 =	seq.s32 s17, $0x3F;
	v1 =	vadd.f32 v5, v1;
	v3 =	vadd.f32 v7, v4  }
0xb1: {  	s21 =	smul.u32 @!p0 $0x1C0, s17;
	v0 =	vadd.f32 v0, v2  }
0xb2: {  	v1 =	vadd.f32 v1, v3  }
0xb3: {  	s21 =	sshra.s32 @!p0 s21, $0x2;
	[tilespmem:s22+$0xFFFFFFF0] =	vst v0  }
0xb4: {  	s23 =	simm.s32 @!p0 $0x1C00;
	s21 =	sadd.s32 @!p0 $0x70, s21;
	[tilespmem:s22+$0x0] =	vst v1;
	s22 =	simm.s32 @!p0 $0x32  }
0xb5: {  	[tilespmem:s23], [sflag:$0x1] =	stream.indirect.gather @!p0 [hbm4b:s5+s22], $0x1A0, s21, s22, $0xb8;
	[tilespmem:$0xF280] =	vst v63  }
0xb6: {  	_ =	swait.ge [sflag:s13], $0x5140  }
0xb7: {  	[sflag:s13] =	ssyncset.done $0x0  }
0xb8: {  	s21 =	simm.s32 $0x0;
	[sflag:s13] =	ssyncadd.s32 $0xFFFFAEC0  }
0xb9: {  	v2 =	vld [tilespmem:s21+$0x78A0]  }
0xba: {  	v3 =	vld [tilespmem:s21+$0x73C0]  }
0xbb: {  	v4 =	vld [tilespmem:s21+$0x7560]  }
0xbc: {  	v0 =	vld [tilespmem:s21+$0xB320]  }
0xbd: {  	v1 =	vld [tilespmem:s21+$0x7220]  }
0xbe: {  	v5 =	vld [tilespmem:s21+$0x7080]  }
0xbf: {  	v6 =	vld [tilespmem:s21+$0x6EE0]  }
0xc0: {  	v7 =	vld [tilespmem:s21+$0x6D40]  }
0xc1: {  	v8 =	vld [tilespmem:s21+$0x7700]  }
0xc2: {  	v13 =	vld [tilespmem:s21+$0x7A40];
	v9 =	vshll.u32 v1, $0x10;
	v10 =	vand.u32 $0xFFFF0000, v1;
	v1 =	vand.u32 $0xFFFF0000, v0  }
0xc3: {  	v12 =	vshll.u32 v5, $0x10;
	v5 =	vand.u32 $0xFFFF0000, v5;
	v14 =	vshll.u32 v4, $0x10  }
0xc4: {  	v11 =	vld [tilespmem:s21+$0x7BE0];
	v15 =	vshll.u32 v6, $0x10;
	v16 =	vshll.u32 v3, $0x10;
	v4 =	vand.u32 $0xFFFF0000, v4  }
0xc5: {  	v17 =	vshll.u32 v7, $0x10;
	v3 =	vand.u32 $0xFFFF0000, v3;
	v18 =	vshll.u32 v2, $0x10  }
0xc6: {  	v20 =	vld [tilespmem:s21+$0x7F20];
	v7 =	vand.u32 $0xFFFF0000, v7;
	v6 =	vand.u32 $0xFFFF0000, v6;
	v19 =	vand.u32 $0xFFFF0000, v8  }
0xc7: {  	v22 =	vld [tilespmem:s21+$0x8260];
	v2 =	vand.u32 $0xFFFF0000, v2;
	v21 =	vshll.u32 v13, $0x10;
	v13 =	vand.u32 $0xFFFF0000, v13  }
0xc8: {  	v59 =	vld [tilespmem:s21+$0xA620];
	v5 =	vadd.f32 v5, v7;
	v7 =	vshll.u32 v8, $0x10;
	v6 =	vadd.f32 v10, v6  }
0xc9: {  	v8 =	vld [tilespmem:s21+$0x7D80];
	v10 =	vshll.u32 v11, $0x10;
	v12 =	vadd.f32 v12, v17;
	v9 =	vadd.f32 v9, v15  }
0xca: {  	v11 =	vand.u32 $0xFFFF0000, v11;
	v15 =	vld [tilespmem:s21+$0x8400];
	v3 =	vadd.f32 v3, v5;
	v4 =	vadd.f32 v4, v6  }
0xcb: {  	v5 =	vld [tilespmem:s21+$0x80C0];
	v12 =	vadd.f32 v16, v12;
	v16 =	vshll.u32 v20, $0x10;
	v9 =	vadd.f32 v14, v9  }
0xcc: {  	v6 =	vld [tilespmem:s21+$0x85A0];
	v14 =	vand.u32 $0xFFFF0000, v20;
	v3 =	vadd.f32 v19, v3;
	v2 =	vadd.f32 v2, v4  }
0xcd: {  	v55 =	vld [tilespmem:s21+$0x8C20];
	v4 =	vshll.u32 v22, $0x10;
	v9 =	vadd.f32 v18, v9;
	v7 =	vadd.f32 v7, v12  }
0xce: {  	v23 =	vld [tilespmem:s21+$0x8A80];
	v19 =	vand.u32 $0xFFFF0000, v22;
	v17 =	vshll.u32 v8, $0x10;
	v3 =	vadd.f32 v13, v3  }
0xcf: {  	v18 =	vld [tilespmem:s21+$0x88E0];
	v8 =	vand.u32 $0xFFFF0000, v8;
	v9 =	vadd.f32 v10, v9;
	v2 =	vadd.f32 v11, v2  }
0xd0: {  	v7 =	vadd.f32 v21, v7;
	v10 =	vand.u32 $0xFFFF0000, v15;
	v21 =	vand.u32 $0xFFFF0000, v59  }
0xd1: {  	v12 =	vld [tilespmem:s21+$0x8740];
	v13 =	vand.u32 $0xFFFF0000, v5;
	v5 =	vshll.u32 v5, $0x10;
	v54 =	vshll.u32 v6, $0x10  }
0xd2: {  	v11 =	vld [tilespmem:s21+$0x8F60];
	v6 =	vand.u32 $0xFFFF0000, v6;
	v3 =	vadd.f32 v8, v3;
	v8 =	vshll.u32 v15, $0x10  }
0xd3: {  	v9 =	vadd.f32 v16, v9;
	v2 =	vadd.f32 v14, v2;
	v16 =	vshll.u32 v55, $0x10  }
0xd4: {  	v7 =	vadd.f32 v17, v7;
	v17 =	vshll.u32 v23, $0x10;
	v14 =	vshll.u32 v18, $0x10  }
0xd5: {  	v15 =	vand.u32 $0xFFFF0000, v18;
	v18 =	vld [tilespmem:s21+$0x9100];
	v3 =	vadd.f32 v13, v3;
	v2 =	vadd.f32 v19, v2  }
0xd6: {  	v13 =	vld [tilespmem:s21+$0x8DC0];
	v4 =	vadd.f32 v4, v9;
	v19 =	vand.u32 $0xFFFF0000, v55;
	v5 =	vadd.f32 v5, v7  }
0xd7: {  	v9 =	vld [tilespmem:s21+$0x92A0];
	v7 =	vand.u32 $0xFFFF0000, v11;
	v3 =	vadd.f32 v10, v3;
	v10 =	vshll.u32 v12, $0x10  }
0xd8: {  	v12 =	vand.u32 $0xFFFF0000, v12;
	v2 =	vadd.f32 v6, v2;
	v4 =	vadd.f32 v54, v4  }
0xd9: {  	v6 =	vshll.u32 v11, $0x10;
	v5 =	vadd.f32 v8, v5;
	v3 =	vadd.f32 v12, v3  }
0xda: {  	v57 =	vld [tilespmem:s21+$0x95E0];
	v12 =	vand.u32 $0xFFFF0000, v23;
	v2 =	vadd.f32 v15, v2;
	v4 =	vadd.f32 v14, v4  }
0xdb: {  	v14 =	vshll.u32 v18, $0x10;
	v5 =	vadd.f32 v10, v5;
	v56 =	vshll.u32 v13, $0x10  }
0xdc: {  	v11 =	vld [tilespmem:s21+$0x9440];
	v8 =	vshll.u32 v9, $0x10;
	v9 =	vand.u32 $0xFFFF0000, v9;
	v3 =	vadd.f32 v12, v3  }
0xdd: {  	v12 =	vand.u32 $0xFFFF0000, v13;
	v13 =	vld [tilespmem:s21+$0x9920];
	v2 =	vadd.f32 v19, v2;
	v5 =	vadd.f32 v17, v5  }
0xde: {  	v19 =	vld [tilespmem:s21+$0x9AC0];
	v4 =	vadd.f32 v16, v4;
	v3 =	vadd.f32 v12, v3;
	v12 =	vand.u32 $0xFFFF0000, v18  }
0xdf: {  	v15 =	vld [tilespmem:s21+$0x9780];
	v18 =	vand.u32 $0xFFFF0000, v57;
	v2 =	vadd.f32 v7, v2;
	v5 =	vadd.f32 v56, v5  }
0xe0: {  	v7 =	vshll.u32 v57, $0x10;
	v4 =	vadd.f32 v6, v4;
	v3 =	vadd.f32 v12, v3  }
0xe1: {  	v10 =	vld [tilespmem:s21+$0x9C60];
	v12 =	vshll.u32 v11, $0x10;
	v11 =	vand.u32 $0xFFFF0000, v11;
	v2 =	vadd.f32 v9, v2  }
0xe2: {  	v58 =	vld [tilespmem:s21+$0x9E00];
	v5 =	vadd.f32 v14, v5;
	v4 =	vadd.f32 v8, v4;
	v16 =	vshll.u32 v13, $0x10  }
0xe3: {  	v9 =	vld [tilespmem:s21+$0xA2E0];
	v13 =	vand.u32 $0xFFFF0000, v13;
	v14 =	vand.u32 $0xFFFF0000, v19;
	v3 =	vadd.f32 v11, v3  }
0xe4: {  	v17 =	vld [tilespmem:s21+$0x9FA0];
	v11 =	vshll.u32 v15, $0x10;
	v15 =	vand.u32 $0xFFFF0000, v15;
	v2 =	vadd.f32 v18, v2  }
0xe5: {  	v6 =	vshll.u32 v19, $0x10;
	v18 =	vld [tilespmem:s21+$0xA140];
	v5 =	vadd.f32 v12, v5;
	v3 =	vadd.f32 v15, v3  }
0xe6: {  	v7 =	vadd.f32 v7, v4;
	v15 =	vshll.u32 v10, $0x10;
	v2 =	vadd.f32 v13, v2  }
0xe7: {  	v10 =	vand.u32 $0xFFFF0000, v10;
	v8 =	vadd.f32 v11, v5;
	v14 =	vadd.f32 v14, v3  }
0xe8: {  	v60 =	vld [tilespmem:s21+$0xA480];
	v11 =	vand.u32 $0xFFFF0000, v58;
	v12 =	vand.u32 $0xFFFF0000, v9;
	v3 =	vshll.u32 v9, $0x10  }
0xe9: {  	v9 =	vshll.u32 v58, $0x10;
	v10 =	vadd.f32 v10, v2;
	v11 =	vadd.f32 v11, v14  }
0xea: {  	v5 =	vld [tilespmem:s21+$0xA960];
	v6 =	vadd.f32 v6, v8;
	v8 =	vand.u32 $0xFFFF0000, v17;
	v13 =	vand.u32 $0xFFFF0000, v18  }
0xeb: {  	v14 =	vshll.u32 v18, $0x10;
	v18 =	vld [tilespmem:s21+$0xA7C0];
	v10 =	vadd.f32 v8, v10;
	v61 =	vadd.f32 v13, v11  }
0xec: {  	v19 =	vshll.u32 v17, $0x10;
	v2 =	vld [tilespmem:s21+$0xB180];
	v13 =	vadd.f32 v16, v7;
	v16 =	vadd.f32 v9, v6  }
0xed: {  	v4 =	vshll.u32 v59, $0x10;
	v17 =	vand.u32 $0xFFFF0000, v60;
	v11 =	vld [tilespmem:s21+$0xAB00];
	v63 =	vadd.f32 v12, v10  }
0xee: {  	v8 =	vshll.u32 v60, $0x10;
	v7 =	vld [tilespmem:s21+$0xACA0];
	v62 =	vadd.f32 v15, v13;
	v13 =	vadd.f32 v14, v16  }
0xef: {  	v6 =	vshll.u32 v5, $0x10;
	v9 =	vld [tilespmem:s21+$0xAE40];
	v15 =	vadd.f32 v17, v61;
	v14 =	vadd.f32 v21, v63  }
0xf0: {  	s22 =	sand.u32 $0xF, s20;
	s23 =	simm.s32 $0x40;
	s20 =	smov.u32 s19;
	v10 =	vld [tilespmem:s21+$0xAFE0];
	v16 =	vand.u32 $0xFFFF0000, v18;
	v12 =	vshll.u32 v18, $0x10;
	v17 =	vadd.f32 v19, v62  }
.LBB2_5:
0xf1: {  	p0 =	sne.s32 s23, $0x640  }
0xf2: {  	v18 =	vshll.u32 v11, $0x10;
	v11 =	vand.u32 $0xFFFF0000, v11;
	v5 =	vand.u32 $0xFFFF0000, v5;
	s19 =	sadd.s32 $0x200, s19;
	s24 =	smov.u32 s23;
	s23 =	sadd.s32 $0x40, s23  }
0xf3: {  	v15 =	vadd.f32 v16, v15;
	v16 =	vshll.u32 v7, $0x10;
	v7 =	vand.u32 $0xFFFF0000, v7  }
0xf4: {  	v8 =	vadd.f32 v8, v13;
	v3 =	vadd.f32 v3, v17;
	v13 =	vshll.u32 v9, $0x10  }
0xf5: {  	v5 =	vadd.f32 v5, v14;
	v9 =	vand.u32 $0xFFFF0000, v9;
	v14 =	vshll.u32 v10, $0x10  }
0xf6: {  	v8 =	vadd.f32 v12, v8;
	v3 =	vadd.f32 v4, v3;
	v4 =	vand.u32 $0xFFFF0000, v10;
	v10 =	vld [tilespmem:s21+$0xB660]  }
0xf7: {  	v0 =	vshll.u32 v0, $0x10;
	v11 =	vadd.f32 v11, v15;
	v5 =	vadd.f32 v7, v5;
	v12 =	vld [tilespmem:s21+$0xB4C0]  }
0xf8: {  	v7 =	vadd.f32 v18, v8;
	v8 =	vand.u32 $0xFFFF0000, v2;
	v3 =	vadd.f32 v6, v3;
	v6 =	vld [tilespmem:s21+$0xB9A0]  }
0xf9: {  	v9 =	vadd.f32 v9, v11;
	v4 =	vadd.f32 v4, v5;
	v11 =	vld [tilespmem:s21+$0xB800]  }
0xfa: {  	v2 =	vshll.u32 v2, $0x10;
	v5 =	vadd.f32 v13, v7;
	v3 =	vadd.f32 v16, v3  }
0xfb: {  	v7 =	vadd.f32 v8, v9;
	v1 =	vadd.f32 v1, v4;
	v4 =	vshll.u32 v10, $0x10;
	v8 =	vld [tilespmem:s21+$0xBCE0]  }
0xfc: {  	v2 =	vadd.f32 v2, v5;
	v3 =	vadd.f32 v14, v3;
	v5 =	vand.u32 $0xFFFF0000, v10  }
0xfd: {  	v9 =	vshll.u32 v12, $0x10;
	v10 =	vand.u32 $0xFFFF0000, v12;
	v1 =	vadd.f32 v5, v1;
	v12 =	vld [tilespmem:s21+$0xBB40]  }
0xfe: {  	v0 =	vadd.f32 v0, v3;
	v3 =	vand.u32 $0xFFFF0000, v6;
	v5 =	vshll.u32 v11, $0x10  }
0xff: {  	v2 =	vadd.f32 v9, v2;
	v9 =	vand.u32 $0xFFFF0000, v11;
	v1 =	vadd.f32 v3, v1  }
0x100: {  	v3 =	vadd.f32 v10, v7;
	v0 =	vadd.f32 v4, v0;
	v4 =	vshll.u32 v6, $0x10  }
0x101: {  	v2 =	vadd.f32 v5, v2;
	v5 =	vshll.u32 v8, $0x10;
	v6 =	vand.u32 $0xFFFF0000, v8  }
0x102: {  	v3 =	vadd.f32 v9, v3;
	v0 =	vadd.f32 v4, v0;
	v7 =	vshll.u32 v12, $0x10  }
0x103: {  	v1 =	vadd.f32 v6, v1;
	v4 =	vand.u32 $0xFFFF0000, v12;
	v2 =	vadd.f32 v7, v2  }
0x104: {  	v3 =	vadd.f32 v4, v3;
	v0 =	vadd.f32 v5, v0;
	_ =	sdelay $0x1  }
0x105: {  	v0 =	vadd.f32 v0, v2;
	v1 =	vadd.f32 v1, v3;
	_ =	sdelay $0x1  }
0x106: {  	[tilespmem:s20+$0xFFFFFFF0] =	vst v0  }
0x107: {  	s21 =	sshra.s32 s24, $0x2;
	[tilespmem:s20+$0x0] =	vst v1;
	s20 =	smov.u32 s19  }
0x108: {  	v2 =	vld [tilespmem:s21+$0x78A0]  }
0x109: {  	v3 =	vld [tilespmem:s21+$0x73C0]  }
0x10a: {  	v4 =	vld [tilespmem:s21+$0x7560]  }
0x10b: {  	v0 =	vld [tilespmem:s21+$0xB320]  }
0x10c: {  	v1 =	vld [tilespmem:s21+$0x7220]  }
0x10d: {  	v5 =	vld [tilespmem:s21+$0x7080]  }
0x10e: {  	v6 =	vld [tilespmem:s21+$0x6EE0]  }
0x10f: {  	v7 =	vld [tilespmem:s21+$0x6D40]  }
0x110: {  	v8 =	vld [tilespmem:s21+$0x7700]  }
0x111: {  	v9 =	vshll.u32 v1, $0x10;
	v10 =	vand.u32 $0xFFFF0000, v1;
	v11 =	vld [tilespmem:s21+$0x7BE0];
	v1 =	vand.u32 $0xFFFF0000, v0  }
0x112: {  	v14 =	vshll.u32 v4, $0x10;
	v12 =	vshll.u32 v5, $0x10;
	v5 =	vand.u32 $0xFFFF0000, v5;
	v13 =	vld [tilespmem:s21+$0x7A40]  }
0x113: {  	v16 =	vshll.u32 v3, $0x10;
	v4 =	vand.u32 $0xFFFF0000, v4;
	v15 =	vshll.u32 v6, $0x10  }
0x114: {  	v18 =	vshll.u32 v2, $0x10;
	v3 =	vand.u32 $0xFFFF0000, v3;
	v17 =	vshll.u32 v7, $0x10  }
0x115: {  	v6 =	vand.u32 $0xFFFF0000, v6;
	v7 =	vand.u32 $0xFFFF0000, v7;
	v19 =	vand.u32 $0xFFFF0000, v8;
	v20 =	vld [tilespmem:s21+$0x7F20]  }
0x116: {  	v2 =	vand.u32 $0xFFFF0000, v2;
	v5 =	vadd.f32 v5, v7;
	v7 =	vshll.u32 v8, $0x10;
	v8 =	vld [tilespmem:s21+$0x7D80]  }
0x117: {  	v6 =	vadd.f32 v10, v6;
	v10 =	vshll.u32 v11, $0x10;
	v21 =	vshll.u32 v13, $0x10;
	v22 =	vld [tilespmem:s21+$0x8260]  }
0x118: {  	v12 =	vadd.f32 v12, v17;
	v11 =	vand.u32 $0xFFFF0000, v11;
	v3 =	vadd.f32 v3, v5;
	v5 =	vld [tilespmem:s21+$0x80C0]  }
0x119: {  	v9 =	vadd.f32 v9, v15;
	v4 =	vadd.f32 v4, v6;
	v13 =	vand.u32 $0xFFFF0000, v13;
	v6 =	vld [tilespmem:s21+$0x85A0]  }
0x11a: {  	v12 =	vadd.f32 v16, v12;
	v3 =	vadd.f32 v19, v3;
	v15 =	vld [tilespmem:s21+$0x8400];
	v16 =	vshll.u32 v20, $0x10  }
0x11b: {  	v9 =	vadd.f32 v14, v9;
	v14 =	vand.u32 $0xFFFF0000, v20;
	v17 =	vshll.u32 v8, $0x10  }
0x11c: {  	v2 =	vadd.f32 v2, v4;
	v8 =	vand.u32 $0xFFFF0000, v8;
	v4 =	vshll.u32 v22, $0x10  }
0x11d: {  	v9 =	vadd.f32 v18, v9;
	v3 =	vadd.f32 v13, v3;
	v13 =	vand.u32 $0xFFFF0000, v5;
	v18 =	vld [tilespmem:s21+$0x88E0]  }
0x11e: {  	v7 =	vadd.f32 v7, v12;
	v19 =	vand.u32 $0xFFFF0000, v22;
	v5 =	vshll.u32 v5, $0x10;
	v12 =	vld [tilespmem:s21+$0x8740]  }
0x11f: {  	v3 =	vadd.f32 v8, v3;
	v20 =	vshll.u32 v6, $0x10;
	v8 =	vshll.u32 v15, $0x10;
	v22 =	vld [tilespmem:s21+$0x8C20]  }
0x120: {  	v9 =	vadd.f32 v10, v9;
	v2 =	vadd.f32 v11, v2;
	v6 =	vand.u32 $0xFFFF0000, v6;
	v23 =	vld [tilespmem:s21+$0x8A80]  }
0x121: {  	v7 =	vadd.f32 v21, v7;
	v3 =	vadd.f32 v13, v3;
	v10 =	vand.u32 $0xFFFF0000, v15;
	v11 =	vld [tilespmem:s21+$0x8F60]  }
0x122: {  	v9 =	vadd.f32 v16, v9;
	v2 =	vadd.f32 v14, v2;
	v13 =	vld [tilespmem:s21+$0x8DC0];
	v14 =	vshll.u32 v18, $0x10  }
0x123: {  	v3 =	vadd.f32 v10, v3;
	v15 =	vand.u32 $0xFFFF0000, v18;
	v10 =	vshll.u32 v12, $0x10  }
0x124: {  	v2 =	vadd.f32 v19, v2;
	v12 =	vand.u32 $0xFFFF0000, v12;
	v16 =	vshll.u32 v22, $0x10  }
0x125: {  	v4 =	vadd.f32 v4, v9;
	v3 =	vadd.f32 v12, v3;
	v12 =	vand.u32 $0xFFFF0000, v23;
	v9 =	vld [tilespmem:s21+$0x92A0]  }
0x126: {  	v7 =	vadd.f32 v17, v7;
	v19 =	vand.u32 $0xFFFF0000, v22;
	v17 =	vshll.u32 v23, $0x10;
	v18 =	vld [tilespmem:s21+$0x9100]  }
0x127: {  	v6 =	vadd.f32 v6, v2;
	v22 =	vshll.u32 v11, $0x10;
	v21 =	vshll.u32 v13, $0x10;
	v23 =	vld [tilespmem:s21+$0x95E0]  }
0x128: {  	v5 =	vadd.f32 v5, v7;
	v4 =	vadd.f32 v20, v4;
	v11 =	vand.u32 $0xFFFF0000, v11;
	v7 =	vld [tilespmem:s21+$0x9440]  }
0x129: {  	v6 =	vadd.f32 v15, v6;
	v3 =	vadd.f32 v12, v3;
	v12 =	vand.u32 $0xFFFF0000, v13;
	v2 =	vld [tilespmem:s21+$0xB180]  }
0x12a: {  	v5 =	vadd.f32 v8, v5;
	v4 =	vadd.f32 v14, v4;
	v8 =	vshll.u32 v9, $0x10;
	v13 =	vld [tilespmem:s21+$0x9920]  }
0x12b: {  	v6 =	vadd.f32 v19, v6;
	v9 =	vand.u32 $0xFFFF0000, v9;
	v14 =	vshll.u32 v18, $0x10;
	v15 =	vld [tilespmem:s21+$0x9780]  }
0x12c: {  	v3 =	vadd.f32 v12, v3;
	v12 =	vand.u32 $0xFFFF0000, v18;
	v18 =	vand.u32 $0xFFFF0000, v23  }
0x12d: {  	v5 =	vadd.f32 v10, v5;
	v6 =	vadd.f32 v11, v6;
	v10 =	vshll.u32 v23, $0x10;
	v11 =	vld [tilespmem:s21+$0x9C60]  }
0x12e: {  	v3 =	vadd.f32 v12, v3;
	v12 =	vshll.u32 v7, $0x10;
	v7 =	vand.u32 $0xFFFF0000, v7;
	v19 =	vld [tilespmem:s21+$0x9AC0]  }
0x12f: {  	v4 =	vadd.f32 v16, v4;
	v5 =	vadd.f32 v17, v5;
	v16 =	vshll.u32 v13, $0x10;
	v17 =	vld [tilespmem:s21+$0x9FA0]  }
0x130: {  	v6 =	vadd.f32 v9, v6;
	v3 =	vadd.f32 v7, v3;
	v7 =	vshll.u32 v15, $0x10;
	v9 =	vld [tilespmem:s21+$0xA2E0]  }
0x131: {  	v5 =	vadd.f32 v21, v5;
	v13 =	vand.u32 $0xFFFF0000, v13;
	v15 =	vand.u32 $0xFFFF0000, v15;
	v20 =	vld [tilespmem:s21+$0x9E00]  }
0x132: {  	v6 =	vadd.f32 v18, v6;
	v3 =	vadd.f32 v15, v3;
	v15 =	vshll.u32 v11, $0x10  }
0x133: {  	v4 =	vadd.f32 v22, v4;
	v5 =	vadd.f32 v14, v5;
	v14 =	vand.u32 $0xFFFF0000, v19;
	v18 =	vld [tilespmem:s21+$0xA140]  }
0x134: {  	v11 =	vand.u32 $0xFFFF0000, v11;
	v19 =	vshll.u32 v19, $0x10;
	v14 =	vadd.f32 v14, v3  }
0x135: {  	v5 =	vadd.f32 v12, v5;
	v21 =	vshll.u32 v17, $0x10;
	v12 =	vand.u32 $0xFFFF0000, v9;
	v22 =	vld [tilespmem:s21+$0xA620]  }
0x136: {  	v4 =	vadd.f32 v8, v4;
	v6 =	vadd.f32 v13, v6;
	v3 =	vshll.u32 v9, $0x10;
	v23 =	vld [tilespmem:s21+$0xA480]  }
0x137: {  	v7 =	vadd.f32 v7, v5;
	v8 =	vshll.u32 v20, $0x10;
	v9 =	vand.u32 $0xFFFF0000, v20;
	v5 =	vld [tilespmem:s21+$0xA960]  }
0x138: {  	v6 =	vadd.f32 v11, v6;
	v9 =	vadd.f32 v9, v14;
	v13 =	vand.u32 $0xFFFF0000, v18  }
0x139: {  	v10 =	vadd.f32 v10, v4;
	v14 =	vadd.f32 v19, v7;
	v18 =	vshll.u32 v18, $0x10;
	v19 =	vld [tilespmem:s21+$0xA7C0]  }
0x13a: {  	v20 =	vadd.f32 v13, v9;
	v9 =	vand.u32 $0xFFFF0000, v17;
	v4 =	vshll.u32 v22, $0x10;
	v7 =	vld [tilespmem:s21+$0xACA0]  }
.Ltmp1:
0x13b: {  	v10 =	vadd.f32 v16, v10;
	v6 =	vadd.f32 v9, v6;
	v17 =	vand.u32 $0xFFFF0000, v23;
	v11 =	vld [tilespmem:s21+$0xAB00];
	(pc) =	sbr.rel @p0 .LBB2_5-.Ltmp1, $4  }
0x13c: {  	v13 =	vadd.f32 v8, v14;
	v14 =	vand.u32 $0xFFFF0000, v22;
	v8 =	vshll.u32 v23, $0x10  }
0x13d: {  	v22 =	vadd.f32 v15, v10;
	v23 =	vadd.f32 v12, v6;
	v6 =	vshll.u32 v5, $0x10;
	v9 =	vld [tilespmem:s21+$0xAE40]  }
0x13e: {  	v13 =	vadd.f32 v18, v13;
	v15 =	vadd.f32 v17, v20;
	v16 =	vand.u32 $0xFFFF0000, v19;
	v10 =	vld [tilespmem:s21+$0xAFE0]  }
0x13f: {  	v17 =	vadd.f32 v21, v22;
	v12 =	vshll.u32 v19, $0x10;
	v14 =	vadd.f32 v14, v23  }
0x140: {  	v18 =	vshll.u32 v11, $0x10;
	v34 =	vand.u32 $0xFFFF0000, v11  }
0x141: {  	v5 =	vand.u32 $0xFFFF0000, v5;
	v15 =	vadd.f32 v16, v15;
	v35 =	vshll.u32 v7, $0x10  }
0x142: {  	v36 =	vand.u32 $0xFFFF0000, v7;
	v8 =	vadd.f32 v8, v13;
	v3 =	vadd.f32 v3, v17  }
0x143: {  	v39 =	vld [tilespmem:s21+$0xB660];
	v45 =	vand.u32 $0xFFFF0000, v2;
	v0 =	vshll.u32 v0, $0x10;
	v48 =	vshll.u32 v2, $0x10  }
0x144: {  	v41 =	vld [tilespmem:s21+$0xB4C0];
	v5 =	vadd.f32 v5, v14;
	v37 =	vshll.u32 v9, $0x10;
	v3 =	vadd.f32 v4, v3  }
0x145: {  	v46 =	vld [tilespmem:s21+$0xB800];
	v38 =	vand.u32 $0xFFFF0000, v9;
	v8 =	vadd.f32 v12, v8;
	v11 =	vadd.f32 v34, v15  }
0x146: {  	v44 =	vld [tilespmem:s21+$0xB9A0];
	v40 =	vshll.u32 v10, $0x10;
	v5 =	vadd.f32 v36, v5;
	v3 =	vadd.f32 v6, v3  }
0x147: {  	v42 =	vand.u32 $0xFFFF0000, v10;
	v43 =	vadd.f32 v18, v8;
	v4 =	vadd.f32 v38, v11  }
0x148: {  	v5 =	vadd.f32 v42, v5;
	v49 =	vshll.u32 v39, $0x10;
	v3 =	vadd.f32 v35, v3  }
0x149: {  	v50 =	vld [tilespmem:s21+$0xBCE0];
	v51 =	vand.u32 $0xFFFF0000, v39;
	v52 =	vshll.u32 v41, $0x10;
	v53 =	vand.u32 $0xFFFF0000, v41  }
0x14a: {  	v55 =	vshll.u32 v46, $0x10;
	v47 =	vadd.f32 v37, v43;
	v3 =	vadd.f32 v40, v3  }
0x14b: {  	v54 =	vld [tilespmem:s21+$0xBB40];
	v56 =	vand.u32 $0xFFFF0000, v44;
	v4 =	vadd.f32 v45, v4;
	v1 =	vadd.f32 v1, v5  }
0x14c: {  	v57 =	vand.u32 $0xFFFF0000, v46;
	v2 =	vadd.f32 v48, v47;
	v0 =	vadd.f32 v0, v3  }
0x14d: {  	v58 =	vshll.u32 v44, $0x10;
	v4 =	vadd.f32 v53, v4;
	v1 =	vadd.f32 v51, v1  }
0x14e: {  	v59 =	vshll.u32 v50, $0x10;
	v2 =	vadd.f32 v52, v2;
	v0 =	vadd.f32 v49, v0  }
0x14f: {  	v60 =	vand.u32 $0xFFFF0000, v50;
	v4 =	vadd.f32 v57, v4;
	v1 =	vadd.f32 v56, v1  }
0x150: {  	v62 =	vand.u32 $0xFFFF0000, v54;
	v2 =	vadd.f32 v55, v2;
	v0 =	vadd.f32 v58, v0  }
0x151: {  	v61 =	vshll.u32 v54, $0x10;
	v63 =	vadd.f32 v62, v4;
	v1 =	vadd.f32 v60, v1  }
0x152: {  	p0 =	sne.s32 s22, $0xF;
	v2 =	vadd.f32 v61, v2;
	v0 =	vadd.f32 v59, v0  }
0x153: {  	s18 =	sadd.s32 @!p0 s4, s18;
	v1 =	vadd.f32 v1, v63  }
0x154: {  	s17 =	sadd.s32 $0x1, s17;
	s18 =	sshll.u32 @!p0 s18, $0x2;
	v0 =	vadd.f32 v0, v2  }
0x155: {  	s19 =	simm.s32 @!p0 $0x200;
	s21 =	simm.s32 @!p0 $0xBE80;
	s18 =	sand.u32 @!p0 $0x3FC0, s18;
	[tilespmem:s20+$0x0] =	vst v1  }
0x156: {  	p1 =	sne.s32 s17, $0x40;
	s18 =	sadd.s32 @!p0 s2, s18;
	[tilespmem:s20+$0xFFFFFFF0] =	vst v0;
	s20 =	simm.s32 @!p0 $0x20000  }
0x157: {  	[hbm4b:s18+s19] =	stream.strided.scatter @!p0 [tilespmem:s21], [sflag:$0x3], $0x3400, s20, s19, $0x38;
	[tilespmem:$0xF280] =	vst v63  }
.Ltmp2:
0x158: {  	_ = 	snop;
	(pc) =	sbr.rel @p1 .LBB2_2-.Ltmp2, $4  }
0x159: {  	s18 =	simm.s32 @!p0 $0x3  }
0x15a: {  	_ =	swait.ge @!p0 [sflag:s18], $0x3400  }
0x15b: {  	[sflag:s18] =	ssyncset.done @!p0 $0x0  }
0x15c: {  	s16 =	sadd.s32 $0x1, s16;
	s15 =	sadd.s32 $0x2, s15;
	[sflag:s18] =	ssyncadd.s32 @!p0 $0xFFFFCC00  }
0x15d: {  	s14 =	sadd.s32 $0x1, s14  }
0x15e: {  	p0 =	sne.s32 s14, s7  }
.Ltmp3:
0x15f: {  	_ = 	snop;
	(pc) =	sbr.rel @p0 .LBB2_1-.Ltmp3, $1  }
0x160: {  	_ =	sdelay $0x3  }
0x161: {  	_ =	sfence.sel $0x180000  }
0x162: {  	[bflag:$0x0] =	sbarrier.arrive $0xFFFF  }
0x163: {  	p0 =	sne.s32 s0, $0x0;
	_ =	strace $0x9000004A  }
0x164: {  	s0 =	sadd.s32 @!p0 $0x100000, s1;
	[bflag:$0x2] =	sbarrier.arrive $0xFFFF  }
0x165: {  	[sflag:s0] =	ssyncadd.tile.s32 @!p0 $0x1;
	_ =	shalt  }
.Lfunc_end2:
_tile_overlayer_lowered:
.L_overlay_start_2:
0x166: {  	(tag) =	ssettag $0x2  }
0x167: {  	s0 =	rddreg [dreg:$0x0];
	s2 =	stileid.u32  }
0x168: {  	s1 =	rddreg [dreg:$0x1];
	p0 =	sne.s32 s2, $0x0  }
0x169: {  	s3 =	rddreg [dreg:$0x2];
	[bflag:$0x3] =	sbarrier.arrive $0xFFFF;
	s2 =	simm.s32 @!p0 $0x1C03  }
0x16a: {  	[timem:s3], [sflag:s2] =	dma.local @!p0 [hbm:s0], s1  }
0x16b: {  	s0 =	simm.s32 @!p0 $0x3  }
0x16c: {  	_ =	swait.ge @!p0 [sflag:s0], s1  }
0x16d: {  	s1 =	ssub.s32 @!p0 $0x0, s1;
	[sflag:s0] =	ssyncset.done @!p0 $0x0  }
0x16e: {  	[sflag:s0] =	ssyncadd.s32 @!p0 s1  }
0x16f: {  	[bflag:$0x3] =	sbarrier.arrive $0xFFFF  }
0x170: {  	_ =	shalt  }

</sc_bundles>
